<compile_context>
chip_gen: v7x
topology: tpu7x:2x2x1
jax: 0.10.2.dev20260603
libtpu: 0.0.44.dev20260713+nightly
codegen_flags: <defaults>
</compile_context>

<pallas_src>
import jax
import jax.numpy as jnp
from jax import lax
from jax.experimental import pallas as pl
from jax.experimental.pallas import tpu as pltpu
from jax.experimental.pallas import tpu_sc as plsc

D_MODEL = 768
MAX_SEQ_LEN = 2048
BATCH = 64

_INFO = plsc.get_sparse_core_info()
_NC = _INFO.num_cores
_NS = _INFO.num_subcores
_HALF = MAX_SEQ_LEN // _NC
_BPS = BATCH // _NS
_CH = 64
_NCHUNK = _HALF // _CH
_STG = _HALF // _NS
_BSUB = min(_CH, _STG)


def _body(len_hbm, table_hbm, out_hbm,
          len_v, idx_v, rows_v, sp_tab, sp_zero, gsem, osem):
    cid = lax.axis_index("c")
    sid = lax.axis_index("s")

    for g in range(_STG // _BSUB):
        for t in range(_BSUB // 16):
            idx_v[pl.ds(t * 16, 16)] = (
                lax.iota(jnp.int32, 16)
                + (cid * _HALF + sid * _STG + g * _BSUB + 1 + t * 16))
        pltpu.async_copy(table_hbm.at[idx_v], rows_v, gsem).wait()
        pltpu.sync_copy(rows_v,
                        sp_tab.at[pl.ds(sid * _STG + g * _BSUB, _BSUB)])

    @pl.when(sid == 1)
    def _():
        for t in range(_BSUB // 16):
            idx_v[pl.ds(t * 16, 16)] = jnp.zeros((16,), jnp.int32)
        pltpu.async_copy(table_hbm.at[idx_v], rows_v, gsem).wait()
        for z in range(max(1, _CH // _BSUB)):
            pltpu.sync_copy(rows_v, sp_zero.at[pl.ds(z * _BSUB, _BSUB)])

    pltpu.sync_copy(len_hbm.at[pl.ds(sid * _BPS * 16, _BPS * 16)], len_v)
    plsc.subcore_barrier()

    lens = [len_v[pl.ds(k * 16, 16)][0] for k in range(_BPS)]
    for c in range(_NCHUNK):
        for k in range(_BPS):
            b = sid * _BPS + k
            len_s = lens[k]
            cc = lax.rem(c + sid, _NCHUNK)
            l0 = cid * _HALF + cc * _CH
            dst = out_hbm.at[pl.ds(b * MAX_SEQ_LEN + l0, _CH)]
            is_full = (l0 + _CH) <= len_s
            is_zero = l0 >= len_s

            @pl.when(is_full)
            def _():
                pltpu.async_copy(sp_tab.at[pl.ds(cc * _CH, _CH)], dst, osem)

            @pl.when(is_zero)
            def _():
                pltpu.async_copy(sp_zero, dst, osem)

    nbnd = jnp.int32(0)
    for k in range(_BPS):
        b = sid * _BPS + k
        len_splat = len_v[pl.ds(k * 16, 16)]
        len_s = lens[k]
        chunk_of_len = lax.div(len_s, _CH)
        l0 = chunk_of_len * _CH
        in_my_half = jnp.logical_and(l0 >= cid * _HALF,
                                     l0 < (cid + 1) * _HALF)
        is_bnd = jnp.logical_and(lax.rem(len_s, _CH) != 0, in_my_half)
        nbnd = nbnd + is_bnd.astype(jnp.int32)

        @pl.when(is_bnd)
        def _():
            for h in range(_CH // _BSUB):
                for t in range(_BSUB // 16):
                    pos = (lax.iota(jnp.int32, 16)
                           + (l0 + h * _BSUB + t * 16 + 1))
                    idx = jnp.where(pos <= len_splat, pos, 0)
                    idx_v[pl.ds(t * 16, 16)] = idx
                pltpu.async_copy(table_hbm.at[idx_v], rows_v, gsem).wait()
                pltpu.sync_copy(
                    rows_v,
                    out_hbm.at[pl.ds(b * MAX_SEQ_LEN + l0 + h * _BSUB,
                                     _BSUB)])

    def drain(i, carry):
        pltpu.make_async_copy(table_hbm.at[pl.ds(0, _CH)],
                              out_hbm.at[pl.ds(0, _CH)], osem).wait()
        return carry

    lax.fori_loop(0, _BPS * _NCHUNK - nbnd, drain, 0)


def kernel(input_len, pe_table):
    out = pl.kernel(
        _body,
        out_type=jax.ShapeDtypeStruct((BATCH * MAX_SEQ_LEN, D_MODEL), jnp.float32),
        mesh=plsc.VectorSubcoreMesh(core_axis_name="c", subcore_axis_name="s"),
        scratch_types=[
            pltpu.VMEM((_BPS * 16,), jnp.int32),
            pltpu.VMEM((_BSUB,), jnp.int32),
            pltpu.VMEM((_BSUB, D_MODEL), jnp.float32),
            pltpu.VMEM_SHARED((_HALF, D_MODEL), jnp.float32),
            pltpu.VMEM_SHARED((_CH, D_MODEL), jnp.float32),
            pltpu.SemaphoreType.DMA,
            pltpu.SemaphoreType.DMA,
        ],
    )(jnp.broadcast_to(input_len.astype(jnp.int32)[:, None],
                       (BATCH, 16)).reshape(BATCH * 16),
      pe_table)
    return out.reshape(BATCH, MAX_SEQ_LEN, D_MODEL)

# --- scband reference (transcript-rebuilt; emitter-appended) ---
"""Pipeline reference for scband-positional-encoding-89051851915635 (READ-ONLY COPY).

The authoritative reference and input builder live on the scoring server;
editing this copy changes nothing except your own understanding.
"""

import jax, jax.numpy as jnp
import numpy as np

D_MODEL = 768
MAX_SEQ_LEN = 2048
BATCH = 64


def _build_pe_table():
    # Faithful replication of the torch __init__ math (including the quirk that
    # column 1 gets cos applied AFTER sin was already applied to columns 0:2).
    pos = np.arange(MAX_SEQ_LEN, dtype=np.float64)[:, None]
    j = np.arange(D_MODEL, dtype=np.int64)[None, :]
    pe = pos / np.power(1000.0, 2.0 * (j // 2) / float(D_MODEL))
    pe = pe.astype(np.float32)
    pe[:, 0:2] = np.sin(pe[:, 0:2])
    pe[:, 1:2] = np.cos(pe[:, 1:2])
    pad_row = np.zeros((1, D_MODEL), dtype=np.float32)
    pe = np.concatenate([pad_row, pe], axis=0)  # [MAX_SEQ_LEN+1, D_MODEL]
    return jnp.asarray(pe)


def setup_inputs(seed: int = 0) -> dict:
    key = jax.random.key(seed)
    input_len = jax.random.randint(key, (BATCH,), 0, MAX_SEQ_LEN)
    # force at least one full-length sequence so the output shape is deterministic
    input_len = input_len.at[0].set(MAX_SEQ_LEN)
    pe_table = _build_pe_table()
    return {"input_len": input_len, "pe_table": pe_table}


def reference(input_len, pe_table):
    # setup_inputs pins input_len[0] = MAX_SEQ_LEN, so jnp.max(input_len) is
    # always pe_table.shape[0] - 1; derive the static bound from the shape.
    max_len = pe_table.shape[0] - 1
    positions = jnp.arange(1, max_len + 1, dtype=input_len.dtype)  # [max_len]
    # rows: positions 1..len, padded with index 0 (the zero pad row)
    input_pos = jnp.where(positions[None, :] <= input_len[:, None],
                          positions[None, :],
                          jnp.zeros((), dtype=input_len.dtype))  # [B, max_len]
    return jnp.take(pe_table, input_pos, axis=0)  # [B, max_len, D_MODEL]

if __name__ == "__main__":
    import jax
    _d = setup_inputs()
    print(jax.jit(kernel)(*tuple(_d.values())))

</pallas_src>

<mosaic_0001>
#map = affine_map<(d0, d1) -> (0)>
#map1 = affine_map<(d0, d1) -> (0, 0)>
module attributes {stable_mosaic.version = 14 : i64} {
  func.func @_body(%arg0: i32, %arg1: i32, %arg2: memref<1024xi32, #tpu.memory_space<hbm>>, %arg3: memref<2049x768xf32, #tpu.memory_space<hbm>>, %arg4: memref<131072x768xf32, #tpu.memory_space<hbm>>, %arg5: memref<64xi32, #tpu.memory_space<vmem>>, %arg6: memref<64xi32, #tpu.memory_space<vmem>>, %arg7: memref<64x768xf32, #tpu.memory_space<vmem>>, %arg8: memref<1024x768xf32, #tpu.memory_space<vmem_shared>>, %arg9: memref<64x768xf32, #tpu.memory_space<vmem_shared>>, %arg10: memref<!tpu.dma_semaphore, #tpu.memory_space<semaphore_mem>>, %arg11: memref<!tpu.dma_semaphore, #tpu.memory_space<semaphore_mem>>) attributes {dimension_semantics = [#tpu.dimension_semantics<core_parallel>, #tpu.dimension_semantics<subcore_parallel>], iteration_bounds = array<i64: 2, 16>, scalar_prefetch = 0 : i64, scratch_operands = 7 : i64, tpu.core_type = #tpu.core_type<sc_vector_subcore>, window_params = [{transform_indices = #map}, {transform_indices = #map1}, {transform_indices = #map1}]} {
    %iota3A = tpu.iota {dimensions = array<i32: 0>} : vector<16xi32>
    %mul3A = arith.constant 1024 : i32
    %mul3A_0 = arith.muli %arg0, %mul3A : i32
    %mul3A_1 = arith.constant 64 : i32
    %mul3A_2 = arith.muli %arg1, %mul3A_1 : i32
    %add3A = arith.addi %mul3A_0, %mul3A_2 : i32
    %add3A_3 = arith.constant 0 : i32
    %add3A_4 = arith.addi %add3A, %add3A_3 : i32
    %add3A_5 = arith.constant 1 : i32
    %add3A_6 = arith.addi %add3A_4, %add3A_5 : i32
    %add3A_7 = arith.constant 0 : i32
    %add3A_8 = arith.addi %add3A_6, %add3A_7 : i32
    %add3A_9 = vector.broadcast %add3A_8 : i32 to vector<16xi32>
    %add3A_10 = arith.addi %iota3A, %add3A_9 : vector<16xi32>
    %swap3A = arith.constant 0 : index
    %swap3A_11 = tpu.vector_load %arg6[%swap3A] {strides = array<i32>} : memref<64xi32, #tpu.memory_space<vmem>>, vector<16xi32>,
    %swap3A_12 = vector.shape_cast %swap3A_11 : vector<16xi32> to vector<16xi32>
    %swap3A_13 = vector.shape_cast %add3A_10 : vector<16xi32> to vector<16xi32>
    tpu.vector_store %arg6[%swap3A], %swap3A_13 {strides = array<i32>} : memref<64xi32, #tpu.memory_space<vmem>>, vector<16xi32>,
    %iota3A_14 = tpu.iota {dimensions = array<i32: 0>} : vector<16xi32>
    %mul3A_15 = arith.constant 1024 : i32
    %mul3A_16 = arith.muli %arg0, %mul3A_15 : i32
    %mul3A_17 = arith.constant 64 : i32
    %mul3A_18 = arith.muli %arg1, %mul3A_17 : i32
    %add3A_19 = arith.addi %mul3A_16, %mul3A_18 : i32
    %add3A_20 = arith.constant 0 : i32
    %add3A_21 = arith.addi %add3A_19, %add3A_20 : i32
    %add3A_22 = arith.constant 1 : i32
    %add3A_23 = arith.addi %add3A_21, %add3A_22 : i32
    %add3A_24 = arith.constant 16 : i32
    %add3A_25 = arith.addi %add3A_23, %add3A_24 : i32
    %add3A_26 = vector.broadcast %add3A_25 : i32 to vector<16xi32>
    %add3A_27 = arith.addi %iota3A_14, %add3A_26 : vector<16xi32>
    %swap3A_28 = arith.constant 16 : index
    %swap3A_29 = tpu.vector_load %arg6[%swap3A_28] {strides = array<i32>} : memref<64xi32, #tpu.memory_space<vmem>>, vector<16xi32>,
    %swap3A_30 = vector.shape_cast %swap3A_29 : vector<16xi32> to vector<16xi32>
    %swap3A_31 = vector.shape_cast %add3A_27 : vector<16xi32> to vector<16xi32>
    tpu.vector_store %arg6[%swap3A_28], %swap3A_31 {strides = array<i32>} : memref<64xi32, #tpu.memory_space<vmem>>, vector<16xi32>,
    %iota3A_32 = tpu.iota {dimensions = array<i32: 0>} : vector<16xi32>
    %mul3A_33 = arith.constant 1024 : i32
    %mul3A_34 = arith.muli %arg0, %mul3A_33 : i32
    %mul3A_35 = arith.constant 64 : i32
    %mul3A_36 = arith.muli %arg1, %mul3A_35 : i32
    %add3A_37 = arith.addi %mul3A_34, %mul3A_36 : i32
    %add3A_38 = arith.constant 0 : i32
    %add3A_39 = arith.addi %add3A_37, %add3A_38 : i32
    %add3A_40 = arith.constant 1 : i32
    %add3A_41 = arith.addi %add3A_39, %add3A_40 : i32
    %add3A_42 = arith.constant 32 : i32
    %add3A_43 = arith.addi %add3A_41, %add3A_42 : i32
    %add3A_44 = vector.broadcast %add3A_43 : i32 to vector<16xi32>
    %add3A_45 = arith.addi %iota3A_32, %add3A_44 : vector<16xi32>
    %swap3A_46 = arith.constant 32 : index
    %swap3A_47 = tpu.vector_load %arg6[%swap3A_46] {strides = array<i32>} : memref<64xi32, #tpu.memory_space<vmem>>, vector<16xi32>,
    %swap3A_48 = vector.shape_cast %swap3A_47 : vector<16xi32> to vector<16xi32>
    %swap3A_49 = vector.shape_cast %add3A_45 : vector<16xi32> to vector<16xi32>
    tpu.vector_store %arg6[%swap3A_46], %swap3A_49 {strides = array<i32>} : memref<64xi32, #tpu.memory_space<vmem>>, vector<16xi32>,
    %iota3A_50 = tpu.iota {dimensions = array<i32: 0>} : vector<16xi32>
    %mul3A_51 = arith.constant 1024 : i32
    %mul3A_52 = arith.muli %arg0, %mul3A_51 : i32
    %mul3A_53 = arith.constant 64 : i32
    %mul3A_54 = arith.muli %arg1, %mul3A_53 : i32
    %add3A_55 = arith.addi %mul3A_52, %mul3A_54 : i32
    %add3A_56 = arith.constant 0 : i32
    %add3A_57 = arith.addi %add3A_55, %add3A_56 : i32
    %add3A_58 = arith.constant 1 : i32
    %add3A_59 = arith.addi %add3A_57, %add3A_58 : i32
    %add3A_60 = arith.constant 48 : i32
    %add3A_61 = arith.addi %add3A_59, %add3A_60 : i32
    %add3A_62 = vector.broadcast %add3A_61 : i32 to vector<16xi32>
    %add3A_63 = arith.addi %iota3A_50, %add3A_62 : vector<16xi32>
    %swap3A_64 = arith.constant 48 : index
    %swap3A_65 = tpu.vector_load %arg6[%swap3A_64] {strides = array<i32>} : memref<64xi32, #tpu.memory_space<vmem>>, vector<16xi32>,
    %swap3A_66 = vector.shape_cast %swap3A_65 : vector<16xi32> to vector<16xi32>
    %swap3A_67 = vector.shape_cast %add3A_63 : vector<16xi32> to vector<16xi32>
    tpu.vector_store %arg6[%swap3A_64], %swap3A_67 {strides = array<i32>} : memref<64xi32, #tpu.memory_space<vmem>>, vector<16xi32>,
    %dma_start3A = arith.constant 0 : i32
    %dma_start3A_68 = arith.constant 0 : i32
    %dma_start3A_69 = tpu.memref_slice %arg3[%dma_start3A, %dma_start3A_68] : memref<2049x768xf32, #tpu.memory_space<hbm>> -> memref<2049x768xf32, #tpu.memory_space<hbm>>
    tpu.enqueue_indirect_dma source(%dma_start3A_69 : memref<2049x768xf32, #tpu.memory_space<hbm>>) target(%arg7 : memref<64x768xf32, #tpu.memory_space<vmem>>) offsets(%arg6 : memref<64xi32, #tpu.memory_space<vmem>>) semaphore(%arg10 : memref<!tpu.dma_semaphore, #tpu.memory_space<semaphore_mem>>)
    %dma_wait3A = arith.constant 0 : i32
    %dma_wait3A_70 = arith.constant 0 : i32
    %dma_wait3A_71 = tpu.memref_slice %arg3[%dma_wait3A, %dma_wait3A_70] : memref<2049x768xf32, #tpu.memory_space<hbm>> -> memref<2049x768xf32, #tpu.memory_space<hbm>>
    tpu.wait_indirect_dma semaphore(%arg10 : memref<!tpu.dma_semaphore, #tpu.memory_space<semaphore_mem>>) src(%dma_wait3A_71 : memref<2049x768xf32, #tpu.memory_space<hbm>>) dst(%arg7 : memref<64x768xf32, #tpu.memory_space<vmem>>)
    %mul3A_72 = arith.constant 64 : i32
    %mul3A_73 = arith.muli %arg1, %mul3A_72 : i32
    %add3A_74 = arith.constant 0 : i32
    %add3A_75 = arith.addi %mul3A_73, %add3A_74 : i32
    "tpu.region"() ({
      %run_scoped3A = tpu.sem_alloc : memref<!tpu.dma_semaphore, #tpu.memory_space<semaphore_mem>>
      %dma_start3A_1887 = arith.constant 0 : i32
      %dma_start3A_1888 = tpu.memref_slice %arg8[%add3A_75, %dma_start3A_1887] : memref<1024x768xf32, #tpu.memory_space<vmem_shared>> -> memref<64x768xf32, #tpu.memory_space<vmem_shared>>
      %dma_start3A_1889 = arith.constant 0 : i32
      %dma_start3A_1890 = tpu.memref_slice %arg8[%add3A_75, %dma_start3A_1889] : memref<1024x768xf32, #tpu.memory_space<vmem_shared>> -> memref<64x768xf32, #tpu.memory_space<vmem_shared>>
      tpu.enqueue_dma source(%arg7 : memref<64x768xf32, #tpu.memory_space<vmem>>) target(%dma_start3A_1890 : memref<64x768xf32, #tpu.memory_space<vmem_shared>>) target_semaphore(%run_scoped3A : memref<!tpu.dma_semaphore, #tpu.memory_space<semaphore_mem>>)
      %dma_wait3A_1891 = arith.constant 0 : i32
      %dma_wait3A_1892 = tpu.memref_slice %arg8[%add3A_75, %dma_wait3A_1891] : memref<1024x768xf32, #tpu.memory_space<vmem_shared>> -> memref<64x768xf32, #tpu.memory_space<vmem_shared>>
      %dma_wait3A_1893 = arith.constant 0 : i32
      %dma_wait3A_1894 = tpu.memref_slice %arg8[%add3A_75, %dma_wait3A_1893] : memref<1024x768xf32, #tpu.memory_space<vmem_shared>> -> memref<64x768xf32, #tpu.memory_space<vmem_shared>>
      tpu.wait_dma2 semaphore(%run_scoped3A : memref<!tpu.dma_semaphore, #tpu.memory_space<semaphore_mem>>) src(%arg7 : memref<64x768xf32, #tpu.memory_space<vmem>>) dst(%dma_wait3A_1894 : memref<64x768xf32, #tpu.memory_space<vmem_shared>>)
      tpu.yield
    }) : () -> ()
    %eq3A = arith.constant 1 : i32
    %eq3A_76 = arith.cmpi eq, %arg1, %eq3A : i32
    %convert_element_type3A = arith.extui %eq3A_76 : i1 to i32
    %cond3A = arith.constant 0 : i32
    %cond3A_77 = arith.cmpi ne, %convert_element_type3A, %cond3A : i32
    scf.if %cond3A_77 {
      %broadcast_in_dim3A = arith.constant 0 : i32
      %broadcast_in_dim3A_1887 = vector.broadcast %broadcast_in_dim3A : i32 to vector<16xi32>
      %swap3A_1888 = arith.constant 0 : index
      %swap3A_1889 = tpu.vector_load %arg6[%swap3A_1888] {strides = array<i32>} : memref<64xi32, #tpu.memory_space<vmem>>, vector<16xi32>,
      %swap3A_1890 = vector.shape_cast %swap3A_1889 : vector<16xi32> to vector<16xi32>
      %swap3A_1891 = vector.shape_cast %broadcast_in_dim3A_1887 : vector<16xi32> to vector<16xi32>
      tpu.vector_store %arg6[%swap3A_1888], %swap3A_1891 {strides = array<i32>} : memref<64xi32, #tpu.memory_space<vmem>>, vector<16xi32>,
      %broadcast_in_dim3A_1892 = arith.constant 0 : i32
      %broadcast_in_dim3A_1893 = vector.broadcast %broadcast_in_dim3A_1892 : i32 to vector<16xi32>
      %swap3A_1894 = arith.constant 16 : index
      %swap3A_1895 = tpu.vector_load %arg6[%swap3A_1894] {strides = array<i32>} : memref<64xi32, #tpu.memory_space<vmem>>, vector<16xi32>,
      %swap3A_1896 = vector.shape_cast %swap3A_1895 : vector<16xi32> to vector<16xi32>
      %swap3A_1897 = vector.shape_cast %broadcast_in_dim3A_1893 : vector<16xi32> to vector<16xi32>
      tpu.vector_store %arg6[%swap3A_1894], %swap3A_1897 {strides = array<i32>} : memref<64xi32, #tpu.memory_space<vmem>>, vector<16xi32>,
      %broadcast_in_dim3A_1898 = arith.constant 0 : i32
      %broadcast_in_dim3A_1899 = vector.broadcast %broadcast_in_dim3A_1898 : i32 to vector<16xi32>
      %swap3A_1900 = arith.constant 32 : index
      %swap3A_1901 = tpu.vector_load %arg6[%swap3A_1900] {strides = array<i32>} : memref<64xi32, #tpu.memory_space<vmem>>, vector<16xi32>,
      %swap3A_1902 = vector.shape_cast %swap3A_1901 : vector<16xi32> to vector<16xi32>
      %swap3A_1903 = vector.shape_cast %broadcast_in_dim3A_1899 : vector<16xi32> to vector<16xi32>
      tpu.vector_store %arg6[%swap3A_1900], %swap3A_1903 {strides = array<i32>} : memref<64xi32, #tpu.memory_space<vmem>>, vector<16xi32>,
      %broadcast_in_dim3A_1904 = arith.constant 0 : i32
      %broadcast_in_dim3A_1905 = vector.broadcast %broadcast_in_dim3A_1904 : i32 to vector<16xi32>
      %swap3A_1906 = arith.constant 48 : index
      %swap3A_1907 = tpu.vector_load %arg6[%swap3A_1906] {strides = array<i32>} : memref<64xi32, #tpu.memory_space<vmem>>, vector<16xi32>,
      %swap3A_1908 = vector.shape_cast %swap3A_1907 : vector<16xi32> to vector<16xi32>
      %swap3A_1909 = vector.shape_cast %broadcast_in_dim3A_1905 : vector<16xi32> to vector<16xi32>
      tpu.vector_store %arg6[%swap3A_1906], %swap3A_1909 {strides = array<i32>} : memref<64xi32, #tpu.memory_space<vmem>>, vector<16xi32>,
      %dma_start3A_1910 = arith.constant 0 : i32
      %dma_start3A_1911 = arith.constant 0 : i32
      %dma_start3A_1912 = tpu.memref_slice %arg3[%dma_start3A_1910, %dma_start3A_1911] : memref<2049x768xf32, #tpu.memory_space<hbm>> -> memref<2049x768xf32, #tpu.memory_space<hbm>>
      tpu.enqueue_indirect_dma source(%dma_start3A_1912 : memref<2049x768xf32, #tpu.memory_space<hbm>>) target(%arg7 : memref<64x768xf32, #tpu.memory_space<vmem>>) offsets(%arg6 : memref<64xi32, #tpu.memory_space<vmem>>) semaphore(%arg10 : memref<!tpu.dma_semaphore, #tpu.memory_space<semaphore_mem>>)
      %dma_wait3A_1913 = arith.constant 0 : i32
      %dma_wait3A_1914 = arith.constant 0 : i32
      %dma_wait3A_1915 = tpu.memref_slice %arg3[%dma_wait3A_1913, %dma_wait3A_1914] : memref<2049x768xf32, #tpu.memory_space<hbm>> -> memref<2049x768xf32, #tpu.memory_space<hbm>>
      tpu.wait_indirect_dma semaphore(%arg10 : memref<!tpu.dma_semaphore, #tpu.memory_space<semaphore_mem>>) src(%dma_wait3A_1915 : memref<2049x768xf32, #tpu.memory_space<hbm>>) dst(%arg7 : memref<64x768xf32, #tpu.memory_space<vmem>>)
      "tpu.region"() ({
        %run_scoped3A = tpu.sem_alloc : memref<!tpu.dma_semaphore, #tpu.memory_space<semaphore_mem>>
        %dma_start3A_1916 = arith.constant 0 : i32
        %dma_start3A_1917 = arith.constant 0 : i32
        %dma_start3A_1918 = tpu.memref_slice %arg9[%dma_start3A_1916, %dma_start3A_1917] : memref<64x768xf32, #tpu.memory_space<vmem_shared>> -> memref<64x768xf32, #tpu.memory_space<vmem_shared>>
        %dma_start3A_1919 = arith.constant 0 : i32
        %dma_start3A_1920 = arith.constant 0 : i32
        %dma_start3A_1921 = tpu.memref_slice %arg9[%dma_start3A_1919, %dma_start3A_1920] : memref<64x768xf32, #tpu.memory_space<vmem_shared>> -> memref<64x768xf32, #tpu.memory_space<vmem_shared>>
        tpu.enqueue_dma source(%arg7 : memref<64x768xf32, #tpu.memory_space<vmem>>) target(%dma_start3A_1921 : memref<64x768xf32, #tpu.memory_space<vmem_shared>>) target_semaphore(%run_scoped3A : memref<!tpu.dma_semaphore, #tpu.memory_space<semaphore_mem>>)
        %dma_wait3A_1922 = arith.constant 0 : i32
        %dma_wait3A_1923 = arith.constant 0 : i32
        %dma_wait3A_1924 = tpu.memref_slice %arg9[%dma_wait3A_1922, %dma_wait3A_1923] : memref<64x768xf32, #tpu.memory_space<vmem_shared>> -> memref<64x768xf32, #tpu.memory_space<vmem_shared>>
        %dma_wait3A_1925 = arith.constant 0 : i32
        %dma_wait3A_1926 = arith.constant 0 : i32
        %dma_wait3A_1927 = tpu.memref_slice %arg9[%dma_wait3A_1925, %dma_wait3A_1926] : memref<64x768xf32, #tpu.memory_space<vmem_shared>> -> memref<64x768xf32, #tpu.memory_space<vmem_shared>>
        tpu.wait_dma2 semaphore(%run_scoped3A : memref<!tpu.dma_semaphore, #tpu.memory_space<semaphore_mem>>) src(%arg7 : memref<64x768xf32, #tpu.memory_space<vmem>>) dst(%dma_wait3A_1927 : memref<64x768xf32, #tpu.memory_space<vmem_shared>>)
        tpu.yield
      }) : () -> ()
    } else {
    }
    %mul3A_78 = arith.constant 4 : i32
    %mul3A_79 = arith.muli %arg1, %mul3A_78 : i32
    %mul3A_80 = arith.constant 16 : i32
    %mul3A_81 = arith.muli %mul3A_79, %mul3A_80 : i32
    "tpu.region"() ({
      %run_scoped3A = tpu.sem_alloc : memref<!tpu.dma_semaphore, #tpu.memory_space<semaphore_mem>>
      %dma_start3A_1887 = tpu.memref_slice %arg2[%mul3A_81] : memref<1024xi32, #tpu.memory_space<hbm>> -> memref<64xi32, #tpu.memory_space<hbm>>
      %dma_start3A_1888 = tpu.memref_slice %arg2[%mul3A_81] : memref<1024xi32, #tpu.memory_space<hbm>> -> memref<64xi32, #tpu.memory_space<hbm>>
      tpu.enqueue_dma source(%dma_start3A_1888 : memref<64xi32, #tpu.memory_space<hbm>>) target(%arg5 : memref<64xi32, #tpu.memory_space<vmem>>) target_semaphore(%run_scoped3A : memref<!tpu.dma_semaphore, #tpu.memory_space<semaphore_mem>>)
      %dma_wait3A_1889 = tpu.memref_slice %arg2[%mul3A_81] : memref<1024xi32, #tpu.memory_space<hbm>> -> memref<64xi32, #tpu.memory_space<hbm>>
      %dma_wait3A_1890 = tpu.memref_slice %arg2[%mul3A_81] : memref<1024xi32, #tpu.memory_space<hbm>> -> memref<64xi32, #tpu.memory_space<hbm>>
      tpu.wait_dma2 semaphore(%run_scoped3A : memref<!tpu.dma_semaphore, #tpu.memory_space<semaphore_mem>>) src(%dma_wait3A_1890 : memref<64xi32, #tpu.memory_space<hbm>>) dst(%arg5 : memref<64xi32, #tpu.memory_space<vmem>>)
      tpu.yield
    }) : () -> ()
    %barrier3A = arith.constant 0 : index
    tpu.barrier barrier_id(%barrier3A)
    %get3A = arith.constant 0 : index
    %get3A_82 = tpu.vector_load %arg5[%get3A] {strides = array<i32>} : memref<64xi32, #tpu.memory_space<vmem>>, vector<16xi32>,
    %get3A_83 = vector.shape_cast %get3A_82 : vector<16xi32> to vector<16xi32>
    %slice3A = vector.extract_strided_slice %get3A_83 {offsets = [0], sizes = [1], strides = [1]} : vector<16xi32> to vector<1xi32>
    %squeeze3A = vector.extract %slice3A[0] : i32 from vector<1xi32>
    %get3A_84 = arith.constant 16 : index
    %get3A_85 = tpu.vector_load %arg5[%get3A_84] {strides = array<i32>} : memref<64xi32, #tpu.memory_space<vmem>>, vector<16xi32>,
    %get3A_86 = vector.shape_cast %get3A_85 : vector<16xi32> to vector<16xi32>
    %slice3A_87 = vector.extract_strided_slice %get3A_86 {offsets = [0], sizes = [1], strides = [1]} : vector<16xi32> to vector<1xi32>
    %squeeze3A_88 = vector.extract %slice3A_87[0] : i32 from vector<1xi32>
    %get3A_89 = arith.constant 32 : index
    %get3A_90 = tpu.vector_load %arg5[%get3A_89] {strides = array<i32>} : memref<64xi32, #tpu.memory_space<vmem>>, vector<16xi32>,
    %get3A_91 = vector.shape_cast %get3A_90 : vector<16xi32> to vector<16xi32>
    %slice3A_92 = vector.extract_strided_slice %get3A_91 {offsets = [0], sizes = [1], strides = [1]} : vector<16xi32> to vector<1xi32>
    %squeeze3A_93 = vector.extract %slice3A_92[0] : i32 from vector<1xi32>
    %get3A_94 = arith.constant 48 : index
    %get3A_95 = tpu.vector_load %arg5[%get3A_94] {strides = array<i32>} : memref<64xi32, #tpu.memory_space<vmem>>, vector<16xi32>,
    %get3A_96 = vector.shape_cast %get3A_95 : vector<16xi32> to vector<16xi32>
    %slice3A_97 = vector.extract_strided_slice %get3A_96 {offsets = [0], sizes = [1], strides = [1]} : vector<16xi32> to vector<1xi32>
    %squeeze3A_98 = vector.extract %slice3A_97[0] : i32 from vector<1xi32>
    %mul3A_99 = arith.constant 4 : i32
    %mul3A_100 = arith.muli %arg1, %mul3A_99 : i32
    %add3A_101 = arith.constant 0 : i32
    %add3A_102 = arith.addi %mul3A_100, %add3A_101 : i32
    %add3A_103 = arith.constant 0 : i32
    %add3A_104 = arith.addi %add3A_103, %arg1 : i32
    %rem3A = arith.constant 16 : i32
    %rem3A_105 = arith.remsi %add3A_104, %rem3A : i32
    %mul3A_106 = arith.constant 1024 : i32
    %mul3A_107 = arith.muli %arg0, %mul3A_106 : i32
    %mul3A_108 = arith.constant 64 : i32
    %mul3A_109 = arith.muli %rem3A_105, %mul3A_108 : i32
    %add3A_110 = arith.addi %mul3A_107, %mul3A_109 : i32
    %mul3A_111 = arith.constant 2048 : i32
    %mul3A_112 = arith.muli %add3A_102, %mul3A_111 : i32
    %add3A_113 = arith.addi %mul3A_112, %add3A_110 : i32
    %add3A_114 = arith.constant 64 : i32
    %add3A_115 = arith.addi %add3A_110, %add3A_114 : i32
    %le3A = arith.cmpi sle, %add3A_115, %squeeze3A : i32
    %ge3A = arith.cmpi sge, %add3A_110, %squeeze3A : i32
    %convert_element_type3A_116 = arith.extui %le3A : i1 to i32
    %cond3A_117 = arith.constant 0 : i32
    %cond3A_118 = arith.cmpi ne, %convert_element_type3A_116, %cond3A_117 : i32
    scf.if %cond3A_118 {
      %mul3A_1887 = arith.constant 64 : i32
      %mul3A_1888 = arith.muli %rem3A_105, %mul3A_1887 : i32
      %dma_start3A_1889 = arith.constant 0 : i32
      %dma_start3A_1890 = tpu.memref_slice %arg4[%add3A_113, %dma_start3A_1889] : memref<131072x768xf32, #tpu.memory_space<hbm>> -> memref<64x768xf32, #tpu.memory_space<hbm>>
      %dma_start3A_1891 = arith.constant 0 : i32
      %dma_start3A_1892 = tpu.memref_slice %arg8[%mul3A_1888, %dma_start3A_1891] : memref<1024x768xf32, #tpu.memory_space<vmem_shared>> -> memref<64x768xf32, #tpu.memory_space<vmem_shared>>
      tpu.enqueue_dma source(%dma_start3A_1892 : memref<64x768xf32, #tpu.memory_space<vmem_shared>>) target(%dma_start3A_1890 : memref<64x768xf32, #tpu.memory_space<hbm>>) target_semaphore(%arg11 : memref<!tpu.dma_semaphore, #tpu.memory_space<semaphore_mem>>)
    } else {
    }
    %convert_element_type3A_119 = arith.extui %ge3A : i1 to i32
    %cond3A_120 = arith.constant 0 : i32
    %cond3A_121 = arith.cmpi ne, %convert_element_type3A_119, %cond3A_120 : i32
    scf.if %cond3A_121 {
      %dma_start3A_1887 = arith.constant 0 : i32
      %dma_start3A_1888 = tpu.memref_slice %arg4[%add3A_113, %dma_start3A_1887] : memref<131072x768xf32, #tpu.memory_space<hbm>> -> memref<64x768xf32, #tpu.memory_space<hbm>>
      tpu.enqueue_dma source(%arg9 : memref<64x768xf32, #tpu.memory_space<vmem_shared>>) target(%dma_start3A_1888 : memref<64x768xf32, #tpu.memory_space<hbm>>) target_semaphore(%arg11 : memref<!tpu.dma_semaphore, #tpu.memory_space<semaphore_mem>>)
    } else {
    }
    %mul3A_122 = arith.constant 4 : i32
    %mul3A_123 = arith.muli %arg1, %mul3A_122 : i32
    %add3A_124 = arith.constant 1 : i32
    %add3A_125 = arith.addi %mul3A_123, %add3A_124 : i32
    %add3A_126 = arith.constant 0 : i32
    %add3A_127 = arith.addi %add3A_126, %arg1 : i32
    %rem3A_128 = arith.constant 16 : i32
    %rem3A_129 = arith.remsi %add3A_127, %rem3A_128 : i32
    %mul3A_130 = arith.constant 1024 : i32
    %mul3A_131 = arith.muli %arg0, %mul3A_130 : i32
    %mul3A_132 = arith.constant 64 : i32
    %mul3A_133 = arith.muli %rem3A_129, %mul3A_132 : i32
    %add3A_134 = arith.addi %mul3A_131, %mul3A_133 : i32
    %mul3A_135 = arith.constant 2048 : i32
    %mul3A_136 = arith.muli %add3A_125, %mul3A_135 : i32
    %add3A_137 = arith.addi %mul3A_136, %add3A_134 : i32
    %add3A_138 = arith.constant 64 : i32
    %add3A_139 = arith.addi %add3A_134, %add3A_138 : i32
    %le3A_140 = arith.cmpi sle, %add3A_139, %squeeze3A_88 : i32
    %ge3A_141 = arith.cmpi sge, %add3A_134, %squeeze3A_88 : i32
    %convert_element_type3A_142 = arith.extui %le3A_140 : i1 to i32
    %cond3A_143 = arith.constant 0 : i32
    %cond3A_144 = arith.cmpi ne, %convert_element_type3A_142, %cond3A_143 : i32
    scf.if %cond3A_144 {
      %mul3A_1887 = arith.constant 64 : i32
      %mul3A_1888 = arith.muli %rem3A_129, %mul3A_1887 : i32
      %dma_start3A_1889 = arith.constant 0 : i32
      %dma_start3A_1890 = tpu.memref_slice %arg4[%add3A_137, %dma_start3A_1889] : memref<131072x768xf32, #tpu.memory_space<hbm>> -> memref<64x768xf32, #tpu.memory_space<hbm>>
      %dma_start3A_1891 = arith.constant 0 : i32
      %dma_start3A_1892 = tpu.memref_slice %arg8[%mul3A_1888, %dma_start3A_1891] : memref<1024x768xf32, #tpu.memory_space<vmem_shared>> -> memref<64x768xf32, #tpu.memory_space<vmem_shared>>
      tpu.enqueue_dma source(%dma_start3A_1892 : memref<64x768xf32, #tpu.memory_space<vmem_shared>>) target(%dma_start3A_1890 : memref<64x768xf32, #tpu.memory_space<hbm>>) target_semaphore(%arg11 : memref<!tpu.dma_semaphore, #tpu.memory_space<semaphore_mem>>)
    } else {
    }
    %convert_element_type3A_145 = arith.extui %ge3A_141 : i1 to i32
    %cond3A_146 = arith.constant 0 : i32
    %cond3A_147 = arith.cmpi ne, %convert_element_type3A_145, %cond3A_146 : i32
    scf.if %cond3A_147 {
      %dma_start3A_1887 = arith.constant 0 : i32
      %dma_start3A_1888 = tpu.memref_slice %arg4[%add3A_137, %dma_start3A_1887] : memref<131072x768xf32, #tpu.memory_space<hbm>> -> memref<64x768xf32, #tpu.memory_space<hbm>>
      tpu.enqueue_dma source(%arg9 : memref<64x768xf32, #tpu.memory_space<vmem_shared>>) target(%dma_start3A_1888 : memref<64x768xf32, #tpu.memory_space<hbm>>) target_semaphore(%arg11 : memref<!tpu.dma_semaphore, #tpu.memory_space<semaphore_mem>>)
    } else {
    }
    %mul3A_148 = arith.constant 4 : i32
    %mul3A_149 = arith.muli %arg1, %mul3A_148 : i32
    %add3A_150 = arith.constant 2 : i32
    %add3A_151 = arith.addi %mul3A_149, %add3A_150 : i32
    %add3A_152 = arith.constant 0 : i32
    %add3A_153 = arith.addi %add3A_152, %arg1 : i32
    %rem3A_154 = arith.constant 16 : i32
    %rem3A_155 = arith.remsi %add3A_153, %rem3A_154 : i32
    %mul3A_156 = arith.constant 1024 : i32
    %mul3A_157 = arith.muli %arg0, %mul3A_156 : i32
    %mul3A_158 = arith.constant 64 : i32
    %mul3A_159 = arith.muli %rem3A_155, %mul3A_158 : i32
    %add3A_160 = arith.addi %mul3A_157, %mul3A_159 : i32
    %mul3A_161 = arith.constant 2048 : i32
    %mul3A_162 = arith.muli %add3A_151, %mul3A_161 : i32
    %add3A_163 = arith.addi %mul3A_162, %add3A_160 : i32
    %add3A_164 = arith.constant 64 : i32
    %add3A_165 = arith.addi %add3A_160, %add3A_164 : i32
    %le3A_166 = arith.cmpi sle, %add3A_165, %squeeze3A_93 : i32
    %ge3A_167 = arith.cmpi sge, %add3A_160, %squeeze3A_93 : i32
    %convert_element_type3A_168 = arith.extui %le3A_166 : i1 to i32
    %cond3A_169 = arith.constant 0 : i32
    %cond3A_170 = arith.cmpi ne, %convert_element_type3A_168, %cond3A_169 : i32
    scf.if %cond3A_170 {
      %mul3A_1887 = arith.constant 64 : i32
      %mul3A_1888 = arith.muli %rem3A_155, %mul3A_1887 : i32
      %dma_start3A_1889 = arith.constant 0 : i32
      %dma_start3A_1890 = tpu.memref_slice %arg4[%add3A_163, %dma_start3A_1889] : memref<131072x768xf32, #tpu.memory_space<hbm>> -> memref<64x768xf32, #tpu.memory_space<hbm>>
      %dma_start3A_1891 = arith.constant 0 : i32
      %dma_start3A_1892 = tpu.memref_slice %arg8[%mul3A_1888, %dma_start3A_1891] : memref<1024x768xf32, #tpu.memory_space<vmem_shared>> -> memref<64x768xf32, #tpu.memory_space<vmem_shared>>
      tpu.enqueue_dma source(%dma_start3A_1892 : memref<64x768xf32, #tpu.memory_space<vmem_shared>>) target(%dma_start3A_1890 : memref<64x768xf32, #tpu.memory_space<hbm>>) target_semaphore(%arg11 : memref<!tpu.dma_semaphore, #tpu.memory_space<semaphore_mem>>)
    } else {
    }
    %convert_element_type3A_171 = arith.extui %ge3A_167 : i1 to i32
    %cond3A_172 = arith.constant 0 : i32
    %cond3A_173 = arith.cmpi ne, %convert_element_type3A_171, %cond3A_172 : i32
    scf.if %cond3A_173 {
      %dma_start3A_1887 = arith.constant 0 : i32
      %dma_start3A_1888 = tpu.memref_slice %arg4[%add3A_163, %dma_start3A_1887] : memref<131072x768xf32, #tpu.memory_space<hbm>> -> memref<64x768xf32, #tpu.memory_space<hbm>>
      tpu.enqueue_dma source(%arg9 : memref<64x768xf32, #tpu.memory_space<vmem_shared>>) target(%dma_start3A_1888 : memref<64x768xf32, #tpu.memory_space<hbm>>) target_semaphore(%arg11 : memref<!tpu.dma_semaphore, #tpu.memory_space<semaphore_mem>>)
    } else {
    }
    %mul3A_174 = arith.constant 4 : i32
    %mul3A_175 = arith.muli %arg1, %mul3A_174 : i32
    %add3A_176 = arith.constant 3 : i32
    %add3A_177 = arith.addi %mul3A_175, %add3A_176 : i32
    %add3A_178 = arith.constant 0 : i32
    %add3A_179 = arith.addi %add3A_178, %arg1 : i32
    %rem3A_180 = arith.constant 16 : i32
    %rem3A_181 = arith.remsi %add3A_179, %rem3A_180 : i32
    %mul3A_182 = arith.constant 1024 : i32
    %mul3A_183 = arith.muli %arg0, %mul3A_182 : i32
    %mul3A_184 = arith.constant 64 : i32
    %mul3A_185 = arith.muli %rem3A_181, %mul3A_184 : i32
    %add3A_186 = arith.addi %mul3A_183, %mul3A_185 : i32
    %mul3A_187 = arith.constant 2048 : i32
    %mul3A_188 = arith.muli %add3A_177, %mul3A_187 : i32
    %add3A_189 = arith.addi %mul3A_188, %add3A_186 : i32
    %add3A_190 = arith.constant 64 : i32
    %add3A_191 = arith.addi %add3A_186, %add3A_190 : i32
    %le3A_192 = arith.cmpi sle, %add3A_191, %squeeze3A_98 : i32
    %ge3A_193 = arith.cmpi sge, %add3A_186, %squeeze3A_98 : i32
    %convert_element_type3A_194 = arith.extui %le3A_192 : i1 to i32
    %cond3A_195 = arith.constant 0 : i32
    %cond3A_196 = arith.cmpi ne, %convert_element_type3A_194, %cond3A_195 : i32
    scf.if %cond3A_196 {
      %mul3A_1887 = arith.constant 64 : i32
      %mul3A_1888 = arith.muli %rem3A_181, %mul3A_1887 : i32
      %dma_start3A_1889 = arith.constant 0 : i32
      %dma_start3A_1890 = tpu.memref_slice %arg4[%add3A_189, %dma_start3A_1889] : memref<131072x768xf32, #tpu.memory_space<hbm>> -> memref<64x768xf32, #tpu.memory_space<hbm>>
      %dma_start3A_1891 = arith.constant 0 : i32
      %dma_start3A_1892 = tpu.memref_slice %arg8[%mul3A_1888, %dma_start3A_1891] : memref<1024x768xf32, #tpu.memory_space<vmem_shared>> -> memref<64x768xf32, #tpu.memory_space<vmem_shared>>
      tpu.enqueue_dma source(%dma_start3A_1892 : memref<64x768xf32, #tpu.memory_space<vmem_shared>>) target(%dma_start3A_1890 : memref<64x768xf32, #tpu.memory_space<hbm>>) target_semaphore(%arg11 : memref<!tpu.dma_semaphore, #tpu.memory_space<semaphore_mem>>)
    } else {
    }
    %convert_element_type3A_197 = arith.extui %ge3A_193 : i1 to i32
    %cond3A_198 = arith.constant 0 : i32
    %cond3A_199 = arith.cmpi ne, %convert_element_type3A_197, %cond3A_198 : i32
    scf.if %cond3A_199 {
      %dma_start3A_1887 = arith.constant 0 : i32
      %dma_start3A_1888 = tpu.memref_slice %arg4[%add3A_189, %dma_start3A_1887] : memref<131072x768xf32, #tpu.memory_space<hbm>> -> memref<64x768xf32, #tpu.memory_space<hbm>>
      tpu.enqueue_dma source(%arg9 : memref<64x768xf32, #tpu.memory_space<vmem_shared>>) target(%dma_start3A_1888 : memref<64x768xf32, #tpu.memory_space<hbm>>) target_semaphore(%arg11 : memref<!tpu.dma_semaphore, #tpu.memory_space<semaphore_mem>>)
    } else {
    }
    %mul3A_200 = arith.constant 4 : i32
    %mul3A_201 = arith.muli %arg1, %mul3A_200 : i32
    %add3A_202 = arith.constant 0 : i32
    %add3A_203 = arith.addi %mul3A_201, %add3A_202 : i32
    %add3A_204 = arith.constant 1 : i32
    %add3A_205 = arith.addi %add3A_204, %arg1 : i32
    %rem3A_206 = arith.constant 16 : i32
    %rem3A_207 = arith.remsi %add3A_205, %rem3A_206 : i32
    %mul3A_208 = arith.constant 1024 : i32
    %mul3A_209 = arith.muli %arg0, %mul3A_208 : i32
    %mul3A_210 = arith.constant 64 : i32
    %mul3A_211 = arith.muli %rem3A_207, %mul3A_210 : i32
    %add3A_212 = arith.addi %mul3A_209, %mul3A_211 : i32
    %mul3A_213 = arith.constant 2048 : i32
    %mul3A_214 = arith.muli %add3A_203, %mul3A_213 : i32
    %add3A_215 = arith.addi %mul3A_214, %add3A_212 : i32
    %add3A_216 = arith.constant 64 : i32
    %add3A_217 = arith.addi %add3A_212, %add3A_216 : i32
    %le3A_218 = arith.cmpi sle, %add3A_217, %squeeze3A : i32
    %ge3A_219 = arith.cmpi sge, %add3A_212, %squeeze3A : i32
    %convert_element_type3A_220 = arith.extui %le3A_218 : i1 to i32
    %cond3A_221 = arith.constant 0 : i32
    %cond3A_222 = arith.cmpi ne, %convert_element_type3A_220, %cond3A_221 : i32
    scf.if %cond3A_222 {
      %mul3A_1887 = arith.constant 64 : i32
      %mul3A_1888 = arith.muli %rem3A_207, %mul3A_1887 : i32
      %dma_start3A_1889 = arith.constant 0 : i32
      %dma_start3A_1890 = tpu.memref_slice %arg4[%add3A_215, %dma_start3A_1889] : memref<131072x768xf32, #tpu.memory_space<hbm>> -> memref<64x768xf32, #tpu.memory_space<hbm>>
      %dma_start3A_1891 = arith.constant 0 : i32
      %dma_start3A_1892 = tpu.memref_slice %arg8[%mul3A_1888, %dma_start3A_1891] : memref<1024x768xf32, #tpu.memory_space<vmem_shared>> -> memref<64x768xf32, #tpu.memory_space<vmem_shared>>
      tpu.enqueue_dma source(%dma_start3A_1892 : memref<64x768xf32, #tpu.memory_space<vmem_shared>>) target(%dma_start3A_1890 : memref<64x768xf32, #tpu.memory_space<hbm>>) target_semaphore(%arg11 : memref<!tpu.dma_semaphore, #tpu.memory_space<semaphore_mem>>)
    } else {
    }
    %convert_element_type3A_223 = arith.extui %ge3A_219 : i1 to i32
    %cond3A_224 = arith.constant 0 : i32
    %cond3A_225 = arith.cmpi ne, %convert_element_type3A_223, %cond3A_224 : i32
    scf.if %cond3A_225 {
      %dma_start3A_1887 = arith.constant 0 : i32
      %dma_start3A_1888 = tpu.memref_slice %arg4[%add3A_215, %dma_start3A_1887] : memref<131072x768xf32, #tpu.memory_space<hbm>> -> memref<64x768xf32, #tpu.memory_space<hbm>>
      tpu.enqueue_dma source(%arg9 : memref<64x768xf32, #tpu.memory_space<vmem_shared>>) target(%dma_start3A_1888 : memref<64x768xf32, #tpu.memory_space<hbm>>) target_semaphore(%arg11 : memref<!tpu.dma_semaphore, #tpu.memory_space<semaphore_mem>>)
    } else {
    }
    %mul3A_226 = arith.constant 4 : i32
    %mul3A_227 = arith.muli %arg1, %mul3A_226 : i32
    %add3A_228 = arith.constant 1 : i32
    %add3A_229 = arith.addi %mul3A_227, %add3A_228 : i32
    %add3A_230 = arith.constant 1 : i32
    %add3A_231 = arith.addi %add3A_230, %arg1 : i32
    %rem3A_232 = arith.constant 16 : i32
    %rem3A_233 = arith.remsi %add3A_231, %rem3A_232 : i32
    %mul3A_234 = arith.constant 1024 : i32
    %mul3A_235 = arith.muli %arg0, %mul3A_234 : i32
    %mul3A_236 = arith.constant 64 : i32
    %mul3A_237 = arith.muli %rem3A_233, %mul3A_236 : i32
    %add3A_238 = arith.addi %mul3A_235, %mul3A_237 : i32
    %mul3A_239 = arith.constant 2048 : i32
    %mul3A_240 = arith.muli %add3A_229, %mul3A_239 : i32
    %add3A_241 = arith.addi %mul3A_240, %add3A_238 : i32
    %add3A_242 = arith.constant 64 : i32
    %add3A_243 = arith.addi %add3A_238, %add3A_242 : i32
    %le3A_244 = arith.cmpi sle, %add3A_243, %squeeze3A_88 : i32
    %ge3A_245 = arith.cmpi sge, %add3A_238, %squeeze3A_88 : i32
    %convert_element_type3A_246 = arith.extui %le3A_244 : i1 to i32
    %cond3A_247 = arith.constant 0 : i32
    %cond3A_248 = arith.cmpi ne, %convert_element_type3A_246, %cond3A_247 : i32
    scf.if %cond3A_248 {
      %mul3A_1887 = arith.constant 64 : i32
      %mul3A_1888 = arith.muli %rem3A_233, %mul3A_1887 : i32
      %dma_start3A_1889 = arith.constant 0 : i32
      %dma_start3A_1890 = tpu.memref_slice %arg4[%add3A_241, %dma_start3A_1889] : memref<131072x768xf32, #tpu.memory_space<hbm>> -> memref<64x768xf32, #tpu.memory_space<hbm>>
      %dma_start3A_1891 = arith.constant 0 : i32
      %dma_start3A_1892 = tpu.memref_slice %arg8[%mul3A_1888, %dma_start3A_1891] : memref<1024x768xf32, #tpu.memory_space<vmem_shared>> -> memref<64x768xf32, #tpu.memory_space<vmem_shared>>
      tpu.enqueue_dma source(%dma_start3A_1892 : memref<64x768xf32, #tpu.memory_space<vmem_shared>>) target(%dma_start3A_1890 : memref<64x768xf32, #tpu.memory_space<hbm>>) target_semaphore(%arg11 : memref<!tpu.dma_semaphore, #tpu.memory_space<semaphore_mem>>)
    } else {
    }
    %convert_element_type3A_249 = arith.extui %ge3A_245 : i1 to i32
    %cond3A_250 = arith.constant 0 : i32
    %cond3A_251 = arith.cmpi ne, %convert_element_type3A_249, %cond3A_250 : i32
    scf.if %cond3A_251 {
      %dma_start3A_1887 = arith.constant 0 : i32
      %dma_start3A_1888 = tpu.memref_slice %arg4[%add3A_241, %dma_start3A_1887] : memref<131072x768xf32, #tpu.memory_space<hbm>> -> memref<64x768xf32, #tpu.memory_space<hbm>>
      tpu.enqueue_dma source(%arg9 : memref<64x768xf32, #tpu.memory_space<vmem_shared>>) target(%dma_start3A_1888 : memref<64x768xf32, #tpu.memory_space<hbm>>) target_semaphore(%arg11 : memref<!tpu.dma_semaphore, #tpu.memory_space<semaphore_mem>>)
    } else {
    }
    %mul3A_252 = arith.constant 4 : i32
    %mul3A_253 = arith.muli %arg1, %mul3A_252 : i32
    %add3A_254 = arith.constant 2 : i32
    %add3A_255 = arith.addi %mul3A_253, %add3A_254 : i32
    %add3A_256 = arith.constant 1 : i32
    %add3A_257 = arith.addi %add3A_256, %arg1 : i32
    %rem3A_258 = arith.constant 16 : i32
    %rem3A_259 = arith.remsi %add3A_257, %rem3A_258 : i32
    %mul3A_260 = arith.constant 1024 : i32
    %mul3A_261 = arith.muli %arg0, %mul3A_260 : i32
    %mul3A_262 = arith.constant 64 : i32
    %mul3A_263 = arith.muli %rem3A_259, %mul3A_262 : i32
    %add3A_264 = arith.addi %mul3A_261, %mul3A_263 : i32
    %mul3A_265 = arith.constant 2048 : i32
    %mul3A_266 = arith.muli %add3A_255, %mul3A_265 : i32
    %add3A_267 = arith.addi %mul3A_266, %add3A_264 : i32
    %add3A_268 = arith.constant 64 : i32
    %add3A_269 = arith.addi %add3A_264, %add3A_268 : i32
    %le3A_270 = arith.cmpi sle, %add3A_269, %squeeze3A_93 : i32
    %ge3A_271 = arith.cmpi sge, %add3A_264, %squeeze3A_93 : i32
    %convert_element_type3A_272 = arith.extui %le3A_270 : i1 to i32
    %cond3A_273 = arith.constant 0 : i32
    %cond3A_274 = arith.cmpi ne, %convert_element_type3A_272, %cond3A_273 : i32
    scf.if %cond3A_274 {
      %mul3A_1887 = arith.constant 64 : i32
      %mul3A_1888 = arith.muli %rem3A_259, %mul3A_1887 : i32
      %dma_start3A_1889 = arith.constant 0 : i32
      %dma_start3A_1890 = tpu.memref_slice %arg4[%add3A_267, %dma_start3A_1889] : memref<131072x768xf32, #tpu.memory_space<hbm>> -> memref<64x768xf32, #tpu.memory_space<hbm>>
      %dma_start3A_1891 = arith.constant 0 : i32
      %dma_start3A_1892 = tpu.memref_slice %arg8[%mul3A_1888, %dma_start3A_1891] : memref<1024x768xf32, #tpu.memory_space<vmem_shared>> -> memref<64x768xf32, #tpu.memory_space<vmem_shared>>
      tpu.enqueue_dma source(%dma_start3A_1892 : memref<64x768xf32, #tpu.memory_space<vmem_shared>>) target(%dma_start3A_1890 : memref<64x768xf32, #tpu.memory_space<hbm>>) target_semaphore(%arg11 : memref<!tpu.dma_semaphore, #tpu.memory_space<semaphore_mem>>)
    } else {
    }
    %convert_element_type3A_275 = arith.extui %ge3A_271 : i1 to i32
    %cond3A_276 = arith.constant 0 : i32
    %cond3A_277 = arith.cmpi ne, %convert_element_type3A_275, %cond3A_276 : i32
    scf.if %cond3A_277 {
      %dma_start3A_1887 = arith.constant 0 : i32
      %dma_start3A_1888 = tpu.memref_slice %arg4[%add3A_267, %dma_start3A_1887] : memref<131072x768xf32, #tpu.memory_space<hbm>> -> memref<64x768xf32, #tpu.memory_space<hbm>>
      tpu.enqueue_dma source(%arg9 : memref<64x768xf32, #tpu.memory_space<vmem_shared>>) target(%dma_start3A_1888 : memref<64x768xf32, #tpu.memory_space<hbm>>) target_semaphore(%arg11 : memref<!tpu.dma_semaphore, #tpu.memory_space<semaphore_mem>>)
    } else {
    }
    %mul3A_278 = arith.constant 4 : i32
    %mul3A_279 = arith.muli %arg1, %mul3A_278 : i32
    %add3A_280 = arith.constant 3 : i32
    %add3A_281 = arith.addi %mul3A_279, %add3A_280 : i32
    %add3A_282 = arith.constant 1 : i32
    %add3A_283 = arith.addi %add3A_282, %arg1 : i32
    %rem3A_284 = arith.constant 16 : i32
    %rem3A_285 = arith.remsi %add3A_283, %rem3A_284 : i32
    %mul3A_286 = arith.constant 1024 : i32
    %mul3A_287 = arith.muli %arg0, %mul3A_286 : i32
    %mul3A_288 = arith.constant 64 : i32
    %mul3A_289 = arith.muli %rem3A_285, %mul3A_288 : i32
    %add3A_290 = arith.addi %mul3A_287, %mul3A_289 : i32
    %mul3A_291 = arith.constant 2048 : i32
    %mul3A_292 = arith.muli %add3A_281, %mul3A_291 : i32
    %add3A_293 = arith.addi %mul3A_292, %add3A_290 : i32
    %add3A_294 = arith.constant 64 : i32
    %add3A_295 = arith.addi %add3A_290, %add3A_294 : i32
    %le3A_296 = arith.cmpi sle, %add3A_295, %squeeze3A_98 : i32
    %ge3A_297 = arith.cmpi sge, %add3A_290, %squeeze3A_98 : i32
    %convert_element_type3A_298 = arith.extui %le3A_296 : i1 to i32
    %cond3A_299 = arith.constant 0 : i32
    %cond3A_300 = arith.cmpi ne, %convert_element_type3A_298, %cond3A_299 : i32
    scf.if %cond3A_300 {
      %mul3A_1887 = arith.constant 64 : i32
      %mul3A_1888 = arith.muli %rem3A_285, %mul3A_1887 : i32
      %dma_start3A_1889 = arith.constant 0 : i32
      %dma_start3A_1890 = tpu.memref_slice %arg4[%add3A_293, %dma_start3A_1889] : memref<131072x768xf32, #tpu.memory_space<hbm>> -> memref<64x768xf32, #tpu.memory_space<hbm>>
      %dma_start3A_1891 = arith.constant 0 : i32
      %dma_start3A_1892 = tpu.memref_slice %arg8[%mul3A_1888, %dma_start3A_1891] : memref<1024x768xf32, #tpu.memory_space<vmem_shared>> -> memref<64x768xf32, #tpu.memory_space<vmem_shared>>
      tpu.enqueue_dma source(%dma_start3A_1892 : memref<64x768xf32, #tpu.memory_space<vmem_shared>>) target(%dma_start3A_1890 : memref<64x768xf32, #tpu.memory_space<hbm>>) target_semaphore(%arg11 : memref<!tpu.dma_semaphore, #tpu.memory_space<semaphore_mem>>)
    } else {
    }
    %convert_element_type3A_301 = arith.extui %ge3A_297 : i1 to i32
    %cond3A_302 = arith.constant 0 : i32
    %cond3A_303 = arith.cmpi ne, %convert_element_type3A_301, %cond3A_302 : i32
    scf.if %cond3A_303 {
      %dma_start3A_1887 = arith.constant 0 : i32
      %dma_start3A_1888 = tpu.memref_slice %arg4[%add3A_293, %dma_start3A_1887] : memref<131072x768xf32, #tpu.memory_space<hbm>> -> memref<64x768xf32, #tpu.memory_space<hbm>>
      tpu.enqueue_dma source(%arg9 : memref<64x768xf32, #tpu.memory_space<vmem_shared>>) target(%dma_start3A_1888 : memref<64x768xf32, #tpu.memory_space<hbm>>) target_semaphore(%arg11 : memref<!tpu.dma_semaphore, #tpu.memory_space<semaphore_mem>>)
    } else {
    }
    %mul3A_304 = arith.constant 4 : i32
    %mul3A_305 = arith.muli %arg1, %mul3A_304 : i32
    %add3A_306 = arith.constant 0 : i32
    %add3A_307 = arith.addi %mul3A_305, %add3A_306 : i32
    %add3A_308 = arith.constant 2 : i32
    %add3A_309 = arith.addi %add3A_308, %arg1 : i32
    %rem3A_310 = arith.constant 16 : i32
    %rem3A_311 = arith.remsi %add3A_309, %rem3A_310 : i32
    %mul3A_312 = arith.constant 1024 : i32
    %mul3A_313 = arith.muli %arg0, %mul3A_312 : i32
    %mul3A_314 = arith.constant 64 : i32
    %mul3A_315 = arith.muli %rem3A_311, %mul3A_314 : i32
    %add3A_316 = arith.addi %mul3A_313, %mul3A_315 : i32
    %mul3A_317 = arith.constant 2048 : i32
    %mul3A_318 = arith.muli %add3A_307, %mul3A_317 : i32
    %add3A_319 = arith.addi %mul3A_318, %add3A_316 : i32
    %add3A_320 = arith.constant 64 : i32
    %add3A_321 = arith.addi %add3A_316, %add3A_320 : i32
    %le3A_322 = arith.cmpi sle, %add3A_321, %squeeze3A : i32
    %ge3A_323 = arith.cmpi sge, %add3A_316, %squeeze3A : i32
    %convert_element_type3A_324 = arith.extui %le3A_322 : i1 to i32
    %cond3A_325 = arith.constant 0 : i32
    %cond3A_326 = arith.cmpi ne, %convert_element_type3A_324, %cond3A_325 : i32
    scf.if %cond3A_326 {
      %mul3A_1887 = arith.constant 64 : i32
      %mul3A_1888 = arith.muli %rem3A_311, %mul3A_1887 : i32
      %dma_start3A_1889 = arith.constant 0 : i32
      %dma_start3A_1890 = tpu.memref_slice %arg4[%add3A_319, %dma_start3A_1889] : memref<131072x768xf32, #tpu.memory_space<hbm>> -> memref<64x768xf32, #tpu.memory_space<hbm>>
      %dma_start3A_1891 = arith.constant 0 : i32
      %dma_start3A_1892 = tpu.memref_slice %arg8[%mul3A_1888, %dma_start3A_1891] : memref<1024x768xf32, #tpu.memory_space<vmem_shared>> -> memref<64x768xf32, #tpu.memory_space<vmem_shared>>
      tpu.enqueue_dma source(%dma_start3A_1892 : memref<64x768xf32, #tpu.memory_space<vmem_shared>>) target(%dma_start3A_1890 : memref<64x768xf32, #tpu.memory_space<hbm>>) target_semaphore(%arg11 : memref<!tpu.dma_semaphore, #tpu.memory_space<semaphore_mem>>)
    } else {
    }
    %convert_element_type3A_327 = arith.extui %ge3A_323 : i1 to i32
    %cond3A_328 = arith.constant 0 : i32
    %cond3A_329 = arith.cmpi ne, %convert_element_type3A_327, %cond3A_328 : i32
    scf.if %cond3A_329 {
      %dma_start3A_1887 = arith.constant 0 : i32
      %dma_start3A_1888 = tpu.memref_slice %arg4[%add3A_319, %dma_start3A_1887] : memref<131072x768xf32, #tpu.memory_space<hbm>> -> memref<64x768xf32, #tpu.memory_space<hbm>>
      tpu.enqueue_dma source(%arg9 : memref<64x768xf32, #tpu.memory_space<vmem_shared>>) target(%dma_start3A_1888 : memref<64x768xf32, #tpu.memory_space<hbm>>) target_semaphore(%arg11 : memref<!tpu.dma_semaphore, #tpu.memory_space<semaphore_mem>>)
    } else {
    }
    %mul3A_330 = arith.constant 4 : i32
    %mul3A_331 = arith.muli %arg1, %mul3A_330 : i32
    %add3A_332 = arith.constant 1 : i32
    %add3A_333 = arith.addi %mul3A_331, %add3A_332 : i32
    %add3A_334 = arith.constant 2 : i32
    %add3A_335 = arith.addi %add3A_334, %arg1 : i32
    %rem3A_336 = arith.constant 16 : i32
    %rem3A_337 = arith.remsi %add3A_335, %rem3A_336 : i32
    %mul3A_338 = arith.constant 1024 : i32
    %mul3A_339 = arith.muli %arg0, %mul3A_338 : i32
    %mul3A_340 = arith.constant 64 : i32
    %mul3A_341 = arith.muli %rem3A_337, %mul3A_340 : i32
    %add3A_342 = arith.addi %mul3A_339, %mul3A_341 : i32
    %mul3A_343 = arith.constant 2048 : i32
    %mul3A_344 = arith.muli %add3A_333, %mul3A_343 : i32
    %add3A_345 = arith.addi %mul3A_344, %add3A_342 : i32
    %add3A_346 = arith.constant 64 : i32
    %add3A_347 = arith.addi %add3A_342, %add3A_346 : i32
    %le3A_348 = arith.cmpi sle, %add3A_347, %squeeze3A_88 : i32
    %ge3A_349 = arith.cmpi sge, %add3A_342, %squeeze3A_88 : i32
    %convert_element_type3A_350 = arith.extui %le3A_348 : i1 to i32
    %cond3A_351 = arith.constant 0 : i32
    %cond3A_352 = arith.cmpi ne, %convert_element_type3A_350, %cond3A_351 : i32
    scf.if %cond3A_352 {
      %mul3A_1887 = arith.constant 64 : i32
      %mul3A_1888 = arith.muli %rem3A_337, %mul3A_1887 : i32
      %dma_start3A_1889 = arith.constant 0 : i32
      %dma_start3A_1890 = tpu.memref_slice %arg4[%add3A_345, %dma_start3A_1889] : memref<131072x768xf32, #tpu.memory_space<hbm>> -> memref<64x768xf32, #tpu.memory_space<hbm>>
      %dma_start3A_1891 = arith.constant 0 : i32
      %dma_start3A_1892 = tpu.memref_slice %arg8[%mul3A_1888, %dma_start3A_1891] : memref<1024x768xf32, #tpu.memory_space<vmem_shared>> -> memref<64x768xf32, #tpu.memory_space<vmem_shared>>
      tpu.enqueue_dma source(%dma_start3A_1892 : memref<64x768xf32, #tpu.memory_space<vmem_shared>>) target(%dma_start3A_1890 : memref<64x768xf32, #tpu.memory_space<hbm>>) target_semaphore(%arg11 : memref<!tpu.dma_semaphore, #tpu.memory_space<semaphore_mem>>)
    } else {
    }
    %convert_element_type3A_353 = arith.extui %ge3A_349 : i1 to i32
    %cond3A_354 = arith.constant 0 : i32
    %cond3A_355 = arith.cmpi ne, %convert_element_type3A_353, %cond3A_354 : i32
    scf.if %cond3A_355 {
      %dma_start3A_1887 = arith.constant 0 : i32
      %dma_start3A_1888 = tpu.memref_slice %arg4[%add3A_345, %dma_start3A_1887] : memref<131072x768xf32, #tpu.memory_space<hbm>> -> memref<64x768xf32, #tpu.memory_space<hbm>>
      tpu.enqueue_dma source(%arg9 : memref<64x768xf32, #tpu.memory_space<vmem_shared>>) target(%dma_start3A_1888 : memref<64x768xf32, #tpu.memory_space<hbm>>) target_semaphore(%arg11 : memref<!tpu.dma_semaphore, #tpu.memory_space<semaphore_mem>>)
    } else {
    }
    %mul3A_356 = arith.constant 4 : i32
    %mul3A_357 = arith.muli %arg1, %mul3A_356 : i32
    %add3A_358 = arith.constant 2 : i32
    %add3A_359 = arith.addi %mul3A_357, %add3A_358 : i32
    %add3A_360 = arith.constant 2 : i32
    %add3A_361 = arith.addi %add3A_360, %arg1 : i32
    %rem3A_362 = arith.constant 16 : i32
    %rem3A_363 = arith.remsi %add3A_361, %rem3A_362 : i32
    %mul3A_364 = arith.constant 1024 : i32
    %mul3A_365 = arith.muli %arg0, %mul3A_364 : i32
    %mul3A_366 = arith.constant 64 : i32
    %mul3A_367 = arith.muli %rem3A_363, %mul3A_366 : i32
    %add3A_368 = arith.addi %mul3A_365, %mul3A_367 : i32
    %mul3A_369 = arith.constant 2048 : i32
    %mul3A_370 = arith.muli %add3A_359, %mul3A_369 : i32
    %add3A_371 = arith.addi %mul3A_370, %add3A_368 : i32
    %add3A_372 = arith.constant 64 : i32
    %add3A_373 = arith.addi %add3A_368, %add3A_372 : i32
    %le3A_374 = arith.cmpi sle, %add3A_373, %squeeze3A_93 : i32
    %ge3A_375 = arith.cmpi sge, %add3A_368, %squeeze3A_93 : i32
    %convert_element_type3A_376 = arith.extui %le3A_374 : i1 to i32
    %cond3A_377 = arith.constant 0 : i32
    %cond3A_378 = arith.cmpi ne, %convert_element_type3A_376, %cond3A_377 : i32
    scf.if %cond3A_378 {
      %mul3A_1887 = arith.constant 64 : i32
      %mul3A_1888 = arith.muli %rem3A_363, %mul3A_1887 : i32
      %dma_start3A_1889 = arith.constant 0 : i32
      %dma_start3A_1890 = tpu.memref_slice %arg4[%add3A_371, %dma_start3A_1889] : memref<131072x768xf32, #tpu.memory_space<hbm>> -> memref<64x768xf32, #tpu.memory_space<hbm>>
      %dma_start3A_1891 = arith.constant 0 : i32
      %dma_start3A_1892 = tpu.memref_slice %arg8[%mul3A_1888, %dma_start3A_1891] : memref<1024x768xf32, #tpu.memory_space<vmem_shared>> -> memref<64x768xf32, #tpu.memory_space<vmem_shared>>
      tpu.enqueue_dma source(%dma_start3A_1892 : memref<64x768xf32, #tpu.memory_space<vmem_shared>>) target(%dma_start3A_1890 : memref<64x768xf32, #tpu.memory_space<hbm>>) target_semaphore(%arg11 : memref<!tpu.dma_semaphore, #tpu.memory_space<semaphore_mem>>)
    } else {
    }
    %convert_element_type3A_379 = arith.extui %ge3A_375 : i1 to i32
    %cond3A_380 = arith.constant 0 : i32
    %cond3A_381 = arith.cmpi ne, %convert_element_type3A_379, %cond3A_380 : i32
    scf.if %cond3A_381 {
      %dma_start3A_1887 = arith.constant 0 : i32
      %dma_start3A_1888 = tpu.memref_slice %arg4[%add3A_371, %dma_start3A_1887] : memref<131072x768xf32, #tpu.memory_space<hbm>> -> memref<64x768xf32, #tpu.memory_space<hbm>>
      tpu.enqueue_dma source(%arg9 : memref<64x768xf32, #tpu.memory_space<vmem_shared>>) target(%dma_start3A_1888 : memref<64x768xf32, #tpu.memory_space<hbm>>) target_semaphore(%arg11 : memref<!tpu.dma_semaphore, #tpu.memory_space<semaphore_mem>>)
    } else {
    }
    %mul3A_382 = arith.constant 4 : i32
    %mul3A_383 = arith.muli %arg1, %mul3A_382 : i32
    %add3A_384 = arith.constant 3 : i32
    %add3A_385 = arith.addi %mul3A_383, %add3A_384 : i32
    %add3A_386 = arith.constant 2 : i32
    %add3A_387 = arith.addi %add3A_386, %arg1 : i32
    %rem3A_388 = arith.constant 16 : i32
    %rem3A_389 = arith.remsi %add3A_387, %rem3A_388 : i32
    %mul3A_390 = arith.constant 1024 : i32
    %mul3A_391 = arith.muli %arg0, %mul3A_390 : i32
    %mul3A_392 = arith.constant 64 : i32
    %mul3A_393 = arith.muli %rem3A_389, %mul3A_392 : i32
    %add3A_394 = arith.addi %mul3A_391, %mul3A_393 : i32
    %mul3A_395 = arith.constant 2048 : i32
    %mul3A_396 = arith.muli %add3A_385, %mul3A_395 : i32
    %add3A_397 = arith.addi %mul3A_396, %add3A_394 : i32
    %add3A_398 = arith.constant 64 : i32
    %add3A_399 = arith.addi %add3A_394, %add3A_398 : i32
    %le3A_400 = arith.cmpi sle, %add3A_399, %squeeze3A_98 : i32
    %ge3A_401 = arith.cmpi sge, %add3A_394, %squeeze3A_98 : i32
    %convert_element_type3A_402 = arith.extui %le3A_400 : i1 to i32
    %cond3A_403 = arith.constant 0 : i32
    %cond3A_404 = arith.cmpi ne, %convert_element_type3A_402, %cond3A_403 : i32
    scf.if %cond3A_404 {
      %mul3A_1887 = arith.constant 64 : i32
      %mul3A_1888 = arith.muli %rem3A_389, %mul3A_1887 : i32
      %dma_start3A_1889 = arith.constant 0 : i32
      %dma_start3A_1890 = tpu.memref_slice %arg4[%add3A_397, %dma_start3A_1889] : memref<131072x768xf32, #tpu.memory_space<hbm>> -> memref<64x768xf32, #tpu.memory_space<hbm>>
      %dma_start3A_1891 = arith.constant 0 : i32
      %dma_start3A_1892 = tpu.memref_slice %arg8[%mul3A_1888, %dma_start3A_1891] : memref<1024x768xf32, #tpu.memory_space<vmem_shared>> -> memref<64x768xf32, #tpu.memory_space<vmem_shared>>
      tpu.enqueue_dma source(%dma_start3A_1892 : memref<64x768xf32, #tpu.memory_space<vmem_shared>>) target(%dma_start3A_1890 : memref<64x768xf32, #tpu.memory_space<hbm>>) target_semaphore(%arg11 : memref<!tpu.dma_semaphore, #tpu.memory_space<semaphore_mem>>)
    } else {
    }
    %convert_element_type3A_405 = arith.extui %ge3A_401 : i1 to i32
    %cond3A_406 = arith.constant 0 : i32
    %cond3A_407 = arith.cmpi ne, %convert_element_type3A_405, %cond3A_406 : i32
    scf.if %cond3A_407 {
      %dma_start3A_1887 = arith.constant 0 : i32
      %dma_start3A_1888 = tpu.memref_slice %arg4[%add3A_397, %dma_start3A_1887] : memref<131072x768xf32, #tpu.memory_space<hbm>> -> memref<64x768xf32, #tpu.memory_space<hbm>>
      tpu.enqueue_dma source(%arg9 : memref<64x768xf32, #tpu.memory_space<vmem_shared>>) target(%dma_start3A_1888 : memref<64x768xf32, #tpu.memory_space<hbm>>) target_semaphore(%arg11 : memref<!tpu.dma_semaphore, #tpu.memory_space<semaphore_mem>>)
    } else {
    }
    %mul3A_408 = arith.constant 4 : i32
    %mul3A_409 = arith.muli %arg1, %mul3A_408 : i32
    %add3A_410 = arith.constant 0 : i32
    %add3A_411 = arith.addi %mul3A_409, %add3A_410 : i32
    %add3A_412 = arith.constant 3 : i32
    %add3A_413 = arith.addi %add3A_412, %arg1 : i32
    %rem3A_414 = arith.constant 16 : i32
    %rem3A_415 = arith.remsi %add3A_413, %rem3A_414 : i32
    %mul3A_416 = arith.constant 1024 : i32
    %mul3A_417 = arith.muli %arg0, %mul3A_416 : i32
    %mul3A_418 = arith.constant 64 : i32
    %mul3A_419 = arith.muli %rem3A_415, %mul3A_418 : i32
    %add3A_420 = arith.addi %mul3A_417, %mul3A_419 : i32
    %mul3A_421 = arith.constant 2048 : i32
    %mul3A_422 = arith.muli %add3A_411, %mul3A_421 : i32
    %add3A_423 = arith.addi %mul3A_422, %add3A_420 : i32
    %add3A_424 = arith.constant 64 : i32
    %add3A_425 = arith.addi %add3A_420, %add3A_424 : i32
    %le3A_426 = arith.cmpi sle, %add3A_425, %squeeze3A : i32
    %ge3A_427 = arith.cmpi sge, %add3A_420, %squeeze3A : i32
    %convert_element_type3A_428 = arith.extui %le3A_426 : i1 to i32
    %cond3A_429 = arith.constant 0 : i32
    %cond3A_430 = arith.cmpi ne, %convert_element_type3A_428, %cond3A_429 : i32
    scf.if %cond3A_430 {
      %mul3A_1887 = arith.constant 64 : i32
      %mul3A_1888 = arith.muli %rem3A_415, %mul3A_1887 : i32
      %dma_start3A_1889 = arith.constant 0 : i32
      %dma_start3A_1890 = tpu.memref_slice %arg4[%add3A_423, %dma_start3A_1889] : memref<131072x768xf32, #tpu.memory_space<hbm>> -> memref<64x768xf32, #tpu.memory_space<hbm>>
      %dma_start3A_1891 = arith.constant 0 : i32
      %dma_start3A_1892 = tpu.memref_slice %arg8[%mul3A_1888, %dma_start3A_1891] : memref<1024x768xf32, #tpu.memory_space<vmem_shared>> -> memref<64x768xf32, #tpu.memory_space<vmem_shared>>
      tpu.enqueue_dma source(%dma_start3A_1892 : memref<64x768xf32, #tpu.memory_space<vmem_shared>>) target(%dma_start3A_1890 : memref<64x768xf32, #tpu.memory_space<hbm>>) target_semaphore(%arg11 : memref<!tpu.dma_semaphore, #tpu.memory_space<semaphore_mem>>)
    } else {
    }
    %convert_element_type3A_431 = arith.extui %ge3A_427 : i1 to i32
    %cond3A_432 = arith.constant 0 : i32
    %cond3A_433 = arith.cmpi ne, %convert_element_type3A_431, %cond3A_432 : i32
    scf.if %cond3A_433 {
      %dma_start3A_1887 = arith.constant 0 : i32
      %dma_start3A_1888 = tpu.memref_slice %arg4[%add3A_423, %dma_start3A_1887] : memref<131072x768xf32, #tpu.memory_space<hbm>> -> memref<64x768xf32, #tpu.memory_space<hbm>>
      tpu.enqueue_dma source(%arg9 : memref<64x768xf32, #tpu.memory_space<vmem_shared>>) target(%dma_start3A_1888 : memref<64x768xf32, #tpu.memory_space<hbm>>) target_semaphore(%arg11 : memref<!tpu.dma_semaphore, #tpu.memory_space<semaphore_mem>>)
    } else {
    }
    %mul3A_434 = arith.constant 4 : i32
    %mul3A_435 = arith.muli %arg1, %mul3A_434 : i32
    %add3A_436 = arith.constant 1 : i32
    %add3A_437 = arith.addi %mul3A_435, %add3A_436 : i32
    %add3A_438 = arith.constant 3 : i32
    %add3A_439 = arith.addi %add3A_438, %arg1 : i32
    %rem3A_440 = arith.constant 16 : i32
    %rem3A_441 = arith.remsi %add3A_439, %rem3A_440 : i32
    %mul3A_442 = arith.constant 1024 : i32
    %mul3A_443 = arith.muli %arg0, %mul3A_442 : i32
    %mul3A_444 = arith.constant 64 : i32
    %mul3A_445 = arith.muli %rem3A_441, %mul3A_444 : i32
    %add3A_446 = arith.addi %mul3A_443, %mul3A_445 : i32
    %mul3A_447 = arith.constant 2048 : i32
    %mul3A_448 = arith.muli %add3A_437, %mul3A_447 : i32
    %add3A_449 = arith.addi %mul3A_448, %add3A_446 : i32
    %add3A_450 = arith.constant 64 : i32
    %add3A_451 = arith.addi %add3A_446, %add3A_450 : i32
    %le3A_452 = arith.cmpi sle, %add3A_451, %squeeze3A_88 : i32
    %ge3A_453 = arith.cmpi sge, %add3A_446, %squeeze3A_88 : i32
    %convert_element_type3A_454 = arith.extui %le3A_452 : i1 to i32
    %cond3A_455 = arith.constant 0 : i32
    %cond3A_456 = arith.cmpi ne, %convert_element_type3A_454, %cond3A_455 : i32
    scf.if %cond3A_456 {
      %mul3A_1887 = arith.constant 64 : i32
      %mul3A_1888 = arith.muli %rem3A_441, %mul3A_1887 : i32
      %dma_start3A_1889 = arith.constant 0 : i32
      %dma_start3A_1890 = tpu.memref_slice %arg4[%add3A_449, %dma_start3A_1889] : memref<131072x768xf32, #tpu.memory_space<hbm>> -> memref<64x768xf32, #tpu.memory_space<hbm>>
      %dma_start3A_1891 = arith.constant 0 : i32
      %dma_start3A_1892 = tpu.memref_slice %arg8[%mul3A_1888, %dma_start3A_1891] : memref<1024x768xf32, #tpu.memory_space<vmem_shared>> -> memref<64x768xf32, #tpu.memory_space<vmem_shared>>
      tpu.enqueue_dma source(%dma_start3A_1892 : memref<64x768xf32, #tpu.memory_space<vmem_shared>>) target(%dma_start3A_1890 : memref<64x768xf32, #tpu.memory_space<hbm>>) target_semaphore(%arg11 : memref<!tpu.dma_semaphore, #tpu.memory_space<semaphore_mem>>)
    } else {
    }
    %convert_element_type3A_457 = arith.extui %ge3A_453 : i1 to i32
    %cond3A_458 = arith.constant 0 : i32
    %cond3A_459 = arith.cmpi ne, %convert_element_type3A_457, %cond3A_458 : i32
    scf.if %cond3A_459 {
      %dma_start3A_1887 = arith.constant 0 : i32
      %dma_start3A_1888 = tpu.memref_slice %arg4[%add3A_449, %dma_start3A_1887] : memref<131072x768xf32, #tpu.memory_space<hbm>> -> memref<64x768xf32, #tpu.memory_space<hbm>>
      tpu.enqueue_dma source(%arg9 : memref<64x768xf32, #tpu.memory_space<vmem_shared>>) target(%dma_start3A_1888 : memref<64x768xf32, #tpu.memory_space<hbm>>) target_semaphore(%arg11 : memref<!tpu.dma_semaphore, #tpu.memory_space<semaphore_mem>>)
    } else {
    }
    %mul3A_460 = arith.constant 4 : i32
    %mul3A_461 = arith.muli %arg1, %mul3A_460 : i32
    %add3A_462 = arith.constant 2 : i32
    %add3A_463 = arith.addi %mul3A_461, %add3A_462 : i32
    %add3A_464 = arith.constant 3 : i32
    %add3A_465 = arith.addi %add3A_464, %arg1 : i32
    %rem3A_466 = arith.constant 16 : i32
    %rem3A_467 = arith.remsi %add3A_465, %rem3A_466 : i32
    %mul3A_468 = arith.constant 1024 : i32
    %mul3A_469 = arith.muli %arg0, %mul3A_468 : i32
    %mul3A_470 = arith.constant 64 : i32
    %mul3A_471 = arith.muli %rem3A_467, %mul3A_470 : i32
    %add3A_472 = arith.addi %mul3A_469, %mul3A_471 : i32
    %mul3A_473 = arith.constant 2048 : i32
    %mul3A_474 = arith.muli %add3A_463, %mul3A_473 : i32
    %add3A_475 = arith.addi %mul3A_474, %add3A_472 : i32
    %add3A_476 = arith.constant 64 : i32
    %add3A_477 = arith.addi %add3A_472, %add3A_476 : i32
    %le3A_478 = arith.cmpi sle, %add3A_477, %squeeze3A_93 : i32
    %ge3A_479 = arith.cmpi sge, %add3A_472, %squeeze3A_93 : i32
    %convert_element_type3A_480 = arith.extui %le3A_478 : i1 to i32
    %cond3A_481 = arith.constant 0 : i32
    %cond3A_482 = arith.cmpi ne, %convert_element_type3A_480, %cond3A_481 : i32
    scf.if %cond3A_482 {
      %mul3A_1887 = arith.constant 64 : i32
      %mul3A_1888 = arith.muli %rem3A_467, %mul3A_1887 : i32
      %dma_start3A_1889 = arith.constant 0 : i32
      %dma_start3A_1890 = tpu.memref_slice %arg4[%add3A_475, %dma_start3A_1889] : memref<131072x768xf32, #tpu.memory_space<hbm>> -> memref<64x768xf32, #tpu.memory_space<hbm>>
      %dma_start3A_1891 = arith.constant 0 : i32
      %dma_start3A_1892 = tpu.memref_slice %arg8[%mul3A_1888, %dma_start3A_1891] : memref<1024x768xf32, #tpu.memory_space<vmem_shared>> -> memref<64x768xf32, #tpu.memory_space<vmem_shared>>
      tpu.enqueue_dma source(%dma_start3A_1892 : memref<64x768xf32, #tpu.memory_space<vmem_shared>>) target(%dma_start3A_1890 : memref<64x768xf32, #tpu.memory_space<hbm>>) target_semaphore(%arg11 : memref<!tpu.dma_semaphore, #tpu.memory_space<semaphore_mem>>)
    } else {
    }
    %convert_element_type3A_483 = arith.extui %ge3A_479 : i1 to i32
    %cond3A_484 = arith.constant 0 : i32
    %cond3A_485 = arith.cmpi ne, %convert_element_type3A_483, %cond3A_484 : i32
    scf.if %cond3A_485 {
      %dma_start3A_1887 = arith.constant 0 : i32
      %dma_start3A_1888 = tpu.memref_slice %arg4[%add3A_475, %dma_start3A_1887] : memref<131072x768xf32, #tpu.memory_space<hbm>> -> memref<64x768xf32, #tpu.memory_space<hbm>>
      tpu.enqueue_dma source(%arg9 : memref<64x768xf32, #tpu.memory_space<vmem_shared>>) target(%dma_start3A_1888 : memref<64x768xf32, #tpu.memory_space<hbm>>) target_semaphore(%arg11 : memref<!tpu.dma_semaphore, #tpu.memory_space<semaphore_mem>>)
    } else {
    }
    %mul3A_486 = arith.constant 4 : i32
    %mul3A_487 = arith.muli %arg1, %mul3A_486 : i32
    %add3A_488 = arith.constant 3 : i32
    %add3A_489 = arith.addi %mul3A_487, %add3A_488 : i32
    %add3A_490 = arith.constant 3 : i32
    %add3A_491 = arith.addi %add3A_490, %arg1 : i32
    %rem3A_492 = arith.constant 16 : i32
    %rem3A_493 = arith.remsi %add3A_491, %rem3A_492 : i32
    %mul3A_494 = arith.constant 1024 : i32
    %mul3A_495 = arith.muli %arg0, %mul3A_494 : i32
    %mul3A_496 = arith.constant 64 : i32
    %mul3A_497 = arith.muli %rem3A_493, %mul3A_496 : i32
    %add3A_498 = arith.addi %mul3A_495, %mul3A_497 : i32
    %mul3A_499 = arith.constant 2048 : i32
    %mul3A_500 = arith.muli %add3A_489, %mul3A_499 : i32
    %add3A_501 = arith.addi %mul3A_500, %add3A_498 : i32
    %add3A_502 = arith.constant 64 : i32
    %add3A_503 = arith.addi %add3A_498, %add3A_502 : i32
    %le3A_504 = arith.cmpi sle, %add3A_503, %squeeze3A_98 : i32
    %ge3A_505 = arith.cmpi sge, %add3A_498, %squeeze3A_98 : i32
    %convert_element_type3A_506 = arith.extui %le3A_504 : i1 to i32
    %cond3A_507 = arith.constant 0 : i32
    %cond3A_508 = arith.cmpi ne, %convert_element_type3A_506, %cond3A_507 : i32
    scf.if %cond3A_508 {
      %mul3A_1887 = arith.constant 64 : i32
      %mul3A_1888 = arith.muli %rem3A_493, %mul3A_1887 : i32
      %dma_start3A_1889 = arith.constant 0 : i32
      %dma_start3A_1890 = tpu.memref_slice %arg4[%add3A_501, %dma_start3A_1889] : memref<131072x768xf32, #tpu.memory_space<hbm>> -> memref<64x768xf32, #tpu.memory_space<hbm>>
      %dma_start3A_1891 = arith.constant 0 : i32
      %dma_start3A_1892 = tpu.memref_slice %arg8[%mul3A_1888, %dma_start3A_1891] : memref<1024x768xf32, #tpu.memory_space<vmem_shared>> -> memref<64x768xf32, #tpu.memory_space<vmem_shared>>
      tpu.enqueue_dma source(%dma_start3A_1892 : memref<64x768xf32, #tpu.memory_space<vmem_shared>>) target(%dma_start3A_1890 : memref<64x768xf32, #tpu.memory_space<hbm>>) target_semaphore(%arg11 : memref<!tpu.dma_semaphore, #tpu.memory_space<semaphore_mem>>)
    } else {
    }
    %convert_element_type3A_509 = arith.extui %ge3A_505 : i1 to i32
    %cond3A_510 = arith.constant 0 : i32
    %cond3A_511 = arith.cmpi ne, %convert_element_type3A_509, %cond3A_510 : i32
    scf.if %cond3A_511 {
      %dma_start3A_1887 = arith.constant 0 : i32
      %dma_start3A_1888 = tpu.memref_slice %arg4[%add3A_501, %dma_start3A_1887] : memref<131072x768xf32, #tpu.memory_space<hbm>> -> memref<64x768xf32, #tpu.memory_space<hbm>>
      tpu.enqueue_dma source(%arg9 : memref<64x768xf32, #tpu.memory_space<vmem_shared>>) target(%dma_start3A_1888 : memref<64x768xf32, #tpu.memory_space<hbm>>) target_semaphore(%arg11 : memref<!tpu.dma_semaphore, #tpu.memory_space<semaphore_mem>>)
    } else {
    }
    %mul3A_512 = arith.constant 4 : i32
    %mul3A_513 = arith.muli %arg1, %mul3A_512 : i32
    %add3A_514 = arith.constant 0 : i32
    %add3A_515 = arith.addi %mul3A_513, %add3A_514 : i32
    %add3A_516 = arith.constant 4 : i32
    %add3A_517 = arith.addi %add3A_516, %arg1 : i32
    %rem3A_518 = arith.constant 16 : i32
    %rem3A_519 = arith.remsi %add3A_517, %rem3A_518 : i32
    %mul3A_520 = arith.constant 1024 : i32
    %mul3A_521 = arith.muli %arg0, %mul3A_520 : i32
    %mul3A_522 = arith.constant 64 : i32
    %mul3A_523 = arith.muli %rem3A_519, %mul3A_522 : i32
    %add3A_524 = arith.addi %mul3A_521, %mul3A_523 : i32
    %mul3A_525 = arith.constant 2048 : i32
    %mul3A_526 = arith.muli %add3A_515, %mul3A_525 : i32
    %add3A_527 = arith.addi %mul3A_526, %add3A_524 : i32
    %add3A_528 = arith.constant 64 : i32
    %add3A_529 = arith.addi %add3A_524, %add3A_528 : i32
    %le3A_530 = arith.cmpi sle, %add3A_529, %squeeze3A : i32
    %ge3A_531 = arith.cmpi sge, %add3A_524, %squeeze3A : i32
    %convert_element_type3A_532 = arith.extui %le3A_530 : i1 to i32
    %cond3A_533 = arith.constant 0 : i32
    %cond3A_534 = arith.cmpi ne, %convert_element_type3A_532, %cond3A_533 : i32
    scf.if %cond3A_534 {
      %mul3A_1887 = arith.constant 64 : i32
      %mul3A_1888 = arith.muli %rem3A_519, %mul3A_1887 : i32
      %dma_start3A_1889 = arith.constant 0 : i32
      %dma_start3A_1890 = tpu.memref_slice %arg4[%add3A_527, %dma_start3A_1889] : memref<131072x768xf32, #tpu.memory_space<hbm>> -> memref<64x768xf32, #tpu.memory_space<hbm>>
      %dma_start3A_1891 = arith.constant 0 : i32
      %dma_start3A_1892 = tpu.memref_slice %arg8[%mul3A_1888, %dma_start3A_1891] : memref<1024x768xf32, #tpu.memory_space<vmem_shared>> -> memref<64x768xf32, #tpu.memory_space<vmem_shared>>
      tpu.enqueue_dma source(%dma_start3A_1892 : memref<64x768xf32, #tpu.memory_space<vmem_shared>>) target(%dma_start3A_1890 : memref<64x768xf32, #tpu.memory_space<hbm>>) target_semaphore(%arg11 : memref<!tpu.dma_semaphore, #tpu.memory_space<semaphore_mem>>)
    } else {
    }
    %convert_element_type3A_535 = arith.extui %ge3A_531 : i1 to i32
    %cond3A_536 = arith.constant 0 : i32
    %cond3A_537 = arith.cmpi ne, %convert_element_type3A_535, %cond3A_536 : i32
    scf.if %cond3A_537 {
      %dma_start3A_1887 = arith.constant 0 : i32
      %dma_start3A_1888 = tpu.memref_slice %arg4[%add3A_527, %dma_start3A_1887] : memref<131072x768xf32, #tpu.memory_space<hbm>> -> memref<64x768xf32, #tpu.memory_space<hbm>>
      tpu.enqueue_dma source(%arg9 : memref<64x768xf32, #tpu.memory_space<vmem_shared>>) target(%dma_start3A_1888 : memref<64x768xf32, #tpu.memory_space<hbm>>) target_semaphore(%arg11 : memref<!tpu.dma_semaphore, #tpu.memory_space<semaphore_mem>>)
    } else {
    }
    %mul3A_538 = arith.constant 4 : i32
    %mul3A_539 = arith.muli %arg1, %mul3A_538 : i32
    %add3A_540 = arith.constant 1 : i32
    %add3A_541 = arith.addi %mul3A_539, %add3A_540 : i32
    %add3A_542 = arith.constant 4 : i32
    %add3A_543 = arith.addi %add3A_542, %arg1 : i32
    %rem3A_544 = arith.constant 16 : i32
    %rem3A_545 = arith.remsi %add3A_543, %rem3A_544 : i32
    %mul3A_546 = arith.constant 1024 : i32
    %mul3A_547 = arith.muli %arg0, %mul3A_546 : i32
    %mul3A_548 = arith.constant 64 : i32
    %mul3A_549 = arith.muli %rem3A_545, %mul3A_548 : i32
    %add3A_550 = arith.addi %mul3A_547, %mul3A_549 : i32
    %mul3A_551 = arith.constant 2048 : i32
    %mul3A_552 = arith.muli %add3A_541, %mul3A_551 : i32
    %add3A_553 = arith.addi %mul3A_552, %add3A_550 : i32
    %add3A_554 = arith.constant 64 : i32
    %add3A_555 = arith.addi %add3A_550, %add3A_554 : i32
    %le3A_556 = arith.cmpi sle, %add3A_555, %squeeze3A_88 : i32
    %ge3A_557 = arith.cmpi sge, %add3A_550, %squeeze3A_88 : i32
    %convert_element_type3A_558 = arith.extui %le3A_556 : i1 to i32
    %cond3A_559 = arith.constant 0 : i32
    %cond3A_560 = arith.cmpi ne, %convert_element_type3A_558, %cond3A_559 : i32
    scf.if %cond3A_560 {
      %mul3A_1887 = arith.constant 64 : i32
      %mul3A_1888 = arith.muli %rem3A_545, %mul3A_1887 : i32
      %dma_start3A_1889 = arith.constant 0 : i32
      %dma_start3A_1890 = tpu.memref_slice %arg4[%add3A_553, %dma_start3A_1889] : memref<131072x768xf32, #tpu.memory_space<hbm>> -> memref<64x768xf32, #tpu.memory_space<hbm>>
      %dma_start3A_1891 = arith.constant 0 : i32
      %dma_start3A_1892 = tpu.memref_slice %arg8[%mul3A_1888, %dma_start3A_1891] : memref<1024x768xf32, #tpu.memory_space<vmem_shared>> -> memref<64x768xf32, #tpu.memory_space<vmem_shared>>
      tpu.enqueue_dma source(%dma_start3A_1892 : memref<64x768xf32, #tpu.memory_space<vmem_shared>>) target(%dma_start3A_1890 : memref<64x768xf32, #tpu.memory_space<hbm>>) target_semaphore(%arg11 : memref<!tpu.dma_semaphore, #tpu.memory_space<semaphore_mem>>)
    } else {
    }
    %convert_element_type3A_561 = arith.extui %ge3A_557 : i1 to i32
    %cond3A_562 = arith.constant 0 : i32
    %cond3A_563 = arith.cmpi ne, %convert_element_type3A_561, %cond3A_562 : i32
    scf.if %cond3A_563 {
      %dma_start3A_1887 = arith.constant 0 : i32
      %dma_start3A_1888 = tpu.memref_slice %arg4[%add3A_553, %dma_start3A_1887] : memref<131072x768xf32, #tpu.memory_space<hbm>> -> memref<64x768xf32, #tpu.memory_space<hbm>>
      tpu.enqueue_dma source(%arg9 : memref<64x768xf32, #tpu.memory_space<vmem_shared>>) target(%dma_start3A_1888 : memref<64x768xf32, #tpu.memory_space<hbm>>) target_semaphore(%arg11 : memref<!tpu.dma_semaphore, #tpu.memory_space<semaphore_mem>>)
    } else {
    }
    %mul3A_564 = arith.constant 4 : i32
    %mul3A_565 = arith.muli %arg1, %mul3A_564 : i32
    %add3A_566 = arith.constant 2 : i32
    %add3A_567 = arith.addi %mul3A_565, %add3A_566 : i32
    %add3A_568 = arith.constant 4 : i32
    %add3A_569 = arith.addi %add3A_568, %arg1 : i32
    %rem3A_570 = arith.constant 16 : i32
    %rem3A_571 = arith.remsi %add3A_569, %rem3A_570 : i32
    %mul3A_572 = arith.constant 1024 : i32
    %mul3A_573 = arith.muli %arg0, %mul3A_572 : i32
    %mul3A_574 = arith.constant 64 : i32
    %mul3A_575 = arith.muli %rem3A_571, %mul3A_574 : i32
    %add3A_576 = arith.addi %mul3A_573, %mul3A_575 : i32
    %mul3A_577 = arith.constant 2048 : i32
    %mul3A_578 = arith.muli %add3A_567, %mul3A_577 : i32
    %add3A_579 = arith.addi %mul3A_578, %add3A_576 : i32
    %add3A_580 = arith.constant 64 : i32
    %add3A_581 = arith.addi %add3A_576, %add3A_580 : i32
    %le3A_582 = arith.cmpi sle, %add3A_581, %squeeze3A_93 : i32
    %ge3A_583 = arith.cmpi sge, %add3A_576, %squeeze3A_93 : i32
    %convert_element_type3A_584 = arith.extui %le3A_582 : i1 to i32
    %cond3A_585 = arith.constant 0 : i32
    %cond3A_586 = arith.cmpi ne, %convert_element_type3A_584, %cond3A_585 : i32
    scf.if %cond3A_586 {
      %mul3A_1887 = arith.constant 64 : i32
      %mul3A_1888 = arith.muli %rem3A_571, %mul3A_1887 : i32
      %dma_start3A_1889 = arith.constant 0 : i32
      %dma_start3A_1890 = tpu.memref_slice %arg4[%add3A_579, %dma_start3A_1889] : memref<131072x768xf32, #tpu.memory_space<hbm>> -> memref<64x768xf32, #tpu.memory_space<hbm>>
      %dma_start3A_1891 = arith.constant 0 : i32
      %dma_start3A_1892 = tpu.memref_slice %arg8[%mul3A_1888, %dma_start3A_1891] : memref<1024x768xf32, #tpu.memory_space<vmem_shared>> -> memref<64x768xf32, #tpu.memory_space<vmem_shared>>
      tpu.enqueue_dma source(%dma_start3A_1892 : memref<64x768xf32, #tpu.memory_space<vmem_shared>>) target(%dma_start3A_1890 : memref<64x768xf32, #tpu.memory_space<hbm>>) target_semaphore(%arg11 : memref<!tpu.dma_semaphore, #tpu.memory_space<semaphore_mem>>)
    } else {
    }
    %convert_element_type3A_587 = arith.extui %ge3A_583 : i1 to i32
    %cond3A_588 = arith.constant 0 : i32
    %cond3A_589 = arith.cmpi ne, %convert_element_type3A_587, %cond3A_588 : i32
    scf.if %cond3A_589 {
      %dma_start3A_1887 = arith.constant 0 : i32
      %dma_start3A_1888 = tpu.memref_slice %arg4[%add3A_579, %dma_start3A_1887] : memref<131072x768xf32, #tpu.memory_space<hbm>> -> memref<64x768xf32, #tpu.memory_space<hbm>>
      tpu.enqueue_dma source(%arg9 : memref<64x768xf32, #tpu.memory_space<vmem_shared>>) target(%dma_start3A_1888 : memref<64x768xf32, #tpu.memory_space<hbm>>) target_semaphore(%arg11 : memref<!tpu.dma_semaphore, #tpu.memory_space<semaphore_mem>>)
    } else {
    }
    %mul3A_590 = arith.constant 4 : i32
    %mul3A_591 = arith.muli %arg1, %mul3A_590 : i32
    %add3A_592 = arith.constant 3 : i32
    %add3A_593 = arith.addi %mul3A_591, %add3A_592 : i32
    %add3A_594 = arith.constant 4 : i32
    %add3A_595 = arith.addi %add3A_594, %arg1 : i32
    %rem3A_596 = arith.constant 16 : i32
    %rem3A_597 = arith.remsi %add3A_595, %rem3A_596 : i32
    %mul3A_598 = arith.constant 1024 : i32
    %mul3A_599 = arith.muli %arg0, %mul3A_598 : i32
    %mul3A_600 = arith.constant 64 : i32
    %mul3A_601 = arith.muli %rem3A_597, %mul3A_600 : i32
    %add3A_602 = arith.addi %mul3A_599, %mul3A_601 : i32
    %mul3A_603 = arith.constant 2048 : i32
    %mul3A_604 = arith.muli %add3A_593, %mul3A_603 : i32
    %add3A_605 = arith.addi %mul3A_604, %add3A_602 : i32
    %add3A_606 = arith.constant 64 : i32
    %add3A_607 = arith.addi %add3A_602, %add3A_606 : i32
    %le3A_608 = arith.cmpi sle, %add3A_607, %squeeze3A_98 : i32
    %ge3A_609 = arith.cmpi sge, %add3A_602, %squeeze3A_98 : i32
    %convert_element_type3A_610 = arith.extui %le3A_608 : i1 to i32
    %cond3A_611 = arith.constant 0 : i32
    %cond3A_612 = arith.cmpi ne, %convert_element_type3A_610, %cond3A_611 : i32
    scf.if %cond3A_612 {
      %mul3A_1887 = arith.constant 64 : i32
      %mul3A_1888 = arith.muli %rem3A_597, %mul3A_1887 : i32
      %dma_start3A_1889 = arith.constant 0 : i32
      %dma_start3A_1890 = tpu.memref_slice %arg4[%add3A_605, %dma_start3A_1889] : memref<131072x768xf32, #tpu.memory_space<hbm>> -> memref<64x768xf32, #tpu.memory_space<hbm>>
      %dma_start3A_1891 = arith.constant 0 : i32
      %dma_start3A_1892 = tpu.memref_slice %arg8[%mul3A_1888, %dma_start3A_1891] : memref<1024x768xf32, #tpu.memory_space<vmem_shared>> -> memref<64x768xf32, #tpu.memory_space<vmem_shared>>
      tpu.enqueue_dma source(%dma_start3A_1892 : memref<64x768xf32, #tpu.memory_space<vmem_shared>>) target(%dma_start3A_1890 : memref<64x768xf32, #tpu.memory_space<hbm>>) target_semaphore(%arg11 : memref<!tpu.dma_semaphore, #tpu.memory_space<semaphore_mem>>)
    } else {
    }
    %convert_element_type3A_613 = arith.extui %ge3A_609 : i1 to i32
    %cond3A_614 = arith.constant 0 : i32
    %cond3A_615 = arith.cmpi ne, %convert_element_type3A_613, %cond3A_614 : i32
    scf.if %cond3A_615 {
      %dma_start3A_1887 = arith.constant 0 : i32
      %dma_start3A_1888 = tpu.memref_slice %arg4[%add3A_605, %dma_start3A_1887] : memref<131072x768xf32, #tpu.memory_space<hbm>> -> memref<64x768xf32, #tpu.memory_space<hbm>>
      tpu.enqueue_dma source(%arg9 : memref<64x768xf32, #tpu.memory_space<vmem_shared>>) target(%dma_start3A_1888 : memref<64x768xf32, #tpu.memory_space<hbm>>) target_semaphore(%arg11 : memref<!tpu.dma_semaphore, #tpu.memory_space<semaphore_mem>>)
    } else {
    }
    %mul3A_616 = arith.constant 4 : i32
    %mul3A_617 = arith.muli %arg1, %mul3A_616 : i32
    %add3A_618 = arith.constant 0 : i32
    %add3A_619 = arith.addi %mul3A_617, %add3A_618 : i32
    %add3A_620 = arith.constant 5 : i32
    %add3A_621 = arith.addi %add3A_620, %arg1 : i32
    %rem3A_622 = arith.constant 16 : i32
    %rem3A_623 = arith.remsi %add3A_621, %rem3A_622 : i32
    %mul3A_624 = arith.constant 1024 : i32
    %mul3A_625 = arith.muli %arg0, %mul3A_624 : i32
    %mul3A_626 = arith.constant 64 : i32
    %mul3A_627 = arith.muli %rem3A_623, %mul3A_626 : i32
    %add3A_628 = arith.addi %mul3A_625, %mul3A_627 : i32
    %mul3A_629 = arith.constant 2048 : i32
    %mul3A_630 = arith.muli %add3A_619, %mul3A_629 : i32
    %add3A_631 = arith.addi %mul3A_630, %add3A_628 : i32
    %add3A_632 = arith.constant 64 : i32
    %add3A_633 = arith.addi %add3A_628, %add3A_632 : i32
    %le3A_634 = arith.cmpi sle, %add3A_633, %squeeze3A : i32
    %ge3A_635 = arith.cmpi sge, %add3A_628, %squeeze3A : i32
    %convert_element_type3A_636 = arith.extui %le3A_634 : i1 to i32
    %cond3A_637 = arith.constant 0 : i32
    %cond3A_638 = arith.cmpi ne, %convert_element_type3A_636, %cond3A_637 : i32
    scf.if %cond3A_638 {
      %mul3A_1887 = arith.constant 64 : i32
      %mul3A_1888 = arith.muli %rem3A_623, %mul3A_1887 : i32
      %dma_start3A_1889 = arith.constant 0 : i32
      %dma_start3A_1890 = tpu.memref_slice %arg4[%add3A_631, %dma_start3A_1889] : memref<131072x768xf32, #tpu.memory_space<hbm>> -> memref<64x768xf32, #tpu.memory_space<hbm>>
      %dma_start3A_1891 = arith.constant 0 : i32
      %dma_start3A_1892 = tpu.memref_slice %arg8[%mul3A_1888, %dma_start3A_1891] : memref<1024x768xf32, #tpu.memory_space<vmem_shared>> -> memref<64x768xf32, #tpu.memory_space<vmem_shared>>
      tpu.enqueue_dma source(%dma_start3A_1892 : memref<64x768xf32, #tpu.memory_space<vmem_shared>>) target(%dma_start3A_1890 : memref<64x768xf32, #tpu.memory_space<hbm>>) target_semaphore(%arg11 : memref<!tpu.dma_semaphore, #tpu.memory_space<semaphore_mem>>)
    } else {
    }
    %convert_element_type3A_639 = arith.extui %ge3A_635 : i1 to i32
    %cond3A_640 = arith.constant 0 : i32
    %cond3A_641 = arith.cmpi ne, %convert_element_type3A_639, %cond3A_640 : i32
    scf.if %cond3A_641 {
      %dma_start3A_1887 = arith.constant 0 : i32
      %dma_start3A_1888 = tpu.memref_slice %arg4[%add3A_631, %dma_start3A_1887] : memref<131072x768xf32, #tpu.memory_space<hbm>> -> memref<64x768xf32, #tpu.memory_space<hbm>>
      tpu.enqueue_dma source(%arg9 : memref<64x768xf32, #tpu.memory_space<vmem_shared>>) target(%dma_start3A_1888 : memref<64x768xf32, #tpu.memory_space<hbm>>) target_semaphore(%arg11 : memref<!tpu.dma_semaphore, #tpu.memory_space<semaphore_mem>>)
    } else {
    }
    %mul3A_642 = arith.constant 4 : i32
    %mul3A_643 = arith.muli %arg1, %mul3A_642 : i32
    %add3A_644 = arith.constant 1 : i32
    %add3A_645 = arith.addi %mul3A_643, %add3A_644 : i32
    %add3A_646 = arith.constant 5 : i32
    %add3A_647 = arith.addi %add3A_646, %arg1 : i32
    %rem3A_648 = arith.constant 16 : i32
    %rem3A_649 = arith.remsi %add3A_647, %rem3A_648 : i32
    %mul3A_650 = arith.constant 1024 : i32
    %mul3A_651 = arith.muli %arg0, %mul3A_650 : i32
    %mul3A_652 = arith.constant 64 : i32
    %mul3A_653 = arith.muli %rem3A_649, %mul3A_652 : i32
    %add3A_654 = arith.addi %mul3A_651, %mul3A_653 : i32
    %mul3A_655 = arith.constant 2048 : i32
    %mul3A_656 = arith.muli %add3A_645, %mul3A_655 : i32
    %add3A_657 = arith.addi %mul3A_656, %add3A_654 : i32
    %add3A_658 = arith.constant 64 : i32
    %add3A_659 = arith.addi %add3A_654, %add3A_658 : i32
    %le3A_660 = arith.cmpi sle, %add3A_659, %squeeze3A_88 : i32
    %ge3A_661 = arith.cmpi sge, %add3A_654, %squeeze3A_88 : i32
    %convert_element_type3A_662 = arith.extui %le3A_660 : i1 to i32
    %cond3A_663 = arith.constant 0 : i32
    %cond3A_664 = arith.cmpi ne, %convert_element_type3A_662, %cond3A_663 : i32
    scf.if %cond3A_664 {
      %mul3A_1887 = arith.constant 64 : i32
      %mul3A_1888 = arith.muli %rem3A_649, %mul3A_1887 : i32
      %dma_start3A_1889 = arith.constant 0 : i32
      %dma_start3A_1890 = tpu.memref_slice %arg4[%add3A_657, %dma_start3A_1889] : memref<131072x768xf32, #tpu.memory_space<hbm>> -> memref<64x768xf32, #tpu.memory_space<hbm>>
      %dma_start3A_1891 = arith.constant 0 : i32
      %dma_start3A_1892 = tpu.memref_slice %arg8[%mul3A_1888, %dma_start3A_1891] : memref<1024x768xf32, #tpu.memory_space<vmem_shared>> -> memref<64x768xf32, #tpu.memory_space<vmem_shared>>
      tpu.enqueue_dma source(%dma_start3A_1892 : memref<64x768xf32, #tpu.memory_space<vmem_shared>>) target(%dma_start3A_1890 : memref<64x768xf32, #tpu.memory_space<hbm>>) target_semaphore(%arg11 : memref<!tpu.dma_semaphore, #tpu.memory_space<semaphore_mem>>)
    } else {
    }
    %convert_element_type3A_665 = arith.extui %ge3A_661 : i1 to i32
    %cond3A_666 = arith.constant 0 : i32
    %cond3A_667 = arith.cmpi ne, %convert_element_type3A_665, %cond3A_666 : i32
    scf.if %cond3A_667 {
      %dma_start3A_1887 = arith.constant 0 : i32
      %dma_start3A_1888 = tpu.memref_slice %arg4[%add3A_657, %dma_start3A_1887] : memref<131072x768xf32, #tpu.memory_space<hbm>> -> memref<64x768xf32, #tpu.memory_space<hbm>>
      tpu.enqueue_dma source(%arg9 : memref<64x768xf32, #tpu.memory_space<vmem_shared>>) target(%dma_start3A_1888 : memref<64x768xf32, #tpu.memory_space<hbm>>) target_semaphore(%arg11 : memref<!tpu.dma_semaphore, #tpu.memory_space<semaphore_mem>>)
    } else {
    }
    %mul3A_668 = arith.constant 4 : i32
    %mul3A_669 = arith.muli %arg1, %mul3A_668 : i32
    %add3A_670 = arith.constant 2 : i32
    %add3A_671 = arith.addi %mul3A_669, %add3A_670 : i32
    %add3A_672 = arith.constant 5 : i32
    %add3A_673 = arith.addi %add3A_672, %arg1 : i32
    %rem3A_674 = arith.constant 16 : i32
    %rem3A_675 = arith.remsi %add3A_673, %rem3A_674 : i32
    %mul3A_676 = arith.constant 1024 : i32
    %mul3A_677 = arith.muli %arg0, %mul3A_676 : i32
    %mul3A_678 = arith.constant 64 : i32
    %mul3A_679 = arith.muli %rem3A_675, %mul3A_678 : i32
    %add3A_680 = arith.addi %mul3A_677, %mul3A_679 : i32
    %mul3A_681 = arith.constant 2048 : i32
    %mul3A_682 = arith.muli %add3A_671, %mul3A_681 : i32
    %add3A_683 = arith.addi %mul3A_682, %add3A_680 : i32
    %add3A_684 = arith.constant 64 : i32
    %add3A_685 = arith.addi %add3A_680, %add3A_684 : i32
    %le3A_686 = arith.cmpi sle, %add3A_685, %squeeze3A_93 : i32
    %ge3A_687 = arith.cmpi sge, %add3A_680, %squeeze3A_93 : i32
    %convert_element_type3A_688 = arith.extui %le3A_686 : i1 to i32
    %cond3A_689 = arith.constant 0 : i32
    %cond3A_690 = arith.cmpi ne, %convert_element_type3A_688, %cond3A_689 : i32
    scf.if %cond3A_690 {
      %mul3A_1887 = arith.constant 64 : i32
      %mul3A_1888 = arith.muli %rem3A_675, %mul3A_1887 : i32
      %dma_start3A_1889 = arith.constant 0 : i32
      %dma_start3A_1890 = tpu.memref_slice %arg4[%add3A_683, %dma_start3A_1889] : memref<131072x768xf32, #tpu.memory_space<hbm>> -> memref<64x768xf32, #tpu.memory_space<hbm>>
      %dma_start3A_1891 = arith.constant 0 : i32
      %dma_start3A_1892 = tpu.memref_slice %arg8[%mul3A_1888, %dma_start3A_1891] : memref<1024x768xf32, #tpu.memory_space<vmem_shared>> -> memref<64x768xf32, #tpu.memory_space<vmem_shared>>
      tpu.enqueue_dma source(%dma_start3A_1892 : memref<64x768xf32, #tpu.memory_space<vmem_shared>>) target(%dma_start3A_1890 : memref<64x768xf32, #tpu.memory_space<hbm>>) target_semaphore(%arg11 : memref<!tpu.dma_semaphore, #tpu.memory_space<semaphore_mem>>)
    } else {
    }
    %convert_element_type3A_691 = arith.extui %ge3A_687 : i1 to i32
    %cond3A_692 = arith.constant 0 : i32
    %cond3A_693 = arith.cmpi ne, %convert_element_type3A_691, %cond3A_692 : i32
    scf.if %cond3A_693 {
      %dma_start3A_1887 = arith.constant 0 : i32
      %dma_start3A_1888 = tpu.memref_slice %arg4[%add3A_683, %dma_start3A_1887] : memref<131072x768xf32, #tpu.memory_space<hbm>> -> memref<64x768xf32, #tpu.memory_space<hbm>>
      tpu.enqueue_dma source(%arg9 : memref<64x768xf32, #tpu.memory_space<vmem_shared>>) target(%dma_start3A_1888 : memref<64x768xf32, #tpu.memory_space<hbm>>) target_semaphore(%arg11 : memref<!tpu.dma_semaphore, #tpu.memory_space<semaphore_mem>>)
    } else {
    }
    %mul3A_694 = arith.constant 4 : i32
    %mul3A_695 = arith.muli %arg1, %mul3A_694 : i32
    %add3A_696 = arith.constant 3 : i32
    %add3A_697 = arith.addi %mul3A_695, %add3A_696 : i32
    %add3A_698 = arith.constant 5 : i32
    %add3A_699 = arith.addi %add3A_698, %arg1 : i32
    %rem3A_700 = arith.constant 16 : i32
    %rem3A_701 = arith.remsi %add3A_699, %rem3A_700 : i32
    %mul3A_702 = arith.constant 1024 : i32
    %mul3A_703 = arith.muli %arg0, %mul3A_702 : i32
    %mul3A_704 = arith.constant 64 : i32
    %mul3A_705 = arith.muli %rem3A_701, %mul3A_704 : i32
    %add3A_706 = arith.addi %mul3A_703, %mul3A_705 : i32
    %mul3A_707 = arith.constant 2048 : i32
    %mul3A_708 = arith.muli %add3A_697, %mul3A_707 : i32
    %add3A_709 = arith.addi %mul3A_708, %add3A_706 : i32
    %add3A_710 = arith.constant 64 : i32
    %add3A_711 = arith.addi %add3A_706, %add3A_710 : i32
    %le3A_712 = arith.cmpi sle, %add3A_711, %squeeze3A_98 : i32
    %ge3A_713 = arith.cmpi sge, %add3A_706, %squeeze3A_98 : i32
    %convert_element_type3A_714 = arith.extui %le3A_712 : i1 to i32
    %cond3A_715 = arith.constant 0 : i32
    %cond3A_716 = arith.cmpi ne, %convert_element_type3A_714, %cond3A_715 : i32
    scf.if %cond3A_716 {
      %mul3A_1887 = arith.constant 64 : i32
      %mul3A_1888 = arith.muli %rem3A_701, %mul3A_1887 : i32
      %dma_start3A_1889 = arith.constant 0 : i32
      %dma_start3A_1890 = tpu.memref_slice %arg4[%add3A_709, %dma_start3A_1889] : memref<131072x768xf32, #tpu.memory_space<hbm>> -> memref<64x768xf32, #tpu.memory_space<hbm>>
      %dma_start3A_1891 = arith.constant 0 : i32
      %dma_start3A_1892 = tpu.memref_slice %arg8[%mul3A_1888, %dma_start3A_1891] : memref<1024x768xf32, #tpu.memory_space<vmem_shared>> -> memref<64x768xf32, #tpu.memory_space<vmem_shared>>
      tpu.enqueue_dma source(%dma_start3A_1892 : memref<64x768xf32, #tpu.memory_space<vmem_shared>>) target(%dma_start3A_1890 : memref<64x768xf32, #tpu.memory_space<hbm>>) target_semaphore(%arg11 : memref<!tpu.dma_semaphore, #tpu.memory_space<semaphore_mem>>)
    } else {
    }
    %convert_element_type3A_717 = arith.extui %ge3A_713 : i1 to i32
    %cond3A_718 = arith.constant 0 : i32
    %cond3A_719 = arith.cmpi ne, %convert_element_type3A_717, %cond3A_718 : i32
    scf.if %cond3A_719 {
      %dma_start3A_1887 = arith.constant 0 : i32
      %dma_start3A_1888 = tpu.memref_slice %arg4[%add3A_709, %dma_start3A_1887] : memref<131072x768xf32, #tpu.memory_space<hbm>> -> memref<64x768xf32, #tpu.memory_space<hbm>>
      tpu.enqueue_dma source(%arg9 : memref<64x768xf32, #tpu.memory_space<vmem_shared>>) target(%dma_start3A_1888 : memref<64x768xf32, #tpu.memory_space<hbm>>) target_semaphore(%arg11 : memref<!tpu.dma_semaphore, #tpu.memory_space<semaphore_mem>>)
    } else {
    }
    %mul3A_720 = arith.constant 4 : i32
    %mul3A_721 = arith.muli %arg1, %mul3A_720 : i32
    %add3A_722 = arith.constant 0 : i32
    %add3A_723 = arith.addi %mul3A_721, %add3A_722 : i32
    %add3A_724 = arith.constant 6 : i32
    %add3A_725 = arith.addi %add3A_724, %arg1 : i32
    %rem3A_726 = arith.constant 16 : i32
    %rem3A_727 = arith.remsi %add3A_725, %rem3A_726 : i32
    %mul3A_728 = arith.constant 1024 : i32
    %mul3A_729 = arith.muli %arg0, %mul3A_728 : i32
    %mul3A_730 = arith.constant 64 : i32
    %mul3A_731 = arith.muli %rem3A_727, %mul3A_730 : i32
    %add3A_732 = arith.addi %mul3A_729, %mul3A_731 : i32
    %mul3A_733 = arith.constant 2048 : i32
    %mul3A_734 = arith.muli %add3A_723, %mul3A_733 : i32
    %add3A_735 = arith.addi %mul3A_734, %add3A_732 : i32
    %add3A_736 = arith.constant 64 : i32
    %add3A_737 = arith.addi %add3A_732, %add3A_736 : i32
    %le3A_738 = arith.cmpi sle, %add3A_737, %squeeze3A : i32
    %ge3A_739 = arith.cmpi sge, %add3A_732, %squeeze3A : i32
    %convert_element_type3A_740 = arith.extui %le3A_738 : i1 to i32
    %cond3A_741 = arith.constant 0 : i32
    %cond3A_742 = arith.cmpi ne, %convert_element_type3A_740, %cond3A_741 : i32
    scf.if %cond3A_742 {
      %mul3A_1887 = arith.constant 64 : i32
      %mul3A_1888 = arith.muli %rem3A_727, %mul3A_1887 : i32
      %dma_start3A_1889 = arith.constant 0 : i32
      %dma_start3A_1890 = tpu.memref_slice %arg4[%add3A_735, %dma_start3A_1889] : memref<131072x768xf32, #tpu.memory_space<hbm>> -> memref<64x768xf32, #tpu.memory_space<hbm>>
      %dma_start3A_1891 = arith.constant 0 : i32
      %dma_start3A_1892 = tpu.memref_slice %arg8[%mul3A_1888, %dma_start3A_1891] : memref<1024x768xf32, #tpu.memory_space<vmem_shared>> -> memref<64x768xf32, #tpu.memory_space<vmem_shared>>
      tpu.enqueue_dma source(%dma_start3A_1892 : memref<64x768xf32, #tpu.memory_space<vmem_shared>>) target(%dma_start3A_1890 : memref<64x768xf32, #tpu.memory_space<hbm>>) target_semaphore(%arg11 : memref<!tpu.dma_semaphore, #tpu.memory_space<semaphore_mem>>)
    } else {
    }
    %convert_element_type3A_743 = arith.extui %ge3A_739 : i1 to i32
    %cond3A_744 = arith.constant 0 : i32
    %cond3A_745 = arith.cmpi ne, %convert_element_type3A_743, %cond3A_744 : i32
    scf.if %cond3A_745 {
      %dma_start3A_1887 = arith.constant 0 : i32
      %dma_start3A_1888 = tpu.memref_slice %arg4[%add3A_735, %dma_start3A_1887] : memref<131072x768xf32, #tpu.memory_space<hbm>> -> memref<64x768xf32, #tpu.memory_space<hbm>>
      tpu.enqueue_dma source(%arg9 : memref<64x768xf32, #tpu.memory_space<vmem_shared>>) target(%dma_start3A_1888 : memref<64x768xf32, #tpu.memory_space<hbm>>) target_semaphore(%arg11 : memref<!tpu.dma_semaphore, #tpu.memory_space<semaphore_mem>>)
    } else {
    }
    %mul3A_746 = arith.constant 4 : i32
    %mul3A_747 = arith.muli %arg1, %mul3A_746 : i32
    %add3A_748 = arith.constant 1 : i32
    %add3A_749 = arith.addi %mul3A_747, %add3A_748 : i32
    %add3A_750 = arith.constant 6 : i32
    %add3A_751 = arith.addi %add3A_750, %arg1 : i32
    %rem3A_752 = arith.constant 16 : i32
    %rem3A_753 = arith.remsi %add3A_751, %rem3A_752 : i32
    %mul3A_754 = arith.constant 1024 : i32
    %mul3A_755 = arith.muli %arg0, %mul3A_754 : i32
    %mul3A_756 = arith.constant 64 : i32
    %mul3A_757 = arith.muli %rem3A_753, %mul3A_756 : i32
    %add3A_758 = arith.addi %mul3A_755, %mul3A_757 : i32
    %mul3A_759 = arith.constant 2048 : i32
    %mul3A_760 = arith.muli %add3A_749, %mul3A_759 : i32
    %add3A_761 = arith.addi %mul3A_760, %add3A_758 : i32
    %add3A_762 = arith.constant 64 : i32
    %add3A_763 = arith.addi %add3A_758, %add3A_762 : i32
    %le3A_764 = arith.cmpi sle, %add3A_763, %squeeze3A_88 : i32
    %ge3A_765 = arith.cmpi sge, %add3A_758, %squeeze3A_88 : i32
    %convert_element_type3A_766 = arith.extui %le3A_764 : i1 to i32
    %cond3A_767 = arith.constant 0 : i32
    %cond3A_768 = arith.cmpi ne, %convert_element_type3A_766, %cond3A_767 : i32
    scf.if %cond3A_768 {
      %mul3A_1887 = arith.constant 64 : i32
      %mul3A_1888 = arith.muli %rem3A_753, %mul3A_1887 : i32
      %dma_start3A_1889 = arith.constant 0 : i32
      %dma_start3A_1890 = tpu.memref_slice %arg4[%add3A_761, %dma_start3A_1889] : memref<131072x768xf32, #tpu.memory_space<hbm>> -> memref<64x768xf32, #tpu.memory_space<hbm>>
      %dma_start3A_1891 = arith.constant 0 : i32
      %dma_start3A_1892 = tpu.memref_slice %arg8[%mul3A_1888, %dma_start3A_1891] : memref<1024x768xf32, #tpu.memory_space<vmem_shared>> -> memref<64x768xf32, #tpu.memory_space<vmem_shared>>
      tpu.enqueue_dma source(%dma_start3A_1892 : memref<64x768xf32, #tpu.memory_space<vmem_shared>>) target(%dma_start3A_1890 : memref<64x768xf32, #tpu.memory_space<hbm>>) target_semaphore(%arg11 : memref<!tpu.dma_semaphore, #tpu.memory_space<semaphore_mem>>)
    } else {
    }
    %convert_element_type3A_769 = arith.extui %ge3A_765 : i1 to i32
    %cond3A_770 = arith.constant 0 : i32
    %cond3A_771 = arith.cmpi ne, %convert_element_type3A_769, %cond3A_770 : i32
    scf.if %cond3A_771 {
      %dma_start3A_1887 = arith.constant 0 : i32
      %dma_start3A_1888 = tpu.memref_slice %arg4[%add3A_761, %dma_start3A_1887] : memref<131072x768xf32, #tpu.memory_space<hbm>> -> memref<64x768xf32, #tpu.memory_space<hbm>>
      tpu.enqueue_dma source(%arg9 : memref<64x768xf32, #tpu.memory_space<vmem_shared>>) target(%dma_start3A_1888 : memref<64x768xf32, #tpu.memory_space<hbm>>) target_semaphore(%arg11 : memref<!tpu.dma_semaphore, #tpu.memory_space<semaphore_mem>>)
    } else {
    }
    %mul3A_772 = arith.constant 4 : i32
    %mul3A_773 = arith.muli %arg1, %mul3A_772 : i32
    %add3A_774 = arith.constant 2 : i32
    %add3A_775 = arith.addi %mul3A_773, %add3A_774 : i32
    %add3A_776 = arith.constant 6 : i32
    %add3A_777 = arith.addi %add3A_776, %arg1 : i32
    %rem3A_778 = arith.constant 16 : i32
    %rem3A_779 = arith.remsi %add3A_777, %rem3A_778 : i32
    %mul3A_780 = arith.constant 1024 : i32
    %mul3A_781 = arith.muli %arg0, %mul3A_780 : i32
    %mul3A_782 = arith.constant 64 : i32
    %mul3A_783 = arith.muli %rem3A_779, %mul3A_782 : i32
    %add3A_784 = arith.addi %mul3A_781, %mul3A_783 : i32
    %mul3A_785 = arith.constant 2048 : i32
    %mul3A_786 = arith.muli %add3A_775, %mul3A_785 : i32
    %add3A_787 = arith.addi %mul3A_786, %add3A_784 : i32
    %add3A_788 = arith.constant 64 : i32
    %add3A_789 = arith.addi %add3A_784, %add3A_788 : i32
    %le3A_790 = arith.cmpi sle, %add3A_789, %squeeze3A_93 : i32
    %ge3A_791 = arith.cmpi sge, %add3A_784, %squeeze3A_93 : i32
    %convert_element_type3A_792 = arith.extui %le3A_790 : i1 to i32
    %cond3A_793 = arith.constant 0 : i32
    %cond3A_794 = arith.cmpi ne, %convert_element_type3A_792, %cond3A_793 : i32
    scf.if %cond3A_794 {
      %mul3A_1887 = arith.constant 64 : i32
      %mul3A_1888 = arith.muli %rem3A_779, %mul3A_1887 : i32
      %dma_start3A_1889 = arith.constant 0 : i32
      %dma_start3A_1890 = tpu.memref_slice %arg4[%add3A_787, %dma_start3A_1889] : memref<131072x768xf32, #tpu.memory_space<hbm>> -> memref<64x768xf32, #tpu.memory_space<hbm>>
      %dma_start3A_1891 = arith.constant 0 : i32
      %dma_start3A_1892 = tpu.memref_slice %arg8[%mul3A_1888, %dma_start3A_1891] : memref<1024x768xf32, #tpu.memory_space<vmem_shared>> -> memref<64x768xf32, #tpu.memory_space<vmem_shared>>
      tpu.enqueue_dma source(%dma_start3A_1892 : memref<64x768xf32, #tpu.memory_space<vmem_shared>>) target(%dma_start3A_1890 : memref<64x768xf32, #tpu.memory_space<hbm>>) target_semaphore(%arg11 : memref<!tpu.dma_semaphore, #tpu.memory_space<semaphore_mem>>)
    } else {
    }
    %convert_element_type3A_795 = arith.extui %ge3A_791 : i1 to i32
    %cond3A_796 = arith.constant 0 : i32
    %cond3A_797 = arith.cmpi ne, %convert_element_type3A_795, %cond3A_796 : i32
    scf.if %cond3A_797 {
      %dma_start3A_1887 = arith.constant 0 : i32
      %dma_start3A_1888 = tpu.memref_slice %arg4[%add3A_787, %dma_start3A_1887] : memref<131072x768xf32, #tpu.memory_space<hbm>> -> memref<64x768xf32, #tpu.memory_space<hbm>>
      tpu.enqueue_dma source(%arg9 : memref<64x768xf32, #tpu.memory_space<vmem_shared>>) target(%dma_start3A_1888 : memref<64x768xf32, #tpu.memory_space<hbm>>) target_semaphore(%arg11 : memref<!tpu.dma_semaphore, #tpu.memory_space<semaphore_mem>>)
    } else {
    }
    %mul3A_798 = arith.constant 4 : i32
    %mul3A_799 = arith.muli %arg1, %mul3A_798 : i32
    %add3A_800 = arith.constant 3 : i32
    %add3A_801 = arith.addi %mul3A_799, %add3A_800 : i32
    %add3A_802 = arith.constant 6 : i32
    %add3A_803 = arith.addi %add3A_802, %arg1 : i32
    %rem3A_804 = arith.constant 16 : i32
    %rem3A_805 = arith.remsi %add3A_803, %rem3A_804 : i32
    %mul3A_806 = arith.constant 1024 : i32
    %mul3A_807 = arith.muli %arg0, %mul3A_806 : i32
    %mul3A_808 = arith.constant 64 : i32
    %mul3A_809 = arith.muli %rem3A_805, %mul3A_808 : i32
    %add3A_810 = arith.addi %mul3A_807, %mul3A_809 : i32
    %mul3A_811 = arith.constant 2048 : i32
    %mul3A_812 = arith.muli %add3A_801, %mul3A_811 : i32
    %add3A_813 = arith.addi %mul3A_812, %add3A_810 : i32
    %add3A_814 = arith.constant 64 : i32
    %add3A_815 = arith.addi %add3A_810, %add3A_814 : i32
    %le3A_816 = arith.cmpi sle, %add3A_815, %squeeze3A_98 : i32
    %ge3A_817 = arith.cmpi sge, %add3A_810, %squeeze3A_98 : i32
    %convert_element_type3A_818 = arith.extui %le3A_816 : i1 to i32
    %cond3A_819 = arith.constant 0 : i32
    %cond3A_820 = arith.cmpi ne, %convert_element_type3A_818, %cond3A_819 : i32
    scf.if %cond3A_820 {
      %mul3A_1887 = arith.constant 64 : i32
      %mul3A_1888 = arith.muli %rem3A_805, %mul3A_1887 : i32
      %dma_start3A_1889 = arith.constant 0 : i32
      %dma_start3A_1890 = tpu.memref_slice %arg4[%add3A_813, %dma_start3A_1889] : memref<131072x768xf32, #tpu.memory_space<hbm>> -> memref<64x768xf32, #tpu.memory_space<hbm>>
      %dma_start3A_1891 = arith.constant 0 : i32
      %dma_start3A_1892 = tpu.memref_slice %arg8[%mul3A_1888, %dma_start3A_1891] : memref<1024x768xf32, #tpu.memory_space<vmem_shared>> -> memref<64x768xf32, #tpu.memory_space<vmem_shared>>
      tpu.enqueue_dma source(%dma_start3A_1892 : memref<64x768xf32, #tpu.memory_space<vmem_shared>>) target(%dma_start3A_1890 : memref<64x768xf32, #tpu.memory_space<hbm>>) target_semaphore(%arg11 : memref<!tpu.dma_semaphore, #tpu.memory_space<semaphore_mem>>)
    } else {
    }
    %convert_element_type3A_821 = arith.extui %ge3A_817 : i1 to i32
    %cond3A_822 = arith.constant 0 : i32
    %cond3A_823 = arith.cmpi ne, %convert_element_type3A_821, %cond3A_822 : i32
    scf.if %cond3A_823 {
      %dma_start3A_1887 = arith.constant 0 : i32
      %dma_start3A_1888 = tpu.memref_slice %arg4[%add3A_813, %dma_start3A_1887] : memref<131072x768xf32, #tpu.memory_space<hbm>> -> memref<64x768xf32, #tpu.memory_space<hbm>>
      tpu.enqueue_dma source(%arg9 : memref<64x768xf32, #tpu.memory_space<vmem_shared>>) target(%dma_start3A_1888 : memref<64x768xf32, #tpu.memory_space<hbm>>) target_semaphore(%arg11 : memref<!tpu.dma_semaphore, #tpu.memory_space<semaphore_mem>>)
    } else {
    }
    %mul3A_824 = arith.constant 4 : i32
    %mul3A_825 = arith.muli %arg1, %mul3A_824 : i32
    %add3A_826 = arith.constant 0 : i32
    %add3A_827 = arith.addi %mul3A_825, %add3A_826 : i32
    %add3A_828 = arith.constant 7 : i32
    %add3A_829 = arith.addi %add3A_828, %arg1 : i32
    %rem3A_830 = arith.constant 16 : i32
    %rem3A_831 = arith.remsi %add3A_829, %rem3A_830 : i32
    %mul3A_832 = arith.constant 1024 : i32
    %mul3A_833 = arith.muli %arg0, %mul3A_832 : i32
    %mul3A_834 = arith.constant 64 : i32
    %mul3A_835 = arith.muli %rem3A_831, %mul3A_834 : i32
    %add3A_836 = arith.addi %mul3A_833, %mul3A_835 : i32
    %mul3A_837 = arith.constant 2048 : i32
    %mul3A_838 = arith.muli %add3A_827, %mul3A_837 : i32
    %add3A_839 = arith.addi %mul3A_838, %add3A_836 : i32
    %add3A_840 = arith.constant 64 : i32
    %add3A_841 = arith.addi %add3A_836, %add3A_840 : i32
    %le3A_842 = arith.cmpi sle, %add3A_841, %squeeze3A : i32
    %ge3A_843 = arith.cmpi sge, %add3A_836, %squeeze3A : i32
    %convert_element_type3A_844 = arith.extui %le3A_842 : i1 to i32
    %cond3A_845 = arith.constant 0 : i32
    %cond3A_846 = arith.cmpi ne, %convert_element_type3A_844, %cond3A_845 : i32
    scf.if %cond3A_846 {
      %mul3A_1887 = arith.constant 64 : i32
      %mul3A_1888 = arith.muli %rem3A_831, %mul3A_1887 : i32
      %dma_start3A_1889 = arith.constant 0 : i32
      %dma_start3A_1890 = tpu.memref_slice %arg4[%add3A_839, %dma_start3A_1889] : memref<131072x768xf32, #tpu.memory_space<hbm>> -> memref<64x768xf32, #tpu.memory_space<hbm>>
      %dma_start3A_1891 = arith.constant 0 : i32
      %dma_start3A_1892 = tpu.memref_slice %arg8[%mul3A_1888, %dma_start3A_1891] : memref<1024x768xf32, #tpu.memory_space<vmem_shared>> -> memref<64x768xf32, #tpu.memory_space<vmem_shared>>
      tpu.enqueue_dma source(%dma_start3A_1892 : memref<64x768xf32, #tpu.memory_space<vmem_shared>>) target(%dma_start3A_1890 : memref<64x768xf32, #tpu.memory_space<hbm>>) target_semaphore(%arg11 : memref<!tpu.dma_semaphore, #tpu.memory_space<semaphore_mem>>)
    } else {
    }
    %convert_element_type3A_847 = arith.extui %ge3A_843 : i1 to i32
    %cond3A_848 = arith.constant 0 : i32
    %cond3A_849 = arith.cmpi ne, %convert_element_type3A_847, %cond3A_848 : i32
    scf.if %cond3A_849 {
      %dma_start3A_1887 = arith.constant 0 : i32
      %dma_start3A_1888 = tpu.memref_slice %arg4[%add3A_839, %dma_start3A_1887] : memref<131072x768xf32, #tpu.memory_space<hbm>> -> memref<64x768xf32, #tpu.memory_space<hbm>>
      tpu.enqueue_dma source(%arg9 : memref<64x768xf32, #tpu.memory_space<vmem_shared>>) target(%dma_start3A_1888 : memref<64x768xf32, #tpu.memory_space<hbm>>) target_semaphore(%arg11 : memref<!tpu.dma_semaphore, #tpu.memory_space<semaphore_mem>>)
    } else {
    }
    %mul3A_850 = arith.constant 4 : i32
    %mul3A_851 = arith.muli %arg1, %mul3A_850 : i32
    %add3A_852 = arith.constant 1 : i32
    %add3A_853 = arith.addi %mul3A_851, %add3A_852 : i32
    %add3A_854 = arith.constant 7 : i32
    %add3A_855 = arith.addi %add3A_854, %arg1 : i32
    %rem3A_856 = arith.constant 16 : i32
    %rem3A_857 = arith.remsi %add3A_855, %rem3A_856 : i32
    %mul3A_858 = arith.constant 1024 : i32
    %mul3A_859 = arith.muli %arg0, %mul3A_858 : i32
    %mul3A_860 = arith.constant 64 : i32
    %mul3A_861 = arith.muli %rem3A_857, %mul3A_860 : i32
    %add3A_862 = arith.addi %mul3A_859, %mul3A_861 : i32
    %mul3A_863 = arith.constant 2048 : i32
    %mul3A_864 = arith.muli %add3A_853, %mul3A_863 : i32
    %add3A_865 = arith.addi %mul3A_864, %add3A_862 : i32
    %add3A_866 = arith.constant 64 : i32
    %add3A_867 = arith.addi %add3A_862, %add3A_866 : i32
    %le3A_868 = arith.cmpi sle, %add3A_867, %squeeze3A_88 : i32
    %ge3A_869 = arith.cmpi sge, %add3A_862, %squeeze3A_88 : i32
    %convert_element_type3A_870 = arith.extui %le3A_868 : i1 to i32
    %cond3A_871 = arith.constant 0 : i32
    %cond3A_872 = arith.cmpi ne, %convert_element_type3A_870, %cond3A_871 : i32
    scf.if %cond3A_872 {
      %mul3A_1887 = arith.constant 64 : i32
      %mul3A_1888 = arith.muli %rem3A_857, %mul3A_1887 : i32
      %dma_start3A_1889 = arith.constant 0 : i32
      %dma_start3A_1890 = tpu.memref_slice %arg4[%add3A_865, %dma_start3A_1889] : memref<131072x768xf32, #tpu.memory_space<hbm>> -> memref<64x768xf32, #tpu.memory_space<hbm>>
      %dma_start3A_1891 = arith.constant 0 : i32
      %dma_start3A_1892 = tpu.memref_slice %arg8[%mul3A_1888, %dma_start3A_1891] : memref<1024x768xf32, #tpu.memory_space<vmem_shared>> -> memref<64x768xf32, #tpu.memory_space<vmem_shared>>
      tpu.enqueue_dma source(%dma_start3A_1892 : memref<64x768xf32, #tpu.memory_space<vmem_shared>>) target(%dma_start3A_1890 : memref<64x768xf32, #tpu.memory_space<hbm>>) target_semaphore(%arg11 : memref<!tpu.dma_semaphore, #tpu.memory_space<semaphore_mem>>)
    } else {
    }
    %convert_element_type3A_873 = arith.extui %ge3A_869 : i1 to i32
    %cond3A_874 = arith.constant 0 : i32
    %cond3A_875 = arith.cmpi ne, %convert_element_type3A_873, %cond3A_874 : i32
    scf.if %cond3A_875 {
      %dma_start3A_1887 = arith.constant 0 : i32
      %dma_start3A_1888 = tpu.memref_slice %arg4[%add3A_865, %dma_start3A_1887] : memref<131072x768xf32, #tpu.memory_space<hbm>> -> memref<64x768xf32, #tpu.memory_space<hbm>>
      tpu.enqueue_dma source(%arg9 : memref<64x768xf32, #tpu.memory_space<vmem_shared>>) target(%dma_start3A_1888 : memref<64x768xf32, #tpu.memory_space<hbm>>) target_semaphore(%arg11 : memref<!tpu.dma_semaphore, #tpu.memory_space<semaphore_mem>>)
    } else {
    }
    %mul3A_876 = arith.constant 4 : i32
    %mul3A_877 = arith.muli %arg1, %mul3A_876 : i32
    %add3A_878 = arith.constant 2 : i32
    %add3A_879 = arith.addi %mul3A_877, %add3A_878 : i32
    %add3A_880 = arith.constant 7 : i32
    %add3A_881 = arith.addi %add3A_880, %arg1 : i32
    %rem3A_882 = arith.constant 16 : i32
    %rem3A_883 = arith.remsi %add3A_881, %rem3A_882 : i32
    %mul3A_884 = arith.constant 1024 : i32
    %mul3A_885 = arith.muli %arg0, %mul3A_884 : i32
    %mul3A_886 = arith.constant 64 : i32
    %mul3A_887 = arith.muli %rem3A_883, %mul3A_886 : i32
    %add3A_888 = arith.addi %mul3A_885, %mul3A_887 : i32
    %mul3A_889 = arith.constant 2048 : i32
    %mul3A_890 = arith.muli %add3A_879, %mul3A_889 : i32
    %add3A_891 = arith.addi %mul3A_890, %add3A_888 : i32
    %add3A_892 = arith.constant 64 : i32
    %add3A_893 = arith.addi %add3A_888, %add3A_892 : i32
    %le3A_894 = arith.cmpi sle, %add3A_893, %squeeze3A_93 : i32
    %ge3A_895 = arith.cmpi sge, %add3A_888, %squeeze3A_93 : i32
    %convert_element_type3A_896 = arith.extui %le3A_894 : i1 to i32
    %cond3A_897 = arith.constant 0 : i32
    %cond3A_898 = arith.cmpi ne, %convert_element_type3A_896, %cond3A_897 : i32
    scf.if %cond3A_898 {
      %mul3A_1887 = arith.constant 64 : i32
      %mul3A_1888 = arith.muli %rem3A_883, %mul3A_1887 : i32
      %dma_start3A_1889 = arith.constant 0 : i32
      %dma_start3A_1890 = tpu.memref_slice %arg4[%add3A_891, %dma_start3A_1889] : memref<131072x768xf32, #tpu.memory_space<hbm>> -> memref<64x768xf32, #tpu.memory_space<hbm>>
      %dma_start3A_1891 = arith.constant 0 : i32
      %dma_start3A_1892 = tpu.memref_slice %arg8[%mul3A_1888, %dma_start3A_1891] : memref<1024x768xf32, #tpu.memory_space<vmem_shared>> -> memref<64x768xf32, #tpu.memory_space<vmem_shared>>
      tpu.enqueue_dma source(%dma_start3A_1892 : memref<64x768xf32, #tpu.memory_space<vmem_shared>>) target(%dma_start3A_1890 : memref<64x768xf32, #tpu.memory_space<hbm>>) target_semaphore(%arg11 : memref<!tpu.dma_semaphore, #tpu.memory_space<semaphore_mem>>)
    } else {
    }
    %convert_element_type3A_899 = arith.extui %ge3A_895 : i1 to i32
    %cond3A_900 = arith.constant 0 : i32
    %cond3A_901 = arith.cmpi ne, %convert_element_type3A_899, %cond3A_900 : i32
    scf.if %cond3A_901 {
      %dma_start3A_1887 = arith.constant 0 : i32
      %dma_start3A_1888 = tpu.memref_slice %arg4[%add3A_891, %dma_start3A_1887] : memref<131072x768xf32, #tpu.memory_space<hbm>> -> memref<64x768xf32, #tpu.memory_space<hbm>>
      tpu.enqueue_dma source(%arg9 : memref<64x768xf32, #tpu.memory_space<vmem_shared>>) target(%dma_start3A_1888 : memref<64x768xf32, #tpu.memory_space<hbm>>) target_semaphore(%arg11 : memref<!tpu.dma_semaphore, #tpu.memory_space<semaphore_mem>>)
    } else {
    }
    %mul3A_902 = arith.constant 4 : i32
    %mul3A_903 = arith.muli %arg1, %mul3A_902 : i32
    %add3A_904 = arith.constant 3 : i32
    %add3A_905 = arith.addi %mul3A_903, %add3A_904 : i32
    %add3A_906 = arith.constant 7 : i32
    %add3A_907 = arith.addi %add3A_906, %arg1 : i32
    %rem3A_908 = arith.constant 16 : i32
    %rem3A_909 = arith.remsi %add3A_907, %rem3A_908 : i32
    %mul3A_910 = arith.constant 1024 : i32
    %mul3A_911 = arith.muli %arg0, %mul3A_910 : i32
    %mul3A_912 = arith.constant 64 : i32
    %mul3A_913 = arith.muli %rem3A_909, %mul3A_912 : i32
    %add3A_914 = arith.addi %mul3A_911, %mul3A_913 : i32
    %mul3A_915 = arith.constant 2048 : i32
    %mul3A_916 = arith.muli %add3A_905, %mul3A_915 : i32
    %add3A_917 = arith.addi %mul3A_916, %add3A_914 : i32
    %add3A_918 = arith.constant 64 : i32
    %add3A_919 = arith.addi %add3A_914, %add3A_918 : i32
    %le3A_920 = arith.cmpi sle, %add3A_919, %squeeze3A_98 : i32
    %ge3A_921 = arith.cmpi sge, %add3A_914, %squeeze3A_98 : i32
    %convert_element_type3A_922 = arith.extui %le3A_920 : i1 to i32
    %cond3A_923 = arith.constant 0 : i32
    %cond3A_924 = arith.cmpi ne, %convert_element_type3A_922, %cond3A_923 : i32
    scf.if %cond3A_924 {
      %mul3A_1887 = arith.constant 64 : i32
      %mul3A_1888 = arith.muli %rem3A_909, %mul3A_1887 : i32
      %dma_start3A_1889 = arith.constant 0 : i32
      %dma_start3A_1890 = tpu.memref_slice %arg4[%add3A_917, %dma_start3A_1889] : memref<131072x768xf32, #tpu.memory_space<hbm>> -> memref<64x768xf32, #tpu.memory_space<hbm>>
      %dma_start3A_1891 = arith.constant 0 : i32
      %dma_start3A_1892 = tpu.memref_slice %arg8[%mul3A_1888, %dma_start3A_1891] : memref<1024x768xf32, #tpu.memory_space<vmem_shared>> -> memref<64x768xf32, #tpu.memory_space<vmem_shared>>
      tpu.enqueue_dma source(%dma_start3A_1892 : memref<64x768xf32, #tpu.memory_space<vmem_shared>>) target(%dma_start3A_1890 : memref<64x768xf32, #tpu.memory_space<hbm>>) target_semaphore(%arg11 : memref<!tpu.dma_semaphore, #tpu.memory_space<semaphore_mem>>)
    } else {
    }
    %convert_element_type3A_925 = arith.extui %ge3A_921 : i1 to i32
    %cond3A_926 = arith.constant 0 : i32
    %cond3A_927 = arith.cmpi ne, %convert_element_type3A_925, %cond3A_926 : i32
    scf.if %cond3A_927 {
      %dma_start3A_1887 = arith.constant 0 : i32
      %dma_start3A_1888 = tpu.memref_slice %arg4[%add3A_917, %dma_start3A_1887] : memref<131072x768xf32, #tpu.memory_space<hbm>> -> memref<64x768xf32, #tpu.memory_space<hbm>>
      tpu.enqueue_dma source(%arg9 : memref<64x768xf32, #tpu.memory_space<vmem_shared>>) target(%dma_start3A_1888 : memref<64x768xf32, #tpu.memory_space<hbm>>) target_semaphore(%arg11 : memref<!tpu.dma_semaphore, #tpu.memory_space<semaphore_mem>>)
    } else {
    }
    %mul3A_928 = arith.constant 4 : i32
    %mul3A_929 = arith.muli %arg1, %mul3A_928 : i32
    %add3A_930 = arith.constant 0 : i32
    %add3A_931 = arith.addi %mul3A_929, %add3A_930 : i32
    %add3A_932 = arith.constant 8 : i32
    %add3A_933 = arith.addi %add3A_932, %arg1 : i32
    %rem3A_934 = arith.constant 16 : i32
    %rem3A_935 = arith.remsi %add3A_933, %rem3A_934 : i32
    %mul3A_936 = arith.constant 1024 : i32
    %mul3A_937 = arith.muli %arg0, %mul3A_936 : i32
    %mul3A_938 = arith.constant 64 : i32
    %mul3A_939 = arith.muli %rem3A_935, %mul3A_938 : i32
    %add3A_940 = arith.addi %mul3A_937, %mul3A_939 : i32
    %mul3A_941 = arith.constant 2048 : i32
    %mul3A_942 = arith.muli %add3A_931, %mul3A_941 : i32
    %add3A_943 = arith.addi %mul3A_942, %add3A_940 : i32
    %add3A_944 = arith.constant 64 : i32
    %add3A_945 = arith.addi %add3A_940, %add3A_944 : i32
    %le3A_946 = arith.cmpi sle, %add3A_945, %squeeze3A : i32
    %ge3A_947 = arith.cmpi sge, %add3A_940, %squeeze3A : i32
    %convert_element_type3A_948 = arith.extui %le3A_946 : i1 to i32
    %cond3A_949 = arith.constant 0 : i32
    %cond3A_950 = arith.cmpi ne, %convert_element_type3A_948, %cond3A_949 : i32
    scf.if %cond3A_950 {
      %mul3A_1887 = arith.constant 64 : i32
      %mul3A_1888 = arith.muli %rem3A_935, %mul3A_1887 : i32
      %dma_start3A_1889 = arith.constant 0 : i32
      %dma_start3A_1890 = tpu.memref_slice %arg4[%add3A_943, %dma_start3A_1889] : memref<131072x768xf32, #tpu.memory_space<hbm>> -> memref<64x768xf32, #tpu.memory_space<hbm>>
      %dma_start3A_1891 = arith.constant 0 : i32
      %dma_start3A_1892 = tpu.memref_slice %arg8[%mul3A_1888, %dma_start3A_1891] : memref<1024x768xf32, #tpu.memory_space<vmem_shared>> -> memref<64x768xf32, #tpu.memory_space<vmem_shared>>
      tpu.enqueue_dma source(%dma_start3A_1892 : memref<64x768xf32, #tpu.memory_space<vmem_shared>>) target(%dma_start3A_1890 : memref<64x768xf32, #tpu.memory_space<hbm>>) target_semaphore(%arg11 : memref<!tpu.dma_semaphore, #tpu.memory_space<semaphore_mem>>)
    } else {
    }
    %convert_element_type3A_951 = arith.extui %ge3A_947 : i1 to i32
    %cond3A_952 = arith.constant 0 : i32
    %cond3A_953 = arith.cmpi ne, %convert_element_type3A_951, %cond3A_952 : i32
    scf.if %cond3A_953 {
      %dma_start3A_1887 = arith.constant 0 : i32
      %dma_start3A_1888 = tpu.memref_slice %arg4[%add3A_943, %dma_start3A_1887] : memref<131072x768xf32, #tpu.memory_space<hbm>> -> memref<64x768xf32, #tpu.memory_space<hbm>>
      tpu.enqueue_dma source(%arg9 : memref<64x768xf32, #tpu.memory_space<vmem_shared>>) target(%dma_start3A_1888 : memref<64x768xf32, #tpu.memory_space<hbm>>) target_semaphore(%arg11 : memref<!tpu.dma_semaphore, #tpu.memory_space<semaphore_mem>>)
    } else {
    }
    %mul3A_954 = arith.constant 4 : i32
    %mul3A_955 = arith.muli %arg1, %mul3A_954 : i32
    %add3A_956 = arith.constant 1 : i32
    %add3A_957 = arith.addi %mul3A_955, %add3A_956 : i32
    %add3A_958 = arith.constant 8 : i32
    %add3A_959 = arith.addi %add3A_958, %arg1 : i32
    %rem3A_960 = arith.constant 16 : i32
    %rem3A_961 = arith.remsi %add3A_959, %rem3A_960 : i32
    %mul3A_962 = arith.constant 1024 : i32
    %mul3A_963 = arith.muli %arg0, %mul3A_962 : i32
    %mul3A_964 = arith.constant 64 : i32
    %mul3A_965 = arith.muli %rem3A_961, %mul3A_964 : i32
    %add3A_966 = arith.addi %mul3A_963, %mul3A_965 : i32
    %mul3A_967 = arith.constant 2048 : i32
    %mul3A_968 = arith.muli %add3A_957, %mul3A_967 : i32
    %add3A_969 = arith.addi %mul3A_968, %add3A_966 : i32
    %add3A_970 = arith.constant 64 : i32
    %add3A_971 = arith.addi %add3A_966, %add3A_970 : i32
    %le3A_972 = arith.cmpi sle, %add3A_971, %squeeze3A_88 : i32
    %ge3A_973 = arith.cmpi sge, %add3A_966, %squeeze3A_88 : i32
    %convert_element_type3A_974 = arith.extui %le3A_972 : i1 to i32
    %cond3A_975 = arith.constant 0 : i32
    %cond3A_976 = arith.cmpi ne, %convert_element_type3A_974, %cond3A_975 : i32
    scf.if %cond3A_976 {
      %mul3A_1887 = arith.constant 64 : i32
      %mul3A_1888 = arith.muli %rem3A_961, %mul3A_1887 : i32
      %dma_start3A_1889 = arith.constant 0 : i32
      %dma_start3A_1890 = tpu.memref_slice %arg4[%add3A_969, %dma_start3A_1889] : memref<131072x768xf32, #tpu.memory_space<hbm>> -> memref<64x768xf32, #tpu.memory_space<hbm>>
      %dma_start3A_1891 = arith.constant 0 : i32
      %dma_start3A_1892 = tpu.memref_slice %arg8[%mul3A_1888, %dma_start3A_1891] : memref<1024x768xf32, #tpu.memory_space<vmem_shared>> -> memref<64x768xf32, #tpu.memory_space<vmem_shared>>
      tpu.enqueue_dma source(%dma_start3A_1892 : memref<64x768xf32, #tpu.memory_space<vmem_shared>>) target(%dma_start3A_1890 : memref<64x768xf32, #tpu.memory_space<hbm>>) target_semaphore(%arg11 : memref<!tpu.dma_semaphore, #tpu.memory_space<semaphore_mem>>)
    } else {
    }
    %convert_element_type3A_977 = arith.extui %ge3A_973 : i1 to i32
    %cond3A_978 = arith.constant 0 : i32
    %cond3A_979 = arith.cmpi ne, %convert_element_type3A_977, %cond3A_978 : i32
    scf.if %cond3A_979 {
      %dma_start3A_1887 = arith.constant 0 : i32
      %dma_start3A_1888 = tpu.memref_slice %arg4[%add3A_969, %dma_start3A_1887] : memref<131072x768xf32, #tpu.memory_space<hbm>> -> memref<64x768xf32, #tpu.memory_space<hbm>>
      tpu.enqueue_dma source(%arg9 : memref<64x768xf32, #tpu.memory_space<vmem_shared>>) target(%dma_start3A_1888 : memref<64x768xf32, #tpu.memory_space<hbm>>) target_semaphore(%arg11 : memref<!tpu.dma_semaphore, #tpu.memory_space<semaphore_mem>>)
    } else {
    }
    %mul3A_980 = arith.constant 4 : i32
    %mul3A_981 = arith.muli %arg1, %mul3A_980 : i32
    %add3A_982 = arith.constant 2 : i32
    %add3A_983 = arith.addi %mul3A_981, %add3A_982 : i32
    %add3A_984 = arith.constant 8 : i32
    %add3A_985 = arith.addi %add3A_984, %arg1 : i32
    %rem3A_986 = arith.constant 16 : i32
    %rem3A_987 = arith.remsi %add3A_985, %rem3A_986 : i32
    %mul3A_988 = arith.constant 1024 : i32
    %mul3A_989 = arith.muli %arg0, %mul3A_988 : i32
    %mul3A_990 = arith.constant 64 : i32
    %mul3A_991 = arith.muli %rem3A_987, %mul3A_990 : i32
    %add3A_992 = arith.addi %mul3A_989, %mul3A_991 : i32
    %mul3A_993 = arith.constant 2048 : i32
    %mul3A_994 = arith.muli %add3A_983, %mul3A_993 : i32
    %add3A_995 = arith.addi %mul3A_994, %add3A_992 : i32
    %add3A_996 = arith.constant 64 : i32
    %add3A_997 = arith.addi %add3A_992, %add3A_996 : i32
    %le3A_998 = arith.cmpi sle, %add3A_997, %squeeze3A_93 : i32
    %ge3A_999 = arith.cmpi sge, %add3A_992, %squeeze3A_93 : i32
    %convert_element_type3A_1000 = arith.extui %le3A_998 : i1 to i32
    %cond3A_1001 = arith.constant 0 : i32
    %cond3A_1002 = arith.cmpi ne, %convert_element_type3A_1000, %cond3A_1001 : i32
    scf.if %cond3A_1002 {
      %mul3A_1887 = arith.constant 64 : i32
      %mul3A_1888 = arith.muli %rem3A_987, %mul3A_1887 : i32
      %dma_start3A_1889 = arith.constant 0 : i32
      %dma_start3A_1890 = tpu.memref_slice %arg4[%add3A_995, %dma_start3A_1889] : memref<131072x768xf32, #tpu.memory_space<hbm>> -> memref<64x768xf32, #tpu.memory_space<hbm>>
      %dma_start3A_1891 = arith.constant 0 : i32
      %dma_start3A_1892 = tpu.memref_slice %arg8[%mul3A_1888, %dma_start3A_1891] : memref<1024x768xf32, #tpu.memory_space<vmem_shared>> -> memref<64x768xf32, #tpu.memory_space<vmem_shared>>
      tpu.enqueue_dma source(%dma_start3A_1892 : memref<64x768xf32, #tpu.memory_space<vmem_shared>>) target(%dma_start3A_1890 : memref<64x768xf32, #tpu.memory_space<hbm>>) target_semaphore(%arg11 : memref<!tpu.dma_semaphore, #tpu.memory_space<semaphore_mem>>)
    } else {
    }
    %convert_element_type3A_1003 = arith.extui %ge3A_999 : i1 to i32
    %cond3A_1004 = arith.constant 0 : i32
    %cond3A_1005 = arith.cmpi ne, %convert_element_type3A_1003, %cond3A_1004 : i32
    scf.if %cond3A_1005 {
      %dma_start3A_1887 = arith.constant 0 : i32
      %dma_start3A_1888 = tpu.memref_slice %arg4[%add3A_995, %dma_start3A_1887] : memref<131072x768xf32, #tpu.memory_space<hbm>> -> memref<64x768xf32, #tpu.memory_space<hbm>>
      tpu.enqueue_dma source(%arg9 : memref<64x768xf32, #tpu.memory_space<vmem_shared>>) target(%dma_start3A_1888 : memref<64x768xf32, #tpu.memory_space<hbm>>) target_semaphore(%arg11 : memref<!tpu.dma_semaphore, #tpu.memory_space<semaphore_mem>>)
    } else {
    }
    %mul3A_1006 = arith.constant 4 : i32
    %mul3A_1007 = arith.muli %arg1, %mul3A_1006 : i32
    %add3A_1008 = arith.constant 3 : i32
    %add3A_1009 = arith.addi %mul3A_1007, %add3A_1008 : i32
    %add3A_1010 = arith.constant 8 : i32
    %add3A_1011 = arith.addi %add3A_1010, %arg1 : i32
    %rem3A_1012 = arith.constant 16 : i32
    %rem3A_1013 = arith.remsi %add3A_1011, %rem3A_1012 : i32
    %mul3A_1014 = arith.constant 1024 : i32
    %mul3A_1015 = arith.muli %arg0, %mul3A_1014 : i32
    %mul3A_1016 = arith.constant 64 : i32
    %mul3A_1017 = arith.muli %rem3A_1013, %mul3A_1016 : i32
    %add3A_1018 = arith.addi %mul3A_1015, %mul3A_1017 : i32
    %mul3A_1019 = arith.constant 2048 : i32
    %mul3A_1020 = arith.muli %add3A_1009, %mul3A_1019 : i32
    %add3A_1021 = arith.addi %mul3A_1020, %add3A_1018 : i32
    %add3A_1022 = arith.constant 64 : i32
    %add3A_1023 = arith.addi %add3A_1018, %add3A_1022 : i32
    %le3A_1024 = arith.cmpi sle, %add3A_1023, %squeeze3A_98 : i32
    %ge3A_1025 = arith.cmpi sge, %add3A_1018, %squeeze3A_98 : i32
    %convert_element_type3A_1026 = arith.extui %le3A_1024 : i1 to i32
    %cond3A_1027 = arith.constant 0 : i32
    %cond3A_1028 = arith.cmpi ne, %convert_element_type3A_1026, %cond3A_1027 : i32
    scf.if %cond3A_1028 {
      %mul3A_1887 = arith.constant 64 : i32
      %mul3A_1888 = arith.muli %rem3A_1013, %mul3A_1887 : i32
      %dma_start3A_1889 = arith.constant 0 : i32
      %dma_start3A_1890 = tpu.memref_slice %arg4[%add3A_1021, %dma_start3A_1889] : memref<131072x768xf32, #tpu.memory_space<hbm>> -> memref<64x768xf32, #tpu.memory_space<hbm>>
      %dma_start3A_1891 = arith.constant 0 : i32
      %dma_start3A_1892 = tpu.memref_slice %arg8[%mul3A_1888, %dma_start3A_1891] : memref<1024x768xf32, #tpu.memory_space<vmem_shared>> -> memref<64x768xf32, #tpu.memory_space<vmem_shared>>
      tpu.enqueue_dma source(%dma_start3A_1892 : memref<64x768xf32, #tpu.memory_space<vmem_shared>>) target(%dma_start3A_1890 : memref<64x768xf32, #tpu.memory_space<hbm>>) target_semaphore(%arg11 : memref<!tpu.dma_semaphore, #tpu.memory_space<semaphore_mem>>)
    } else {
    }
    %convert_element_type3A_1029 = arith.extui %ge3A_1025 : i1 to i32
    %cond3A_1030 = arith.constant 0 : i32
    %cond3A_1031 = arith.cmpi ne, %convert_element_type3A_1029, %cond3A_1030 : i32
    scf.if %cond3A_1031 {
      %dma_start3A_1887 = arith.constant 0 : i32
      %dma_start3A_1888 = tpu.memref_slice %arg4[%add3A_1021, %dma_start3A_1887] : memref<131072x768xf32, #tpu.memory_space<hbm>> -> memref<64x768xf32, #tpu.memory_space<hbm>>
      tpu.enqueue_dma source(%arg9 : memref<64x768xf32, #tpu.memory_space<vmem_shared>>) target(%dma_start3A_1888 : memref<64x768xf32, #tpu.memory_space<hbm>>) target_semaphore(%arg11 : memref<!tpu.dma_semaphore, #tpu.memory_space<semaphore_mem>>)
    } else {
    }
    %mul3A_1032 = arith.constant 4 : i32
    %mul3A_1033 = arith.muli %arg1, %mul3A_1032 : i32
    %add3A_1034 = arith.constant 0 : i32
    %add3A_1035 = arith.addi %mul3A_1033, %add3A_1034 : i32
    %add3A_1036 = arith.constant 9 : i32
    %add3A_1037 = arith.addi %add3A_1036, %arg1 : i32
    %rem3A_1038 = arith.constant 16 : i32
    %rem3A_1039 = arith.remsi %add3A_1037, %rem3A_1038 : i32
    %mul3A_1040 = arith.constant 1024 : i32
    %mul3A_1041 = arith.muli %arg0, %mul3A_1040 : i32
    %mul3A_1042 = arith.constant 64 : i32
    %mul3A_1043 = arith.muli %rem3A_1039, %mul3A_1042 : i32
    %add3A_1044 = arith.addi %mul3A_1041, %mul3A_1043 : i32
    %mul3A_1045 = arith.constant 2048 : i32
    %mul3A_1046 = arith.muli %add3A_1035, %mul3A_1045 : i32
    %add3A_1047 = arith.addi %mul3A_1046, %add3A_1044 : i32
    %add3A_1048 = arith.constant 64 : i32
    %add3A_1049 = arith.addi %add3A_1044, %add3A_1048 : i32
    %le3A_1050 = arith.cmpi sle, %add3A_1049, %squeeze3A : i32
    %ge3A_1051 = arith.cmpi sge, %add3A_1044, %squeeze3A : i32
    %convert_element_type3A_1052 = arith.extui %le3A_1050 : i1 to i32
    %cond3A_1053 = arith.constant 0 : i32
    %cond3A_1054 = arith.cmpi ne, %convert_element_type3A_1052, %cond3A_1053 : i32
    scf.if %cond3A_1054 {
      %mul3A_1887 = arith.constant 64 : i32
      %mul3A_1888 = arith.muli %rem3A_1039, %mul3A_1887 : i32
      %dma_start3A_1889 = arith.constant 0 : i32
      %dma_start3A_1890 = tpu.memref_slice %arg4[%add3A_1047, %dma_start3A_1889] : memref<131072x768xf32, #tpu.memory_space<hbm>> -> memref<64x768xf32, #tpu.memory_space<hbm>>
      %dma_start3A_1891 = arith.constant 0 : i32
      %dma_start3A_1892 = tpu.memref_slice %arg8[%mul3A_1888, %dma_start3A_1891] : memref<1024x768xf32, #tpu.memory_space<vmem_shared>> -> memref<64x768xf32, #tpu.memory_space<vmem_shared>>
      tpu.enqueue_dma source(%dma_start3A_1892 : memref<64x768xf32, #tpu.memory_space<vmem_shared>>) target(%dma_start3A_1890 : memref<64x768xf32, #tpu.memory_space<hbm>>) target_semaphore(%arg11 : memref<!tpu.dma_semaphore, #tpu.memory_space<semaphore_mem>>)
    } else {
    }
    %convert_element_type3A_1055 = arith.extui %ge3A_1051 : i1 to i32
    %cond3A_1056 = arith.constant 0 : i32
    %cond3A_1057 = arith.cmpi ne, %convert_element_type3A_1055, %cond3A_1056 : i32
    scf.if %cond3A_1057 {
      %dma_start3A_1887 = arith.constant 0 : i32
      %dma_start3A_1888 = tpu.memref_slice %arg4[%add3A_1047, %dma_start3A_1887] : memref<131072x768xf32, #tpu.memory_space<hbm>> -> memref<64x768xf32, #tpu.memory_space<hbm>>
      tpu.enqueue_dma source(%arg9 : memref<64x768xf32, #tpu.memory_space<vmem_shared>>) target(%dma_start3A_1888 : memref<64x768xf32, #tpu.memory_space<hbm>>) target_semaphore(%arg11 : memref<!tpu.dma_semaphore, #tpu.memory_space<semaphore_mem>>)
    } else {
    }
    %mul3A_1058 = arith.constant 4 : i32
    %mul3A_1059 = arith.muli %arg1, %mul3A_1058 : i32
    %add3A_1060 = arith.constant 1 : i32
    %add3A_1061 = arith.addi %mul3A_1059, %add3A_1060 : i32
    %add3A_1062 = arith.constant 9 : i32
    %add3A_1063 = arith.addi %add3A_1062, %arg1 : i32
    %rem3A_1064 = arith.constant 16 : i32
    %rem3A_1065 = arith.remsi %add3A_1063, %rem3A_1064 : i32
    %mul3A_1066 = arith.constant 1024 : i32
    %mul3A_1067 = arith.muli %arg0, %mul3A_1066 : i32
    %mul3A_1068 = arith.constant 64 : i32
    %mul3A_1069 = arith.muli %rem3A_1065, %mul3A_1068 : i32
    %add3A_1070 = arith.addi %mul3A_1067, %mul3A_1069 : i32
    %mul3A_1071 = arith.constant 2048 : i32
    %mul3A_1072 = arith.muli %add3A_1061, %mul3A_1071 : i32
    %add3A_1073 = arith.addi %mul3A_1072, %add3A_1070 : i32
    %add3A_1074 = arith.constant 64 : i32
    %add3A_1075 = arith.addi %add3A_1070, %add3A_1074 : i32
    %le3A_1076 = arith.cmpi sle, %add3A_1075, %squeeze3A_88 : i32
    %ge3A_1077 = arith.cmpi sge, %add3A_1070, %squeeze3A_88 : i32
    %convert_element_type3A_1078 = arith.extui %le3A_1076 : i1 to i32
    %cond3A_1079 = arith.constant 0 : i32
    %cond3A_1080 = arith.cmpi ne, %convert_element_type3A_1078, %cond3A_1079 : i32
    scf.if %cond3A_1080 {
      %mul3A_1887 = arith.constant 64 : i32
      %mul3A_1888 = arith.muli %rem3A_1065, %mul3A_1887 : i32
      %dma_start3A_1889 = arith.constant 0 : i32
      %dma_start3A_1890 = tpu.memref_slice %arg4[%add3A_1073, %dma_start3A_1889] : memref<131072x768xf32, #tpu.memory_space<hbm>> -> memref<64x768xf32, #tpu.memory_space<hbm>>
      %dma_start3A_1891 = arith.constant 0 : i32
      %dma_start3A_1892 = tpu.memref_slice %arg8[%mul3A_1888, %dma_start3A_1891] : memref<1024x768xf32, #tpu.memory_space<vmem_shared>> -> memref<64x768xf32, #tpu.memory_space<vmem_shared>>
      tpu.enqueue_dma source(%dma_start3A_1892 : memref<64x768xf32, #tpu.memory_space<vmem_shared>>) target(%dma_start3A_1890 : memref<64x768xf32, #tpu.memory_space<hbm>>) target_semaphore(%arg11 : memref<!tpu.dma_semaphore, #tpu.memory_space<semaphore_mem>>)
    } else {
    }
    %convert_element_type3A_1081 = arith.extui %ge3A_1077 : i1 to i32
    %cond3A_1082 = arith.constant 0 : i32
    %cond3A_1083 = arith.cmpi ne, %convert_element_type3A_1081, %cond3A_1082 : i32
    scf.if %cond3A_1083 {
      %dma_start3A_1887 = arith.constant 0 : i32
      %dma_start3A_1888 = tpu.memref_slice %arg4[%add3A_1073, %dma_start3A_1887] : memref<131072x768xf32, #tpu.memory_space<hbm>> -> memref<64x768xf32, #tpu.memory_space<hbm>>
      tpu.enqueue_dma source(%arg9 : memref<64x768xf32, #tpu.memory_space<vmem_shared>>) target(%dma_start3A_1888 : memref<64x768xf32, #tpu.memory_space<hbm>>) target_semaphore(%arg11 : memref<!tpu.dma_semaphore, #tpu.memory_space<semaphore_mem>>)
    } else {
    }
    %mul3A_1084 = arith.constant 4 : i32
    %mul3A_1085 = arith.muli %arg1, %mul3A_1084 : i32
    %add3A_1086 = arith.constant 2 : i32
    %add3A_1087 = arith.addi %mul3A_1085, %add3A_1086 : i32
    %add3A_1088 = arith.constant 9 : i32
    %add3A_1089 = arith.addi %add3A_1088, %arg1 : i32
    %rem3A_1090 = arith.constant 16 : i32
    %rem3A_1091 = arith.remsi %add3A_1089, %rem3A_1090 : i32
    %mul3A_1092 = arith.constant 1024 : i32
    %mul3A_1093 = arith.muli %arg0, %mul3A_1092 : i32
    %mul3A_1094 = arith.constant 64 : i32
    %mul3A_1095 = arith.muli %rem3A_1091, %mul3A_1094 : i32
    %add3A_1096 = arith.addi %mul3A_1093, %mul3A_1095 : i32
    %mul3A_1097 = arith.constant 2048 : i32
    %mul3A_1098 = arith.muli %add3A_1087, %mul3A_1097 : i32
    %add3A_1099 = arith.addi %mul3A_1098, %add3A_1096 : i32
    %add3A_1100 = arith.constant 64 : i32
    %add3A_1101 = arith.addi %add3A_1096, %add3A_1100 : i32
    %le3A_1102 = arith.cmpi sle, %add3A_1101, %squeeze3A_93 : i32
    %ge3A_1103 = arith.cmpi sge, %add3A_1096, %squeeze3A_93 : i32
    %convert_element_type3A_1104 = arith.extui %le3A_1102 : i1 to i32
    %cond3A_1105 = arith.constant 0 : i32
    %cond3A_1106 = arith.cmpi ne, %convert_element_type3A_1104, %cond3A_1105 : i32
    scf.if %cond3A_1106 {
      %mul3A_1887 = arith.constant 64 : i32
      %mul3A_1888 = arith.muli %rem3A_1091, %mul3A_1887 : i32
      %dma_start3A_1889 = arith.constant 0 : i32
      %dma_start3A_1890 = tpu.memref_slice %arg4[%add3A_1099, %dma_start3A_1889] : memref<131072x768xf32, #tpu.memory_space<hbm>> -> memref<64x768xf32, #tpu.memory_space<hbm>>
      %dma_start3A_1891 = arith.constant 0 : i32
      %dma_start3A_1892 = tpu.memref_slice %arg8[%mul3A_1888, %dma_start3A_1891] : memref<1024x768xf32, #tpu.memory_space<vmem_shared>> -> memref<64x768xf32, #tpu.memory_space<vmem_shared>>
      tpu.enqueue_dma source(%dma_start3A_1892 : memref<64x768xf32, #tpu.memory_space<vmem_shared>>) target(%dma_start3A_1890 : memref<64x768xf32, #tpu.memory_space<hbm>>) target_semaphore(%arg11 : memref<!tpu.dma_semaphore, #tpu.memory_space<semaphore_mem>>)
    } else {
    }
    %convert_element_type3A_1107 = arith.extui %ge3A_1103 : i1 to i32
    %cond3A_1108 = arith.constant 0 : i32
    %cond3A_1109 = arith.cmpi ne, %convert_element_type3A_1107, %cond3A_1108 : i32
    scf.if %cond3A_1109 {
      %dma_start3A_1887 = arith.constant 0 : i32
      %dma_start3A_1888 = tpu.memref_slice %arg4[%add3A_1099, %dma_start3A_1887] : memref<131072x768xf32, #tpu.memory_space<hbm>> -> memref<64x768xf32, #tpu.memory_space<hbm>>
      tpu.enqueue_dma source(%arg9 : memref<64x768xf32, #tpu.memory_space<vmem_shared>>) target(%dma_start3A_1888 : memref<64x768xf32, #tpu.memory_space<hbm>>) target_semaphore(%arg11 : memref<!tpu.dma_semaphore, #tpu.memory_space<semaphore_mem>>)
    } else {
    }
    %mul3A_1110 = arith.constant 4 : i32
    %mul3A_1111 = arith.muli %arg1, %mul3A_1110 : i32
    %add3A_1112 = arith.constant 3 : i32
    %add3A_1113 = arith.addi %mul3A_1111, %add3A_1112 : i32
    %add3A_1114 = arith.constant 9 : i32
    %add3A_1115 = arith.addi %add3A_1114, %arg1 : i32
    %rem3A_1116 = arith.constant 16 : i32
    %rem3A_1117 = arith.remsi %add3A_1115, %rem3A_1116 : i32
    %mul3A_1118 = arith.constant 1024 : i32
    %mul3A_1119 = arith.muli %arg0, %mul3A_1118 : i32
    %mul3A_1120 = arith.constant 64 : i32
    %mul3A_1121 = arith.muli %rem3A_1117, %mul3A_1120 : i32
    %add3A_1122 = arith.addi %mul3A_1119, %mul3A_1121 : i32
    %mul3A_1123 = arith.constant 2048 : i32
    %mul3A_1124 = arith.muli %add3A_1113, %mul3A_1123 : i32
    %add3A_1125 = arith.addi %mul3A_1124, %add3A_1122 : i32
    %add3A_1126 = arith.constant 64 : i32
    %add3A_1127 = arith.addi %add3A_1122, %add3A_1126 : i32
    %le3A_1128 = arith.cmpi sle, %add3A_1127, %squeeze3A_98 : i32
    %ge3A_1129 = arith.cmpi sge, %add3A_1122, %squeeze3A_98 : i32
    %convert_element_type3A_1130 = arith.extui %le3A_1128 : i1 to i32
    %cond3A_1131 = arith.constant 0 : i32
    %cond3A_1132 = arith.cmpi ne, %convert_element_type3A_1130, %cond3A_1131 : i32
    scf.if %cond3A_1132 {
      %mul3A_1887 = arith.constant 64 : i32
      %mul3A_1888 = arith.muli %rem3A_1117, %mul3A_1887 : i32
      %dma_start3A_1889 = arith.constant 0 : i32
      %dma_start3A_1890 = tpu.memref_slice %arg4[%add3A_1125, %dma_start3A_1889] : memref<131072x768xf32, #tpu.memory_space<hbm>> -> memref<64x768xf32, #tpu.memory_space<hbm>>
      %dma_start3A_1891 = arith.constant 0 : i32
      %dma_start3A_1892 = tpu.memref_slice %arg8[%mul3A_1888, %dma_start3A_1891] : memref<1024x768xf32, #tpu.memory_space<vmem_shared>> -> memref<64x768xf32, #tpu.memory_space<vmem_shared>>
      tpu.enqueue_dma source(%dma_start3A_1892 : memref<64x768xf32, #tpu.memory_space<vmem_shared>>) target(%dma_start3A_1890 : memref<64x768xf32, #tpu.memory_space<hbm>>) target_semaphore(%arg11 : memref<!tpu.dma_semaphore, #tpu.memory_space<semaphore_mem>>)
    } else {
    }
    %convert_element_type3A_1133 = arith.extui %ge3A_1129 : i1 to i32
    %cond3A_1134 = arith.constant 0 : i32
    %cond3A_1135 = arith.cmpi ne, %convert_element_type3A_1133, %cond3A_1134 : i32
    scf.if %cond3A_1135 {
      %dma_start3A_1887 = arith.constant 0 : i32
      %dma_start3A_1888 = tpu.memref_slice %arg4[%add3A_1125, %dma_start3A_1887] : memref<131072x768xf32, #tpu.memory_space<hbm>> -> memref<64x768xf32, #tpu.memory_space<hbm>>
      tpu.enqueue_dma source(%arg9 : memref<64x768xf32, #tpu.memory_space<vmem_shared>>) target(%dma_start3A_1888 : memref<64x768xf32, #tpu.memory_space<hbm>>) target_semaphore(%arg11 : memref<!tpu.dma_semaphore, #tpu.memory_space<semaphore_mem>>)
    } else {
    }
    %mul3A_1136 = arith.constant 4 : i32
    %mul3A_1137 = arith.muli %arg1, %mul3A_1136 : i32
    %add3A_1138 = arith.constant 0 : i32
    %add3A_1139 = arith.addi %mul3A_1137, %add3A_1138 : i32
    %add3A_1140 = arith.constant 10 : i32
    %add3A_1141 = arith.addi %add3A_1140, %arg1 : i32
    %rem3A_1142 = arith.constant 16 : i32
    %rem3A_1143 = arith.remsi %add3A_1141, %rem3A_1142 : i32
    %mul3A_1144 = arith.constant 1024 : i32
    %mul3A_1145 = arith.muli %arg0, %mul3A_1144 : i32
    %mul3A_1146 = arith.constant 64 : i32
    %mul3A_1147 = arith.muli %rem3A_1143, %mul3A_1146 : i32
    %add3A_1148 = arith.addi %mul3A_1145, %mul3A_1147 : i32
    %mul3A_1149 = arith.constant 2048 : i32
    %mul3A_1150 = arith.muli %add3A_1139, %mul3A_1149 : i32
    %add3A_1151 = arith.addi %mul3A_1150, %add3A_1148 : i32
    %add3A_1152 = arith.constant 64 : i32
    %add3A_1153 = arith.addi %add3A_1148, %add3A_1152 : i32
    %le3A_1154 = arith.cmpi sle, %add3A_1153, %squeeze3A : i32
    %ge3A_1155 = arith.cmpi sge, %add3A_1148, %squeeze3A : i32
    %convert_element_type3A_1156 = arith.extui %le3A_1154 : i1 to i32
    %cond3A_1157 = arith.constant 0 : i32
    %cond3A_1158 = arith.cmpi ne, %convert_element_type3A_1156, %cond3A_1157 : i32
    scf.if %cond3A_1158 {
      %mul3A_1887 = arith.constant 64 : i32
      %mul3A_1888 = arith.muli %rem3A_1143, %mul3A_1887 : i32
      %dma_start3A_1889 = arith.constant 0 : i32
      %dma_start3A_1890 = tpu.memref_slice %arg4[%add3A_1151, %dma_start3A_1889] : memref<131072x768xf32, #tpu.memory_space<hbm>> -> memref<64x768xf32, #tpu.memory_space<hbm>>
      %dma_start3A_1891 = arith.constant 0 : i32
      %dma_start3A_1892 = tpu.memref_slice %arg8[%mul3A_1888, %dma_start3A_1891] : memref<1024x768xf32, #tpu.memory_space<vmem_shared>> -> memref<64x768xf32, #tpu.memory_space<vmem_shared>>
      tpu.enqueue_dma source(%dma_start3A_1892 : memref<64x768xf32, #tpu.memory_space<vmem_shared>>) target(%dma_start3A_1890 : memref<64x768xf32, #tpu.memory_space<hbm>>) target_semaphore(%arg11 : memref<!tpu.dma_semaphore, #tpu.memory_space<semaphore_mem>>)
    } else {
    }
    %convert_element_type3A_1159 = arith.extui %ge3A_1155 : i1 to i32
    %cond3A_1160 = arith.constant 0 : i32
    %cond3A_1161 = arith.cmpi ne, %convert_element_type3A_1159, %cond3A_1160 : i32
    scf.if %cond3A_1161 {
      %dma_start3A_1887 = arith.constant 0 : i32
      %dma_start3A_1888 = tpu.memref_slice %arg4[%add3A_1151, %dma_start3A_1887] : memref<131072x768xf32, #tpu.memory_space<hbm>> -> memref<64x768xf32, #tpu.memory_space<hbm>>
      tpu.enqueue_dma source(%arg9 : memref<64x768xf32, #tpu.memory_space<vmem_shared>>) target(%dma_start3A_1888 : memref<64x768xf32, #tpu.memory_space<hbm>>) target_semaphore(%arg11 : memref<!tpu.dma_semaphore, #tpu.memory_space<semaphore_mem>>)
    } else {
    }
    %mul3A_1162 = arith.constant 4 : i32
    %mul3A_1163 = arith.muli %arg1, %mul3A_1162 : i32
    %add3A_1164 = arith.constant 1 : i32
    %add3A_1165 = arith.addi %mul3A_1163, %add3A_1164 : i32
    %add3A_1166 = arith.constant 10 : i32
    %add3A_1167 = arith.addi %add3A_1166, %arg1 : i32
    %rem3A_1168 = arith.constant 16 : i32
    %rem3A_1169 = arith.remsi %add3A_1167, %rem3A_1168 : i32
    %mul3A_1170 = arith.constant 1024 : i32
    %mul3A_1171 = arith.muli %arg0, %mul3A_1170 : i32
    %mul3A_1172 = arith.constant 64 : i32
    %mul3A_1173 = arith.muli %rem3A_1169, %mul3A_1172 : i32
    %add3A_1174 = arith.addi %mul3A_1171, %mul3A_1173 : i32
    %mul3A_1175 = arith.constant 2048 : i32
    %mul3A_1176 = arith.muli %add3A_1165, %mul3A_1175 : i32
    %add3A_1177 = arith.addi %mul3A_1176, %add3A_1174 : i32
    %add3A_1178 = arith.constant 64 : i32
    %add3A_1179 = arith.addi %add3A_1174, %add3A_1178 : i32
    %le3A_1180 = arith.cmpi sle, %add3A_1179, %squeeze3A_88 : i32
    %ge3A_1181 = arith.cmpi sge, %add3A_1174, %squeeze3A_88 : i32
    %convert_element_type3A_1182 = arith.extui %le3A_1180 : i1 to i32
    %cond3A_1183 = arith.constant 0 : i32
    %cond3A_1184 = arith.cmpi ne, %convert_element_type3A_1182, %cond3A_1183 : i32
    scf.if %cond3A_1184 {
      %mul3A_1887 = arith.constant 64 : i32
      %mul3A_1888 = arith.muli %rem3A_1169, %mul3A_1887 : i32
      %dma_start3A_1889 = arith.constant 0 : i32
      %dma_start3A_1890 = tpu.memref_slice %arg4[%add3A_1177, %dma_start3A_1889] : memref<131072x768xf32, #tpu.memory_space<hbm>> -> memref<64x768xf32, #tpu.memory_space<hbm>>
      %dma_start3A_1891 = arith.constant 0 : i32
      %dma_start3A_1892 = tpu.memref_slice %arg8[%mul3A_1888, %dma_start3A_1891] : memref<1024x768xf32, #tpu.memory_space<vmem_shared>> -> memref<64x768xf32, #tpu.memory_space<vmem_shared>>
      tpu.enqueue_dma source(%dma_start3A_1892 : memref<64x768xf32, #tpu.memory_space<vmem_shared>>) target(%dma_start3A_1890 : memref<64x768xf32, #tpu.memory_space<hbm>>) target_semaphore(%arg11 : memref<!tpu.dma_semaphore, #tpu.memory_space<semaphore_mem>>)
    } else {
    }
    %convert_element_type3A_1185 = arith.extui %ge3A_1181 : i1 to i32
    %cond3A_1186 = arith.constant 0 : i32
    %cond3A_1187 = arith.cmpi ne, %convert_element_type3A_1185, %cond3A_1186 : i32
    scf.if %cond3A_1187 {
      %dma_start3A_1887 = arith.constant 0 : i32
      %dma_start3A_1888 = tpu.memref_slice %arg4[%add3A_1177, %dma_start3A_1887] : memref<131072x768xf32, #tpu.memory_space<hbm>> -> memref<64x768xf32, #tpu.memory_space<hbm>>
      tpu.enqueue_dma source(%arg9 : memref<64x768xf32, #tpu.memory_space<vmem_shared>>) target(%dma_start3A_1888 : memref<64x768xf32, #tpu.memory_space<hbm>>) target_semaphore(%arg11 : memref<!tpu.dma_semaphore, #tpu.memory_space<semaphore_mem>>)
    } else {
    }
    %mul3A_1188 = arith.constant 4 : i32
    %mul3A_1189 = arith.muli %arg1, %mul3A_1188 : i32
    %add3A_1190 = arith.constant 2 : i32
    %add3A_1191 = arith.addi %mul3A_1189, %add3A_1190 : i32
    %add3A_1192 = arith.constant 10 : i32
    %add3A_1193 = arith.addi %add3A_1192, %arg1 : i32
    %rem3A_1194 = arith.constant 16 : i32
    %rem3A_1195 = arith.remsi %add3A_1193, %rem3A_1194 : i32
    %mul3A_1196 = arith.constant 1024 : i32
    %mul3A_1197 = arith.muli %arg0, %mul3A_1196 : i32
    %mul3A_1198 = arith.constant 64 : i32
    %mul3A_1199 = arith.muli %rem3A_1195, %mul3A_1198 : i32
    %add3A_1200 = arith.addi %mul3A_1197, %mul3A_1199 : i32
    %mul3A_1201 = arith.constant 2048 : i32
    %mul3A_1202 = arith.muli %add3A_1191, %mul3A_1201 : i32
    %add3A_1203 = arith.addi %mul3A_1202, %add3A_1200 : i32
    %add3A_1204 = arith.constant 64 : i32
    %add3A_1205 = arith.addi %add3A_1200, %add3A_1204 : i32
    %le3A_1206 = arith.cmpi sle, %add3A_1205, %squeeze3A_93 : i32
    %ge3A_1207 = arith.cmpi sge, %add3A_1200, %squeeze3A_93 : i32
    %convert_element_type3A_1208 = arith.extui %le3A_1206 : i1 to i32
    %cond3A_1209 = arith.constant 0 : i32
    %cond3A_1210 = arith.cmpi ne, %convert_element_type3A_1208, %cond3A_1209 : i32
    scf.if %cond3A_1210 {
      %mul3A_1887 = arith.constant 64 : i32
      %mul3A_1888 = arith.muli %rem3A_1195, %mul3A_1887 : i32
      %dma_start3A_1889 = arith.constant 0 : i32
      %dma_start3A_1890 = tpu.memref_slice %arg4[%add3A_1203, %dma_start3A_1889] : memref<131072x768xf32, #tpu.memory_space<hbm>> -> memref<64x768xf32, #tpu.memory_space<hbm>>
      %dma_start3A_1891 = arith.constant 0 : i32
      %dma_start3A_1892 = tpu.memref_slice %arg8[%mul3A_1888, %dma_start3A_1891] : memref<1024x768xf32, #tpu.memory_space<vmem_shared>> -> memref<64x768xf32, #tpu.memory_space<vmem_shared>>
      tpu.enqueue_dma source(%dma_start3A_1892 : memref<64x768xf32, #tpu.memory_space<vmem_shared>>) target(%dma_start3A_1890 : memref<64x768xf32, #tpu.memory_space<hbm>>) target_semaphore(%arg11 : memref<!tpu.dma_semaphore, #tpu.memory_space<semaphore_mem>>)
    } else {
    }
    %convert_element_type3A_1211 = arith.extui %ge3A_1207 : i1 to i32
    %cond3A_1212 = arith.constant 0 : i32
    %cond3A_1213 = arith.cmpi ne, %convert_element_type3A_1211, %cond3A_1212 : i32
    scf.if %cond3A_1213 {
      %dma_start3A_1887 = arith.constant 0 : i32
      %dma_start3A_1888 = tpu.memref_slice %arg4[%add3A_1203, %dma_start3A_1887] : memref<131072x768xf32, #tpu.memory_space<hbm>> -> memref<64x768xf32, #tpu.memory_space<hbm>>
      tpu.enqueue_dma source(%arg9 : memref<64x768xf32, #tpu.memory_space<vmem_shared>>) target(%dma_start3A_1888 : memref<64x768xf32, #tpu.memory_space<hbm>>) target_semaphore(%arg11 : memref<!tpu.dma_semaphore, #tpu.memory_space<semaphore_mem>>)
    } else {
    }
    %mul3A_1214 = arith.constant 4 : i32
    %mul3A_1215 = arith.muli %arg1, %mul3A_1214 : i32
    %add3A_1216 = arith.constant 3 : i32
    %add3A_1217 = arith.addi %mul3A_1215, %add3A_1216 : i32
    %add3A_1218 = arith.constant 10 : i32
    %add3A_1219 = arith.addi %add3A_1218, %arg1 : i32
    %rem3A_1220 = arith.constant 16 : i32
    %rem3A_1221 = arith.remsi %add3A_1219, %rem3A_1220 : i32
    %mul3A_1222 = arith.constant 1024 : i32
    %mul3A_1223 = arith.muli %arg0, %mul3A_1222 : i32
    %mul3A_1224 = arith.constant 64 : i32
    %mul3A_1225 = arith.muli %rem3A_1221, %mul3A_1224 : i32
    %add3A_1226 = arith.addi %mul3A_1223, %mul3A_1225 : i32
    %mul3A_1227 = arith.constant 2048 : i32
    %mul3A_1228 = arith.muli %add3A_1217, %mul3A_1227 : i32
    %add3A_1229 = arith.addi %mul3A_1228, %add3A_1226 : i32
    %add3A_1230 = arith.constant 64 : i32
    %add3A_1231 = arith.addi %add3A_1226, %add3A_1230 : i32
    %le3A_1232 = arith.cmpi sle, %add3A_1231, %squeeze3A_98 : i32
    %ge3A_1233 = arith.cmpi sge, %add3A_1226, %squeeze3A_98 : i32
    %convert_element_type3A_1234 = arith.extui %le3A_1232 : i1 to i32
    %cond3A_1235 = arith.constant 0 : i32
    %cond3A_1236 = arith.cmpi ne, %convert_element_type3A_1234, %cond3A_1235 : i32
    scf.if %cond3A_1236 {
      %mul3A_1887 = arith.constant 64 : i32
      %mul3A_1888 = arith.muli %rem3A_1221, %mul3A_1887 : i32
      %dma_start3A_1889 = arith.constant 0 : i32
      %dma_start3A_1890 = tpu.memref_slice %arg4[%add3A_1229, %dma_start3A_1889] : memref<131072x768xf32, #tpu.memory_space<hbm>> -> memref<64x768xf32, #tpu.memory_space<hbm>>
      %dma_start3A_1891 = arith.constant 0 : i32
      %dma_start3A_1892 = tpu.memref_slice %arg8[%mul3A_1888, %dma_start3A_1891] : memref<1024x768xf32, #tpu.memory_space<vmem_shared>> -> memref<64x768xf32, #tpu.memory_space<vmem_shared>>
      tpu.enqueue_dma source(%dma_start3A_1892 : memref<64x768xf32, #tpu.memory_space<vmem_shared>>) target(%dma_start3A_1890 : memref<64x768xf32, #tpu.memory_space<hbm>>) target_semaphore(%arg11 : memref<!tpu.dma_semaphore, #tpu.memory_space<semaphore_mem>>)
    } else {
    }
    %convert_element_type3A_1237 = arith.extui %ge3A_1233 : i1 to i32
    %cond3A_1238 = arith.constant 0 : i32
    %cond3A_1239 = arith.cmpi ne, %convert_element_type3A_1237, %cond3A_1238 : i32
    scf.if %cond3A_1239 {
      %dma_start3A_1887 = arith.constant 0 : i32
      %dma_start3A_1888 = tpu.memref_slice %arg4[%add3A_1229, %dma_start3A_1887] : memref<131072x768xf32, #tpu.memory_space<hbm>> -> memref<64x768xf32, #tpu.memory_space<hbm>>
      tpu.enqueue_dma source(%arg9 : memref<64x768xf32, #tpu.memory_space<vmem_shared>>) target(%dma_start3A_1888 : memref<64x768xf32, #tpu.memory_space<hbm>>) target_semaphore(%arg11 : memref<!tpu.dma_semaphore, #tpu.memory_space<semaphore_mem>>)
    } else {
    }
    %mul3A_1240 = arith.constant 4 : i32
    %mul3A_1241 = arith.muli %arg1, %mul3A_1240 : i32
    %add3A_1242 = arith.constant 0 : i32
    %add3A_1243 = arith.addi %mul3A_1241, %add3A_1242 : i32
    %add3A_1244 = arith.constant 11 : i32
    %add3A_1245 = arith.addi %add3A_1244, %arg1 : i32
    %rem3A_1246 = arith.constant 16 : i32
    %rem3A_1247 = arith.remsi %add3A_1245, %rem3A_1246 : i32
    %mul3A_1248 = arith.constant 1024 : i32
    %mul3A_1249 = arith.muli %arg0, %mul3A_1248 : i32
    %mul3A_1250 = arith.constant 64 : i32
    %mul3A_1251 = arith.muli %rem3A_1247, %mul3A_1250 : i32
    %add3A_1252 = arith.addi %mul3A_1249, %mul3A_1251 : i32
    %mul3A_1253 = arith.constant 2048 : i32
    %mul3A_1254 = arith.muli %add3A_1243, %mul3A_1253 : i32
    %add3A_1255 = arith.addi %mul3A_1254, %add3A_1252 : i32
    %add3A_1256 = arith.constant 64 : i32
    %add3A_1257 = arith.addi %add3A_1252, %add3A_1256 : i32
    %le3A_1258 = arith.cmpi sle, %add3A_1257, %squeeze3A : i32
    %ge3A_1259 = arith.cmpi sge, %add3A_1252, %squeeze3A : i32
    %convert_element_type3A_1260 = arith.extui %le3A_1258 : i1 to i32
    %cond3A_1261 = arith.constant 0 : i32
    %cond3A_1262 = arith.cmpi ne, %convert_element_type3A_1260, %cond3A_1261 : i32
    scf.if %cond3A_1262 {
      %mul3A_1887 = arith.constant 64 : i32
      %mul3A_1888 = arith.muli %rem3A_1247, %mul3A_1887 : i32
      %dma_start3A_1889 = arith.constant 0 : i32
      %dma_start3A_1890 = tpu.memref_slice %arg4[%add3A_1255, %dma_start3A_1889] : memref<131072x768xf32, #tpu.memory_space<hbm>> -> memref<64x768xf32, #tpu.memory_space<hbm>>
      %dma_start3A_1891 = arith.constant 0 : i32
      %dma_start3A_1892 = tpu.memref_slice %arg8[%mul3A_1888, %dma_start3A_1891] : memref<1024x768xf32, #tpu.memory_space<vmem_shared>> -> memref<64x768xf32, #tpu.memory_space<vmem_shared>>
      tpu.enqueue_dma source(%dma_start3A_1892 : memref<64x768xf32, #tpu.memory_space<vmem_shared>>) target(%dma_start3A_1890 : memref<64x768xf32, #tpu.memory_space<hbm>>) target_semaphore(%arg11 : memref<!tpu.dma_semaphore, #tpu.memory_space<semaphore_mem>>)
    } else {
    }
    %convert_element_type3A_1263 = arith.extui %ge3A_1259 : i1 to i32
    %cond3A_1264 = arith.constant 0 : i32
    %cond3A_1265 = arith.cmpi ne, %convert_element_type3A_1263, %cond3A_1264 : i32
    scf.if %cond3A_1265 {
      %dma_start3A_1887 = arith.constant 0 : i32
      %dma_start3A_1888 = tpu.memref_slice %arg4[%add3A_1255, %dma_start3A_1887] : memref<131072x768xf32, #tpu.memory_space<hbm>> -> memref<64x768xf32, #tpu.memory_space<hbm>>
      tpu.enqueue_dma source(%arg9 : memref<64x768xf32, #tpu.memory_space<vmem_shared>>) target(%dma_start3A_1888 : memref<64x768xf32, #tpu.memory_space<hbm>>) target_semaphore(%arg11 : memref<!tpu.dma_semaphore, #tpu.memory_space<semaphore_mem>>)
    } else {
    }
    %mul3A_1266 = arith.constant 4 : i32
    %mul3A_1267 = arith.muli %arg1, %mul3A_1266 : i32
    %add3A_1268 = arith.constant 1 : i32
    %add3A_1269 = arith.addi %mul3A_1267, %add3A_1268 : i32
    %add3A_1270 = arith.constant 11 : i32
    %add3A_1271 = arith.addi %add3A_1270, %arg1 : i32
    %rem3A_1272 = arith.constant 16 : i32
    %rem3A_1273 = arith.remsi %add3A_1271, %rem3A_1272 : i32
    %mul3A_1274 = arith.constant 1024 : i32
    %mul3A_1275 = arith.muli %arg0, %mul3A_1274 : i32
    %mul3A_1276 = arith.constant 64 : i32
    %mul3A_1277 = arith.muli %rem3A_1273, %mul3A_1276 : i32
    %add3A_1278 = arith.addi %mul3A_1275, %mul3A_1277 : i32
    %mul3A_1279 = arith.constant 2048 : i32
    %mul3A_1280 = arith.muli %add3A_1269, %mul3A_1279 : i32
    %add3A_1281 = arith.addi %mul3A_1280, %add3A_1278 : i32
    %add3A_1282 = arith.constant 64 : i32
    %add3A_1283 = arith.addi %add3A_1278, %add3A_1282 : i32
    %le3A_1284 = arith.cmpi sle, %add3A_1283, %squeeze3A_88 : i32
    %ge3A_1285 = arith.cmpi sge, %add3A_1278, %squeeze3A_88 : i32
    %convert_element_type3A_1286 = arith.extui %le3A_1284 : i1 to i32
    %cond3A_1287 = arith.constant 0 : i32
    %cond3A_1288 = arith.cmpi ne, %convert_element_type3A_1286, %cond3A_1287 : i32
    scf.if %cond3A_1288 {
      %mul3A_1887 = arith.constant 64 : i32
      %mul3A_1888 = arith.muli %rem3A_1273, %mul3A_1887 : i32
      %dma_start3A_1889 = arith.constant 0 : i32
      %dma_start3A_1890 = tpu.memref_slice %arg4[%add3A_1281, %dma_start3A_1889] : memref<131072x768xf32, #tpu.memory_space<hbm>> -> memref<64x768xf32, #tpu.memory_space<hbm>>
      %dma_start3A_1891 = arith.constant 0 : i32
      %dma_start3A_1892 = tpu.memref_slice %arg8[%mul3A_1888, %dma_start3A_1891] : memref<1024x768xf32, #tpu.memory_space<vmem_shared>> -> memref<64x768xf32, #tpu.memory_space<vmem_shared>>
      tpu.enqueue_dma source(%dma_start3A_1892 : memref<64x768xf32, #tpu.memory_space<vmem_shared>>) target(%dma_start3A_1890 : memref<64x768xf32, #tpu.memory_space<hbm>>) target_semaphore(%arg11 : memref<!tpu.dma_semaphore, #tpu.memory_space<semaphore_mem>>)
    } else {
    }
    %convert_element_type3A_1289 = arith.extui %ge3A_1285 : i1 to i32
    %cond3A_1290 = arith.constant 0 : i32
    %cond3A_1291 = arith.cmpi ne, %convert_element_type3A_1289, %cond3A_1290 : i32
    scf.if %cond3A_1291 {
      %dma_start3A_1887 = arith.constant 0 : i32
      %dma_start3A_1888 = tpu.memref_slice %arg4[%add3A_1281, %dma_start3A_1887] : memref<131072x768xf32, #tpu.memory_space<hbm>> -> memref<64x768xf32, #tpu.memory_space<hbm>>
      tpu.enqueue_dma source(%arg9 : memref<64x768xf32, #tpu.memory_space<vmem_shared>>) target(%dma_start3A_1888 : memref<64x768xf32, #tpu.memory_space<hbm>>) target_semaphore(%arg11 : memref<!tpu.dma_semaphore, #tpu.memory_space<semaphore_mem>>)
    } else {
    }
    %mul3A_1292 = arith.constant 4 : i32
    %mul3A_1293 = arith.muli %arg1, %mul3A_1292 : i32
    %add3A_1294 = arith.constant 2 : i32
    %add3A_1295 = arith.addi %mul3A_1293, %add3A_1294 : i32
    %add3A_1296 = arith.constant 11 : i32
    %add3A_1297 = arith.addi %add3A_1296, %arg1 : i32
    %rem3A_1298 = arith.constant 16 : i32
    %rem3A_1299 = arith.remsi %add3A_1297, %rem3A_1298 : i32
    %mul3A_1300 = arith.constant 1024 : i32
    %mul3A_1301 = arith.muli %arg0, %mul3A_1300 : i32
    %mul3A_1302 = arith.constant 64 : i32
    %mul3A_1303 = arith.muli %rem3A_1299, %mul3A_1302 : i32
    %add3A_1304 = arith.addi %mul3A_1301, %mul3A_1303 : i32
    %mul3A_1305 = arith.constant 2048 : i32
    %mul3A_1306 = arith.muli %add3A_1295, %mul3A_1305 : i32
    %add3A_1307 = arith.addi %mul3A_1306, %add3A_1304 : i32
    %add3A_1308 = arith.constant 64 : i32
    %add3A_1309 = arith.addi %add3A_1304, %add3A_1308 : i32
    %le3A_1310 = arith.cmpi sle, %add3A_1309, %squeeze3A_93 : i32
    %ge3A_1311 = arith.cmpi sge, %add3A_1304, %squeeze3A_93 : i32
    %convert_element_type3A_1312 = arith.extui %le3A_1310 : i1 to i32
    %cond3A_1313 = arith.constant 0 : i32
    %cond3A_1314 = arith.cmpi ne, %convert_element_type3A_1312, %cond3A_1313 : i32
    scf.if %cond3A_1314 {
      %mul3A_1887 = arith.constant 64 : i32
      %mul3A_1888 = arith.muli %rem3A_1299, %mul3A_1887 : i32
      %dma_start3A_1889 = arith.constant 0 : i32
      %dma_start3A_1890 = tpu.memref_slice %arg4[%add3A_1307, %dma_start3A_1889] : memref<131072x768xf32, #tpu.memory_space<hbm>> -> memref<64x768xf32, #tpu.memory_space<hbm>>
      %dma_start3A_1891 = arith.constant 0 : i32
      %dma_start3A_1892 = tpu.memref_slice %arg8[%mul3A_1888, %dma_start3A_1891] : memref<1024x768xf32, #tpu.memory_space<vmem_shared>> -> memref<64x768xf32, #tpu.memory_space<vmem_shared>>
      tpu.enqueue_dma source(%dma_start3A_1892 : memref<64x768xf32, #tpu.memory_space<vmem_shared>>) target(%dma_start3A_1890 : memref<64x768xf32, #tpu.memory_space<hbm>>) target_semaphore(%arg11 : memref<!tpu.dma_semaphore, #tpu.memory_space<semaphore_mem>>)
    } else {
    }
    %convert_element_type3A_1315 = arith.extui %ge3A_1311 : i1 to i32
    %cond3A_1316 = arith.constant 0 : i32
    %cond3A_1317 = arith.cmpi ne, %convert_element_type3A_1315, %cond3A_1316 : i32
    scf.if %cond3A_1317 {
      %dma_start3A_1887 = arith.constant 0 : i32
      %dma_start3A_1888 = tpu.memref_slice %arg4[%add3A_1307, %dma_start3A_1887] : memref<131072x768xf32, #tpu.memory_space<hbm>> -> memref<64x768xf32, #tpu.memory_space<hbm>>
      tpu.enqueue_dma source(%arg9 : memref<64x768xf32, #tpu.memory_space<vmem_shared>>) target(%dma_start3A_1888 : memref<64x768xf32, #tpu.memory_space<hbm>>) target_semaphore(%arg11 : memref<!tpu.dma_semaphore, #tpu.memory_space<semaphore_mem>>)
    } else {
    }
    %mul3A_1318 = arith.constant 4 : i32
    %mul3A_1319 = arith.muli %arg1, %mul3A_1318 : i32
    %add3A_1320 = arith.constant 3 : i32
    %add3A_1321 = arith.addi %mul3A_1319, %add3A_1320 : i32
    %add3A_1322 = arith.constant 11 : i32
    %add3A_1323 = arith.addi %add3A_1322, %arg1 : i32
    %rem3A_1324 = arith.constant 16 : i32
    %rem3A_1325 = arith.remsi %add3A_1323, %rem3A_1324 : i32
    %mul3A_1326 = arith.constant 1024 : i32
    %mul3A_1327 = arith.muli %arg0, %mul3A_1326 : i32
    %mul3A_1328 = arith.constant 64 : i32
    %mul3A_1329 = arith.muli %rem3A_1325, %mul3A_1328 : i32
    %add3A_1330 = arith.addi %mul3A_1327, %mul3A_1329 : i32
    %mul3A_1331 = arith.constant 2048 : i32
    %mul3A_1332 = arith.muli %add3A_1321, %mul3A_1331 : i32
    %add3A_1333 = arith.addi %mul3A_1332, %add3A_1330 : i32
    %add3A_1334 = arith.constant 64 : i32
    %add3A_1335 = arith.addi %add3A_1330, %add3A_1334 : i32
    %le3A_1336 = arith.cmpi sle, %add3A_1335, %squeeze3A_98 : i32
    %ge3A_1337 = arith.cmpi sge, %add3A_1330, %squeeze3A_98 : i32
    %convert_element_type3A_1338 = arith.extui %le3A_1336 : i1 to i32
    %cond3A_1339 = arith.constant 0 : i32
    %cond3A_1340 = arith.cmpi ne, %convert_element_type3A_1338, %cond3A_1339 : i32
    scf.if %cond3A_1340 {
      %mul3A_1887 = arith.constant 64 : i32
      %mul3A_1888 = arith.muli %rem3A_1325, %mul3A_1887 : i32
      %dma_start3A_1889 = arith.constant 0 : i32
      %dma_start3A_1890 = tpu.memref_slice %arg4[%add3A_1333, %dma_start3A_1889] : memref<131072x768xf32, #tpu.memory_space<hbm>> -> memref<64x768xf32, #tpu.memory_space<hbm>>
      %dma_start3A_1891 = arith.constant 0 : i32
      %dma_start3A_1892 = tpu.memref_slice %arg8[%mul3A_1888, %dma_start3A_1891] : memref<1024x768xf32, #tpu.memory_space<vmem_shared>> -> memref<64x768xf32, #tpu.memory_space<vmem_shared>>
      tpu.enqueue_dma source(%dma_start3A_1892 : memref<64x768xf32, #tpu.memory_space<vmem_shared>>) target(%dma_start3A_1890 : memref<64x768xf32, #tpu.memory_space<hbm>>) target_semaphore(%arg11 : memref<!tpu.dma_semaphore, #tpu.memory_space<semaphore_mem>>)
    } else {
    }
    %convert_element_type3A_1341 = arith.extui %ge3A_1337 : i1 to i32
    %cond3A_1342 = arith.constant 0 : i32
    %cond3A_1343 = arith.cmpi ne, %convert_element_type3A_1341, %cond3A_1342 : i32
    scf.if %cond3A_1343 {
      %dma_start3A_1887 = arith.constant 0 : i32
      %dma_start3A_1888 = tpu.memref_slice %arg4[%add3A_1333, %dma_start3A_1887] : memref<131072x768xf32, #tpu.memory_space<hbm>> -> memref<64x768xf32, #tpu.memory_space<hbm>>
      tpu.enqueue_dma source(%arg9 : memref<64x768xf32, #tpu.memory_space<vmem_shared>>) target(%dma_start3A_1888 : memref<64x768xf32, #tpu.memory_space<hbm>>) target_semaphore(%arg11 : memref<!tpu.dma_semaphore, #tpu.memory_space<semaphore_mem>>)
    } else {
    }
    %mul3A_1344 = arith.constant 4 : i32
    %mul3A_1345 = arith.muli %arg1, %mul3A_1344 : i32
    %add3A_1346 = arith.constant 0 : i32
    %add3A_1347 = arith.addi %mul3A_1345, %add3A_1346 : i32
    %add3A_1348 = arith.constant 12 : i32
    %add3A_1349 = arith.addi %add3A_1348, %arg1 : i32
    %rem3A_1350 = arith.constant 16 : i32
    %rem3A_1351 = arith.remsi %add3A_1349, %rem3A_1350 : i32
    %mul3A_1352 = arith.constant 1024 : i32
    %mul3A_1353 = arith.muli %arg0, %mul3A_1352 : i32
    %mul3A_1354 = arith.constant 64 : i32
    %mul3A_1355 = arith.muli %rem3A_1351, %mul3A_1354 : i32
    %add3A_1356 = arith.addi %mul3A_1353, %mul3A_1355 : i32
    %mul3A_1357 = arith.constant 2048 : i32
    %mul3A_1358 = arith.muli %add3A_1347, %mul3A_1357 : i32
    %add3A_1359 = arith.addi %mul3A_1358, %add3A_1356 : i32
    %add3A_1360 = arith.constant 64 : i32
    %add3A_1361 = arith.addi %add3A_1356, %add3A_1360 : i32
    %le3A_1362 = arith.cmpi sle, %add3A_1361, %squeeze3A : i32
    %ge3A_1363 = arith.cmpi sge, %add3A_1356, %squeeze3A : i32
    %convert_element_type3A_1364 = arith.extui %le3A_1362 : i1 to i32
    %cond3A_1365 = arith.constant 0 : i32
    %cond3A_1366 = arith.cmpi ne, %convert_element_type3A_1364, %cond3A_1365 : i32
    scf.if %cond3A_1366 {
      %mul3A_1887 = arith.constant 64 : i32
      %mul3A_1888 = arith.muli %rem3A_1351, %mul3A_1887 : i32
      %dma_start3A_1889 = arith.constant 0 : i32
      %dma_start3A_1890 = tpu.memref_slice %arg4[%add3A_1359, %dma_start3A_1889] : memref<131072x768xf32, #tpu.memory_space<hbm>> -> memref<64x768xf32, #tpu.memory_space<hbm>>
      %dma_start3A_1891 = arith.constant 0 : i32
      %dma_start3A_1892 = tpu.memref_slice %arg8[%mul3A_1888, %dma_start3A_1891] : memref<1024x768xf32, #tpu.memory_space<vmem_shared>> -> memref<64x768xf32, #tpu.memory_space<vmem_shared>>
      tpu.enqueue_dma source(%dma_start3A_1892 : memref<64x768xf32, #tpu.memory_space<vmem_shared>>) target(%dma_start3A_1890 : memref<64x768xf32, #tpu.memory_space<hbm>>) target_semaphore(%arg11 : memref<!tpu.dma_semaphore, #tpu.memory_space<semaphore_mem>>)
    } else {
    }
    %convert_element_type3A_1367 = arith.extui %ge3A_1363 : i1 to i32
    %cond3A_1368 = arith.constant 0 : i32
    %cond3A_1369 = arith.cmpi ne, %convert_element_type3A_1367, %cond3A_1368 : i32
    scf.if %cond3A_1369 {
      %dma_start3A_1887 = arith.constant 0 : i32
      %dma_start3A_1888 = tpu.memref_slice %arg4[%add3A_1359, %dma_start3A_1887] : memref<131072x768xf32, #tpu.memory_space<hbm>> -> memref<64x768xf32, #tpu.memory_space<hbm>>
      tpu.enqueue_dma source(%arg9 : memref<64x768xf32, #tpu.memory_space<vmem_shared>>) target(%dma_start3A_1888 : memref<64x768xf32, #tpu.memory_space<hbm>>) target_semaphore(%arg11 : memref<!tpu.dma_semaphore, #tpu.memory_space<semaphore_mem>>)
    } else {
    }
    %mul3A_1370 = arith.constant 4 : i32
    %mul3A_1371 = arith.muli %arg1, %mul3A_1370 : i32
    %add3A_1372 = arith.constant 1 : i32
    %add3A_1373 = arith.addi %mul3A_1371, %add3A_1372 : i32
    %add3A_1374 = arith.constant 12 : i32
    %add3A_1375 = arith.addi %add3A_1374, %arg1 : i32
    %rem3A_1376 = arith.constant 16 : i32
    %rem3A_1377 = arith.remsi %add3A_1375, %rem3A_1376 : i32
    %mul3A_1378 = arith.constant 1024 : i32
    %mul3A_1379 = arith.muli %arg0, %mul3A_1378 : i32
    %mul3A_1380 = arith.constant 64 : i32
    %mul3A_1381 = arith.muli %rem3A_1377, %mul3A_1380 : i32
    %add3A_1382 = arith.addi %mul3A_1379, %mul3A_1381 : i32
    %mul3A_1383 = arith.constant 2048 : i32
    %mul3A_1384 = arith.muli %add3A_1373, %mul3A_1383 : i32
    %add3A_1385 = arith.addi %mul3A_1384, %add3A_1382 : i32
    %add3A_1386 = arith.constant 64 : i32
    %add3A_1387 = arith.addi %add3A_1382, %add3A_1386 : i32
    %le3A_1388 = arith.cmpi sle, %add3A_1387, %squeeze3A_88 : i32
    %ge3A_1389 = arith.cmpi sge, %add3A_1382, %squeeze3A_88 : i32
    %convert_element_type3A_1390 = arith.extui %le3A_1388 : i1 to i32
    %cond3A_1391 = arith.constant 0 : i32
    %cond3A_1392 = arith.cmpi ne, %convert_element_type3A_1390, %cond3A_1391 : i32
    scf.if %cond3A_1392 {
      %mul3A_1887 = arith.constant 64 : i32
      %mul3A_1888 = arith.muli %rem3A_1377, %mul3A_1887 : i32
      %dma_start3A_1889 = arith.constant 0 : i32
      %dma_start3A_1890 = tpu.memref_slice %arg4[%add3A_1385, %dma_start3A_1889] : memref<131072x768xf32, #tpu.memory_space<hbm>> -> memref<64x768xf32, #tpu.memory_space<hbm>>
      %dma_start3A_1891 = arith.constant 0 : i32
      %dma_start3A_1892 = tpu.memref_slice %arg8[%mul3A_1888, %dma_start3A_1891] : memref<1024x768xf32, #tpu.memory_space<vmem_shared>> -> memref<64x768xf32, #tpu.memory_space<vmem_shared>>
      tpu.enqueue_dma source(%dma_start3A_1892 : memref<64x768xf32, #tpu.memory_space<vmem_shared>>) target(%dma_start3A_1890 : memref<64x768xf32, #tpu.memory_space<hbm>>) target_semaphore(%arg11 : memref<!tpu.dma_semaphore, #tpu.memory_space<semaphore_mem>>)
    } else {
    }
    %convert_element_type3A_1393 = arith.extui %ge3A_1389 : i1 to i32
    %cond3A_1394 = arith.constant 0 : i32
    %cond3A_1395 = arith.cmpi ne, %convert_element_type3A_1393, %cond3A_1394 : i32
    scf.if %cond3A_1395 {
      %dma_start3A_1887 = arith.constant 0 : i32
      %dma_start3A_1888 = tpu.memref_slice %arg4[%add3A_1385, %dma_start3A_1887] : memref<131072x768xf32, #tpu.memory_space<hbm>> -> memref<64x768xf32, #tpu.memory_space<hbm>>
      tpu.enqueue_dma source(%arg9 : memref<64x768xf32, #tpu.memory_space<vmem_shared>>) target(%dma_start3A_1888 : memref<64x768xf32, #tpu.memory_space<hbm>>) target_semaphore(%arg11 : memref<!tpu.dma_semaphore, #tpu.memory_space<semaphore_mem>>)
    } else {
    }
    %mul3A_1396 = arith.constant 4 : i32
    %mul3A_1397 = arith.muli %arg1, %mul3A_1396 : i32
    %add3A_1398 = arith.constant 2 : i32
    %add3A_1399 = arith.addi %mul3A_1397, %add3A_1398 : i32
    %add3A_1400 = arith.constant 12 : i32
    %add3A_1401 = arith.addi %add3A_1400, %arg1 : i32
    %rem3A_1402 = arith.constant 16 : i32
    %rem3A_1403 = arith.remsi %add3A_1401, %rem3A_1402 : i32
    %mul3A_1404 = arith.constant 1024 : i32
    %mul3A_1405 = arith.muli %arg0, %mul3A_1404 : i32
    %mul3A_1406 = arith.constant 64 : i32
    %mul3A_1407 = arith.muli %rem3A_1403, %mul3A_1406 : i32
    %add3A_1408 = arith.addi %mul3A_1405, %mul3A_1407 : i32
    %mul3A_1409 = arith.constant 2048 : i32
    %mul3A_1410 = arith.muli %add3A_1399, %mul3A_1409 : i32
    %add3A_1411 = arith.addi %mul3A_1410, %add3A_1408 : i32
    %add3A_1412 = arith.constant 64 : i32
    %add3A_1413 = arith.addi %add3A_1408, %add3A_1412 : i32
    %le3A_1414 = arith.cmpi sle, %add3A_1413, %squeeze3A_93 : i32
    %ge3A_1415 = arith.cmpi sge, %add3A_1408, %squeeze3A_93 : i32
    %convert_element_type3A_1416 = arith.extui %le3A_1414 : i1 to i32
    %cond3A_1417 = arith.constant 0 : i32
    %cond3A_1418 = arith.cmpi ne, %convert_element_type3A_1416, %cond3A_1417 : i32
    scf.if %cond3A_1418 {
      %mul3A_1887 = arith.constant 64 : i32
      %mul3A_1888 = arith.muli %rem3A_1403, %mul3A_1887 : i32
      %dma_start3A_1889 = arith.constant 0 : i32
      %dma_start3A_1890 = tpu.memref_slice %arg4[%add3A_1411, %dma_start3A_1889] : memref<131072x768xf32, #tpu.memory_space<hbm>> -> memref<64x768xf32, #tpu.memory_space<hbm>>
      %dma_start3A_1891 = arith.constant 0 : i32
      %dma_start3A_1892 = tpu.memref_slice %arg8[%mul3A_1888, %dma_start3A_1891] : memref<1024x768xf32, #tpu.memory_space<vmem_shared>> -> memref<64x768xf32, #tpu.memory_space<vmem_shared>>
      tpu.enqueue_dma source(%dma_start3A_1892 : memref<64x768xf32, #tpu.memory_space<vmem_shared>>) target(%dma_start3A_1890 : memref<64x768xf32, #tpu.memory_space<hbm>>) target_semaphore(%arg11 : memref<!tpu.dma_semaphore, #tpu.memory_space<semaphore_mem>>)
    } else {
    }
    %convert_element_type3A_1419 = arith.extui %ge3A_1415 : i1 to i32
    %cond3A_1420 = arith.constant 0 : i32
    %cond3A_1421 = arith.cmpi ne, %convert_element_type3A_1419, %cond3A_1420 : i32
    scf.if %cond3A_1421 {
      %dma_start3A_1887 = arith.constant 0 : i32
      %dma_start3A_1888 = tpu.memref_slice %arg4[%add3A_1411, %dma_start3A_1887] : memref<131072x768xf32, #tpu.memory_space<hbm>> -> memref<64x768xf32, #tpu.memory_space<hbm>>
      tpu.enqueue_dma source(%arg9 : memref<64x768xf32, #tpu.memory_space<vmem_shared>>) target(%dma_start3A_1888 : memref<64x768xf32, #tpu.memory_space<hbm>>) target_semaphore(%arg11 : memref<!tpu.dma_semaphore, #tpu.memory_space<semaphore_mem>>)
    } else {
    }
    %mul3A_1422 = arith.constant 4 : i32
    %mul3A_1423 = arith.muli %arg1, %mul3A_1422 : i32
    %add3A_1424 = arith.constant 3 : i32
    %add3A_1425 = arith.addi %mul3A_1423, %add3A_1424 : i32
    %add3A_1426 = arith.constant 12 : i32
    %add3A_1427 = arith.addi %add3A_1426, %arg1 : i32
    %rem3A_1428 = arith.constant 16 : i32
    %rem3A_1429 = arith.remsi %add3A_1427, %rem3A_1428 : i32
    %mul3A_1430 = arith.constant 1024 : i32
    %mul3A_1431 = arith.muli %arg0, %mul3A_1430 : i32
    %mul3A_1432 = arith.constant 64 : i32
    %mul3A_1433 = arith.muli %rem3A_1429, %mul3A_1432 : i32
    %add3A_1434 = arith.addi %mul3A_1431, %mul3A_1433 : i32
    %mul3A_1435 = arith.constant 2048 : i32
    %mul3A_1436 = arith.muli %add3A_1425, %mul3A_1435 : i32
    %add3A_1437 = arith.addi %mul3A_1436, %add3A_1434 : i32
    %add3A_1438 = arith.constant 64 : i32
    %add3A_1439 = arith.addi %add3A_1434, %add3A_1438 : i32
    %le3A_1440 = arith.cmpi sle, %add3A_1439, %squeeze3A_98 : i32
    %ge3A_1441 = arith.cmpi sge, %add3A_1434, %squeeze3A_98 : i32
    %convert_element_type3A_1442 = arith.extui %le3A_1440 : i1 to i32
    %cond3A_1443 = arith.constant 0 : i32
    %cond3A_1444 = arith.cmpi ne, %convert_element_type3A_1442, %cond3A_1443 : i32
    scf.if %cond3A_1444 {
      %mul3A_1887 = arith.constant 64 : i32
      %mul3A_1888 = arith.muli %rem3A_1429, %mul3A_1887 : i32
      %dma_start3A_1889 = arith.constant 0 : i32
      %dma_start3A_1890 = tpu.memref_slice %arg4[%add3A_1437, %dma_start3A_1889] : memref<131072x768xf32, #tpu.memory_space<hbm>> -> memref<64x768xf32, #tpu.memory_space<hbm>>
      %dma_start3A_1891 = arith.constant 0 : i32
      %dma_start3A_1892 = tpu.memref_slice %arg8[%mul3A_1888, %dma_start3A_1891] : memref<1024x768xf32, #tpu.memory_space<vmem_shared>> -> memref<64x768xf32, #tpu.memory_space<vmem_shared>>
      tpu.enqueue_dma source(%dma_start3A_1892 : memref<64x768xf32, #tpu.memory_space<vmem_shared>>) target(%dma_start3A_1890 : memref<64x768xf32, #tpu.memory_space<hbm>>) target_semaphore(%arg11 : memref<!tpu.dma_semaphore, #tpu.memory_space<semaphore_mem>>)
    } else {
    }
    %convert_element_type3A_1445 = arith.extui %ge3A_1441 : i1 to i32
    %cond3A_1446 = arith.constant 0 : i32
    %cond3A_1447 = arith.cmpi ne, %convert_element_type3A_1445, %cond3A_1446 : i32
    scf.if %cond3A_1447 {
      %dma_start3A_1887 = arith.constant 0 : i32
      %dma_start3A_1888 = tpu.memref_slice %arg4[%add3A_1437, %dma_start3A_1887] : memref<131072x768xf32, #tpu.memory_space<hbm>> -> memref<64x768xf32, #tpu.memory_space<hbm>>
      tpu.enqueue_dma source(%arg9 : memref<64x768xf32, #tpu.memory_space<vmem_shared>>) target(%dma_start3A_1888 : memref<64x768xf32, #tpu.memory_space<hbm>>) target_semaphore(%arg11 : memref<!tpu.dma_semaphore, #tpu.memory_space<semaphore_mem>>)
    } else {
    }
    %mul3A_1448 = arith.constant 4 : i32
    %mul3A_1449 = arith.muli %arg1, %mul3A_1448 : i32
    %add3A_1450 = arith.constant 0 : i32
    %add3A_1451 = arith.addi %mul3A_1449, %add3A_1450 : i32
    %add3A_1452 = arith.constant 13 : i32
    %add3A_1453 = arith.addi %add3A_1452, %arg1 : i32
    %rem3A_1454 = arith.constant 16 : i32
    %rem3A_1455 = arith.remsi %add3A_1453, %rem3A_1454 : i32
    %mul3A_1456 = arith.constant 1024 : i32
    %mul3A_1457 = arith.muli %arg0, %mul3A_1456 : i32
    %mul3A_1458 = arith.constant 64 : i32
    %mul3A_1459 = arith.muli %rem3A_1455, %mul3A_1458 : i32
    %add3A_1460 = arith.addi %mul3A_1457, %mul3A_1459 : i32
    %mul3A_1461 = arith.constant 2048 : i32
    %mul3A_1462 = arith.muli %add3A_1451, %mul3A_1461 : i32
    %add3A_1463 = arith.addi %mul3A_1462, %add3A_1460 : i32
    %add3A_1464 = arith.constant 64 : i32
    %add3A_1465 = arith.addi %add3A_1460, %add3A_1464 : i32
    %le3A_1466 = arith.cmpi sle, %add3A_1465, %squeeze3A : i32
    %ge3A_1467 = arith.cmpi sge, %add3A_1460, %squeeze3A : i32
    %convert_element_type3A_1468 = arith.extui %le3A_1466 : i1 to i32
    %cond3A_1469 = arith.constant 0 : i32
    %cond3A_1470 = arith.cmpi ne, %convert_element_type3A_1468, %cond3A_1469 : i32
    scf.if %cond3A_1470 {
      %mul3A_1887 = arith.constant 64 : i32
      %mul3A_1888 = arith.muli %rem3A_1455, %mul3A_1887 : i32
      %dma_start3A_1889 = arith.constant 0 : i32
      %dma_start3A_1890 = tpu.memref_slice %arg4[%add3A_1463, %dma_start3A_1889] : memref<131072x768xf32, #tpu.memory_space<hbm>> -> memref<64x768xf32, #tpu.memory_space<hbm>>
      %dma_start3A_1891 = arith.constant 0 : i32
      %dma_start3A_1892 = tpu.memref_slice %arg8[%mul3A_1888, %dma_start3A_1891] : memref<1024x768xf32, #tpu.memory_space<vmem_shared>> -> memref<64x768xf32, #tpu.memory_space<vmem_shared>>
      tpu.enqueue_dma source(%dma_start3A_1892 : memref<64x768xf32, #tpu.memory_space<vmem_shared>>) target(%dma_start3A_1890 : memref<64x768xf32, #tpu.memory_space<hbm>>) target_semaphore(%arg11 : memref<!tpu.dma_semaphore, #tpu.memory_space<semaphore_mem>>)
    } else {
    }
    %convert_element_type3A_1471 = arith.extui %ge3A_1467 : i1 to i32
    %cond3A_1472 = arith.constant 0 : i32
    %cond3A_1473 = arith.cmpi ne, %convert_element_type3A_1471, %cond3A_1472 : i32
    scf.if %cond3A_1473 {
      %dma_start3A_1887 = arith.constant 0 : i32
      %dma_start3A_1888 = tpu.memref_slice %arg4[%add3A_1463, %dma_start3A_1887] : memref<131072x768xf32, #tpu.memory_space<hbm>> -> memref<64x768xf32, #tpu.memory_space<hbm>>
      tpu.enqueue_dma source(%arg9 : memref<64x768xf32, #tpu.memory_space<vmem_shared>>) target(%dma_start3A_1888 : memref<64x768xf32, #tpu.memory_space<hbm>>) target_semaphore(%arg11 : memref<!tpu.dma_semaphore, #tpu.memory_space<semaphore_mem>>)
    } else {
    }
    %mul3A_1474 = arith.constant 4 : i32
    %mul3A_1475 = arith.muli %arg1, %mul3A_1474 : i32
    %add3A_1476 = arith.constant 1 : i32
    %add3A_1477 = arith.addi %mul3A_1475, %add3A_1476 : i32
    %add3A_1478 = arith.constant 13 : i32
    %add3A_1479 = arith.addi %add3A_1478, %arg1 : i32
    %rem3A_1480 = arith.constant 16 : i32
    %rem3A_1481 = arith.remsi %add3A_1479, %rem3A_1480 : i32
    %mul3A_1482 = arith.constant 1024 : i32
    %mul3A_1483 = arith.muli %arg0, %mul3A_1482 : i32
    %mul3A_1484 = arith.constant 64 : i32
    %mul3A_1485 = arith.muli %rem3A_1481, %mul3A_1484 : i32
    %add3A_1486 = arith.addi %mul3A_1483, %mul3A_1485 : i32
    %mul3A_1487 = arith.constant 2048 : i32
    %mul3A_1488 = arith.muli %add3A_1477, %mul3A_1487 : i32
    %add3A_1489 = arith.addi %mul3A_1488, %add3A_1486 : i32
    %add3A_1490 = arith.constant 64 : i32
    %add3A_1491 = arith.addi %add3A_1486, %add3A_1490 : i32
    %le3A_1492 = arith.cmpi sle, %add3A_1491, %squeeze3A_88 : i32
    %ge3A_1493 = arith.cmpi sge, %add3A_1486, %squeeze3A_88 : i32
    %convert_element_type3A_1494 = arith.extui %le3A_1492 : i1 to i32
    %cond3A_1495 = arith.constant 0 : i32
    %cond3A_1496 = arith.cmpi ne, %convert_element_type3A_1494, %cond3A_1495 : i32
    scf.if %cond3A_1496 {
      %mul3A_1887 = arith.constant 64 : i32
      %mul3A_1888 = arith.muli %rem3A_1481, %mul3A_1887 : i32
      %dma_start3A_1889 = arith.constant 0 : i32
      %dma_start3A_1890 = tpu.memref_slice %arg4[%add3A_1489, %dma_start3A_1889] : memref<131072x768xf32, #tpu.memory_space<hbm>> -> memref<64x768xf32, #tpu.memory_space<hbm>>
      %dma_start3A_1891 = arith.constant 0 : i32
      %dma_start3A_1892 = tpu.memref_slice %arg8[%mul3A_1888, %dma_start3A_1891] : memref<1024x768xf32, #tpu.memory_space<vmem_shared>> -> memref<64x768xf32, #tpu.memory_space<vmem_shared>>
      tpu.enqueue_dma source(%dma_start3A_1892 : memref<64x768xf32, #tpu.memory_space<vmem_shared>>) target(%dma_start3A_1890 : memref<64x768xf32, #tpu.memory_space<hbm>>) target_semaphore(%arg11 : memref<!tpu.dma_semaphore, #tpu.memory_space<semaphore_mem>>)
    } else {
    }
    %convert_element_type3A_1497 = arith.extui %ge3A_1493 : i1 to i32
    %cond3A_1498 = arith.constant 0 : i32
    %cond3A_1499 = arith.cmpi ne, %convert_element_type3A_1497, %cond3A_1498 : i32
    scf.if %cond3A_1499 {
      %dma_start3A_1887 = arith.constant 0 : i32
      %dma_start3A_1888 = tpu.memref_slice %arg4[%add3A_1489, %dma_start3A_1887] : memref<131072x768xf32, #tpu.memory_space<hbm>> -> memref<64x768xf32, #tpu.memory_space<hbm>>
      tpu.enqueue_dma source(%arg9 : memref<64x768xf32, #tpu.memory_space<vmem_shared>>) target(%dma_start3A_1888 : memref<64x768xf32, #tpu.memory_space<hbm>>) target_semaphore(%arg11 : memref<!tpu.dma_semaphore, #tpu.memory_space<semaphore_mem>>)
    } else {
    }
    %mul3A_1500 = arith.constant 4 : i32
    %mul3A_1501 = arith.muli %arg1, %mul3A_1500 : i32
    %add3A_1502 = arith.constant 2 : i32
    %add3A_1503 = arith.addi %mul3A_1501, %add3A_1502 : i32
    %add3A_1504 = arith.constant 13 : i32
    %add3A_1505 = arith.addi %add3A_1504, %arg1 : i32
    %rem3A_1506 = arith.constant 16 : i32
    %rem3A_1507 = arith.remsi %add3A_1505, %rem3A_1506 : i32
    %mul3A_1508 = arith.constant 1024 : i32
    %mul3A_1509 = arith.muli %arg0, %mul3A_1508 : i32
    %mul3A_1510 = arith.constant 64 : i32
    %mul3A_1511 = arith.muli %rem3A_1507, %mul3A_1510 : i32
    %add3A_1512 = arith.addi %mul3A_1509, %mul3A_1511 : i32
    %mul3A_1513 = arith.constant 2048 : i32
    %mul3A_1514 = arith.muli %add3A_1503, %mul3A_1513 : i32
    %add3A_1515 = arith.addi %mul3A_1514, %add3A_1512 : i32
    %add3A_1516 = arith.constant 64 : i32
    %add3A_1517 = arith.addi %add3A_1512, %add3A_1516 : i32
    %le3A_1518 = arith.cmpi sle, %add3A_1517, %squeeze3A_93 : i32
    %ge3A_1519 = arith.cmpi sge, %add3A_1512, %squeeze3A_93 : i32
    %convert_element_type3A_1520 = arith.extui %le3A_1518 : i1 to i32
    %cond3A_1521 = arith.constant 0 : i32
    %cond3A_1522 = arith.cmpi ne, %convert_element_type3A_1520, %cond3A_1521 : i32
    scf.if %cond3A_1522 {
      %mul3A_1887 = arith.constant 64 : i32
      %mul3A_1888 = arith.muli %rem3A_1507, %mul3A_1887 : i32
      %dma_start3A_1889 = arith.constant 0 : i32
      %dma_start3A_1890 = tpu.memref_slice %arg4[%add3A_1515, %dma_start3A_1889] : memref<131072x768xf32, #tpu.memory_space<hbm>> -> memref<64x768xf32, #tpu.memory_space<hbm>>
      %dma_start3A_1891 = arith.constant 0 : i32
      %dma_start3A_1892 = tpu.memref_slice %arg8[%mul3A_1888, %dma_start3A_1891] : memref<1024x768xf32, #tpu.memory_space<vmem_shared>> -> memref<64x768xf32, #tpu.memory_space<vmem_shared>>
      tpu.enqueue_dma source(%dma_start3A_1892 : memref<64x768xf32, #tpu.memory_space<vmem_shared>>) target(%dma_start3A_1890 : memref<64x768xf32, #tpu.memory_space<hbm>>) target_semaphore(%arg11 : memref<!tpu.dma_semaphore, #tpu.memory_space<semaphore_mem>>)
    } else {
    }
    %convert_element_type3A_1523 = arith.extui %ge3A_1519 : i1 to i32
    %cond3A_1524 = arith.constant 0 : i32
    %cond3A_1525 = arith.cmpi ne, %convert_element_type3A_1523, %cond3A_1524 : i32
    scf.if %cond3A_1525 {
      %dma_start3A_1887 = arith.constant 0 : i32
      %dma_start3A_1888 = tpu.memref_slice %arg4[%add3A_1515, %dma_start3A_1887] : memref<131072x768xf32, #tpu.memory_space<hbm>> -> memref<64x768xf32, #tpu.memory_space<hbm>>
      tpu.enqueue_dma source(%arg9 : memref<64x768xf32, #tpu.memory_space<vmem_shared>>) target(%dma_start3A_1888 : memref<64x768xf32, #tpu.memory_space<hbm>>) target_semaphore(%arg11 : memref<!tpu.dma_semaphore, #tpu.memory_space<semaphore_mem>>)
    } else {
    }
    %mul3A_1526 = arith.constant 4 : i32
    %mul3A_1527 = arith.muli %arg1, %mul3A_1526 : i32
    %add3A_1528 = arith.constant 3 : i32
    %add3A_1529 = arith.addi %mul3A_1527, %add3A_1528 : i32
    %add3A_1530 = arith.constant 13 : i32
    %add3A_1531 = arith.addi %add3A_1530, %arg1 : i32
    %rem3A_1532 = arith.constant 16 : i32
    %rem3A_1533 = arith.remsi %add3A_1531, %rem3A_1532 : i32
    %mul3A_1534 = arith.constant 1024 : i32
    %mul3A_1535 = arith.muli %arg0, %mul3A_1534 : i32
    %mul3A_1536 = arith.constant 64 : i32
    %mul3A_1537 = arith.muli %rem3A_1533, %mul3A_1536 : i32
    %add3A_1538 = arith.addi %mul3A_1535, %mul3A_1537 : i32
    %mul3A_1539 = arith.constant 2048 : i32
    %mul3A_1540 = arith.muli %add3A_1529, %mul3A_1539 : i32
    %add3A_1541 = arith.addi %mul3A_1540, %add3A_1538 : i32
    %add3A_1542 = arith.constant 64 : i32
    %add3A_1543 = arith.addi %add3A_1538, %add3A_1542 : i32
    %le3A_1544 = arith.cmpi sle, %add3A_1543, %squeeze3A_98 : i32
    %ge3A_1545 = arith.cmpi sge, %add3A_1538, %squeeze3A_98 : i32
    %convert_element_type3A_1546 = arith.extui %le3A_1544 : i1 to i32
    %cond3A_1547 = arith.constant 0 : i32
    %cond3A_1548 = arith.cmpi ne, %convert_element_type3A_1546, %cond3A_1547 : i32
    scf.if %cond3A_1548 {
      %mul3A_1887 = arith.constant 64 : i32
      %mul3A_1888 = arith.muli %rem3A_1533, %mul3A_1887 : i32
      %dma_start3A_1889 = arith.constant 0 : i32
      %dma_start3A_1890 = tpu.memref_slice %arg4[%add3A_1541, %dma_start3A_1889] : memref<131072x768xf32, #tpu.memory_space<hbm>> -> memref<64x768xf32, #tpu.memory_space<hbm>>
      %dma_start3A_1891 = arith.constant 0 : i32
      %dma_start3A_1892 = tpu.memref_slice %arg8[%mul3A_1888, %dma_start3A_1891] : memref<1024x768xf32, #tpu.memory_space<vmem_shared>> -> memref<64x768xf32, #tpu.memory_space<vmem_shared>>
      tpu.enqueue_dma source(%dma_start3A_1892 : memref<64x768xf32, #tpu.memory_space<vmem_shared>>) target(%dma_start3A_1890 : memref<64x768xf32, #tpu.memory_space<hbm>>) target_semaphore(%arg11 : memref<!tpu.dma_semaphore, #tpu.memory_space<semaphore_mem>>)
    } else {
    }
    %convert_element_type3A_1549 = arith.extui %ge3A_1545 : i1 to i32
    %cond3A_1550 = arith.constant 0 : i32
    %cond3A_1551 = arith.cmpi ne, %convert_element_type3A_1549, %cond3A_1550 : i32
    scf.if %cond3A_1551 {
      %dma_start3A_1887 = arith.constant 0 : i32
      %dma_start3A_1888 = tpu.memref_slice %arg4[%add3A_1541, %dma_start3A_1887] : memref<131072x768xf32, #tpu.memory_space<hbm>> -> memref<64x768xf32, #tpu.memory_space<hbm>>
      tpu.enqueue_dma source(%arg9 : memref<64x768xf32, #tpu.memory_space<vmem_shared>>) target(%dma_start3A_1888 : memref<64x768xf32, #tpu.memory_space<hbm>>) target_semaphore(%arg11 : memref<!tpu.dma_semaphore, #tpu.memory_space<semaphore_mem>>)
    } else {
    }
    %mul3A_1552 = arith.constant 4 : i32
    %mul3A_1553 = arith.muli %arg1, %mul3A_1552 : i32
    %add3A_1554 = arith.constant 0 : i32
    %add3A_1555 = arith.addi %mul3A_1553, %add3A_1554 : i32
    %add3A_1556 = arith.constant 14 : i32
    %add3A_1557 = arith.addi %add3A_1556, %arg1 : i32
    %rem3A_1558 = arith.constant 16 : i32
    %rem3A_1559 = arith.remsi %add3A_1557, %rem3A_1558 : i32
    %mul3A_1560 = arith.constant 1024 : i32
    %mul3A_1561 = arith.muli %arg0, %mul3A_1560 : i32
    %mul3A_1562 = arith.constant 64 : i32
    %mul3A_1563 = arith.muli %rem3A_1559, %mul3A_1562 : i32
    %add3A_1564 = arith.addi %mul3A_1561, %mul3A_1563 : i32
    %mul3A_1565 = arith.constant 2048 : i32
    %mul3A_1566 = arith.muli %add3A_1555, %mul3A_1565 : i32
    %add3A_1567 = arith.addi %mul3A_1566, %add3A_1564 : i32
    %add3A_1568 = arith.constant 64 : i32
    %add3A_1569 = arith.addi %add3A_1564, %add3A_1568 : i32
    %le3A_1570 = arith.cmpi sle, %add3A_1569, %squeeze3A : i32
    %ge3A_1571 = arith.cmpi sge, %add3A_1564, %squeeze3A : i32
    %convert_element_type3A_1572 = arith.extui %le3A_1570 : i1 to i32
    %cond3A_1573 = arith.constant 0 : i32
    %cond3A_1574 = arith.cmpi ne, %convert_element_type3A_1572, %cond3A_1573 : i32
    scf.if %cond3A_1574 {
      %mul3A_1887 = arith.constant 64 : i32
      %mul3A_1888 = arith.muli %rem3A_1559, %mul3A_1887 : i32
      %dma_start3A_1889 = arith.constant 0 : i32
      %dma_start3A_1890 = tpu.memref_slice %arg4[%add3A_1567, %dma_start3A_1889] : memref<131072x768xf32, #tpu.memory_space<hbm>> -> memref<64x768xf32, #tpu.memory_space<hbm>>
      %dma_start3A_1891 = arith.constant 0 : i32
      %dma_start3A_1892 = tpu.memref_slice %arg8[%mul3A_1888, %dma_start3A_1891] : memref<1024x768xf32, #tpu.memory_space<vmem_shared>> -> memref<64x768xf32, #tpu.memory_space<vmem_shared>>
      tpu.enqueue_dma source(%dma_start3A_1892 : memref<64x768xf32, #tpu.memory_space<vmem_shared>>) target(%dma_start3A_1890 : memref<64x768xf32, #tpu.memory_space<hbm>>) target_semaphore(%arg11 : memref<!tpu.dma_semaphore, #tpu.memory_space<semaphore_mem>>)
    } else {
    }
    %convert_element_type3A_1575 = arith.extui %ge3A_1571 : i1 to i32
    %cond3A_1576 = arith.constant 0 : i32
    %cond3A_1577 = arith.cmpi ne, %convert_element_type3A_1575, %cond3A_1576 : i32
    scf.if %cond3A_1577 {
      %dma_start3A_1887 = arith.constant 0 : i32
      %dma_start3A_1888 = tpu.memref_slice %arg4[%add3A_1567, %dma_start3A_1887] : memref<131072x768xf32, #tpu.memory_space<hbm>> -> memref<64x768xf32, #tpu.memory_space<hbm>>
      tpu.enqueue_dma source(%arg9 : memref<64x768xf32, #tpu.memory_space<vmem_shared>>) target(%dma_start3A_1888 : memref<64x768xf32, #tpu.memory_space<hbm>>) target_semaphore(%arg11 : memref<!tpu.dma_semaphore, #tpu.memory_space<semaphore_mem>>)
    } else {
    }
    %mul3A_1578 = arith.constant 4 : i32
    %mul3A_1579 = arith.muli %arg1, %mul3A_1578 : i32
    %add3A_1580 = arith.constant 1 : i32
    %add3A_1581 = arith.addi %mul3A_1579, %add3A_1580 : i32
    %add3A_1582 = arith.constant 14 : i32
    %add3A_1583 = arith.addi %add3A_1582, %arg1 : i32
    %rem3A_1584 = arith.constant 16 : i32
    %rem3A_1585 = arith.remsi %add3A_1583, %rem3A_1584 : i32
    %mul3A_1586 = arith.constant 1024 : i32
    %mul3A_1587 = arith.muli %arg0, %mul3A_1586 : i32
    %mul3A_1588 = arith.constant 64 : i32
    %mul3A_1589 = arith.muli %rem3A_1585, %mul3A_1588 : i32
    %add3A_1590 = arith.addi %mul3A_1587, %mul3A_1589 : i32
    %mul3A_1591 = arith.constant 2048 : i32
    %mul3A_1592 = arith.muli %add3A_1581, %mul3A_1591 : i32
    %add3A_1593 = arith.addi %mul3A_1592, %add3A_1590 : i32
    %add3A_1594 = arith.constant 64 : i32
    %add3A_1595 = arith.addi %add3A_1590, %add3A_1594 : i32
    %le3A_1596 = arith.cmpi sle, %add3A_1595, %squeeze3A_88 : i32
    %ge3A_1597 = arith.cmpi sge, %add3A_1590, %squeeze3A_88 : i32
    %convert_element_type3A_1598 = arith.extui %le3A_1596 : i1 to i32
    %cond3A_1599 = arith.constant 0 : i32
    %cond3A_1600 = arith.cmpi ne, %convert_element_type3A_1598, %cond3A_1599 : i32
    scf.if %cond3A_1600 {
      %mul3A_1887 = arith.constant 64 : i32
      %mul3A_1888 = arith.muli %rem3A_1585, %mul3A_1887 : i32
      %dma_start3A_1889 = arith.constant 0 : i32
      %dma_start3A_1890 = tpu.memref_slice %arg4[%add3A_1593, %dma_start3A_1889] : memref<131072x768xf32, #tpu.memory_space<hbm>> -> memref<64x768xf32, #tpu.memory_space<hbm>>
      %dma_start3A_1891 = arith.constant 0 : i32
      %dma_start3A_1892 = tpu.memref_slice %arg8[%mul3A_1888, %dma_start3A_1891] : memref<1024x768xf32, #tpu.memory_space<vmem_shared>> -> memref<64x768xf32, #tpu.memory_space<vmem_shared>>
      tpu.enqueue_dma source(%dma_start3A_1892 : memref<64x768xf32, #tpu.memory_space<vmem_shared>>) target(%dma_start3A_1890 : memref<64x768xf32, #tpu.memory_space<hbm>>) target_semaphore(%arg11 : memref<!tpu.dma_semaphore, #tpu.memory_space<semaphore_mem>>)
    } else {
    }
    %convert_element_type3A_1601 = arith.extui %ge3A_1597 : i1 to i32
    %cond3A_1602 = arith.constant 0 : i32
    %cond3A_1603 = arith.cmpi ne, %convert_element_type3A_1601, %cond3A_1602 : i32
    scf.if %cond3A_1603 {
      %dma_start3A_1887 = arith.constant 0 : i32
      %dma_start3A_1888 = tpu.memref_slice %arg4[%add3A_1593, %dma_start3A_1887] : memref<131072x768xf32, #tpu.memory_space<hbm>> -> memref<64x768xf32, #tpu.memory_space<hbm>>
      tpu.enqueue_dma source(%arg9 : memref<64x768xf32, #tpu.memory_space<vmem_shared>>) target(%dma_start3A_1888 : memref<64x768xf32, #tpu.memory_space<hbm>>) target_semaphore(%arg11 : memref<!tpu.dma_semaphore, #tpu.memory_space<semaphore_mem>>)
    } else {
    }
    %mul3A_1604 = arith.constant 4 : i32
    %mul3A_1605 = arith.muli %arg1, %mul3A_1604 : i32
    %add3A_1606 = arith.constant 2 : i32
    %add3A_1607 = arith.addi %mul3A_1605, %add3A_1606 : i32
    %add3A_1608 = arith.constant 14 : i32
    %add3A_1609 = arith.addi %add3A_1608, %arg1 : i32
    %rem3A_1610 = arith.constant 16 : i32
    %rem3A_1611 = arith.remsi %add3A_1609, %rem3A_1610 : i32
    %mul3A_1612 = arith.constant 1024 : i32
    %mul3A_1613 = arith.muli %arg0, %mul3A_1612 : i32
    %mul3A_1614 = arith.constant 64 : i32
    %mul3A_1615 = arith.muli %rem3A_1611, %mul3A_1614 : i32
    %add3A_1616 = arith.addi %mul3A_1613, %mul3A_1615 : i32
    %mul3A_1617 = arith.constant 2048 : i32
    %mul3A_1618 = arith.muli %add3A_1607, %mul3A_1617 : i32
    %add3A_1619 = arith.addi %mul3A_1618, %add3A_1616 : i32
    %add3A_1620 = arith.constant 64 : i32
    %add3A_1621 = arith.addi %add3A_1616, %add3A_1620 : i32
    %le3A_1622 = arith.cmpi sle, %add3A_1621, %squeeze3A_93 : i32
    %ge3A_1623 = arith.cmpi sge, %add3A_1616, %squeeze3A_93 : i32
    %convert_element_type3A_1624 = arith.extui %le3A_1622 : i1 to i32
    %cond3A_1625 = arith.constant 0 : i32
    %cond3A_1626 = arith.cmpi ne, %convert_element_type3A_1624, %cond3A_1625 : i32
    scf.if %cond3A_1626 {
      %mul3A_1887 = arith.constant 64 : i32
      %mul3A_1888 = arith.muli %rem3A_1611, %mul3A_1887 : i32
      %dma_start3A_1889 = arith.constant 0 : i32
      %dma_start3A_1890 = tpu.memref_slice %arg4[%add3A_1619, %dma_start3A_1889] : memref<131072x768xf32, #tpu.memory_space<hbm>> -> memref<64x768xf32, #tpu.memory_space<hbm>>
      %dma_start3A_1891 = arith.constant 0 : i32
      %dma_start3A_1892 = tpu.memref_slice %arg8[%mul3A_1888, %dma_start3A_1891] : memref<1024x768xf32, #tpu.memory_space<vmem_shared>> -> memref<64x768xf32, #tpu.memory_space<vmem_shared>>
      tpu.enqueue_dma source(%dma_start3A_1892 : memref<64x768xf32, #tpu.memory_space<vmem_shared>>) target(%dma_start3A_1890 : memref<64x768xf32, #tpu.memory_space<hbm>>) target_semaphore(%arg11 : memref<!tpu.dma_semaphore, #tpu.memory_space<semaphore_mem>>)
    } else {
    }
    %convert_element_type3A_1627 = arith.extui %ge3A_1623 : i1 to i32
    %cond3A_1628 = arith.constant 0 : i32
    %cond3A_1629 = arith.cmpi ne, %convert_element_type3A_1627, %cond3A_1628 : i32
    scf.if %cond3A_1629 {
      %dma_start3A_1887 = arith.constant 0 : i32
      %dma_start3A_1888 = tpu.memref_slice %arg4[%add3A_1619, %dma_start3A_1887] : memref<131072x768xf32, #tpu.memory_space<hbm>> -> memref<64x768xf32, #tpu.memory_space<hbm>>
      tpu.enqueue_dma source(%arg9 : memref<64x768xf32, #tpu.memory_space<vmem_shared>>) target(%dma_start3A_1888 : memref<64x768xf32, #tpu.memory_space<hbm>>) target_semaphore(%arg11 : memref<!tpu.dma_semaphore, #tpu.memory_space<semaphore_mem>>)
    } else {
    }
    %mul3A_1630 = arith.constant 4 : i32
    %mul3A_1631 = arith.muli %arg1, %mul3A_1630 : i32
    %add3A_1632 = arith.constant 3 : i32
    %add3A_1633 = arith.addi %mul3A_1631, %add3A_1632 : i32
    %add3A_1634 = arith.constant 14 : i32
    %add3A_1635 = arith.addi %add3A_1634, %arg1 : i32
    %rem3A_1636 = arith.constant 16 : i32
    %rem3A_1637 = arith.remsi %add3A_1635, %rem3A_1636 : i32
    %mul3A_1638 = arith.constant 1024 : i32
    %mul3A_1639 = arith.muli %arg0, %mul3A_1638 : i32
    %mul3A_1640 = arith.constant 64 : i32
    %mul3A_1641 = arith.muli %rem3A_1637, %mul3A_1640 : i32
    %add3A_1642 = arith.addi %mul3A_1639, %mul3A_1641 : i32
    %mul3A_1643 = arith.constant 2048 : i32
    %mul3A_1644 = arith.muli %add3A_1633, %mul3A_1643 : i32
    %add3A_1645 = arith.addi %mul3A_1644, %add3A_1642 : i32
    %add3A_1646 = arith.constant 64 : i32
    %add3A_1647 = arith.addi %add3A_1642, %add3A_1646 : i32
    %le3A_1648 = arith.cmpi sle, %add3A_1647, %squeeze3A_98 : i32
    %ge3A_1649 = arith.cmpi sge, %add3A_1642, %squeeze3A_98 : i32
    %convert_element_type3A_1650 = arith.extui %le3A_1648 : i1 to i32
    %cond3A_1651 = arith.constant 0 : i32
    %cond3A_1652 = arith.cmpi ne, %convert_element_type3A_1650, %cond3A_1651 : i32
    scf.if %cond3A_1652 {
      %mul3A_1887 = arith.constant 64 : i32
      %mul3A_1888 = arith.muli %rem3A_1637, %mul3A_1887 : i32
      %dma_start3A_1889 = arith.constant 0 : i32
      %dma_start3A_1890 = tpu.memref_slice %arg4[%add3A_1645, %dma_start3A_1889] : memref<131072x768xf32, #tpu.memory_space<hbm>> -> memref<64x768xf32, #tpu.memory_space<hbm>>
      %dma_start3A_1891 = arith.constant 0 : i32
      %dma_start3A_1892 = tpu.memref_slice %arg8[%mul3A_1888, %dma_start3A_1891] : memref<1024x768xf32, #tpu.memory_space<vmem_shared>> -> memref<64x768xf32, #tpu.memory_space<vmem_shared>>
      tpu.enqueue_dma source(%dma_start3A_1892 : memref<64x768xf32, #tpu.memory_space<vmem_shared>>) target(%dma_start3A_1890 : memref<64x768xf32, #tpu.memory_space<hbm>>) target_semaphore(%arg11 : memref<!tpu.dma_semaphore, #tpu.memory_space<semaphore_mem>>)
    } else {
    }
    %convert_element_type3A_1653 = arith.extui %ge3A_1649 : i1 to i32
    %cond3A_1654 = arith.constant 0 : i32
    %cond3A_1655 = arith.cmpi ne, %convert_element_type3A_1653, %cond3A_1654 : i32
    scf.if %cond3A_1655 {
      %dma_start3A_1887 = arith.constant 0 : i32
      %dma_start3A_1888 = tpu.memref_slice %arg4[%add3A_1645, %dma_start3A_1887] : memref<131072x768xf32, #tpu.memory_space<hbm>> -> memref<64x768xf32, #tpu.memory_space<hbm>>
      tpu.enqueue_dma source(%arg9 : memref<64x768xf32, #tpu.memory_space<vmem_shared>>) target(%dma_start3A_1888 : memref<64x768xf32, #tpu.memory_space<hbm>>) target_semaphore(%arg11 : memref<!tpu.dma_semaphore, #tpu.memory_space<semaphore_mem>>)
    } else {
    }
    %mul3A_1656 = arith.constant 4 : i32
    %mul3A_1657 = arith.muli %arg1, %mul3A_1656 : i32
    %add3A_1658 = arith.constant 0 : i32
    %add3A_1659 = arith.addi %mul3A_1657, %add3A_1658 : i32
    %add3A_1660 = arith.constant 15 : i32
    %add3A_1661 = arith.addi %add3A_1660, %arg1 : i32
    %rem3A_1662 = arith.constant 16 : i32
    %rem3A_1663 = arith.remsi %add3A_1661, %rem3A_1662 : i32
    %mul3A_1664 = arith.constant 1024 : i32
    %mul3A_1665 = arith.muli %arg0, %mul3A_1664 : i32
    %mul3A_1666 = arith.constant 64 : i32
    %mul3A_1667 = arith.muli %rem3A_1663, %mul3A_1666 : i32
    %add3A_1668 = arith.addi %mul3A_1665, %mul3A_1667 : i32
    %mul3A_1669 = arith.constant 2048 : i32
    %mul3A_1670 = arith.muli %add3A_1659, %mul3A_1669 : i32
    %add3A_1671 = arith.addi %mul3A_1670, %add3A_1668 : i32
    %add3A_1672 = arith.constant 64 : i32
    %add3A_1673 = arith.addi %add3A_1668, %add3A_1672 : i32
    %le3A_1674 = arith.cmpi sle, %add3A_1673, %squeeze3A : i32
    %ge3A_1675 = arith.cmpi sge, %add3A_1668, %squeeze3A : i32
    %convert_element_type3A_1676 = arith.extui %le3A_1674 : i1 to i32
    %cond3A_1677 = arith.constant 0 : i32
    %cond3A_1678 = arith.cmpi ne, %convert_element_type3A_1676, %cond3A_1677 : i32
    scf.if %cond3A_1678 {
      %mul3A_1887 = arith.constant 64 : i32
      %mul3A_1888 = arith.muli %rem3A_1663, %mul3A_1887 : i32
      %dma_start3A_1889 = arith.constant 0 : i32
      %dma_start3A_1890 = tpu.memref_slice %arg4[%add3A_1671, %dma_start3A_1889] : memref<131072x768xf32, #tpu.memory_space<hbm>> -> memref<64x768xf32, #tpu.memory_space<hbm>>
      %dma_start3A_1891 = arith.constant 0 : i32
      %dma_start3A_1892 = tpu.memref_slice %arg8[%mul3A_1888, %dma_start3A_1891] : memref<1024x768xf32, #tpu.memory_space<vmem_shared>> -> memref<64x768xf32, #tpu.memory_space<vmem_shared>>
      tpu.enqueue_dma source(%dma_start3A_1892 : memref<64x768xf32, #tpu.memory_space<vmem_shared>>) target(%dma_start3A_1890 : memref<64x768xf32, #tpu.memory_space<hbm>>) target_semaphore(%arg11 : memref<!tpu.dma_semaphore, #tpu.memory_space<semaphore_mem>>)
    } else {
    }
    %convert_element_type3A_1679 = arith.extui %ge3A_1675 : i1 to i32
    %cond3A_1680 = arith.constant 0 : i32
    %cond3A_1681 = arith.cmpi ne, %convert_element_type3A_1679, %cond3A_1680 : i32
    scf.if %cond3A_1681 {
      %dma_start3A_1887 = arith.constant 0 : i32
      %dma_start3A_1888 = tpu.memref_slice %arg4[%add3A_1671, %dma_start3A_1887] : memref<131072x768xf32, #tpu.memory_space<hbm>> -> memref<64x768xf32, #tpu.memory_space<hbm>>
      tpu.enqueue_dma source(%arg9 : memref<64x768xf32, #tpu.memory_space<vmem_shared>>) target(%dma_start3A_1888 : memref<64x768xf32, #tpu.memory_space<hbm>>) target_semaphore(%arg11 : memref<!tpu.dma_semaphore, #tpu.memory_space<semaphore_mem>>)
    } else {
    }
    %mul3A_1682 = arith.constant 4 : i32
    %mul3A_1683 = arith.muli %arg1, %mul3A_1682 : i32
    %add3A_1684 = arith.constant 1 : i32
    %add3A_1685 = arith.addi %mul3A_1683, %add3A_1684 : i32
    %add3A_1686 = arith.constant 15 : i32
    %add3A_1687 = arith.addi %add3A_1686, %arg1 : i32
    %rem3A_1688 = arith.constant 16 : i32
    %rem3A_1689 = arith.remsi %add3A_1687, %rem3A_1688 : i32
    %mul3A_1690 = arith.constant 1024 : i32
    %mul3A_1691 = arith.muli %arg0, %mul3A_1690 : i32
    %mul3A_1692 = arith.constant 64 : i32
    %mul3A_1693 = arith.muli %rem3A_1689, %mul3A_1692 : i32
    %add3A_1694 = arith.addi %mul3A_1691, %mul3A_1693 : i32
    %mul3A_1695 = arith.constant 2048 : i32
    %mul3A_1696 = arith.muli %add3A_1685, %mul3A_1695 : i32
    %add3A_1697 = arith.addi %mul3A_1696, %add3A_1694 : i32
    %add3A_1698 = arith.constant 64 : i32
    %add3A_1699 = arith.addi %add3A_1694, %add3A_1698 : i32
    %le3A_1700 = arith.cmpi sle, %add3A_1699, %squeeze3A_88 : i32
    %ge3A_1701 = arith.cmpi sge, %add3A_1694, %squeeze3A_88 : i32
    %convert_element_type3A_1702 = arith.extui %le3A_1700 : i1 to i32
    %cond3A_1703 = arith.constant 0 : i32
    %cond3A_1704 = arith.cmpi ne, %convert_element_type3A_1702, %cond3A_1703 : i32
    scf.if %cond3A_1704 {
      %mul3A_1887 = arith.constant 64 : i32
      %mul3A_1888 = arith.muli %rem3A_1689, %mul3A_1887 : i32
      %dma_start3A_1889 = arith.constant 0 : i32
      %dma_start3A_1890 = tpu.memref_slice %arg4[%add3A_1697, %dma_start3A_1889] : memref<131072x768xf32, #tpu.memory_space<hbm>> -> memref<64x768xf32, #tpu.memory_space<hbm>>
      %dma_start3A_1891 = arith.constant 0 : i32
      %dma_start3A_1892 = tpu.memref_slice %arg8[%mul3A_1888, %dma_start3A_1891] : memref<1024x768xf32, #tpu.memory_space<vmem_shared>> -> memref<64x768xf32, #tpu.memory_space<vmem_shared>>
      tpu.enqueue_dma source(%dma_start3A_1892 : memref<64x768xf32, #tpu.memory_space<vmem_shared>>) target(%dma_start3A_1890 : memref<64x768xf32, #tpu.memory_space<hbm>>) target_semaphore(%arg11 : memref<!tpu.dma_semaphore, #tpu.memory_space<semaphore_mem>>)
    } else {
    }
    %convert_element_type3A_1705 = arith.extui %ge3A_1701 : i1 to i32
    %cond3A_1706 = arith.constant 0 : i32
    %cond3A_1707 = arith.cmpi ne, %convert_element_type3A_1705, %cond3A_1706 : i32
    scf.if %cond3A_1707 {
      %dma_start3A_1887 = arith.constant 0 : i32
      %dma_start3A_1888 = tpu.memref_slice %arg4[%add3A_1697, %dma_start3A_1887] : memref<131072x768xf32, #tpu.memory_space<hbm>> -> memref<64x768xf32, #tpu.memory_space<hbm>>
      tpu.enqueue_dma source(%arg9 : memref<64x768xf32, #tpu.memory_space<vmem_shared>>) target(%dma_start3A_1888 : memref<64x768xf32, #tpu.memory_space<hbm>>) target_semaphore(%arg11 : memref<!tpu.dma_semaphore, #tpu.memory_space<semaphore_mem>>)
    } else {
    }
    %mul3A_1708 = arith.constant 4 : i32
    %mul3A_1709 = arith.muli %arg1, %mul3A_1708 : i32
    %add3A_1710 = arith.constant 2 : i32
    %add3A_1711 = arith.addi %mul3A_1709, %add3A_1710 : i32
    %add3A_1712 = arith.constant 15 : i32
    %add3A_1713 = arith.addi %add3A_1712, %arg1 : i32
    %rem3A_1714 = arith.constant 16 : i32
    %rem3A_1715 = arith.remsi %add3A_1713, %rem3A_1714 : i32
    %mul3A_1716 = arith.constant 1024 : i32
    %mul3A_1717 = arith.muli %arg0, %mul3A_1716 : i32
    %mul3A_1718 = arith.constant 64 : i32
    %mul3A_1719 = arith.muli %rem3A_1715, %mul3A_1718 : i32
    %add3A_1720 = arith.addi %mul3A_1717, %mul3A_1719 : i32
    %mul3A_1721 = arith.constant 2048 : i32
    %mul3A_1722 = arith.muli %add3A_1711, %mul3A_1721 : i32
    %add3A_1723 = arith.addi %mul3A_1722, %add3A_1720 : i32
    %add3A_1724 = arith.constant 64 : i32
    %add3A_1725 = arith.addi %add3A_1720, %add3A_1724 : i32
    %le3A_1726 = arith.cmpi sle, %add3A_1725, %squeeze3A_93 : i32
    %ge3A_1727 = arith.cmpi sge, %add3A_1720, %squeeze3A_93 : i32
    %convert_element_type3A_1728 = arith.extui %le3A_1726 : i1 to i32
    %cond3A_1729 = arith.constant 0 : i32
    %cond3A_1730 = arith.cmpi ne, %convert_element_type3A_1728, %cond3A_1729 : i32
    scf.if %cond3A_1730 {
      %mul3A_1887 = arith.constant 64 : i32
      %mul3A_1888 = arith.muli %rem3A_1715, %mul3A_1887 : i32
      %dma_start3A_1889 = arith.constant 0 : i32
      %dma_start3A_1890 = tpu.memref_slice %arg4[%add3A_1723, %dma_start3A_1889] : memref<131072x768xf32, #tpu.memory_space<hbm>> -> memref<64x768xf32, #tpu.memory_space<hbm>>
      %dma_start3A_1891 = arith.constant 0 : i32
      %dma_start3A_1892 = tpu.memref_slice %arg8[%mul3A_1888, %dma_start3A_1891] : memref<1024x768xf32, #tpu.memory_space<vmem_shared>> -> memref<64x768xf32, #tpu.memory_space<vmem_shared>>
      tpu.enqueue_dma source(%dma_start3A_1892 : memref<64x768xf32, #tpu.memory_space<vmem_shared>>) target(%dma_start3A_1890 : memref<64x768xf32, #tpu.memory_space<hbm>>) target_semaphore(%arg11 : memref<!tpu.dma_semaphore, #tpu.memory_space<semaphore_mem>>)
    } else {
    }
    %convert_element_type3A_1731 = arith.extui %ge3A_1727 : i1 to i32
    %cond3A_1732 = arith.constant 0 : i32
    %cond3A_1733 = arith.cmpi ne, %convert_element_type3A_1731, %cond3A_1732 : i32
    scf.if %cond3A_1733 {
      %dma_start3A_1887 = arith.constant 0 : i32
      %dma_start3A_1888 = tpu.memref_slice %arg4[%add3A_1723, %dma_start3A_1887] : memref<131072x768xf32, #tpu.memory_space<hbm>> -> memref<64x768xf32, #tpu.memory_space<hbm>>
      tpu.enqueue_dma source(%arg9 : memref<64x768xf32, #tpu.memory_space<vmem_shared>>) target(%dma_start3A_1888 : memref<64x768xf32, #tpu.memory_space<hbm>>) target_semaphore(%arg11 : memref<!tpu.dma_semaphore, #tpu.memory_space<semaphore_mem>>)
    } else {
    }
    %mul3A_1734 = arith.constant 4 : i32
    %mul3A_1735 = arith.muli %arg1, %mul3A_1734 : i32
    %add3A_1736 = arith.constant 3 : i32
    %add3A_1737 = arith.addi %mul3A_1735, %add3A_1736 : i32
    %add3A_1738 = arith.constant 15 : i32
    %add3A_1739 = arith.addi %add3A_1738, %arg1 : i32
    %rem3A_1740 = arith.constant 16 : i32
    %rem3A_1741 = arith.remsi %add3A_1739, %rem3A_1740 : i32
    %mul3A_1742 = arith.constant 1024 : i32
    %mul3A_1743 = arith.muli %arg0, %mul3A_1742 : i32
    %mul3A_1744 = arith.constant 64 : i32
    %mul3A_1745 = arith.muli %rem3A_1741, %mul3A_1744 : i32
    %add3A_1746 = arith.addi %mul3A_1743, %mul3A_1745 : i32
    %mul3A_1747 = arith.constant 2048 : i32
    %mul3A_1748 = arith.muli %add3A_1737, %mul3A_1747 : i32
    %add3A_1749 = arith.addi %mul3A_1748, %add3A_1746 : i32
    %add3A_1750 = arith.constant 64 : i32
    %add3A_1751 = arith.addi %add3A_1746, %add3A_1750 : i32
    %le3A_1752 = arith.cmpi sle, %add3A_1751, %squeeze3A_98 : i32
    %ge3A_1753 = arith.cmpi sge, %add3A_1746, %squeeze3A_98 : i32
    %convert_element_type3A_1754 = arith.extui %le3A_1752 : i1 to i32
    %cond3A_1755 = arith.constant 0 : i32
    %cond3A_1756 = arith.cmpi ne, %convert_element_type3A_1754, %cond3A_1755 : i32
    scf.if %cond3A_1756 {
      %mul3A_1887 = arith.constant 64 : i32
      %mul3A_1888 = arith.muli %rem3A_1741, %mul3A_1887 : i32
      %dma_start3A_1889 = arith.constant 0 : i32
      %dma_start3A_1890 = tpu.memref_slice %arg4[%add3A_1749, %dma_start3A_1889] : memref<131072x768xf32, #tpu.memory_space<hbm>> -> memref<64x768xf32, #tpu.memory_space<hbm>>
      %dma_start3A_1891 = arith.constant 0 : i32
      %dma_start3A_1892 = tpu.memref_slice %arg8[%mul3A_1888, %dma_start3A_1891] : memref<1024x768xf32, #tpu.memory_space<vmem_shared>> -> memref<64x768xf32, #tpu.memory_space<vmem_shared>>
      tpu.enqueue_dma source(%dma_start3A_1892 : memref<64x768xf32, #tpu.memory_space<vmem_shared>>) target(%dma_start3A_1890 : memref<64x768xf32, #tpu.memory_space<hbm>>) target_semaphore(%arg11 : memref<!tpu.dma_semaphore, #tpu.memory_space<semaphore_mem>>)
    } else {
    }
    %convert_element_type3A_1757 = arith.extui %ge3A_1753 : i1 to i32
    %cond3A_1758 = arith.constant 0 : i32
    %cond3A_1759 = arith.cmpi ne, %convert_element_type3A_1757, %cond3A_1758 : i32
    scf.if %cond3A_1759 {
      %dma_start3A_1887 = arith.constant 0 : i32
      %dma_start3A_1888 = tpu.memref_slice %arg4[%add3A_1749, %dma_start3A_1887] : memref<131072x768xf32, #tpu.memory_space<hbm>> -> memref<64x768xf32, #tpu.memory_space<hbm>>
      tpu.enqueue_dma source(%arg9 : memref<64x768xf32, #tpu.memory_space<vmem_shared>>) target(%dma_start3A_1888 : memref<64x768xf32, #tpu.memory_space<hbm>>) target_semaphore(%arg11 : memref<!tpu.dma_semaphore, #tpu.memory_space<semaphore_mem>>)
    } else {
    }
    %mul3A_1760 = arith.constant 4 : i32
    %mul3A_1761 = arith.muli %arg1, %mul3A_1760 : i32
    %add3A_1762 = arith.constant 0 : i32
    %add3A_1763 = arith.addi %mul3A_1761, %add3A_1762 : i32
    %get3A_1764 = arith.constant 0 : index
    %get3A_1765 = tpu.vector_load %arg5[%get3A_1764] {strides = array<i32>} : memref<64xi32, #tpu.memory_space<vmem>>, vector<16xi32>,
    %get3A_1766 = vector.shape_cast %get3A_1765 : vector<16xi32> to vector<16xi32>
    %div3A = arith.constant 64 : i32
    %div3A_1767 = arith.divsi %squeeze3A, %div3A : i32
    %mul3A_1768 = arith.constant 64 : i32
    %mul3A_1769 = arith.muli %div3A_1767, %mul3A_1768 : i32
    %mul3A_1770 = arith.constant 1024 : i32
    %mul3A_1771 = arith.muli %arg0, %mul3A_1770 : i32
    %ge3A_1772 = arith.cmpi sge, %mul3A_1769, %mul3A_1771 : i32
    %add3A_1773 = arith.constant 1 : i32
    %add3A_1774 = arith.addi %arg0, %add3A_1773 : i32
    %mul3A_1775 = arith.constant 1024 : i32
    %mul3A_1776 = arith.muli %add3A_1774, %mul3A_1775 : i32
    %lt3A = arith.cmpi slt, %mul3A_1769, %mul3A_1776 : i32
    %and3A = arith.andi %ge3A_1772, %lt3A : i1
    %rem3A_1777 = arith.constant 64 : i32
    %rem3A_1778 = arith.remsi %squeeze3A, %rem3A_1777 : i32
    %ne3A = arith.constant 0 : i32
    %ne3A_1779 = arith.cmpi ne, %rem3A_1778, %ne3A : i32
    %and3A_1780 = arith.andi %ne3A_1779, %and3A : i1
    %convert_element_type3A_1781 = arith.extui %and3A_1780 : i1 to i32
    %add3A_1782 = arith.constant 0 : i32
    %add3A_1783 = arith.addi %add3A_1782, %convert_element_type3A_1781 : i32
    %convert_element_type3A_1784 = arith.extui %and3A_1780 : i1 to i32
    %cond3A_1785 = arith.constant 0 : i32
    %cond3A_1786 = arith.cmpi ne, %convert_element_type3A_1784, %cond3A_1785 : i32
    scf.if %cond3A_1786 {
      %iota3A_1887 = tpu.iota {dimensions = array<i32: 0>} : vector<16xi32>
      %add3A_1888 = arith.constant 0 : i32
      %add3A_1889 = arith.addi %mul3A_1769, %add3A_1888 : i32
      %add3A_1890 = arith.constant 0 : i32
      %add3A_1891 = arith.addi %add3A_1889, %add3A_1890 : i32
      %add3A_1892 = arith.constant 1 : i32
      %add3A_1893 = arith.addi %add3A_1891, %add3A_1892 : i32
      %add3A_1894 = vector.broadcast %add3A_1893 : i32 to vector<16xi32>
      %add3A_1895 = arith.addi %iota3A_1887, %add3A_1894 : vector<16xi32>
      %le3A_1896 = arith.cmpi sle, %add3A_1895, %get3A_1766 : vector<16xi32>
      %jit3A = arith.constant 0 : i32
      %broadcast_in_dim3A = vector.broadcast %jit3A : i32 to vector<16xi32>
      %select_n3A = arith.select %le3A_1896, %add3A_1895, %broadcast_in_dim3A : vector<16xi1>, vector<16xi32>
      %swap3A_1897 = arith.constant 0 : index
      %swap3A_1898 = tpu.vector_load %arg6[%swap3A_1897] {strides = array<i32>} : memref<64xi32, #tpu.memory_space<vmem>>, vector<16xi32>,
      %swap3A_1899 = vector.shape_cast %swap3A_1898 : vector<16xi32> to vector<16xi32>
      %swap3A_1900 = vector.shape_cast %select_n3A : vector<16xi32> to vector<16xi32>
      tpu.vector_store %arg6[%swap3A_1897], %swap3A_1900 {strides = array<i32>} : memref<64xi32, #tpu.memory_space<vmem>>, vector<16xi32>,
      %iota3A_1901 = tpu.iota {dimensions = array<i32: 0>} : vector<16xi32>
      %add3A_1902 = arith.constant 0 : i32
      %add3A_1903 = arith.addi %mul3A_1769, %add3A_1902 : i32
      %add3A_1904 = arith.constant 16 : i32
      %add3A_1905 = arith.addi %add3A_1903, %add3A_1904 : i32
      %add3A_1906 = arith.constant 1 : i32
      %add3A_1907 = arith.addi %add3A_1905, %add3A_1906 : i32
      %add3A_1908 = vector.broadcast %add3A_1907 : i32 to vector<16xi32>
      %add3A_1909 = arith.addi %iota3A_1901, %add3A_1908 : vector<16xi32>
      %le3A_1910 = arith.cmpi sle, %add3A_1909, %get3A_1766 : vector<16xi32>
      %jit3A_1911 = arith.constant 0 : i32
      %broadcast_in_dim3A_1912 = vector.broadcast %jit3A_1911 : i32 to vector<16xi32>
      %select_n3A_1913 = arith.select %le3A_1910, %add3A_1909, %broadcast_in_dim3A_1912 : vector<16xi1>, vector<16xi32>
      %swap3A_1914 = arith.constant 16 : index
      %swap3A_1915 = tpu.vector_load %arg6[%swap3A_1914] {strides = array<i32>} : memref<64xi32, #tpu.memory_space<vmem>>, vector<16xi32>,
      %swap3A_1916 = vector.shape_cast %swap3A_1915 : vector<16xi32> to vector<16xi32>
      %swap3A_1917 = vector.shape_cast %select_n3A_1913 : vector<16xi32> to vector<16xi32>
      tpu.vector_store %arg6[%swap3A_1914], %swap3A_1917 {strides = array<i32>} : memref<64xi32, #tpu.memory_space<vmem>>, vector<16xi32>,
      %iota3A_1918 = tpu.iota {dimensions = array<i32: 0>} : vector<16xi32>
      %add3A_1919 = arith.constant 0 : i32
      %add3A_1920 = arith.addi %mul3A_1769, %add3A_1919 : i32
      %add3A_1921 = arith.constant 32 : i32
      %add3A_1922 = arith.addi %add3A_1920, %add3A_1921 : i32
      %add3A_1923 = arith.constant 1 : i32
      %add3A_1924 = arith.addi %add3A_1922, %add3A_1923 : i32
      %add3A_1925 = vector.broadcast %add3A_1924 : i32 to vector<16xi32>
      %add3A_1926 = arith.addi %iota3A_1918, %add3A_1925 : vector<16xi32>
      %le3A_1927 = arith.cmpi sle, %add3A_1926, %get3A_1766 : vector<16xi32>
      %jit3A_1928 = arith.constant 0 : i32
      %broadcast_in_dim3A_1929 = vector.broadcast %jit3A_1928 : i32 to vector<16xi32>
      %select_n3A_1930 = arith.select %le3A_1927, %add3A_1926, %broadcast_in_dim3A_1929 : vector<16xi1>, vector<16xi32>
      %swap3A_1931 = arith.constant 32 : index
      %swap3A_1932 = tpu.vector_load %arg6[%swap3A_1931] {strides = array<i32>} : memref<64xi32, #tpu.memory_space<vmem>>, vector<16xi32>,
      %swap3A_1933 = vector.shape_cast %swap3A_1932 : vector<16xi32> to vector<16xi32>
      %swap3A_1934 = vector.shape_cast %select_n3A_1930 : vector<16xi32> to vector<16xi32>
      tpu.vector_store %arg6[%swap3A_1931], %swap3A_1934 {strides = array<i32>} : memref<64xi32, #tpu.memory_space<vmem>>, vector<16xi32>,
      %iota3A_1935 = tpu.iota {dimensions = array<i32: 0>} : vector<16xi32>
      %add3A_1936 = arith.constant 0 : i32
      %add3A_1937 = arith.addi %mul3A_1769, %add3A_1936 : i32
      %add3A_1938 = arith.constant 48 : i32
      %add3A_1939 = arith.addi %add3A_1937, %add3A_1938 : i32
      %add3A_1940 = arith.constant 1 : i32
      %add3A_1941 = arith.addi %add3A_1939, %add3A_1940 : i32
      %add3A_1942 = vector.broadcast %add3A_1941 : i32 to vector<16xi32>
      %add3A_1943 = arith.addi %iota3A_1935, %add3A_1942 : vector<16xi32>
      %le3A_1944 = arith.cmpi sle, %add3A_1943, %get3A_1766 : vector<16xi32>
      %jit3A_1945 = arith.constant 0 : i32
      %broadcast_in_dim3A_1946 = vector.broadcast %jit3A_1945 : i32 to vector<16xi32>
      %select_n3A_1947 = arith.select %le3A_1944, %add3A_1943, %broadcast_in_dim3A_1946 : vector<16xi1>, vector<16xi32>
      %swap3A_1948 = arith.constant 48 : index
      %swap3A_1949 = tpu.vector_load %arg6[%swap3A_1948] {strides = array<i32>} : memref<64xi32, #tpu.memory_space<vmem>>, vector<16xi32>,
      %swap3A_1950 = vector.shape_cast %swap3A_1949 : vector<16xi32> to vector<16xi32>
      %swap3A_1951 = vector.shape_cast %select_n3A_1947 : vector<16xi32> to vector<16xi32>
      tpu.vector_store %arg6[%swap3A_1948], %swap3A_1951 {strides = array<i32>} : memref<64xi32, #tpu.memory_space<vmem>>, vector<16xi32>,
      %dma_start3A_1952 = arith.constant 0 : i32
      %dma_start3A_1953 = arith.constant 0 : i32
      %dma_start3A_1954 = tpu.memref_slice %arg3[%dma_start3A_1952, %dma_start3A_1953] : memref<2049x768xf32, #tpu.memory_space<hbm>> -> memref<2049x768xf32, #tpu.memory_space<hbm>>
      tpu.enqueue_indirect_dma source(%dma_start3A_1954 : memref<2049x768xf32, #tpu.memory_space<hbm>>) target(%arg7 : memref<64x768xf32, #tpu.memory_space<vmem>>) offsets(%arg6 : memref<64xi32, #tpu.memory_space<vmem>>) semaphore(%arg10 : memref<!tpu.dma_semaphore, #tpu.memory_space<semaphore_mem>>)
      %dma_wait3A_1955 = arith.constant 0 : i32
      %dma_wait3A_1956 = arith.constant 0 : i32
      %dma_wait3A_1957 = tpu.memref_slice %arg3[%dma_wait3A_1955, %dma_wait3A_1956] : memref<2049x768xf32, #tpu.memory_space<hbm>> -> memref<2049x768xf32, #tpu.memory_space<hbm>>
      tpu.wait_indirect_dma semaphore(%arg10 : memref<!tpu.dma_semaphore, #tpu.memory_space<semaphore_mem>>) src(%dma_wait3A_1957 : memref<2049x768xf32, #tpu.memory_space<hbm>>) dst(%arg7 : memref<64x768xf32, #tpu.memory_space<vmem>>)
      %mul3A_1958 = arith.constant 2048 : i32
      %mul3A_1959 = arith.muli %add3A_1763, %mul3A_1958 : i32
      %add3A_1960 = arith.addi %mul3A_1959, %mul3A_1769 : i32
      %add3A_1961 = arith.constant 0 : i32
      %add3A_1962 = arith.addi %add3A_1960, %add3A_1961 : i32
      "tpu.region"() ({
        %run_scoped3A = tpu.sem_alloc : memref<!tpu.dma_semaphore, #tpu.memory_space<semaphore_mem>>
        %dma_start3A_1963 = arith.constant 0 : i32
        %dma_start3A_1964 = tpu.memref_slice %arg4[%add3A_1962, %dma_start3A_1963] : memref<131072x768xf32, #tpu.memory_space<hbm>> -> memref<64x768xf32, #tpu.memory_space<hbm>>
        %dma_start3A_1965 = arith.constant 0 : i32
        %dma_start3A_1966 = tpu.memref_slice %arg4[%add3A_1962, %dma_start3A_1965] : memref<131072x768xf32, #tpu.memory_space<hbm>> -> memref<64x768xf32, #tpu.memory_space<hbm>>
        tpu.enqueue_dma source(%arg7 : memref<64x768xf32, #tpu.memory_space<vmem>>) target(%dma_start3A_1966 : memref<64x768xf32, #tpu.memory_space<hbm>>) target_semaphore(%run_scoped3A : memref<!tpu.dma_semaphore, #tpu.memory_space<semaphore_mem>>)
        %dma_wait3A_1967 = arith.constant 0 : i32
        %dma_wait3A_1968 = tpu.memref_slice %arg4[%add3A_1962, %dma_wait3A_1967] : memref<131072x768xf32, #tpu.memory_space<hbm>> -> memref<64x768xf32, #tpu.memory_space<hbm>>
        %dma_wait3A_1969 = arith.constant 0 : i32
        %dma_wait3A_1970 = tpu.memref_slice %arg4[%add3A_1962, %dma_wait3A_1969] : memref<131072x768xf32, #tpu.memory_space<hbm>> -> memref<64x768xf32, #tpu.memory_space<hbm>>
        tpu.wait_dma2 semaphore(%run_scoped3A : memref<!tpu.dma_semaphore, #tpu.memory_space<semaphore_mem>>) src(%arg7 : memref<64x768xf32, #tpu.memory_space<vmem>>) dst(%dma_wait3A_1970 : memref<64x768xf32, #tpu.memory_space<hbm>>)
        tpu.yield
      }) : () -> ()
    } else {
    }
    %mul3A_1787 = arith.constant 4 : i32
    %mul3A_1788 = arith.muli %arg1, %mul3A_1787 : i32
    %add3A_1789 = arith.constant 1 : i32
    %add3A_1790 = arith.addi %mul3A_1788, %add3A_1789 : i32
    %get3A_1791 = arith.constant 16 : index
    %get3A_1792 = tpu.vector_load %arg5[%get3A_1791] {strides = array<i32>} : memref<64xi32, #tpu.memory_space<vmem>>, vector<16xi32>,
    %get3A_1793 = vector.shape_cast %get3A_1792 : vector<16xi32> to vector<16xi32>
    %div3A_1794 = arith.constant 64 : i32
    %div3A_1795 = arith.divsi %squeeze3A_88, %div3A_1794 : i32
    %mul3A_1796 = arith.constant 64 : i32
    %mul3A_1797 = arith.muli %div3A_1795, %mul3A_1796 : i32
    %mul3A_1798 = arith.constant 1024 : i32
    %mul3A_1799 = arith.muli %arg0, %mul3A_1798 : i32
    %ge3A_1800 = arith.cmpi sge, %mul3A_1797, %mul3A_1799 : i32
    %add3A_1801 = arith.constant 1 : i32
    %add3A_1802 = arith.addi %arg0, %add3A_1801 : i32
    %mul3A_1803 = arith.constant 1024 : i32
    %mul3A_1804 = arith.muli %add3A_1802, %mul3A_1803 : i32
    %lt3A_1805 = arith.cmpi slt, %mul3A_1797, %mul3A_1804 : i32
    %and3A_1806 = arith.andi %ge3A_1800, %lt3A_1805 : i1
    %rem3A_1807 = arith.constant 64 : i32
    %rem3A_1808 = arith.remsi %squeeze3A_88, %rem3A_1807 : i32
    %ne3A_1809 = arith.constant 0 : i32
    %ne3A_1810 = arith.cmpi ne, %rem3A_1808, %ne3A_1809 : i32
    %and3A_1811 = arith.andi %ne3A_1810, %and3A_1806 : i1
    %convert_element_type3A_1812 = arith.extui %and3A_1811 : i1 to i32
    %add3A_1813 = arith.addi %add3A_1783, %convert_element_type3A_1812 : i32
    %convert_element_type3A_1814 = arith.extui %and3A_1811 : i1 to i32
    %cond3A_1815 = arith.constant 0 : i32
    %cond3A_1816 = arith.cmpi ne, %convert_element_type3A_1814, %cond3A_1815 : i32
    scf.if %cond3A_1816 {
      %iota3A_1887 = tpu.iota {dimensions = array<i32: 0>} : vector<16xi32>
      %add3A_1888 = arith.constant 0 : i32
      %add3A_1889 = arith.addi %mul3A_1797, %add3A_1888 : i32
      %add3A_1890 = arith.constant 0 : i32
      %add3A_1891 = arith.addi %add3A_1889, %add3A_1890 : i32
      %add3A_1892 = arith.constant 1 : i32
      %add3A_1893 = arith.addi %add3A_1891, %add3A_1892 : i32
      %add3A_1894 = vector.broadcast %add3A_1893 : i32 to vector<16xi32>
      %add3A_1895 = arith.addi %iota3A_1887, %add3A_1894 : vector<16xi32>
      %le3A_1896 = arith.cmpi sle, %add3A_1895, %get3A_1793 : vector<16xi32>
      %jit3A = arith.constant 0 : i32
      %broadcast_in_dim3A = vector.broadcast %jit3A : i32 to vector<16xi32>
      %select_n3A = arith.select %le3A_1896, %add3A_1895, %broadcast_in_dim3A : vector<16xi1>, vector<16xi32>
      %swap3A_1897 = arith.constant 0 : index
      %swap3A_1898 = tpu.vector_load %arg6[%swap3A_1897] {strides = array<i32>} : memref<64xi32, #tpu.memory_space<vmem>>, vector<16xi32>,
      %swap3A_1899 = vector.shape_cast %swap3A_1898 : vector<16xi32> to vector<16xi32>
      %swap3A_1900 = vector.shape_cast %select_n3A : vector<16xi32> to vector<16xi32>
      tpu.vector_store %arg6[%swap3A_1897], %swap3A_1900 {strides = array<i32>} : memref<64xi32, #tpu.memory_space<vmem>>, vector<16xi32>,
      %iota3A_1901 = tpu.iota {dimensions = array<i32: 0>} : vector<16xi32>
      %add3A_1902 = arith.constant 0 : i32
      %add3A_1903 = arith.addi %mul3A_1797, %add3A_1902 : i32
      %add3A_1904 = arith.constant 16 : i32
      %add3A_1905 = arith.addi %add3A_1903, %add3A_1904 : i32
      %add3A_1906 = arith.constant 1 : i32
      %add3A_1907 = arith.addi %add3A_1905, %add3A_1906 : i32
      %add3A_1908 = vector.broadcast %add3A_1907 : i32 to vector<16xi32>
      %add3A_1909 = arith.addi %iota3A_1901, %add3A_1908 : vector<16xi32>
      %le3A_1910 = arith.cmpi sle, %add3A_1909, %get3A_1793 : vector<16xi32>
      %jit3A_1911 = arith.constant 0 : i32
      %broadcast_in_dim3A_1912 = vector.broadcast %jit3A_1911 : i32 to vector<16xi32>
      %select_n3A_1913 = arith.select %le3A_1910, %add3A_1909, %broadcast_in_dim3A_1912 : vector<16xi1>, vector<16xi32>
      %swap3A_1914 = arith.constant 16 : index
      %swap3A_1915 = tpu.vector_load %arg6[%swap3A_1914] {strides = array<i32>} : memref<64xi32, #tpu.memory_space<vmem>>, vector<16xi32>,
      %swap3A_1916 = vector.shape_cast %swap3A_1915 : vector<16xi32> to vector<16xi32>
      %swap3A_1917 = vector.shape_cast %select_n3A_1913 : vector<16xi32> to vector<16xi32>
      tpu.vector_store %arg6[%swap3A_1914], %swap3A_1917 {strides = array<i32>} : memref<64xi32, #tpu.memory_space<vmem>>, vector<16xi32>,
      %iota3A_1918 = tpu.iota {dimensions = array<i32: 0>} : vector<16xi32>
      %add3A_1919 = arith.constant 0 : i32
      %add3A_1920 = arith.addi %mul3A_1797, %add3A_1919 : i32
      %add3A_1921 = arith.constant 32 : i32
      %add3A_1922 = arith.addi %add3A_1920, %add3A_1921 : i32
      %add3A_1923 = arith.constant 1 : i32
      %add3A_1924 = arith.addi %add3A_1922, %add3A_1923 : i32
      %add3A_1925 = vector.broadcast %add3A_1924 : i32 to vector<16xi32>
      %add3A_1926 = arith.addi %iota3A_1918, %add3A_1925 : vector<16xi32>
      %le3A_1927 = arith.cmpi sle, %add3A_1926, %get3A_1793 : vector<16xi32>
      %jit3A_1928 = arith.constant 0 : i32
      %broadcast_in_dim3A_1929 = vector.broadcast %jit3A_1928 : i32 to vector<16xi32>
      %select_n3A_1930 = arith.select %le3A_1927, %add3A_1926, %broadcast_in_dim3A_1929 : vector<16xi1>, vector<16xi32>
      %swap3A_1931 = arith.constant 32 : index
      %swap3A_1932 = tpu.vector_load %arg6[%swap3A_1931] {strides = array<i32>} : memref<64xi32, #tpu.memory_space<vmem>>, vector<16xi32>,
      %swap3A_1933 = vector.shape_cast %swap3A_1932 : vector<16xi32> to vector<16xi32>
      %swap3A_1934 = vector.shape_cast %select_n3A_1930 : vector<16xi32> to vector<16xi32>
      tpu.vector_store %arg6[%swap3A_1931], %swap3A_1934 {strides = array<i32>} : memref<64xi32, #tpu.memory_space<vmem>>, vector<16xi32>,
      %iota3A_1935 = tpu.iota {dimensions = array<i32: 0>} : vector<16xi32>
      %add3A_1936 = arith.constant 0 : i32
      %add3A_1937 = arith.addi %mul3A_1797, %add3A_1936 : i32
      %add3A_1938 = arith.constant 48 : i32
      %add3A_1939 = arith.addi %add3A_1937, %add3A_1938 : i32
      %add3A_1940 = arith.constant 1 : i32
      %add3A_1941 = arith.addi %add3A_1939, %add3A_1940 : i32
      %add3A_1942 = vector.broadcast %add3A_1941 : i32 to vector<16xi32>
      %add3A_1943 = arith.addi %iota3A_1935, %add3A_1942 : vector<16xi32>
      %le3A_1944 = arith.cmpi sle, %add3A_1943, %get3A_1793 : vector<16xi32>
      %jit3A_1945 = arith.constant 0 : i32
      %broadcast_in_dim3A_1946 = vector.broadcast %jit3A_1945 : i32 to vector<16xi32>
      %select_n3A_1947 = arith.select %le3A_1944, %add3A_1943, %broadcast_in_dim3A_1946 : vector<16xi1>, vector<16xi32>
      %swap3A_1948 = arith.constant 48 : index
      %swap3A_1949 = tpu.vector_load %arg6[%swap3A_1948] {strides = array<i32>} : memref<64xi32, #tpu.memory_space<vmem>>, vector<16xi32>,
      %swap3A_1950 = vector.shape_cast %swap3A_1949 : vector<16xi32> to vector<16xi32>
      %swap3A_1951 = vector.shape_cast %select_n3A_1947 : vector<16xi32> to vector<16xi32>
      tpu.vector_store %arg6[%swap3A_1948], %swap3A_1951 {strides = array<i32>} : memref<64xi32, #tpu.memory_space<vmem>>, vector<16xi32>,
      %dma_start3A_1952 = arith.constant 0 : i32
      %dma_start3A_1953 = arith.constant 0 : i32
      %dma_start3A_1954 = tpu.memref_slice %arg3[%dma_start3A_1952, %dma_start3A_1953] : memref<2049x768xf32, #tpu.memory_space<hbm>> -> memref<2049x768xf32, #tpu.memory_space<hbm>>
      tpu.enqueue_indirect_dma source(%dma_start3A_1954 : memref<2049x768xf32, #tpu.memory_space<hbm>>) target(%arg7 : memref<64x768xf32, #tpu.memory_space<vmem>>) offsets(%arg6 : memref<64xi32, #tpu.memory_space<vmem>>) semaphore(%arg10 : memref<!tpu.dma_semaphore, #tpu.memory_space<semaphore_mem>>)
      %dma_wait3A_1955 = arith.constant 0 : i32
      %dma_wait3A_1956 = arith.constant 0 : i32
      %dma_wait3A_1957 = tpu.memref_slice %arg3[%dma_wait3A_1955, %dma_wait3A_1956] : memref<2049x768xf32, #tpu.memory_space<hbm>> -> memref<2049x768xf32, #tpu.memory_space<hbm>>
      tpu.wait_indirect_dma semaphore(%arg10 : memref<!tpu.dma_semaphore, #tpu.memory_space<semaphore_mem>>) src(%dma_wait3A_1957 : memref<2049x768xf32, #tpu.memory_space<hbm>>) dst(%arg7 : memref<64x768xf32, #tpu.memory_space<vmem>>)
      %mul3A_1958 = arith.constant 2048 : i32
      %mul3A_1959 = arith.muli %add3A_1790, %mul3A_1958 : i32
      %add3A_1960 = arith.addi %mul3A_1959, %mul3A_1797 : i32
      %add3A_1961 = arith.constant 0 : i32
      %add3A_1962 = arith.addi %add3A_1960, %add3A_1961 : i32
      "tpu.region"() ({
        %run_scoped3A = tpu.sem_alloc : memref<!tpu.dma_semaphore, #tpu.memory_space<semaphore_mem>>
        %dma_start3A_1963 = arith.constant 0 : i32
        %dma_start3A_1964 = tpu.memref_slice %arg4[%add3A_1962, %dma_start3A_1963] : memref<131072x768xf32, #tpu.memory_space<hbm>> -> memref<64x768xf32, #tpu.memory_space<hbm>>
        %dma_start3A_1965 = arith.constant 0 : i32
        %dma_start3A_1966 = tpu.memref_slice %arg4[%add3A_1962, %dma_start3A_1965] : memref<131072x768xf32, #tpu.memory_space<hbm>> -> memref<64x768xf32, #tpu.memory_space<hbm>>
        tpu.enqueue_dma source(%arg7 : memref<64x768xf32, #tpu.memory_space<vmem>>) target(%dma_start3A_1966 : memref<64x768xf32, #tpu.memory_space<hbm>>) target_semaphore(%run_scoped3A : memref<!tpu.dma_semaphore, #tpu.memory_space<semaphore_mem>>)
        %dma_wait3A_1967 = arith.constant 0 : i32
        %dma_wait3A_1968 = tpu.memref_slice %arg4[%add3A_1962, %dma_wait3A_1967] : memref<131072x768xf32, #tpu.memory_space<hbm>> -> memref<64x768xf32, #tpu.memory_space<hbm>>
        %dma_wait3A_1969 = arith.constant 0 : i32
        %dma_wait3A_1970 = tpu.memref_slice %arg4[%add3A_1962, %dma_wait3A_1969] : memref<131072x768xf32, #tpu.memory_space<hbm>> -> memref<64x768xf32, #tpu.memory_space<hbm>>
        tpu.wait_dma2 semaphore(%run_scoped3A : memref<!tpu.dma_semaphore, #tpu.memory_space<semaphore_mem>>) src(%arg7 : memref<64x768xf32, #tpu.memory_space<vmem>>) dst(%dma_wait3A_1970 : memref<64x768xf32, #tpu.memory_space<hbm>>)
        tpu.yield
      }) : () -> ()
    } else {
    }
    %mul3A_1817 = arith.constant 4 : i32
    %mul3A_1818 = arith.muli %arg1, %mul3A_1817 : i32
    %add3A_1819 = arith.constant 2 : i32
    %add3A_1820 = arith.addi %mul3A_1818, %add3A_1819 : i32
    %get3A_1821 = arith.constant 32 : index
    %get3A_1822 = tpu.vector_load %arg5[%get3A_1821] {strides = array<i32>} : memref<64xi32, #tpu.memory_space<vmem>>, vector<16xi32>,
    %get3A_1823 = vector.shape_cast %get3A_1822 : vector<16xi32> to vector<16xi32>
    %div3A_1824 = arith.constant 64 : i32
    %div3A_1825 = arith.divsi %squeeze3A_93, %div3A_1824 : i32
    %mul3A_1826 = arith.constant 64 : i32
    %mul3A_1827 = arith.muli %div3A_1825, %mul3A_1826 : i32
    %mul3A_1828 = arith.constant 1024 : i32
    %mul3A_1829 = arith.muli %arg0, %mul3A_1828 : i32
    %ge3A_1830 = arith.cmpi sge, %mul3A_1827, %mul3A_1829 : i32
    %add3A_1831 = arith.constant 1 : i32
    %add3A_1832 = arith.addi %arg0, %add3A_1831 : i32
    %mul3A_1833 = arith.constant 1024 : i32
    %mul3A_1834 = arith.muli %add3A_1832, %mul3A_1833 : i32
    %lt3A_1835 = arith.cmpi slt, %mul3A_1827, %mul3A_1834 : i32
    %and3A_1836 = arith.andi %ge3A_1830, %lt3A_1835 : i1
    %rem3A_1837 = arith.constant 64 : i32
    %rem3A_1838 = arith.remsi %squeeze3A_93, %rem3A_1837 : i32
    %ne3A_1839 = arith.constant 0 : i32
    %ne3A_1840 = arith.cmpi ne, %rem3A_1838, %ne3A_1839 : i32
    %and3A_1841 = arith.andi %ne3A_1840, %and3A_1836 : i1
    %convert_element_type3A_1842 = arith.extui %and3A_1841 : i1 to i32
    %add3A_1843 = arith.addi %add3A_1813, %convert_element_type3A_1842 : i32
    %convert_element_type3A_1844 = arith.extui %and3A_1841 : i1 to i32
    %cond3A_1845 = arith.constant 0 : i32
    %cond3A_1846 = arith.cmpi ne, %convert_element_type3A_1844, %cond3A_1845 : i32
    scf.if %cond3A_1846 {
      %iota3A_1887 = tpu.iota {dimensions = array<i32: 0>} : vector<16xi32>
      %add3A_1888 = arith.constant 0 : i32
      %add3A_1889 = arith.addi %mul3A_1827, %add3A_1888 : i32
      %add3A_1890 = arith.constant 0 : i32
      %add3A_1891 = arith.addi %add3A_1889, %add3A_1890 : i32
      %add3A_1892 = arith.constant 1 : i32
      %add3A_1893 = arith.addi %add3A_1891, %add3A_1892 : i32
      %add3A_1894 = vector.broadcast %add3A_1893 : i32 to vector<16xi32>
      %add3A_1895 = arith.addi %iota3A_1887, %add3A_1894 : vector<16xi32>
      %le3A_1896 = arith.cmpi sle, %add3A_1895, %get3A_1823 : vector<16xi32>
      %jit3A = arith.constant 0 : i32
      %broadcast_in_dim3A = vector.broadcast %jit3A : i32 to vector<16xi32>
      %select_n3A = arith.select %le3A_1896, %add3A_1895, %broadcast_in_dim3A : vector<16xi1>, vector<16xi32>
      %swap3A_1897 = arith.constant 0 : index
      %swap3A_1898 = tpu.vector_load %arg6[%swap3A_1897] {strides = array<i32>} : memref<64xi32, #tpu.memory_space<vmem>>, vector<16xi32>,
      %swap3A_1899 = vector.shape_cast %swap3A_1898 : vector<16xi32> to vector<16xi32>
      %swap3A_1900 = vector.shape_cast %select_n3A : vector<16xi32> to vector<16xi32>
      tpu.vector_store %arg6[%swap3A_1897], %swap3A_1900 {strides = array<i32>} : memref<64xi32, #tpu.memory_space<vmem>>, vector<16xi32>,
      %iota3A_1901 = tpu.iota {dimensions = array<i32: 0>} : vector<16xi32>
      %add3A_1902 = arith.constant 0 : i32
      %add3A_1903 = arith.addi %mul3A_1827, %add3A_1902 : i32
      %add3A_1904 = arith.constant 16 : i32
      %add3A_1905 = arith.addi %add3A_1903, %add3A_1904 : i32
      %add3A_1906 = arith.constant 1 : i32
      %add3A_1907 = arith.addi %add3A_1905, %add3A_1906 : i32
      %add3A_1908 = vector.broadcast %add3A_1907 : i32 to vector<16xi32>
      %add3A_1909 = arith.addi %iota3A_1901, %add3A_1908 : vector<16xi32>
      %le3A_1910 = arith.cmpi sle, %add3A_1909, %get3A_1823 : vector<16xi32>
      %jit3A_1911 = arith.constant 0 : i32
      %broadcast_in_dim3A_1912 = vector.broadcast %jit3A_1911 : i32 to vector<16xi32>
      %select_n3A_1913 = arith.select %le3A_1910, %add3A_1909, %broadcast_in_dim3A_1912 : vector<16xi1>, vector<16xi32>
      %swap3A_1914 = arith.constant 16 : index
      %swap3A_1915 = tpu.vector_load %arg6[%swap3A_1914] {strides = array<i32>} : memref<64xi32, #tpu.memory_space<vmem>>, vector<16xi32>,
      %swap3A_1916 = vector.shape_cast %swap3A_1915 : vector<16xi32> to vector<16xi32>
      %swap3A_1917 = vector.shape_cast %select_n3A_1913 : vector<16xi32> to vector<16xi32>
      tpu.vector_store %arg6[%swap3A_1914], %swap3A_1917 {strides = array<i32>} : memref<64xi32, #tpu.memory_space<vmem>>, vector<16xi32>,
      %iota3A_1918 = tpu.iota {dimensions = array<i32: 0>} : vector<16xi32>
      %add3A_1919 = arith.constant 0 : i32
      %add3A_1920 = arith.addi %mul3A_1827, %add3A_1919 : i32
      %add3A_1921 = arith.constant 32 : i32
      %add3A_1922 = arith.addi %add3A_1920, %add3A_1921 : i32
      %add3A_1923 = arith.constant 1 : i32
      %add3A_1924 = arith.addi %add3A_1922, %add3A_1923 : i32
      %add3A_1925 = vector.broadcast %add3A_1924 : i32 to vector<16xi32>
      %add3A_1926 = arith.addi %iota3A_1918, %add3A_1925 : vector<16xi32>
      %le3A_1927 = arith.cmpi sle, %add3A_1926, %get3A_1823 : vector<16xi32>
      %jit3A_1928 = arith.constant 0 : i32
      %broadcast_in_dim3A_1929 = vector.broadcast %jit3A_1928 : i32 to vector<16xi32>
      %select_n3A_1930 = arith.select %le3A_1927, %add3A_1926, %broadcast_in_dim3A_1929 : vector<16xi1>, vector<16xi32>
      %swap3A_1931 = arith.constant 32 : index
      %swap3A_1932 = tpu.vector_load %arg6[%swap3A_1931] {strides = array<i32>} : memref<64xi32, #tpu.memory_space<vmem>>, vector<16xi32>,
      %swap3A_1933 = vector.shape_cast %swap3A_1932 : vector<16xi32> to vector<16xi32>
      %swap3A_1934 = vector.shape_cast %select_n3A_1930 : vector<16xi32> to vector<16xi32>
      tpu.vector_store %arg6[%swap3A_1931], %swap3A_1934 {strides = array<i32>} : memref<64xi32, #tpu.memory_space<vmem>>, vector<16xi32>,
      %iota3A_1935 = tpu.iota {dimensions = array<i32: 0>} : vector<16xi32>
      %add3A_1936 = arith.constant 0 : i32
      %add3A_1937 = arith.addi %mul3A_1827, %add3A_1936 : i32
      %add3A_1938 = arith.constant 48 : i32
      %add3A_1939 = arith.addi %add3A_1937, %add3A_1938 : i32
      %add3A_1940 = arith.constant 1 : i32
      %add3A_1941 = arith.addi %add3A_1939, %add3A_1940 : i32
      %add3A_1942 = vector.broadcast %add3A_1941 : i32 to vector<16xi32>
      %add3A_1943 = arith.addi %iota3A_1935, %add3A_1942 : vector<16xi32>
      %le3A_1944 = arith.cmpi sle, %add3A_1943, %get3A_1823 : vector<16xi32>
      %jit3A_1945 = arith.constant 0 : i32
      %broadcast_in_dim3A_1946 = vector.broadcast %jit3A_1945 : i32 to vector<16xi32>
      %select_n3A_1947 = arith.select %le3A_1944, %add3A_1943, %broadcast_in_dim3A_1946 : vector<16xi1>, vector<16xi32>
      %swap3A_1948 = arith.constant 48 : index
      %swap3A_1949 = tpu.vector_load %arg6[%swap3A_1948] {strides = array<i32>} : memref<64xi32, #tpu.memory_space<vmem>>, vector<16xi32>,
      %swap3A_1950 = vector.shape_cast %swap3A_1949 : vector<16xi32> to vector<16xi32>
      %swap3A_1951 = vector.shape_cast %select_n3A_1947 : vector<16xi32> to vector<16xi32>
      tpu.vector_store %arg6[%swap3A_1948], %swap3A_1951 {strides = array<i32>} : memref<64xi32, #tpu.memory_space<vmem>>, vector<16xi32>,
      %dma_start3A_1952 = arith.constant 0 : i32
      %dma_start3A_1953 = arith.constant 0 : i32
      %dma_start3A_1954 = tpu.memref_slice %arg3[%dma_start3A_1952, %dma_start3A_1953] : memref<2049x768xf32, #tpu.memory_space<hbm>> -> memref<2049x768xf32, #tpu.memory_space<hbm>>
      tpu.enqueue_indirect_dma source(%dma_start3A_1954 : memref<2049x768xf32, #tpu.memory_space<hbm>>) target(%arg7 : memref<64x768xf32, #tpu.memory_space<vmem>>) offsets(%arg6 : memref<64xi32, #tpu.memory_space<vmem>>) semaphore(%arg10 : memref<!tpu.dma_semaphore, #tpu.memory_space<semaphore_mem>>)
      %dma_wait3A_1955 = arith.constant 0 : i32
      %dma_wait3A_1956 = arith.constant 0 : i32
      %dma_wait3A_1957 = tpu.memref_slice %arg3[%dma_wait3A_1955, %dma_wait3A_1956] : memref<2049x768xf32, #tpu.memory_space<hbm>> -> memref<2049x768xf32, #tpu.memory_space<hbm>>
      tpu.wait_indirect_dma semaphore(%arg10 : memref<!tpu.dma_semaphore, #tpu.memory_space<semaphore_mem>>) src(%dma_wait3A_1957 : memref<2049x768xf32, #tpu.memory_space<hbm>>) dst(%arg7 : memref<64x768xf32, #tpu.memory_space<vmem>>)
      %mul3A_1958 = arith.constant 2048 : i32
      %mul3A_1959 = arith.muli %add3A_1820, %mul3A_1958 : i32
      %add3A_1960 = arith.addi %mul3A_1959, %mul3A_1827 : i32
      %add3A_1961 = arith.constant 0 : i32
      %add3A_1962 = arith.addi %add3A_1960, %add3A_1961 : i32
      "tpu.region"() ({
        %run_scoped3A = tpu.sem_alloc : memref<!tpu.dma_semaphore, #tpu.memory_space<semaphore_mem>>
        %dma_start3A_1963 = arith.constant 0 : i32
        %dma_start3A_1964 = tpu.memref_slice %arg4[%add3A_1962, %dma_start3A_1963] : memref<131072x768xf32, #tpu.memory_space<hbm>> -> memref<64x768xf32, #tpu.memory_space<hbm>>
        %dma_start3A_1965 = arith.constant 0 : i32
        %dma_start3A_1966 = tpu.memref_slice %arg4[%add3A_1962, %dma_start3A_1965] : memref<131072x768xf32, #tpu.memory_space<hbm>> -> memref<64x768xf32, #tpu.memory_space<hbm>>
        tpu.enqueue_dma source(%arg7 : memref<64x768xf32, #tpu.memory_space<vmem>>) target(%dma_start3A_1966 : memref<64x768xf32, #tpu.memory_space<hbm>>) target_semaphore(%run_scoped3A : memref<!tpu.dma_semaphore, #tpu.memory_space<semaphore_mem>>)
        %dma_wait3A_1967 = arith.constant 0 : i32
        %dma_wait3A_1968 = tpu.memref_slice %arg4[%add3A_1962, %dma_wait3A_1967] : memref<131072x768xf32, #tpu.memory_space<hbm>> -> memref<64x768xf32, #tpu.memory_space<hbm>>
        %dma_wait3A_1969 = arith.constant 0 : i32
        %dma_wait3A_1970 = tpu.memref_slice %arg4[%add3A_1962, %dma_wait3A_1969] : memref<131072x768xf32, #tpu.memory_space<hbm>> -> memref<64x768xf32, #tpu.memory_space<hbm>>
        tpu.wait_dma2 semaphore(%run_scoped3A : memref<!tpu.dma_semaphore, #tpu.memory_space<semaphore_mem>>) src(%arg7 : memref<64x768xf32, #tpu.memory_space<vmem>>) dst(%dma_wait3A_1970 : memref<64x768xf32, #tpu.memory_space<hbm>>)
        tpu.yield
      }) : () -> ()
    } else {
    }
    %mul3A_1847 = arith.constant 4 : i32
    %mul3A_1848 = arith.muli %arg1, %mul3A_1847 : i32
    %add3A_1849 = arith.constant 3 : i32
    %add3A_1850 = arith.addi %mul3A_1848, %add3A_1849 : i32
    %get3A_1851 = arith.constant 48 : index
    %get3A_1852 = tpu.vector_load %arg5[%get3A_1851] {strides = array<i32>} : memref<64xi32, #tpu.memory_space<vmem>>, vector<16xi32>,
    %get3A_1853 = vector.shape_cast %get3A_1852 : vector<16xi32> to vector<16xi32>
    %div3A_1854 = arith.constant 64 : i32
    %div3A_1855 = arith.divsi %squeeze3A_98, %div3A_1854 : i32
    %mul3A_1856 = arith.constant 64 : i32
    %mul3A_1857 = arith.muli %div3A_1855, %mul3A_1856 : i32
    %mul3A_1858 = arith.constant 1024 : i32
    %mul3A_1859 = arith.muli %arg0, %mul3A_1858 : i32
    %ge3A_1860 = arith.cmpi sge, %mul3A_1857, %mul3A_1859 : i32
    %add3A_1861 = arith.constant 1 : i32
    %add3A_1862 = arith.addi %arg0, %add3A_1861 : i32
    %mul3A_1863 = arith.constant 1024 : i32
    %mul3A_1864 = arith.muli %add3A_1862, %mul3A_1863 : i32
    %lt3A_1865 = arith.cmpi slt, %mul3A_1857, %mul3A_1864 : i32
    %and3A_1866 = arith.andi %ge3A_1860, %lt3A_1865 : i1
    %rem3A_1867 = arith.constant 64 : i32
    %rem3A_1868 = arith.remsi %squeeze3A_98, %rem3A_1867 : i32
    %ne3A_1869 = arith.constant 0 : i32
    %ne3A_1870 = arith.cmpi ne, %rem3A_1868, %ne3A_1869 : i32
    %and3A_1871 = arith.andi %ne3A_1870, %and3A_1866 : i1
    %convert_element_type3A_1872 = arith.extui %and3A_1871 : i1 to i32
    %add3A_1873 = arith.addi %add3A_1843, %convert_element_type3A_1872 : i32
    %convert_element_type3A_1874 = arith.extui %and3A_1871 : i1 to i32
    %cond3A_1875 = arith.constant 0 : i32
    %cond3A_1876 = arith.cmpi ne, %convert_element_type3A_1874, %cond3A_1875 : i32
    scf.if %cond3A_1876 {
      %iota3A_1887 = tpu.iota {dimensions = array<i32: 0>} : vector<16xi32>
      %add3A_1888 = arith.constant 0 : i32
      %add3A_1889 = arith.addi %mul3A_1857, %add3A_1888 : i32
      %add3A_1890 = arith.constant 0 : i32
      %add3A_1891 = arith.addi %add3A_1889, %add3A_1890 : i32
      %add3A_1892 = arith.constant 1 : i32
      %add3A_1893 = arith.addi %add3A_1891, %add3A_1892 : i32
      %add3A_1894 = vector.broadcast %add3A_1893 : i32 to vector<16xi32>
      %add3A_1895 = arith.addi %iota3A_1887, %add3A_1894 : vector<16xi32>
      %le3A_1896 = arith.cmpi sle, %add3A_1895, %get3A_1853 : vector<16xi32>
      %jit3A = arith.constant 0 : i32
      %broadcast_in_dim3A = vector.broadcast %jit3A : i32 to vector<16xi32>
      %select_n3A = arith.select %le3A_1896, %add3A_1895, %broadcast_in_dim3A : vector<16xi1>, vector<16xi32>
      %swap3A_1897 = arith.constant 0 : index
      %swap3A_1898 = tpu.vector_load %arg6[%swap3A_1897] {strides = array<i32>} : memref<64xi32, #tpu.memory_space<vmem>>, vector<16xi32>,
      %swap3A_1899 = vector.shape_cast %swap3A_1898 : vector<16xi32> to vector<16xi32>
      %swap3A_1900 = vector.shape_cast %select_n3A : vector<16xi32> to vector<16xi32>
      tpu.vector_store %arg6[%swap3A_1897], %swap3A_1900 {strides = array<i32>} : memref<64xi32, #tpu.memory_space<vmem>>, vector<16xi32>,
      %iota3A_1901 = tpu.iota {dimensions = array<i32: 0>} : vector<16xi32>
      %add3A_1902 = arith.constant 0 : i32
      %add3A_1903 = arith.addi %mul3A_1857, %add3A_1902 : i32
      %add3A_1904 = arith.constant 16 : i32
      %add3A_1905 = arith.addi %add3A_1903, %add3A_1904 : i32
      %add3A_1906 = arith.constant 1 : i32
      %add3A_1907 = arith.addi %add3A_1905, %add3A_1906 : i32
      %add3A_1908 = vector.broadcast %add3A_1907 : i32 to vector<16xi32>
      %add3A_1909 = arith.addi %iota3A_1901, %add3A_1908 : vector<16xi32>
      %le3A_1910 = arith.cmpi sle, %add3A_1909, %get3A_1853 : vector<16xi32>
      %jit3A_1911 = arith.constant 0 : i32
      %broadcast_in_dim3A_1912 = vector.broadcast %jit3A_1911 : i32 to vector<16xi32>
      %select_n3A_1913 = arith.select %le3A_1910, %add3A_1909, %broadcast_in_dim3A_1912 : vector<16xi1>, vector<16xi32>
      %swap3A_1914 = arith.constant 16 : index
      %swap3A_1915 = tpu.vector_load %arg6[%swap3A_1914] {strides = array<i32>} : memref<64xi32, #tpu.memory_space<vmem>>, vector<16xi32>,
      %swap3A_1916 = vector.shape_cast %swap3A_1915 : vector<16xi32> to vector<16xi32>
      %swap3A_1917 = vector.shape_cast %select_n3A_1913 : vector<16xi32> to vector<16xi32>
      tpu.vector_store %arg6[%swap3A_1914], %swap3A_1917 {strides = array<i32>} : memref<64xi32, #tpu.memory_space<vmem>>, vector<16xi32>,
      %iota3A_1918 = tpu.iota {dimensions = array<i32: 0>} : vector<16xi32>
      %add3A_1919 = arith.constant 0 : i32
      %add3A_1920 = arith.addi %mul3A_1857, %add3A_1919 : i32
      %add3A_1921 = arith.constant 32 : i32
      %add3A_1922 = arith.addi %add3A_1920, %add3A_1921 : i32
      %add3A_1923 = arith.constant 1 : i32
      %add3A_1924 = arith.addi %add3A_1922, %add3A_1923 : i32
      %add3A_1925 = vector.broadcast %add3A_1924 : i32 to vector<16xi32>
      %add3A_1926 = arith.addi %iota3A_1918, %add3A_1925 : vector<16xi32>
      %le3A_1927 = arith.cmpi sle, %add3A_1926, %get3A_1853 : vector<16xi32>
      %jit3A_1928 = arith.constant 0 : i32
      %broadcast_in_dim3A_1929 = vector.broadcast %jit3A_1928 : i32 to vector<16xi32>
      %select_n3A_1930 = arith.select %le3A_1927, %add3A_1926, %broadcast_in_dim3A_1929 : vector<16xi1>, vector<16xi32>
      %swap3A_1931 = arith.constant 32 : index
      %swap3A_1932 = tpu.vector_load %arg6[%swap3A_1931] {strides = array<i32>} : memref<64xi32, #tpu.memory_space<vmem>>, vector<16xi32>,
      %swap3A_1933 = vector.shape_cast %swap3A_1932 : vector<16xi32> to vector<16xi32>
      %swap3A_1934 = vector.shape_cast %select_n3A_1930 : vector<16xi32> to vector<16xi32>
      tpu.vector_store %arg6[%swap3A_1931], %swap3A_1934 {strides = array<i32>} : memref<64xi32, #tpu.memory_space<vmem>>, vector<16xi32>,
      %iota3A_1935 = tpu.iota {dimensions = array<i32: 0>} : vector<16xi32>
      %add3A_1936 = arith.constant 0 : i32
      %add3A_1937 = arith.addi %mul3A_1857, %add3A_1936 : i32
      %add3A_1938 = arith.constant 48 : i32
      %add3A_1939 = arith.addi %add3A_1937, %add3A_1938 : i32
      %add3A_1940 = arith.constant 1 : i32
      %add3A_1941 = arith.addi %add3A_1939, %add3A_1940 : i32
      %add3A_1942 = vector.broadcast %add3A_1941 : i32 to vector<16xi32>
      %add3A_1943 = arith.addi %iota3A_1935, %add3A_1942 : vector<16xi32>
      %le3A_1944 = arith.cmpi sle, %add3A_1943, %get3A_1853 : vector<16xi32>
      %jit3A_1945 = arith.constant 0 : i32
      %broadcast_in_dim3A_1946 = vector.broadcast %jit3A_1945 : i32 to vector<16xi32>
      %select_n3A_1947 = arith.select %le3A_1944, %add3A_1943, %broadcast_in_dim3A_1946 : vector<16xi1>, vector<16xi32>
      %swap3A_1948 = arith.constant 48 : index
      %swap3A_1949 = tpu.vector_load %arg6[%swap3A_1948] {strides = array<i32>} : memref<64xi32, #tpu.memory_space<vmem>>, vector<16xi32>,
      %swap3A_1950 = vector.shape_cast %swap3A_1949 : vector<16xi32> to vector<16xi32>
      %swap3A_1951 = vector.shape_cast %select_n3A_1947 : vector<16xi32> to vector<16xi32>
      tpu.vector_store %arg6[%swap3A_1948], %swap3A_1951 {strides = array<i32>} : memref<64xi32, #tpu.memory_space<vmem>>, vector<16xi32>,
      %dma_start3A_1952 = arith.constant 0 : i32
      %dma_start3A_1953 = arith.constant 0 : i32
      %dma_start3A_1954 = tpu.memref_slice %arg3[%dma_start3A_1952, %dma_start3A_1953] : memref<2049x768xf32, #tpu.memory_space<hbm>> -> memref<2049x768xf32, #tpu.memory_space<hbm>>
      tpu.enqueue_indirect_dma source(%dma_start3A_1954 : memref<2049x768xf32, #tpu.memory_space<hbm>>) target(%arg7 : memref<64x768xf32, #tpu.memory_space<vmem>>) offsets(%arg6 : memref<64xi32, #tpu.memory_space<vmem>>) semaphore(%arg10 : memref<!tpu.dma_semaphore, #tpu.memory_space<semaphore_mem>>)
      %dma_wait3A_1955 = arith.constant 0 : i32
      %dma_wait3A_1956 = arith.constant 0 : i32
      %dma_wait3A_1957 = tpu.memref_slice %arg3[%dma_wait3A_1955, %dma_wait3A_1956] : memref<2049x768xf32, #tpu.memory_space<hbm>> -> memref<2049x768xf32, #tpu.memory_space<hbm>>
      tpu.wait_indirect_dma semaphore(%arg10 : memref<!tpu.dma_semaphore, #tpu.memory_space<semaphore_mem>>) src(%dma_wait3A_1957 : memref<2049x768xf32, #tpu.memory_space<hbm>>) dst(%arg7 : memref<64x768xf32, #tpu.memory_space<vmem>>)
      %mul3A_1958 = arith.constant 2048 : i32
      %mul3A_1959 = arith.muli %add3A_1850, %mul3A_1958 : i32
      %add3A_1960 = arith.addi %mul3A_1959, %mul3A_1857 : i32
      %add3A_1961 = arith.constant 0 : i32
      %add3A_1962 = arith.addi %add3A_1960, %add3A_1961 : i32
      "tpu.region"() ({
        %run_scoped3A = tpu.sem_alloc : memref<!tpu.dma_semaphore, #tpu.memory_space<semaphore_mem>>
        %dma_start3A_1963 = arith.constant 0 : i32
        %dma_start3A_1964 = tpu.memref_slice %arg4[%add3A_1962, %dma_start3A_1963] : memref<131072x768xf32, #tpu.memory_space<hbm>> -> memref<64x768xf32, #tpu.memory_space<hbm>>
        %dma_start3A_1965 = arith.constant 0 : i32
        %dma_start3A_1966 = tpu.memref_slice %arg4[%add3A_1962, %dma_start3A_1965] : memref<131072x768xf32, #tpu.memory_space<hbm>> -> memref<64x768xf32, #tpu.memory_space<hbm>>
        tpu.enqueue_dma source(%arg7 : memref<64x768xf32, #tpu.memory_space<vmem>>) target(%dma_start3A_1966 : memref<64x768xf32, #tpu.memory_space<hbm>>) target_semaphore(%run_scoped3A : memref<!tpu.dma_semaphore, #tpu.memory_space<semaphore_mem>>)
        %dma_wait3A_1967 = arith.constant 0 : i32
        %dma_wait3A_1968 = tpu.memref_slice %arg4[%add3A_1962, %dma_wait3A_1967] : memref<131072x768xf32, #tpu.memory_space<hbm>> -> memref<64x768xf32, #tpu.memory_space<hbm>>
        %dma_wait3A_1969 = arith.constant 0 : i32
        %dma_wait3A_1970 = tpu.memref_slice %arg4[%add3A_1962, %dma_wait3A_1969] : memref<131072x768xf32, #tpu.memory_space<hbm>> -> memref<64x768xf32, #tpu.memory_space<hbm>>
        tpu.wait_dma2 semaphore(%run_scoped3A : memref<!tpu.dma_semaphore, #tpu.memory_space<semaphore_mem>>) src(%arg7 : memref<64x768xf32, #tpu.memory_space<vmem>>) dst(%dma_wait3A_1970 : memref<64x768xf32, #tpu.memory_space<hbm>>)
        tpu.yield
      }) : () -> ()
    } else {
    }
    %sub3A = arith.constant 64 : i32
    %sub3A_1877 = arith.subi %sub3A, %add3A_1873 : i32
    %while3A = arith.constant 0 : i32
    %while3A_1878 = arith.constant 0 : i32
    %while3A_1879 = arith.subi %sub3A_1877, %while3A_1878 : i32
    %while3A_1880 = arith.addi %while3A_1878, %while3A_1879 : i32
    %while3A_1881 = arith.constant 1 : i32
    %while3A_1882 = arith.divsi %while3A_1879, %while3A_1881 : i32
    %while3A_1883 = arith.muli %while3A_1882, %while3A_1881 : i32
    %while3A_1884 = arith.addi %while3A_1878, %while3A_1883 : i32
    %while3A_1885 = arith.constant 1 : i32
    scf.for %while3A_1887 = %while3A_1878 to %while3A_1884 step %while3A_1885  : i32 {
      %dma_wait3A_1888 = arith.constant 0 : i32
      %dma_wait3A_1889 = arith.constant 0 : i32
      %dma_wait3A_1890 = tpu.memref_slice %arg4[%dma_wait3A_1888, %dma_wait3A_1889] : memref<131072x768xf32, #tpu.memory_space<hbm>> -> memref<64x768xf32, #tpu.memory_space<hbm>>
      %dma_wait3A_1891 = arith.constant 0 : i32
      %dma_wait3A_1892 = arith.constant 0 : i32
      %dma_wait3A_1893 = tpu.memref_slice %arg3[%dma_wait3A_1891, %dma_wait3A_1892] : memref<2049x768xf32, #tpu.memory_space<hbm>> -> memref<64x768xf32, #tpu.memory_space<hbm>>
      tpu.wait_dma2 semaphore(%arg11 : memref<!tpu.dma_semaphore, #tpu.memory_space<semaphore_mem>>) src(%dma_wait3A_1893 : memref<64x768xf32, #tpu.memory_space<hbm>>) dst(%dma_wait3A_1890 : memref<64x768xf32, #tpu.memory_space<hbm>>)
    }
    %while3A_1886 = arith.constant 1 : i32
    scf.for %while3A_1887 = %while3A_1884 to %while3A_1880 step %while3A_1886  : i32 {
      %dma_wait3A_1888 = arith.constant 0 : i32
      %dma_wait3A_1889 = arith.constant 0 : i32
      %dma_wait3A_1890 = tpu.memref_slice %arg4[%dma_wait3A_1888, %dma_wait3A_1889] : memref<131072x768xf32, #tpu.memory_space<hbm>> -> memref<64x768xf32, #tpu.memory_space<hbm>>
      %dma_wait3A_1891 = arith.constant 0 : i32
      %dma_wait3A_1892 = arith.constant 0 : i32
      %dma_wait3A_1893 = tpu.memref_slice %arg3[%dma_wait3A_1891, %dma_wait3A_1892] : memref<2049x768xf32, #tpu.memory_space<hbm>> -> memref<64x768xf32, #tpu.memory_space<hbm>>
      tpu.wait_dma2 semaphore(%arg11 : memref<!tpu.dma_semaphore, #tpu.memory_space<semaphore_mem>>) src(%dma_wait3A_1893 : memref<64x768xf32, #tpu.memory_space<hbm>>) dst(%dma_wait3A_1890 : memref<64x768xf32, #tpu.memory_space<hbm>>)
    }
    return
  }
}

</mosaic_0001>

<sc_bundles>
// kernel: kernel.3.cloned.1.call-start
scs
__scs_entry_jumppad:
0x0: {  	(pc) =	sbr.rel $0x88, $3  }
0x1: {  	(tag) =	ssettag $0x0;
	lr =	simm.s32 $0x1  }
0x2: {  	[smem:$0x3F9F] =	sst lr;
	_ =	strace $0xD0000000  }
0x3: {  	_ = 	snop  }
0x4: {  	_ = 	snop  }
0x5: {  	_ = 	snop  }
0x6: {  	_ = 	snop  }
0x7: {  	_ = 	snop  }
__scs_overlays_trampoline_lowered:
0x8: {  	[smem:$0x3FAE] =	sst s0  }
0x9: {  	[smem:$0x3FAF] =	sst s1  }
0xa: {  	[smem:$0x3FB0] =	sst s2  }
0xb: {  	[smem:$0x3FB1] =	sst s3  }
0xc: {  	[smem:$0x3FB2] =	sst s4  }
0xd: {  	[smem:$0x3FB3] =	sst s5  }
0xe: {  	[smem:$0x3FB4] =	sst s6  }
0xf: {  	[smem:$0x3FB5] =	sst s7  }
0x10: {  	[smem:$0x3FB6] =	sst s8  }
0x11: {  	[smem:$0x3FB7] =	sst s9;
	s0 =	simm.s32 @!p0 $0x0  }
0x12: {  	s1 =	sld [smem:$0x3F9D];
	s0 =	simm.s32 @p0 $0x1  }
0x13: {  	[smem:$0x3FB8] =	sst s0;
	s0 =	simm.s32 @!p1 $0x0  }
0x14: {  	s2 =	sld [smem:$0x3F9C];
	s0 =	simm.s32 @p1 $0x1  }
0x15: {  	[smem:$0x3FB9] =	sst s0;
	s0 =	simm.s32 @!p2 $0x0  }
0x16: {  	s3 =	sld [smem:$0x3FDB];
	s0 =	simm.s32 @p2 $0x1  }
0x17: {  	s4 =	simm.s32 $0x1BF5;
	[smem:$0x3FBB] =	sst s0  }
0x18: {  	s0 =	sld [smem:$0x3F9E];
	_ =	swait.ge [sflag:s4], $0x0  }
0x19: {  	s7 =	sld [smem:$0x3F9F]  }
0x1a: {  	s8 =	sadd.s32 $0xFFFFE003, lr  }
0x1b: {  	s9 =	sadd.s32 $0xFFFFFEF7, lr;
	s5 =	simm.s32 $0xFFFFFFFF;
	p2 =	slt.u32 s8, $0xFFFFF086  }
0x1c: {  	p1 =	slt.u32 s9, $0xF7A;
	s5 =	simm.s32 @!p2 $0x0  }
0x1d: {  	s5 =	simm.s32 @p1 $0x1;
	p0 =	seq.s32 s7, s2  }
0x1e: {  	s7 =	smul.u32 @!p0 $0xF7A, s2;
	p2 =	seq.s32 @!p0 s5, $0x0  }
0x1f: {  	s9 =	smul.u32 $0xF7A, s1;
	s8 =	simm.s32 @!p0 $0x1BF5;
	p2 =	por !p2, p0  }
0x20: {  	[sflag:s8] =	ssyncset.s32 @!p0 $0xFFFFF086;
	s6 =	sadd.s32 @!p0 s3, s7;
	s7 =	simm.s32 @!p0 $0x108  }
0x21: {  	s3 =	sadd.s32 s3, s9;
	s6 =	sadd.s32 @!p0 $0x88, s6;
	s7 =	simm.s32 @p2 $0x1082  }
0x22: {  	[simem:s7], [sflag:s8] =	dma.local @!p0 [hbm:s6], $0xF7A  }
0x23: {  	s9 =	sor.u32 $0xD0000000, s2;
	s6 =	simm.s32 $0x108;
	_ =	swait.ge @!p0 [sflag:s8], $0x0  }
0x24: {  	s3 =	sadd.s32 $0x88, s3;
	s6 =	simm.s32 @!p1 $0x1082;
	[sflag:s4] =	ssyncset.s32 $0xFFFFF086  }
0x25: {  	[simem:s6], [sflag:s4] =	dma.local [hbm:s3], $0xF7A  }
0x26: {  	[smem:$0x3F9F] =	sst s1;
	(tag) =	ssettag s2;
	_ =	strace s9  }
0x27: {  	s1 =	sld [smem:$0x3FAF]  }
0x28: {  	s2 =	sld [smem:$0x3FB0]  }
0x29: {  	s4 =	sld [smem:$0x3FB2]  }
0x2a: {  	p0 =	seq.s32 s5, $0x0;
	s5 =	sld [smem:$0x3FB3]  }
0x2b: {  	s6 =	sld [smem:$0x3FB4]  }
0x2c: {  	s7 =	sld [smem:$0x3FB5]  }
0x2d: {  	s3 =	simm.s32 $0x108;
	s8 =	sld [smem:$0x3FB6]  }
0x2e: {  	s3 =	simm.s32 @!p0 $0x1082;
	s9 =	sld [smem:$0x3FB7]  }
0x2f: {  	lr =	sadd.s32 s0, s3;
	s0 =	sld [smem:$0x3FAE]  }
0x30: {  	s3 =	sld [smem:$0x3FB1]  }
0x31: {  	[smem:$0x3FBA] =	sst s10  }
0x32: {  	s10 =	sld [smem:$0x3FB8];
	_ =	sdelay $0x3  }
0x33: {  	p0 =	seq.s32 s10, $0x1;
	s10 =	sld [smem:$0x3FBA];
	_ =	sdelay $0x3  }
0x34: {  	[smem:$0x3FBA] =	sst s10  }
0x35: {  	s10 =	sld [smem:$0x3FB9];
	_ =	sdelay $0x3  }
0x36: {  	p1 =	seq.s32 s10, $0x1;
	s10 =	sld [smem:$0x3FBA];
	_ =	sdelay $0x3  }
0x37: {  	[smem:$0x3FBA] =	sst s10  }
0x38: {  	s10 =	sld [smem:$0x3FBB]  }
0x39: {  	_ = 	snop;
	(pc) =	sbr.ind lr, $3  }
0x3a: {  	_ = 	snop  }
0x3b: {  	_ = 	snop  }
0x3c: {  	p2 =	seq.s32 s10, $0x1;
	s10 =	sld [smem:$0x3FBA]  }
0x3d: {  	_ =	shalt  }
0x3e: {  	_ =	shalt  }
0x3f: {  	_ =	shalt  }
0x40: {  	_ =	shalt  }
0x41: {  	_ =	shalt  }
0x42: {  	_ =	shalt  }
0x43: {  	_ =	shalt  }
0x44: {  	_ =	shalt  }
0x45: {  	_ =	shalt  }
0x46: {  	_ =	shalt  }
0x47: {  	_ =	shalt  }
0x48: {  	_ =	shalt  }
0x49: {  	_ =	shalt  }
0x4a: {  	_ =	shalt  }
0x4b: {  	_ =	shalt  }
0x4c: {  	_ =	shalt  }
0x4d: {  	_ =	shalt  }
0x4e: {  	_ =	shalt  }
0x4f: {  	_ =	shalt  }
0x50: {  	_ =	shalt  }
0x51: {  	_ =	shalt  }
0x52: {  	_ =	shalt  }
0x53: {  	_ =	shalt  }
0x54: {  	_ =	shalt  }
0x55: {  	_ =	shalt  }
0x56: {  	_ =	shalt  }
0x57: {  	_ =	shalt  }
0x58: {  	_ =	shalt  }
0x59: {  	_ =	shalt  }
0x5a: {  	_ =	shalt  }
0x5b: {  	_ =	shalt  }
0x5c: {  	_ =	shalt  }
0x5d: {  	_ =	shalt  }
0x5e: {  	_ =	shalt  }
0x5f: {  	_ =	shalt  }
0x60: {  	_ =	shalt  }
0x61: {  	_ =	shalt  }
0x62: {  	_ =	shalt  }
0x63: {  	_ =	shalt  }
0x64: {  	_ =	shalt  }
0x65: {  	_ =	shalt  }
0x66: {  	_ =	shalt  }
0x67: {  	_ =	shalt  }
0x68: {  	_ =	shalt  }
0x69: {  	_ =	shalt  }
0x6a: {  	_ =	shalt  }
0x6b: {  	_ =	shalt  }
0x6c: {  	_ =	shalt  }
0x6d: {  	_ =	shalt  }
0x6e: {  	_ =	shalt  }
0x6f: {  	_ =	shalt  }
0x70: {  	_ =	shalt  }
0x71: {  	_ =	shalt  }
0x72: {  	_ =	shalt  }
0x73: {  	_ =	shalt  }
0x74: {  	_ =	shalt  }
0x75: {  	_ =	shalt  }
0x76: {  	_ =	shalt  }
0x77: {  	_ =	shalt  }
0x78: {  	_ =	shalt  }
0x79: {  	_ =	shalt  }
0x7a: {  	_ =	shalt  }
0x7b: {  	_ =	shalt  }
0x7c: {  	_ =	shalt  }
0x7d: {  	_ =	shalt  }
0x7e: {  	_ =	shalt  }
0x7f: {  	_ =	shalt  }
0x80: {  	_ =	shalt  }
0x81: {  	_ =	shalt  }
0x82: {  	_ =	shalt  }
0x83: {  	_ =	shalt  }
0x84: {  	_ =	shalt  }
0x85: {  	_ =	shalt  }
0x86: {  	_ =	shalt  }
0x87: {  	_ =	shalt  }
.Lfunc_end0:
.L_simem_size_0:
called_computation_lowered:
.L_overlay_start_0:
0x88: {  	s2 =	sld [smem:$0x3FD9]  }
0x89: {  	s3 =	sld [smem:$0x3FFE];
	_ =	sdelay $0x1  }
0x8a: {  	s1 =	srdreg.scid  }
0x8b: {  	s0 =	sand.u32 $0x1, s1  }
0x8c: {  	s17 =	sshll.u32 s0, $0xA;
	s2 =	sadd.s32 s3, s2  }
0x8d: {  	s2 =	sadd.s32 s2, s17  }
0x8e: {  	[smem:$0x3FC6] =	sst s2  }
0x8f: {  	_ = 	snop  }
0x90: {  	s2 =	sld [smem:$0x3FC8]  }
0x91: {  	s18 =	sld [smem:$0x3FD0];
	(tm) =	ssettm $0x1  }
0x92: {  	s4 =	sld [smem:$0x3FFB];
	_ =	sdelay $0x3  }
0x93: {  	_ =	strace s4  }
0x94: {  	s4 =	sld [smem:$0x3FFC];
	_ =	sdelay $0x3  }
0x95: {  	_ =	strace s4  }
0x96: {  	s4 =	sld [smem:$0x3FFD];
	_ =	sdelay $0x3  }
0x97: {  	_ =	strace s4  }
0x98: {  	_ =	strace $0x8FFFFFFF  }
0x99: {  	s19 =	sld [smem:$0x3FDB];
	_ =	sdelay $0x1  }
0x9a: {  	s5 =	simm.s32 $_scs_section_size  }
0x9b: {  	s6 =	simm.s32 $_size__tile_overlayer_lowered;
	s7 =	simm.s32 $_tile_overlayer_lowered  }
0x9c: {  	s22 =	simm.s32 $0x1BFF;
	s21 =	sshll.u32 s7, $0x1;
	s4 =	sadd.s32 s5, s19  }
0x9d: {  	s8 =	simm.s32 $0x0;
	s20 =	sshll.u32 s6, $0x1;
	s6 =	sadd.s32 s21, s4  }
0x9e: {  	[timem:s8], [sflag:s22] =	dma.local [hbm:s6], s20  }
0x9f: {  	_ =	swait.ge [sflag:s22], s20  }
0xa0: {  	s5 =	ssub.s32 $0x0, s20;
	[sflag:s22] =	ssyncset.done $0x0  }
0xa1: {  	[sflag:s22] =	ssyncadd.s32 s5;
	_ =	sdelay $0x1  }
0xa2: {  	s23 =	simm.s32 $0x1B8B  }
0xa3: {  	_ =	swait.ge [sflag:s23], $0x1  }
0xa4: {  	[sflag:s23] =	ssyncset.done $0x0  }
0xa5: {  	s25 =	simm.s32 $0x1B8E;
	s24 =	sld [smem:$0x3FFE];
	[sflag:s23] =	ssyncadd.s32 $0xFFFFFFFF  }
0xa6: {  	s26 =	simm.s32 $execute0_lowered;
	[smem:$0x3FD2] =	sst s25  }
0xa7: {  	s6 =	sshll.u32 s26, $0x1;
	_ =	strace $0x80000046;
	[dreg:$0x1] =	wrdreg $0xFFFFFFFF  }
0xa8: {  	s28 =	simm.s32 $_size_execute0_lowered;
	s4 =	sadd.s32 s4, s6;
	[dreg:$0x0] =	wrdreg $0x0  }
0xa9: {  	s6 =	sshll.u32 s28, $0x1;
	[dreg:$0x2] =	wrdreg s4  }
0xaa: {  	[dreg:$0x3] =	wrdreg s6  }
0xab: {  	[dreg:$0x4] =	wrdreg $0xC0  }
0xac: {  	_ =	task [dreg:s8], $0x5FFFF  }
0xad: {  	[dreg:$0x1] =	wrdreg $0xFFFFFFFF  }
0xae: {  	[dreg:$0x0] =	wrdreg $0x60  }
0xaf: {  	[dreg:$0x2] =	wrdreg s24  }
0xb0: {  	[dreg:$0x3] =	wrdreg s2  }
0xb1: {  	[dreg:$0x4] =	wrdreg s18  }
0xb2: {  	[dreg:$0x5] =	wrdreg $0xC1000  }
0xb3: {  	[dreg:$0x6] =	wrdreg $0x181000  }
0xb4: {  	[dreg:$0x7] =	wrdreg $0x9  }
0xb5: {  	_ =	task.clear_ibuf [dreg:s8], $0x8FFFF;
	_ =	strace $0x90000046  }
0xb6: {  	s29 =	simm.s32 $0x9;
	_ =	strace $0x80000048  }
0xb7: {  	_ =	swait.ge [sflag:s29], $0x1  }
0xb8: {  	[sflag:s29] =	ssyncadd.s32 $0xFFFFFFFF  }
0xb9: {  	_ =	strace $0x90000048  }
0xba: {  	_ =	sfence  }
0xbb: {  	s30 =	sld [smem:$0x0];
	_ =	sdelay $0x2  }
0xbc: {  	s31 =	sshll.u32 s1, $0xD;
	s1 =	sshrl.u32 s1, $0x2  }
0xbd: {  	s3 =	sand.u32 $0x4000, s31;
	s1 =	sadd.s32 s1, s30  }
0xbe: {  	s0 =	sor.u32 s3, s0;
	s1 =	sshll.u32 s1, $0x11  }
0xbf: {  	s0 =	sor.u32 s1, s0  }
0xc0: {  	s0 =	sadd.s32 $0x8F2B, s0  }
0xc1: {  	[sflag:s0] =	ssyncadd.remote.s32 $0x1  }
0xc2: {  	_ =	sfence.sel $0xFFFF  }
0xc3: {  	[dreg:$0x0] =	wrdreg $0xFFFFFFFF;
	(pc) =	sbr.abs _section_cstart, $3  }
0xc4: {  	[dreg:$0x1] =	wrdreg $0xFFFFFFFF  }
0xc5: {  	_ =	task.clear_ibuf [dreg:s8], $0x2FFFF;
	_ =	strace $0x9FFFFFFF  }
0xc6: {  	(tm) =	ssettm $0x7FFFFFFF  }
0xc7: {  	_ =	shalt  }
tec
execute0_lowered:
.L_overlay_start_1:
0x0: {  	(tag) =	ssettag $0x1  }
0x1: {  	s2 =	rddreg [dreg:$0x0]  }
0x2: {  	s16 =	rddreg [dreg:$0x3];
	s0 =	stileid.u32  }
0x3: {  	s1 =	simm.s32 $0x0;
	s4 =	srdreg.scid;
	s31 =	rddreg [dreg:$0x2]  }
0x4: {  	s3 =	sshll.u32 s0, $0x3;
	s9 =	sand.u32 $0x1, s4;
	s10 =	smul.u32 $0x30000, s0  }
0x5: {  	s29 =	sshll.u32 s0, $0xD;
	s18 =	sadd.s32 s3, s2;
	s28 =	sshll.u32 s9, $0xA  }
0x6: {  	s3 =	sshll.u32 s0, $0x6;
	s2 =	ssub.s32 $0x2, s9;
	s30 =	sor.u32 $0x800, s29  }
0x7: {  	s26 =	sor.u32 s3, s28;
	s5 =	sshrl.u32 s2, $0x1;
	s4 =	sshrl.u32 s10, $0x2  }
0x8: {  	s12 =	sadd.s32 $0x40, s3;
	s19 =	sadd.s32 $0x80, s3;
	s23 =	sadd.s32 $0xC0, s3  }
0x9: {  	s8 =	sadd.s32 $0x100, s3;
	s9 =	sadd.s32 $0x140, s3;
	s10 =	sadd.s32 $0x180, s3  }
0xa: {  	s6 =	sor.u32 s29, s26;
	s2 =	ssub.s32 s2, s5;
	s4 =	sadd.s32 s4, s16  }
0xb: {  	s13 =	sor.u32 s26, s30;
	s20 =	sand.u32 $0x3C0, s12;
	s17 =	sand.u32 $0x3C0, s19  }
0xc: {  	s15 =	sand.u32 $0x3C0, s23;
	s14 =	sand.u32 $0x3C0, s8;
	s12 =	sand.u32 $0x3C0, s10  }
0xd: {  	s19 =	sadd.s32 $0x1C0, s3;
	s10 =	sxor.u32 $0x200, s3;
	s11 =	sshrl.u32 s6, $0x3  }
0xe: {  	[smem:$0x7E7] =	sst s2;
	s22 =	sshrl.u32 s20, $0x3;
	s21 =	smul.u32 $0x300, s11  }
0xf: {  	[dreg:$0x8] =	wrdreg s4;
	s7 =	sshrl.u32 s17, $0x3;
	s6 =	smul.u32 $0x6000, s22  }
0x10: {  	s25 =	sshrl.u32 s15, $0x3;
	s23 =	sshrl.u32 s12, $0x3;
	s24 =	smul.u32 $0x6000, s7  }
0x11: {  	s7 =	smul.u32 $0x6000, s25;
	s22 =	sshrl.u32 s13, $0x3;
	s13 =	sand.u32 $0x3C0, s9  }
0x12: {  	s25 =	smul.u32 $0x6000, s23;
	s23 =	sadd.s32 $0x280, s3;
	s6 =	sshrl.u32 s6, $0x2  }
0x13: {  	s11 =	sshrl.u32 s13, $0x3;
	s4 =	sshrl.u32 s24, $0x2;
	s2 =	sadd.s32 s6, s16  }
0x14: {  	s7 =	sshrl.u32 s7, $0x2;
	s4 =	sadd.s32 s4, s16;
	[dreg:$0xa] =	wrdreg s2  }
0x15: {  	s6 =	sshrl.u32 s14, $0x3;
	s8 =	sadd.s32 s7, s16;
	[dreg:$0xb] =	wrdreg s4  }
0x16: {  	s7 =	sshrl.u32 s10, $0x3;
	s5 =	smul.u32 $0x6000, s6;
	[dreg:$0xc] =	wrdreg s8  }
0x17: {  	s6 =	smul.u32 $0x6000, s11;
	s11 =	sand.u32 $0x3C0, s19;
	s4 =	sshrl.u32 s25, $0x2  }
0x18: {  	s8 =	sadd.s32 $0x240, s3;
	s2 =	sshrl.u32 s11, $0x3;
	s5 =	sshrl.u32 s5, $0x2  }
0x19: {  	s4 =	sadd.s32 s4, s16;
	s6 =	sshrl.u32 s6, $0x2;
	s24 =	sadd.s32 s5, s16  }
0x1a: {  	s5 =	smul.u32 $0x6000, s2;
	s6 =	sadd.s32 s6, s16;
	[dreg:$0xd] =	wrdreg s24  }
0x1b: {  	[dreg:$0xe] =	wrdreg s6;
	s6 =	smul.u32 $0x6000, s7;
	s24 =	sadd.s32 $0x2C0, s3  }
0x1c: {  	[dreg:$0xf] =	wrdreg s4;
	s5 =	sshrl.u32 s5, $0x2;
	s7 =	sand.u32 $0x3C0, s24  }
0x1d: {  	s9 =	sadd.s32 s5, s16;
	s4 =	sshrl.u32 s6, $0x2;
	s2 =	sshrl.u32 s7, $0x3  }
0x1e: {  	[dreg:$0x10] =	wrdreg s9;
	s9 =	sand.u32 $0x3C0, s8;
	s8 =	sand.u32 $0x3C0, s23  }
0x1f: {  	s4 =	sadd.s32 s4, s16;
	s24 =	smul.u32 $0x6000, s2;
	s19 =	sshrl.u32 s9, $0x3  }
0x20: {  	s25 =	sshrl.u32 s8, $0x3;
	[dreg:$0x11] =	wrdreg s4;
	s5 =	smul.u32 $0x6000, s19  }
0x21: {  	s19 =	sadd.s32 $0x300, s3;
	s23 =	smul.u32 $0x6000, s25;
	s4 =	sshrl.u32 s24, $0x2  }
0x22: {  	s24 =	sadd.s32 $0x380, s3;
	s6 =	sand.u32 $0x3C0, s19;
	s4 =	sadd.s32 s4, s16  }
0x23: {  	s25 =	sshrl.u32 s6, $0x3;
	s5 =	sshrl.u32 s5, $0x2;
	s23 =	sshrl.u32 s23, $0x2  }
0x24: {  	[dreg:$0x14] =	wrdreg s4;
	s19 =	smul.u32 $0x6000, s25;
	s5 =	sadd.s32 s5, s16  }
0x25: {  	s2 =	sadd.s32 s23, s16;
	s23 =	sadd.s32 $0x340, s3;
	s3 =	sadd.s32 $0x3C0, s3  }
0x26: {  	[dreg:$0x12] =	wrdreg s5;
	s5 =	sand.u32 $0x3C0, s23;
	s19 =	sshrl.u32 s19, $0x2  }
0x27: {  	[dreg:$0x13] =	wrdreg s2;
	s25 =	sshrl.u32 s5, $0x3;
	s4 =	sadd.s32 s19, s16  }
0x28: {  	s2 =	smul.u32 $0x6000, s25;
	[dreg:$0x15] =	wrdreg s4;
	s4 =	sand.u32 $0x3C0, s24  }
0x29: {  	[smem:$0x7FF] =	sst s1;
	s3 =	sand.u32 $0x3C0, s3;
	s24 =	sshrl.u32 s4, $0x3  }
0x2a: {  	s25 =	sshrl.u32 s3, $0x3;
	s23 =	sshrl.u32 s2, $0x2;
	s24 =	smul.u32 $0x6000, s24  }
0x2b: {  	s19 =	rddreg [dreg:$0x1];
	s25 =	smul.u32 $0x6000, s25;
	s23 =	sadd.s32 s23, s16  }
0x2c: {  	[dreg:$0x16] =	wrdreg s23;
	s24 =	sshrl.u32 s24, $0x2  }
0x2d: {  	s25 =	sshrl.u32 s25, $0x2;
	s23 =	rddreg [dreg:$0x4];
	s24 =	sadd.s32 s24, s16  }
0x2e: {  	s16 =	sadd.s32 s25, s16;
	[dreg:$0x17] =	wrdreg s24  }
0x2f: {  	s18 =	sadd.s32 $0x400, s18;
	s2 =	smul.u32 $0x300, s22;
	[dreg:$0x18] =	wrdreg s16  }
0x30: {  	s21 =	sadd.s32 s31, s21;
	_ =	strace $0x80000047;
	[dreg:$0x19] =	wrdreg s18  }
0x31: {  	s16 =	sadd.s32 s31, s2;
	[dreg:$0x1a] =	wrdreg s21  }
0x32: {  	[dreg:$0x1c] =	wrdreg s16  }
0x33: {  	s25 =	sor.u32 $0x1000, s29;
	[dreg:$0x6] =	wrdreg s26  }
0x34: {  	s22 =	sor.u32 s26, s25;
	[dreg:$0x7] =	wrdreg s29  }
0x35: {  	s2 =	sor.u32 $0x1800, s29;
	s16 =	sshrl.u32 s22, $0x3;
	[dreg:$0x9] =	wrdreg s30  }
0x36: {  	s22 =	sor.u32 s28, s20;
	s24 =	sor.u32 s26, s2;
	[dreg:$0x1b] =	wrdreg s25  }
0x37: {  	[dreg:$0x1d] =	wrdreg s2;
	s16 =	smul.u32 $0x300, s16;
	s18 =	sshrl.u32 s24, $0x3  }
0x38: {  	[dreg:$0x1e] =	wrdreg s22;
	s20 =	sor.u32 s29, s22;
	s26 =	sor.u32 s30, s22  }
0x39: {  	s21 =	sor.u32 s2, s22;
	s18 =	smul.u32 $0x300, s18;
	s20 =	sshrl.u32 s20, $0x3  }
0x3a: {  	s24 =	sshrl.u32 s26, $0x3;
	s26 =	sor.u32 s25, s22;
	s16 =	sadd.s32 s31, s16  }
0x3b: {  	[dreg:$0x1f] =	wrdreg s16;
	s16 =	smul.u32 $0x300, s20;
	s18 =	sadd.s32 s31, s18  }
0x3c: {  	s20 =	sshrl.u32 s26, $0x3;
	[smem:$0x7AA] =	sst s18;
	s18 =	smul.u32 $0x300, s24  }
0x3d: {  	s24 =	sor.u32 s28, s17;
	s20 =	smul.u32 $0x300, s20;
	s17 =	sshrl.u32 s21, $0x3  }
0x3e: {  	[smem:$0x7EB] =	sst s24;
	s22 =	sor.u32 s29, s24;
	s17 =	smul.u32 $0x300, s17  }
0x3f: {  	s26 =	sor.u32 s30, s24;
	s16 =	sadd.s32 s31, s16;
	s21 =	sshrl.u32 s22, $0x3  }
0x40: {  	[smem:$0x7AB] =	sst s16;
	s22 =	sshrl.u32 s26, $0x3;
	s18 =	sadd.s32 s31, s18  }
0x41: {  	s26 =	sor.u32 s25, s24;
	s20 =	sadd.s32 s31, s20;
	s16 =	smul.u32 $0x300, s21  }
0x42: {  	[smem:$0x7AC] =	sst s18;
	s18 =	smul.u32 $0x300, s22;
	s21 =	sshrl.u32 s26, $0x3  }
0x43: {  	s26 =	sor.u32 s28, s15;
	[smem:$0x7AD] =	sst s20;
	s17 =	sadd.s32 s31, s17  }
0x44: {  	s22 =	sor.u32 s2, s24;
	s21 =	smul.u32 $0x300, s21;
	[smem:$0x7AE] =	sst s17  }
0x45: {  	s15 =	sshrl.u32 s22, $0x3;
	s24 =	sor.u32 s29, s26;
	[smem:$0x7ED] =	sst s26  }
0x46: {  	s15 =	smul.u32 $0x300, s15;
	s22 =	sshrl.u32 s24, $0x3;
	s24 =	sor.u32 s30, s26  }
0x47: {  	s16 =	sadd.s32 s31, s16;
	s20 =	smul.u32 $0x300, s22;
	s24 =	sshrl.u32 s24, $0x3  }
0x48: {  	[smem:$0x7AF] =	sst s16;
	s22 =	smul.u32 $0x300, s24;
	s24 =	sadd.s32 s31, s18  }
0x49: {  	s18 =	sadd.s32 s31, s21;
	[smem:$0x7B0] =	sst s24  }
0x4a: {  	p0 =	sne.s32 s0, $0x1;
	s15 =	sadd.s32 s31, s15;
	[smem:$0x7B1] =	sst s18  }
0x4b: {  	[smem:$0x7B2] =	sst s15;
	s21 =	sadd.s32 s31, s20;
	s24 =	smov.u32 s26  }
0x4c: {  	s26 =	sor.u32 s25, s26;
	[smem:$0x7B3] =	sst s21;
	s22 =	sadd.s32 s31, s22  }
0x4d: {  	s15 =	sshrl.u32 s26, $0x3;
	s26 =	sor.u32 s28, s14;
	s17 =	sor.u32 s2, s24  }
0x4e: {  	[smem:$0x7B4] =	sst s22;
	s15 =	smul.u32 $0x300, s15;
	s14 =	sshrl.u32 s17, $0x3  }
0x4f: {  	s18 =	sor.u32 s29, s26;
	s20 =	sor.u32 s30, s26;
	s24 =	sor.u32 s25, s26  }
0x50: {  	s17 =	sor.u32 s2, s26;
	s14 =	smul.u32 $0x300, s14;
	s16 =	sshrl.u32 s18, $0x3  }
0x51: {  	[smem:$0x7EF] =	sst s26;
	s15 =	sadd.s32 s31, s15;
	s21 =	smul.u32 $0x300, s16  }
0x52: {  	s16 =	sshrl.u32 s24, $0x3;
	[smem:$0x7B5] =	sst s15;
	s14 =	sadd.s32 s31, s14  }
0x53: {  	s22 =	sshrl.u32 s20, $0x3;
	s16 =	smul.u32 $0x300, s16;
	[smem:$0x7B6] =	sst s14  }
0x54: {  	s14 =	smul.u32 $0x300, s22;
	s22 =	sor.u32 s28, s13;
	s13 =	sshrl.u32 s17, $0x3  }
0x55: {  	s15 =	sadd.s32 s31, s21;
	s18 =	sor.u32 s29, s22;
	s13 =	smul.u32 $0x300, s13  }
0x56: {  	s20 =	sor.u32 s30, s22;
	[smem:$0x7B7] =	sst s15;
	s24 =	sor.u32 s25, s22  }
0x57: {  	s16 =	sadd.s32 s31, s16;
	[smem:$0x7F1] =	sst s22;
	s17 =	sshrl.u32 s18, $0x3  }
0x58: {  	s21 =	sshrl.u32 s20, $0x3;
	s14 =	sadd.s32 s31, s14;
	s18 =	sor.u32 s2, s22  }
0x59: {  	[smem:$0x7B9] =	sst s16;
	s22 =	sadd.s32 $0x40, s22;
	s15 =	smul.u32 $0x300, s17  }
0x5a: {  	[smem:$0x7B8] =	sst s14;
	s14 =	smul.u32 $0x300, s21;
	s17 =	sshrl.u32 s24, $0x3  }
0x5b: {  	s24 =	sor.u32 s28, s12;
	s12 =	sshrl.u32 s18, $0x3;
	s13 =	sadd.s32 s31, s13  }
0x5c: {  	[smem:$0x7F2] =	sst s22;
	s22 =	simm.s32 $0x900;
	s17 =	smul.u32 $0x300, s17  }
0x5d: {  	s20 =	sor.u32 s29, s24;
	s12 =	smul.u32 $0x300, s12;
	[smem:$0x7BA] =	sst s13  }
0x5e: {  	s21 =	sor.u32 s30, s24;
	s13 =	sor.u32 s25, s24;
	[smem:$0x7F3] =	sst s24  }
0x5f: {  	s18 =	sshrl.u32 s20, $0x3;
	s20 =	sshrl.u32 s21, $0x3;
	s21 =	sadd.s32 s31, s15  }
0x60: {  	s14 =	sadd.s32 s31, s14;
	s16 =	smul.u32 $0x300, s18;
	[smem:$0x7BB] =	sst s21  }
0x61: {  	s15 =	smul.u32 $0x300, s20;
	[smem:$0x7BC] =	sst s14;
	s18 =	sadd.s32 s31, s17  }
0x62: {  	s12 =	sadd.s32 s31, s12;
	s14 =	sor.u32 s2, s24;
	[smem:$0x7BD] =	sst s18  }
0x63: {  	[smem:$0x7BE] =	sst s12;
	s12 =	sshrl.u32 s13, $0x3;
	s20 =	sadd.s32 s31, s16  }
0x64: {  	s21 =	sadd.s32 s31, s15;
	s12 =	smul.u32 $0x300, s12;
	[smem:$0x7BF] =	sst s20  }
0x65: {  	[smem:$0x7C0] =	sst s21;
	s21 =	sor.u32 s28, s11;
	s11 =	sshrl.u32 s14, $0x3  }
0x66: {  	s15 =	sor.u32 s29, s21;
	s11 =	smul.u32 $0x300, s11;
	s16 =	sor.u32 s30, s21  }
0x67: {  	s12 =	sadd.s32 s31, s12;
	s20 =	sor.u32 s25, s21;
	[smem:$0x7F5] =	sst s21  }
0x68: {  	s14 =	sor.u32 s2, s21;
	s13 =	sshrl.u32 s15, $0x3;
	[smem:$0x7C1] =	sst s12  }
0x69: {  	s17 =	sshrl.u32 s16, $0x3;
	s12 =	smul.u32 $0x300, s13;
	s11 =	sadd.s32 s31, s11  }
0x6a: {  	s18 =	smul.u32 $0x300, s17;
	s13 =	sshrl.u32 s20, $0x3;
	s20 =	sor.u32 s28, s10  }
0x6b: {  	s10 =	sshrl.u32 s14, $0x3;
	[smem:$0x7C2] =	sst s11;
	s13 =	smul.u32 $0x300, s13  }
0x6c: {  	s15 =	sor.u32 s29, s20;
	s10 =	smul.u32 $0x300, s10;
	s16 =	sor.u32 s30, s20  }
0x6d: {  	[smem:$0x7F7] =	sst s20;
	s14 =	sshrl.u32 s15, $0x3;
	s12 =	sadd.s32 s31, s12  }
0x6e: {  	s17 =	sshrl.u32 s16, $0x3;
	s11 =	sadd.s32 s31, s18;
	s18 =	sor.u32 s25, s20  }
0x6f: {  	s15 =	sor.u32 s2, s20;
	[smem:$0x7C3] =	sst s12;
	s12 =	smul.u32 $0x300, s14  }
0x70: {  	s20 =	sadd.s32 $0x40, s20;
	[smem:$0x7C4] =	sst s11;
	s11 =	smul.u32 $0x300, s17  }
0x71: {  	s14 =	sshrl.u32 s18, $0x3;
	s18 =	sor.u32 s28, s9;
	s13 =	sadd.s32 s31, s13  }
0x72: {  	s9 =	sshrl.u32 s15, $0x3;
	s10 =	sadd.s32 s31, s10;
	[smem:$0x7C5] =	sst s13  }
0x73: {  	s14 =	smul.u32 $0x300, s14;
	s16 =	sor.u32 s29, s18;
	[smem:$0x7C6] =	sst s10  }
0x74: {  	s9 =	smul.u32 $0x300, s9;
	s17 =	sor.u32 s30, s18;
	[smem:$0x7F8] =	sst s18  }
0x75: {  	s15 =	sshrl.u32 s16, $0x3;
	s16 =	sshrl.u32 s17, $0x3;
	s17 =	sadd.s32 s31, s12  }
0x76: {  	s10 =	sor.u32 s25, s18;
	s11 =	sadd.s32 s31, s11;
	[smem:$0x7C7] =	sst s17  }
0x77: {  	s13 =	smul.u32 $0x300, s15;
	[smem:$0x7C8] =	sst s11;
	s15 =	sadd.s32 s31, s14  }
0x78: {  	s12 =	smul.u32 $0x300, s16;
	s9 =	sadd.s32 s31, s9;
	[smem:$0x7C9] =	sst s15  }
0x79: {  	s11 =	sor.u32 s2, s18;
	[smem:$0x7CA] =	sst s9;
	s9 =	sshrl.u32 s10, $0x3  }
0x7a: {  	s16 =	sadd.s32 s31, s13;
	s17 =	sadd.s32 s31, s12;
	s9 =	smul.u32 $0x300, s9  }
0x7b: {  	[smem:$0x7CC] =	sst s17;
	s17 =	sor.u32 s28, s8;
	s8 =	sshrl.u32 s11, $0x3  }
0x7c: {  	[smem:$0x7CB] =	sst s16;
	s12 =	sor.u32 s29, s17;
	s8 =	smul.u32 $0x300, s8  }
0x7d: {  	s13 =	sor.u32 s30, s17;
	s9 =	sadd.s32 s31, s9;
	s16 =	sor.u32 s25, s17  }
0x7e: {  	s11 =	sor.u32 s2, s17;
	[smem:$0x7F9] =	sst s17;
	s10 =	sshrl.u32 s12, $0x3  }
0x7f: {  	[smem:$0x7CD] =	sst s9;
	s14 =	sshrl.u32 s13, $0x3;
	s9 =	smul.u32 $0x300, s10  }
0x80: {  	s8 =	sadd.s32 s31, s8;
	s15 =	smul.u32 $0x300, s14;
	s10 =	sshrl.u32 s16, $0x3  }
0x81: {  	s16 =	sor.u32 s28, s7;
	s7 =	sshrl.u32 s11, $0x3;
	s10 =	smul.u32 $0x300, s10  }
0x82: {  	[smem:$0x7CE] =	sst s8;
	s12 =	sor.u32 s29, s16;
	s7 =	smul.u32 $0x300, s7  }
0x83: {  	s13 =	sor.u32 s30, s16;
	[smem:$0x7FA] =	sst s16;
	s11 =	sshrl.u32 s12, $0x3  }
0x84: {  	s9 =	sadd.s32 s31, s9;
	s14 =	sshrl.u32 s13, $0x3;
	s8 =	sadd.s32 s31, s15  }
0x85: {  	s15 =	sor.u32 s25, s16;
	[smem:$0x7CF] =	sst s9;
	s9 =	smul.u32 $0x300, s11  }
0x86: {  	s12 =	sor.u32 s2, s16;
	[smem:$0x7D0] =	sst s8;
	s8 =	smul.u32 $0x300, s14  }
0x87: {  	s11 =	sshrl.u32 s15, $0x3;
	s15 =	sor.u32 s28, s6;
	s10 =	sadd.s32 s31, s10  }
0x88: {  	s6 =	sshrl.u32 s12, $0x3;
	s7 =	sadd.s32 s31, s7;
	[smem:$0x7D1] =	sst s10  }
0x89: {  	s11 =	smul.u32 $0x300, s11;
	s13 =	sor.u32 s29, s15;
	[smem:$0x7D2] =	sst s7  }
0x8a: {  	s6 =	smul.u32 $0x300, s6;
	s14 =	sor.u32 s30, s15;
	[smem:$0x7FB] =	sst s15  }
0x8b: {  	s12 =	sshrl.u32 s13, $0x3;
	s13 =	sshrl.u32 s14, $0x3;
	s14 =	sadd.s32 s31, s9  }
0x8c: {  	s7 =	sor.u32 s25, s15;
	s8 =	sadd.s32 s31, s8;
	[smem:$0x7D3] =	sst s14  }
0x8d: {  	s10 =	smul.u32 $0x300, s12;
	[smem:$0x7D4] =	sst s8;
	s12 =	sadd.s32 s31, s11  }
0x8e: {  	s9 =	smul.u32 $0x300, s13;
	s6 =	sadd.s32 s31, s6;
	[smem:$0x7D5] =	sst s12  }
0x8f: {  	s8 =	sor.u32 s2, s15;
	[smem:$0x7D6] =	sst s6;
	s6 =	sshrl.u32 s7, $0x3  }
0x90: {  	s13 =	sadd.s32 s31, s10;
	s14 =	sadd.s32 s31, s9;
	s10 =	sor.u32 s28, s5  }
0x91: {  	s6 =	smul.u32 $0x300, s6;
	s5 =	sshrl.u32 s8, $0x3;
	[smem:$0x7D7] =	sst s13  }
0x92: {  	[smem:$0x7D8] =	sst s14;
	s9 =	sor.u32 s29, s10;
	s5 =	smul.u32 $0x300, s5  }
0x93: {  	s11 =	sor.u32 s30, s10;
	s14 =	sor.u32 s25, s10;
	s8 =	sor.u32 s2, s10  }
0x94: {  	[smem:$0x7FC] =	sst s10;
	s7 =	sshrl.u32 s9, $0x3;
	s6 =	sadd.s32 s31, s6  }
0x95: {  	s12 =	sshrl.u32 s11, $0x3;
	s11 =	sor.u32 s28, s4;
	s4 =	sshrl.u32 s8, $0x3  }
0x96: {  	[smem:$0x7D9] =	sst s6;
	s6 =	smul.u32 $0x300, s7;
	s5 =	sadd.s32 s31, s5  }
0x97: {  	s13 =	smul.u32 $0x300, s12;
	s7 =	sshrl.u32 s14, $0x3;
	s9 =	sor.u32 s29, s11  }
0x98: {  	s4 =	smul.u32 $0x300, s4;
	s14 =	sor.u32 s30, s11;
	[smem:$0x7FD] =	sst s11  }
0x99: {  	s8 =	sor.u32 s2, s11;
	[smem:$0x7DA] =	sst s5;
	s7 =	smul.u32 $0x300, s7  }
0x9a: {  	s12 =	sshrl.u32 s9, $0x3;
	s6 =	sadd.s32 s31, s6;
	s5 =	sadd.s32 s31, s13  }
0x9b: {  	s13 =	smul.u32 $0x300, s12;
	s4 =	sadd.s32 s31, s4;
	[smem:$0x7DB] =	sst s6  }
0x9c: {  	s12 =	sor.u32 s28, s3;
	s3 =	sshrl.u32 s8, $0x3;
	[smem:$0x7DC] =	sst s5  }
0x9d: {  	s7 =	sadd.s32 s31, s7;
	[smem:$0x7DE] =	sst s4;
	s6 =	sshrl.u32 s14, $0x3  }
0x9e: {  	s9 =	sor.u32 s29, s12;
	s3 =	smul.u32 $0x300, s3;
	s14 =	sor.u32 s25, s12  }
0x9f: {  	s29 =	sadd.s32 $0x40, s18;
	[smem:$0x7DD] =	sst s7;
	s5 =	sadd.s32 s31, s13  }
0xa0: {  	s4 =	smul.u32 $0x300, s6;
	s7 =	sor.u32 s25, s11;
	s6 =	sshrl.u32 s9, $0x3  }
0xa1: {  	s13 =	sor.u32 s30, s12;
	[smem:$0x7DF] =	sst s5;
	s5 =	sshrl.u32 s7, $0x3  }
0xa2: {  	s6 =	smul.u32 $0x300, s6;
	s7 =	sshrl.u32 s13, $0x3;
	s13 =	sadd.s32 s31, s4  }
0xa3: {  	s8 =	sshrl.u32 s14, $0x3;
	s25 =	sor.u32 s2, s12;
	[smem:$0x7E0] =	sst s13  }
0xa4: {  	s5 =	smul.u32 $0x300, s5;
	s13 =	sadd.s32 s31, s6;
	s6 =	rddreg [dreg:$0x6]  }
0xa5: {  	s14 =	sshrl.u32 s25, $0x3;
	s7 =	smul.u32 $0x300, s7;
	[smem:$0x7E3] =	sst s13  }
0xa6: {  	s25 =	sadd.s32 s31, s5;
	s5 =	sadd.s32 s31, s3;
	s3 =	sld [smem:$0x7EB]  }
0xa7: {  	s18 =	smov.u32 s28;
	s4 =	smul.u32 $0x300, s8;
	[smem:$0x7E1] =	sst s25  }
0xa8: {  	s9 =	smul.u32 $0x300, s14;
	s14 =	sadd.s32 s31, s7;
	[smem:$0x7E2] =	sst s5  }
0xa9: {  	s30 =	sadd.s32 $0x40, s12;
	s7 =	sor.u32 $0x11, s6;
	[smem:$0x7E4] =	sst s14  }
0xaa: {  	s8 =	sor.u32 $0x21, s6;
	s25 =	sadd.s32 s31, s4;
	s5 =	sld [smem:$0x7E7]  }
0xab: {  	s13 =	sadd.s32 $0x100, s19;
	s4 =	sadd.s32 s31, s9;
	[smem:$0x7E5] =	sst s25  }
0xac: {  	s9 =	sor.u32 $0x31, s6;
	s14 =	sadd.s32 $0x200, s19;
	[smem:$0x7E6] =	sst s4  }
0xad: {  	s31 =	sadd.s32 $0x400, s28;
	s28 =	simm.s32 $0x1;
	s25 =	rddreg [dreg:$0x1e]  }
0xae: {  	v0 =	vlaneseq.u32;
	s4 =	sld [smem:$0x7ED];
	s2 =	smax.u32 s5, $0x1;
	s5 =	sor.u32 $0x1, s6  }
0xaf: {  	v7 =	vadd.s32 s8, v0;
	s8 =	simm.s32 $0x2;
	[smem:$0x7E8] =	sst s2;
	s2 =	sadd.s32 $0x40, s6;
	v1 =	vadd.s32 s5, v0  }
0xb0: {  	s6 =	sadd.s32 $0x40, s26;
	s26 =	sadd.s32 $0x40, s21;
	[smem:$0x7E9] =	sst s2;
	v2 =	vshrl.u32 v1, $0x3  }
0xb1: {  	v5 =	vshrl.u32 v0, $0x3;
	s21 =	sadd.s32 $0x40, s16;
	s5 =	simm.s32 $0x0;
	[smem:$0x7F0] =	sst s6;
	v3 =	vmul.u32 $0x30, v2  }
0xb2: {  	v5 =	vmul.u32 $0x8, v5;
	s2 =	sadd.s32 $0x40, s25;
	s25 =	sadd.s32 $0x40, s24;
	[smem:$0x7F6] =	sst s26;
	v4 =	vand.u32 $0x7, v1  }
0xb3: {  	s6 =	sadd.s32 $0x40, s15;
	s26 =	sadd.s32 $0x40, s11;
	[smem:$0x7EA] =	sst s2;
	v6 =	vor.u32 v4, v3;
	v3 =	vand.u32 $0x7, v0;
	v4 =	vor.u32 $0x8, v0  }
0xb4: {  	s24 =	simm.s32 $0x1100;
	s2 =	sadd.s32 $0x40, s3;
	[smem:$0x7F4] =	sst s25;
	v9 =	vperm.xlane v6, v3;
	v10 =	vperm.xlane v6, v4;
	v6 =	vimm.s32 $0x0  }
0xb5: {  	s3 =	simm.s32 $0x100;
	s25 =	simm.s32 $0x1900;
	v2 =	vadd.s32 s7, v0;
	s7 =	simm.s32 $0x3;
	v11 =	vperm.xlane v6, v3;
	v12 =	vperm.xlane v6, v4  }
0xb6: {  	vm0 =	vmmov $0xffff;
	v8 =	vadd.s32 s9, v0;
	[smem:$0x7EC] =	sst s2;
	s2 =	sadd.s32 $0x40, s4;
	s4 =	sadd.s32 $0x40, s10;
	v9 =	vadd.s32 v5, v9  }
0xb7: {  	[smem:$0x7EE] =	sst s2;
	s2 =	sadd.s32 $0x40, s17;
	s17 =	simm.s32 $0x2100;
	v10 =	vadd.s32 v5, v10;
	v11 =	vadd.s32 v5, v11;
	v12 =	vadd.s32 v5, v12  }
.LBB2_1:
0xb8: {  	[tilespmem:$0x80] =	vst v1  }
0xb9: {  	[tilespmem:$0x90] =	vst v2  }
0xba: {  	[tilespmem:$0xA0] =	vst v7  }
0xbb: {  	[tilespmem:$0xB0] =	vst v8  }
0xbc: {  	[tilespmem:s3], [sflag:$0x1] =	stream.indirect_vreg.gather [hbm4b:s19+s1], $0x80, v9, vm0, $0xb8;
	[tilespmem:$0x18D00] =	vst v63  }
0xbd: {  	_ = 	snop  }
0xbe: {  	[tilespmem:s22], [sflag:$0x1] =	stream.indirect_vreg.gather [hbm4b:s13+s1], $0x80, v9, vm0, $0xb8;
	[tilespmem:$0x18D00] =	vst v63  }
0xbf: {  	_ = 	snop  }
0xc0: {  	[tilespmem:s24], [sflag:$0x1] =	stream.indirect_vreg.gather [hbm4b:s14+s1], $0x80, v9, vm0, $0xb8;
	[tilespmem:$0x18D00] =	vst v63  }
0xc1: {  	_ = 	snop  }
0xc2: {  	[tilespmem:s25], [sflag:$0x1] =	stream.indirect_vreg.gather [hbm4b:s19+s1], $0x80, v10, vm0, $0xb8;
	[tilespmem:$0x18D00] =	vst v63  }
0xc3: {  	_ = 	snop  }
0xc4: {  	[tilespmem:s17], [sflag:$0x1] =	stream.indirect_vreg.gather [hbm4b:s13+s1], $0x80, v10, vm0, $0xb8;
	[tilespmem:$0x18D00] =	vst v63  }
0xc5: {  	s9 =	simm.s32 $0x2900  }
0xc6: {  	[tilespmem:s9], [sflag:$0x1] =	stream.indirect_vreg.gather [hbm4b:s14+s1], $0x80, v10, vm0, $0xb8;
	[tilespmem:$0x18D00] =	vst v63  }
0xc7: {  	v13 =	vld [tilespmem:$0x90];
	_ =	sdelay $0x4  }
0xc8: {  	v14 =	vshrl.u32 v13, $0x3  }
0xc9: {  	v14 =	vmul.u32 $0x30, v14  }
0xca: {  	v13 =	vand.u32 $0x7, v13  }
0xcb: {  	v13 =	vor.u32 v13, v14  }
0xcc: {  	v14 =	vperm.xlane v13, v3;
	_ =	sdelay $0x1  }
0xcd: {  	v14 =	vadd.s32 v5, v14;
	_ =	sdelay $0x3  }
0xce: {  	s11 =	simm.s32 $0x3100;
	v13 =	vperm.xlane v13, v4  }
0xcf: {  	[tilespmem:s11], [sflag:$0x1] =	stream.indirect_vreg.gather [hbm4b:s19+s1], $0x80, v14, vm0, $0xb8;
	[tilespmem:$0x18D00] =	vst v63  }
0xd0: {  	s15 =	simm.s32 $0x3900;
	v13 =	vadd.s32 v5, v13  }
0xd1: {  	[tilespmem:s15], [sflag:$0x1] =	stream.indirect_vreg.gather [hbm4b:s13+s1], $0x80, v14, vm0, $0xb8;
	[tilespmem:$0x18D00] =	vst v63  }
0xd2: {  	s16 =	simm.s32 $0x4100  }
0xd3: {  	[tilespmem:s16], [sflag:$0x1] =	stream.indirect_vreg.gather [hbm4b:s14+s1], $0x80, v14, vm0, $0xb8;
	[tilespmem:$0x18D00] =	vst v63  }
0xd4: {  	s10 =	simm.s32 $0x4900  }
0xd5: {  	[tilespmem:s10], [sflag:$0x1] =	stream.indirect_vreg.gather [hbm4b:s19+s1], $0x80, v13, vm0, $0xb8;
	[tilespmem:$0x18D00] =	vst v63  }
0xd6: {  	s11 =	simm.s32 $0x5100  }
0xd7: {  	[tilespmem:s11], [sflag:$0x1] =	stream.indirect_vreg.gather [hbm4b:s13+s1], $0x80, v13, vm0, $0xb8;
	[tilespmem:$0x18D00] =	vst v63  }
0xd8: {  	s15 =	simm.s32 $0x5900  }
0xd9: {  	[tilespmem:s15], [sflag:$0x1] =	stream.indirect_vreg.gather [hbm4b:s14+s1], $0x80, v13, vm0, $0xb8;
	[tilespmem:$0x18D00] =	vst v63  }
0xda: {  	v13 =	vld [tilespmem:$0xA0];
	_ =	sdelay $0x4  }
0xdb: {  	v14 =	vshrl.u32 v13, $0x3  }
0xdc: {  	v14 =	vmul.u32 $0x30, v14  }
0xdd: {  	v13 =	vand.u32 $0x7, v13  }
0xde: {  	v13 =	vor.u32 v13, v14  }
0xdf: {  	v14 =	vperm.xlane v13, v3;
	_ =	sdelay $0x1  }
0xe0: {  	v14 =	vadd.s32 v5, v14;
	_ =	sdelay $0x3  }
0xe1: {  	s16 =	simm.s32 $0x6100;
	v13 =	vperm.xlane v13, v4  }
0xe2: {  	[tilespmem:s16], [sflag:$0x1] =	stream.indirect_vreg.gather [hbm4b:s19+s1], $0x80, v14, vm0, $0xb8;
	[tilespmem:$0x18D00] =	vst v63  }
0xe3: {  	s10 =	simm.s32 $0x6900;
	v13 =	vadd.s32 v5, v13  }
0xe4: {  	[tilespmem:s10], [sflag:$0x1] =	stream.indirect_vreg.gather [hbm4b:s13+s1], $0x80, v14, vm0, $0xb8;
	[tilespmem:$0x18D00] =	vst v63  }
0xe5: {  	s11 =	simm.s32 $0x7100  }
0xe6: {  	[tilespmem:s11], [sflag:$0x1] =	stream.indirect_vreg.gather [hbm4b:s14+s1], $0x80, v14, vm0, $0xb8;
	[tilespmem:$0x18D00] =	vst v63  }
0xe7: {  	s15 =	simm.s32 $0x7900  }
0xe8: {  	[tilespmem:s15], [sflag:$0x1] =	stream.indirect_vreg.gather [hbm4b:s19+s1], $0x80, v13, vm0, $0xb8;
	[tilespmem:$0x18D00] =	vst v63  }
0xe9: {  	s16 =	simm.s32 $0x8100  }
0xea: {  	[tilespmem:s16], [sflag:$0x1] =	stream.indirect_vreg.gather [hbm4b:s13+s1], $0x80, v13, vm0, $0xb8;
	[tilespmem:$0x18D00] =	vst v63  }
0xeb: {  	s10 =	simm.s32 $0x8900  }
0xec: {  	[tilespmem:s10], [sflag:$0x1] =	stream.indirect_vreg.gather [hbm4b:s14+s1], $0x80, v13, vm0, $0xb8;
	[tilespmem:$0x18D00] =	vst v63  }
0xed: {  	v13 =	vld [tilespmem:$0xB0];
	_ =	sdelay $0x4  }
0xee: {  	v14 =	vshrl.u32 v13, $0x3  }
0xef: {  	v14 =	vmul.u32 $0x30, v14  }
0xf0: {  	v13 =	vand.u32 $0x7, v13  }
0xf1: {  	v13 =	vor.u32 v13, v14  }
0xf2: {  	v14 =	vperm.xlane v13, v3;
	_ =	sdelay $0x1  }
0xf3: {  	v14 =	vadd.s32 v5, v14;
	_ =	sdelay $0x3  }
0xf4: {  	s11 =	simm.s32 $0x9100;
	v13 =	vperm.xlane v13, v4  }
0xf5: {  	[tilespmem:s11], [sflag:$0x1] =	stream.indirect_vreg.gather [hbm4b:s19+s1], $0x80, v14, vm0, $0xb8;
	[tilespmem:$0x18D00] =	vst v63  }
0xf6: {  	s15 =	simm.s32 $0x9900;
	v13 =	vadd.s32 v5, v13  }
0xf7: {  	[tilespmem:s15], [sflag:$0x1] =	stream.indirect_vreg.gather [hbm4b:s13+s1], $0x80, v14, vm0, $0xb8;
	[tilespmem:$0x18D00] =	vst v63  }
0xf8: {  	s16 =	simm.s32 $0xA100  }
0xf9: {  	[tilespmem:s16], [sflag:$0x1] =	stream.indirect_vreg.gather [hbm4b:s14+s1], $0x80, v14, vm0, $0xb8;
	[tilespmem:$0x18D00] =	vst v63  }
0xfa: {  	s10 =	simm.s32 $0xA900  }
0xfb: {  	[tilespmem:s10], [sflag:$0x1] =	stream.indirect_vreg.gather [hbm4b:s19+s1], $0x80, v13, vm0, $0xb8;
	[tilespmem:$0x18D00] =	vst v63  }
0xfc: {  	s11 =	simm.s32 $0xB100  }
0xfd: {  	[tilespmem:s11], [sflag:$0x1] =	stream.indirect_vreg.gather [hbm4b:s13+s1], $0x80, v13, vm0, $0xb8;
	[tilespmem:$0x18D00] =	vst v63  }
0xfe: {  	s15 =	simm.s32 $0xB900  }
0xff: {  	[tilespmem:s15], [sflag:$0x1] =	stream.indirect_vreg.gather [hbm4b:s14+s1], $0x80, v13, vm0, $0xb8;
	[tilespmem:$0x18D00] =	vst v63  }
0x100: {  	_ =	swait.ge [sflag:s28], $0xC000  }
0x101: {  	[sflag:s28] =	ssyncset.done $0x0  }
.Ltmp0:
0x102: {  	s16 =	rddreg [dreg:$0x8];
	[sflag:s28] =	ssyncadd.s32 $0xFFFF4000;
	(pc) =	sbr.rel @p0 .LBB2_3-.Ltmp0, $4  }
0x103: {  	[spmem:s16] =	stream.linear.scatter [tilespmem:s3], [sflag:$0x3], $0xC000, $0x38;
	[tilespmem:$0x18D00] =	vst v63  }
0x104: {  	_ =	swait.ge [sflag:s7], $0xC000  }
0x105: {  	[sflag:s7] =	ssyncset.done $0x0  }
0x106: {  	[sflag:s7] =	ssyncadd.s32 $0xFFFF4000  }
0x107: {  	[tilespmem:$0x80] =	vst v6  }
0x108: {  	[tilespmem:$0x90] =	vst v6  }
0x109: {  	[tilespmem:$0xA0] =	vst v6  }
0x10a: {  	[tilespmem:$0xB0] =	vst v6  }
0x10b: {  	[tilespmem:s3], [sflag:$0x1] =	stream.indirect_vreg.gather [hbm4b:s19+s1], $0x80, v11, vm0, $0xb8;
	[tilespmem:$0x18D00] =	vst v63  }
0x10c: {  	_ = 	snop  }
0x10d: {  	[tilespmem:s22], [sflag:$0x1] =	stream.indirect_vreg.gather [hbm4b:s13+s1], $0x80, v11, vm0, $0xb8;
	[tilespmem:$0x18D00] =	vst v63  }
0x10e: {  	_ = 	snop  }
0x10f: {  	[tilespmem:s24], [sflag:$0x1] =	stream.indirect_vreg.gather [hbm4b:s14+s1], $0x80, v11, vm0, $0xb8;
	[tilespmem:$0x18D00] =	vst v63  }
0x110: {  	_ = 	snop  }
0x111: {  	[tilespmem:s25], [sflag:$0x1] =	stream.indirect_vreg.gather [hbm4b:s19+s1], $0x80, v12, vm0, $0xb8;
	[tilespmem:$0x18D00] =	vst v63  }
0x112: {  	_ = 	snop  }
0x113: {  	[tilespmem:s17], [sflag:$0x1] =	stream.indirect_vreg.gather [hbm4b:s13+s1], $0x80, v12, vm0, $0xb8;
	[tilespmem:$0x18D00] =	vst v63  }
0x114: {  	s9 =	simm.s32 $0x2900  }
0x115: {  	[tilespmem:s9], [sflag:$0x1] =	stream.indirect_vreg.gather [hbm4b:s14+s1], $0x80, v12, vm0, $0xb8;
	[tilespmem:$0x18D00] =	vst v63  }
0x116: {  	v13 =	vld [tilespmem:$0x90];
	_ =	sdelay $0x4  }
0x117: {  	v14 =	vshrl.u32 v13, $0x3  }
0x118: {  	v14 =	vmul.u32 $0x30, v14  }
0x119: {  	v13 =	vand.u32 $0x7, v13  }
0x11a: {  	v13 =	vor.u32 v13, v14  }
0x11b: {  	v14 =	vperm.xlane v13, v3;
	_ =	sdelay $0x1  }
0x11c: {  	v14 =	vadd.s32 v5, v14;
	_ =	sdelay $0x3  }
0x11d: {  	s24 =	simm.s32 $0x3100;
	v13 =	vperm.xlane v13, v4  }
0x11e: {  	[tilespmem:s24], [sflag:$0x1] =	stream.indirect_vreg.gather [hbm4b:s19+s1], $0x80, v14, vm0, $0xb8;
	[tilespmem:$0x18D00] =	vst v63  }
0x11f: {  	s25 =	simm.s32 $0x3900;
	v13 =	vadd.s32 v5, v13  }
0x120: {  	[tilespmem:s25], [sflag:$0x1] =	stream.indirect_vreg.gather [hbm4b:s13+s1], $0x80, v14, vm0, $0xb8;
	[tilespmem:$0x18D00] =	vst v63  }
0x121: {  	s10 =	simm.s32 $0x4100  }
0x122: {  	[tilespmem:s10], [sflag:$0x1] =	stream.indirect_vreg.gather [hbm4b:s14+s1], $0x80, v14, vm0, $0xb8;
	[tilespmem:$0x18D00] =	vst v63  }
0x123: {  	s11 =	simm.s32 $0x4900  }
0x124: {  	[tilespmem:s11], [sflag:$0x1] =	stream.indirect_vreg.gather [hbm4b:s19+s1], $0x80, v13, vm0, $0xb8;
	[tilespmem:$0x18D00] =	vst v63  }
0x125: {  	s15 =	simm.s32 $0x5100  }
0x126: {  	[tilespmem:s15], [sflag:$0x1] =	stream.indirect_vreg.gather [hbm4b:s13+s1], $0x80, v13, vm0, $0xb8;
	[tilespmem:$0x18D00] =	vst v63  }
0x127: {  	s16 =	simm.s32 $0x5900  }
0x128: {  	[tilespmem:s16], [sflag:$0x1] =	stream.indirect_vreg.gather [hbm4b:s14+s1], $0x80, v13, vm0, $0xb8;
	[tilespmem:$0x18D00] =	vst v63  }
0x129: {  	v13 =	vld [tilespmem:$0xA0];
	_ =	sdelay $0x4  }
0x12a: {  	v14 =	vshrl.u32 v13, $0x3  }
0x12b: {  	v14 =	vmul.u32 $0x30, v14  }
0x12c: {  	v13 =	vand.u32 $0x7, v13  }
0x12d: {  	v13 =	vor.u32 v13, v14  }
0x12e: {  	v14 =	vperm.xlane v13, v3;
	_ =	sdelay $0x1  }
0x12f: {  	v14 =	vadd.s32 v5, v14;
	_ =	sdelay $0x3  }
0x130: {  	s17 =	simm.s32 $0x6100;
	v13 =	vperm.xlane v13, v4  }
0x131: {  	[tilespmem:s17], [sflag:$0x1] =	stream.indirect_vreg.gather [hbm4b:s19+s1], $0x80, v14, vm0, $0xb8;
	[tilespmem:$0x18D00] =	vst v63  }
0x132: {  	s22 =	simm.s32 $0x6900;
	v13 =	vadd.s32 v5, v13  }
0x133: {  	[tilespmem:s22], [sflag:$0x1] =	stream.indirect_vreg.gather [hbm4b:s13+s1], $0x80, v14, vm0, $0xb8;
	[tilespmem:$0x18D00] =	vst v63  }
0x134: {  	s24 =	simm.s32 $0x7100  }
0x135: {  	[tilespmem:s24], [sflag:$0x1] =	stream.indirect_vreg.gather [hbm4b:s14+s1], $0x80, v14, vm0, $0xb8;
	[tilespmem:$0x18D00] =	vst v63  }
0x136: {  	s25 =	simm.s32 $0x7900  }
0x137: {  	[tilespmem:s25], [sflag:$0x1] =	stream.indirect_vreg.gather [hbm4b:s19+s1], $0x80, v13, vm0, $0xb8;
	[tilespmem:$0x18D00] =	vst v63  }
0x138: {  	s10 =	simm.s32 $0x8100  }
0x139: {  	[tilespmem:s10], [sflag:$0x1] =	stream.indirect_vreg.gather [hbm4b:s13+s1], $0x80, v13, vm0, $0xb8;
	[tilespmem:$0x18D00] =	vst v63  }
0x13a: {  	s11 =	simm.s32 $0x8900  }
0x13b: {  	[tilespmem:s11], [sflag:$0x1] =	stream.indirect_vreg.gather [hbm4b:s14+s1], $0x80, v13, vm0, $0xb8;
	[tilespmem:$0x18D00] =	vst v63  }
0x13c: {  	v13 =	vld [tilespmem:$0xB0];
	_ =	sdelay $0x4  }
0x13d: {  	v14 =	vshrl.u32 v13, $0x3  }
0x13e: {  	v14 =	vmul.u32 $0x30, v14  }
0x13f: {  	v13 =	vand.u32 $0x7, v13  }
0x140: {  	v13 =	vor.u32 v13, v14  }
0x141: {  	v14 =	vperm.xlane v13, v3;
	_ =	sdelay $0x1  }
0x142: {  	v14 =	vadd.s32 v5, v14;
	_ =	sdelay $0x3  }
0x143: {  	s15 =	simm.s32 $0x9100;
	v13 =	vperm.xlane v13, v4  }
0x144: {  	[tilespmem:s15], [sflag:$0x1] =	stream.indirect_vreg.gather [hbm4b:s19+s1], $0x80, v14, vm0, $0xb8;
	[tilespmem:$0x18D00] =	vst v63  }
0x145: {  	s16 =	simm.s32 $0x9900;
	v13 =	vadd.s32 v5, v13  }
0x146: {  	[tilespmem:s16], [sflag:$0x1] =	stream.indirect_vreg.gather [hbm4b:s13+s1], $0x80, v14, vm0, $0xb8;
	[tilespmem:$0x18D00] =	vst v63  }
0x147: {  	s17 =	simm.s32 $0xA100  }
0x148: {  	[tilespmem:s17], [sflag:$0x1] =	stream.indirect_vreg.gather [hbm4b:s14+s1], $0x80, v14, vm0, $0xb8;
	[tilespmem:$0x18D00] =	vst v63  }
0x149: {  	s22 =	simm.s32 $0xA900  }
0x14a: {  	[tilespmem:s22], [sflag:$0x1] =	stream.indirect_vreg.gather [hbm4b:s19+s1], $0x80, v13, vm0, $0xb8;
	[tilespmem:$0x18D00] =	vst v63  }
0x14b: {  	s24 =	simm.s32 $0xB100  }
0x14c: {  	[tilespmem:s24], [sflag:$0x1] =	stream.indirect_vreg.gather [hbm4b:s13+s1], $0x80, v13, vm0, $0xb8;
	[tilespmem:$0x18D00] =	vst v63  }
0x14d: {  	s25 =	simm.s32 $0xB900  }
0x14e: {  	[tilespmem:s25], [sflag:$0x1] =	stream.indirect_vreg.gather [hbm4b:s14+s1], $0x80, v13, vm0, $0xb8;
	[tilespmem:$0x18D00] =	vst v63  }
0x14f: {  	_ =	swait.ge [sflag:s28], $0xC000  }
0x150: {  	[sflag:s28] =	ssyncset.done $0x0  }
0x151: {  	[sflag:s28] =	ssyncadd.s32 $0xFFFF4000  }
0x152: {  	[spmem:s23] =	stream.linear.scatter [tilespmem:s3], [sflag:$0x3], $0xC000, $0x38;
	[tilespmem:$0x18D00] =	vst v63  }
0x153: {  	_ =	swait.ge [sflag:s7], $0xC000  }
0x154: {  	[sflag:s7] =	ssyncset.done $0x0  }
0x155: {  	[sflag:s7] =	ssyncadd.s32 $0xFFFF4000  }
.LBB2_3:
0x156: {  	s9 =	rddreg [dreg:$0x19]  }
0x157: {  	[tilespmem:s1], [sflag:$0x3] =	stream.linear.gather [hbm4b:s9+s1], $0x40, $0x38;
	[tilespmem:$0x18D00] =	vst v63  }
0x158: {  	_ =	swait.ge [sflag:s7], $0x40  }
0x159: {  	[sflag:s7] =	ssyncset.done $0x0  }
0x15a: {  	[sflag:s7] =	ssyncadd.s32 $0xFFFFFFC0  }
0x15b: {  	[bflag:$0x0] =	sbarrier.arrive $0xFFFF  }
0x15c: {  	v13 =	vld [tilespmem:$0x0]  }
0x15d: {  	v14 =	vld [tilespmem:$0x10]  }
0x15e: {  	v15 =	vld [tilespmem:$0x20]  }
0x15f: {  	v16 =	vld [tilespmem:$0x30];
	_ =	sdelay $0x1  }
0x160: {  	(v2sf) =	vpush v13, $0x0  }
0x161: {  	(v2sf) =	vpush v14, $0x0  }
0x162: {  	(v2sf) =	vpush v15, $0x0  }
0x163: {  	(v2sf) =	vpush v16, $0x0;
	_ =	sdelay $0x9  }
0x164: {  	s3 =	sld [smem:$0x7E9];
	_ =	sdelay $0x1  }
0x165: {  	s16 =	spop (v2sf)  }
0x166: {  	s24 =	rddreg [dreg:$0x8];
	s15 =	spop (v2sf);
	p1 =	sgt.s32 s3, s16  }
0x167: {  	s25 =	rddreg [dreg:$0x1a];
	s10 =	spop (v2sf);
	s17 =	sshll.u32 @!p1 s0, $0x6  }
0x168: {  	s11 =	sshrl.u32 @!p1 s24, $0x3;
	s9 =	spop (v2sf);
	s17 =	sor.u32 @!p1 $0x1C02, s17  }
0x169: {  	[hbm:s25], [sflag:s17] =	dma.local @!p1 [spmem:s11], $0x1800  }
0x16a: {  	s22 =	rddreg [dreg:$0x6]  }
0x16b: {  	p1 =	slt.s32 s22, s16  }
0x16c: {  	s11 =	sshll.u32 @!p1 s0, $0x6  }
0x16d: {  	s17 =	sshrl.u32 @!p1 s23, $0x3;
	s11 =	sor.u32 @!p1 $0x1C02, s11  }
0x16e: {  	[hbm:s25], [sflag:s11] =	dma.local @!p1 [spmem:s17], $0x1800  }
0x16f: {  	p1 =	sgt.s32 s3, s15  }
0x170: {  	s11 =	sshll.u32 @!p1 s0, $0x6  }
0x171: {  	s17 =	sshrl.u32 @!p1 s24, $0x3;
	s25 =	rddreg [dreg:$0x1c];
	s11 =	sor.u32 @!p1 $0x1C02, s11  }
0x172: {  	[hbm:s25], [sflag:s11] =	dma.local @!p1 [spmem:s17], $0x1800  }
0x173: {  	p1 =	slt.s32 s22, s15  }
0x174: {  	s11 =	sshll.u32 @!p1 s0, $0x6  }
0x175: {  	s17 =	sshrl.u32 @!p1 s23, $0x3;
	s11 =	sor.u32 @!p1 $0x1C02, s11  }
0x176: {  	[hbm:s25], [sflag:s11] =	dma.local @!p1 [spmem:s17], $0x1800  }
0x177: {  	p1 =	sgt.s32 s3, s10  }
0x178: {  	s11 =	sshll.u32 @!p1 s0, $0x6  }
0x179: {  	s17 =	sshrl.u32 @!p1 s24, $0x3;
	s25 =	rddreg [dreg:$0x1f];
	s11 =	sor.u32 @!p1 $0x1C02, s11  }
0x17a: {  	[hbm:s25], [sflag:s11] =	dma.local @!p1 [spmem:s17], $0x1800  }
0x17b: {  	p1 =	slt.s32 s22, s10  }
0x17c: {  	s11 =	sshll.u32 @!p1 s0, $0x6  }
0x17d: {  	s17 =	sshrl.u32 @!p1 s23, $0x3;
	s11 =	sor.u32 @!p1 $0x1C02, s11  }
0x17e: {  	[hbm:s25], [sflag:s11] =	dma.local @!p1 [spmem:s17], $0x1800  }
0x17f: {  	p1 =	sgt.s32 s3, s9  }
0x180: {  	s17 =	sshrl.u32 @!p1 s24, $0x3;
	s24 =	sld [smem:$0x7AA]  }
0x181: {  	s11 =	sshll.u32 @!p1 s0, $0x6  }
0x182: {  	s11 =	sor.u32 @!p1 $0x1C02, s11  }
0x183: {  	[hbm:s24], [sflag:s11] =	dma.local @!p1 [spmem:s17], $0x1800  }
0x184: {  	p1 =	slt.s32 s22, s9  }
0x185: {  	s11 =	sshll.u32 @!p1 s0, $0x6  }
0x186: {  	s17 =	sshrl.u32 @!p1 s23, $0x3;
	s11 =	sor.u32 @!p1 $0x1C02, s11  }
0x187: {  	[hbm:s24], [sflag:s11] =	dma.local @!p1 [spmem:s17], $0x1800  }
0x188: {  	s3 =	sld [smem:$0x7EA];
	_ =	sdelay $0x2  }
0x189: {  	s25 =	sld [smem:$0x7AB];
	p1 =	sgt.s32 s3, s16  }
0x18a: {  	s22 =	rddreg [dreg:$0xa];
	s11 =	sshll.u32 @!p1 s0, $0x6  }
0x18b: {  	s17 =	sshrl.u32 @!p1 s22, $0x3;
	s11 =	sor.u32 @!p1 $0x1C02, s11  }
0x18c: {  	[hbm:s25], [sflag:s11] =	dma.local @!p1 [spmem:s17], $0x1800  }
0x18d: {  	s24 =	rddreg [dreg:$0x1e]  }
0x18e: {  	p1 =	slt.s32 s24, s16  }
0x18f: {  	s11 =	sshll.u32 @!p1 s0, $0x6  }
0x190: {  	s17 =	sshrl.u32 @!p1 s23, $0x3;
	s11 =	sor.u32 @!p1 $0x1C02, s11  }
0x191: {  	[hbm:s25], [sflag:s11] =	dma.local @!p1 [spmem:s17], $0x1800  }
0x192: {  	p1 =	sgt.s32 s3, s15;
	s25 =	sld [smem:$0x7AC]  }
0x193: {  	s11 =	sshll.u32 @!p1 s0, $0x6  }
0x194: {  	s17 =	sshrl.u32 @!p1 s22, $0x3;
	s11 =	sor.u32 @!p1 $0x1C02, s11  }
0x195: {  	[hbm:s25], [sflag:s11] =	dma.local @!p1 [spmem:s17], $0x1800  }
0x196: {  	p1 =	slt.s32 s24, s15  }
0x197: {  	s11 =	sshll.u32 @!p1 s0, $0x6  }
0x198: {  	s17 =	sshrl.u32 @!p1 s23, $0x3;
	s11 =	sor.u32 @!p1 $0x1C02, s11  }
0x199: {  	[hbm:s25], [sflag:s11] =	dma.local @!p1 [spmem:s17], $0x1800  }
0x19a: {  	p1 =	sgt.s32 s3, s10;
	s25 =	sld [smem:$0x7AD]  }
0x19b: {  	s11 =	sshll.u32 @!p1 s0, $0x6  }
0x19c: {  	s17 =	sshrl.u32 @!p1 s22, $0x3;
	s11 =	sor.u32 @!p1 $0x1C02, s11  }
0x19d: {  	[hbm:s25], [sflag:s11] =	dma.local @!p1 [spmem:s17], $0x1800  }
0x19e: {  	p1 =	slt.s32 s24, s10  }
0x19f: {  	s11 =	sshll.u32 @!p1 s0, $0x6  }
0x1a0: {  	s17 =	sshrl.u32 @!p1 s23, $0x3;
	s11 =	sor.u32 @!p1 $0x1C02, s11  }
0x1a1: {  	[hbm:s25], [sflag:s11] =	dma.local @!p1 [spmem:s17], $0x1800  }
0x1a2: {  	p1 =	sgt.s32 s3, s9  }
0x1a3: {  	s17 =	sshrl.u32 @!p1 s22, $0x3;
	s22 =	sld [smem:$0x7AE]  }
0x1a4: {  	s11 =	sshll.u32 @!p1 s0, $0x6  }
0x1a5: {  	s11 =	sor.u32 @!p1 $0x1C02, s11  }
0x1a6: {  	[hbm:s22], [sflag:s11] =	dma.local @!p1 [spmem:s17], $0x1800  }
0x1a7: {  	p1 =	slt.s32 s24, s9  }
0x1a8: {  	s11 =	sshll.u32 @!p1 s0, $0x6  }
0x1a9: {  	s17 =	sshrl.u32 @!p1 s23, $0x3;
	s11 =	sor.u32 @!p1 $0x1C02, s11  }
0x1aa: {  	[hbm:s22], [sflag:s11] =	dma.local @!p1 [spmem:s17], $0x1800  }
0x1ab: {  	s3 =	sld [smem:$0x7EC];
	_ =	sdelay $0x2  }
0x1ac: {  	s25 =	sld [smem:$0x7AF];
	p1 =	sgt.s32 s3, s16  }
0x1ad: {  	s22 =	rddreg [dreg:$0xb];
	s11 =	sshll.u32 @!p1 s0, $0x6  }
0x1ae: {  	s17 =	sshrl.u32 @!p1 s22, $0x3;
	s11 =	sor.u32 @!p1 $0x1C02, s11  }
0x1af: {  	[hbm:s25], [sflag:s11] =	dma.local @!p1 [spmem:s17], $0x1800  }
0x1b0: {  	s24 =	sld [smem:$0x7EB];
	_ =	sdelay $0x2  }
0x1b1: {  	p1 =	slt.s32 s24, s16  }
0x1b2: {  	s11 =	sshll.u32 @!p1 s0, $0x6  }
0x1b3: {  	s17 =	sshrl.u32 @!p1 s23, $0x3;
	s11 =	sor.u32 @!p1 $0x1C02, s11  }
0x1b4: {  	[hbm:s25], [sflag:s11] =	dma.local @!p1 [spmem:s17], $0x1800  }
0x1b5: {  	p1 =	sgt.s32 s3, s15;
	s25 =	sld [smem:$0x7B0]  }
0x1b6: {  	s11 =	sshll.u32 @!p1 s0, $0x6  }
0x1b7: {  	s17 =	sshrl.u32 @!p1 s22, $0x3;
	s11 =	sor.u32 @!p1 $0x1C02, s11  }
0x1b8: {  	[hbm:s25], [sflag:s11] =	dma.local @!p1 [spmem:s17], $0x1800  }
0x1b9: {  	p1 =	slt.s32 s24, s15  }
0x1ba: {  	s11 =	sshll.u32 @!p1 s0, $0x6  }
0x1bb: {  	s17 =	sshrl.u32 @!p1 s23, $0x3;
	s11 =	sor.u32 @!p1 $0x1C02, s11  }
0x1bc: {  	[hbm:s25], [sflag:s11] =	dma.local @!p1 [spmem:s17], $0x1800  }
0x1bd: {  	p1 =	sgt.s32 s3, s10;
	s25 =	sld [smem:$0x7B1]  }
0x1be: {  	s11 =	sshll.u32 @!p1 s0, $0x6  }
0x1bf: {  	s17 =	sshrl.u32 @!p1 s22, $0x3;
	s11 =	sor.u32 @!p1 $0x1C02, s11  }
0x1c0: {  	[hbm:s25], [sflag:s11] =	dma.local @!p1 [spmem:s17], $0x1800  }
0x1c1: {  	p1 =	slt.s32 s24, s10  }
0x1c2: {  	s11 =	sshll.u32 @!p1 s0, $0x6  }
0x1c3: {  	s17 =	sshrl.u32 @!p1 s23, $0x3;
	s11 =	sor.u32 @!p1 $0x1C02, s11  }
0x1c4: {  	[hbm:s25], [sflag:s11] =	dma.local @!p1 [spmem:s17], $0x1800  }
0x1c5: {  	p1 =	sgt.s32 s3, s9  }
0x1c6: {  	s17 =	sshrl.u32 @!p1 s22, $0x3;
	s22 =	sld [smem:$0x7B2]  }
0x1c7: {  	s11 =	sshll.u32 @!p1 s0, $0x6  }
0x1c8: {  	s11 =	sor.u32 @!p1 $0x1C02, s11  }
0x1c9: {  	[hbm:s22], [sflag:s11] =	dma.local @!p1 [spmem:s17], $0x1800  }
0x1ca: {  	p1 =	slt.s32 s24, s9  }
0x1cb: {  	s11 =	sshll.u32 @!p1 s0, $0x6  }
0x1cc: {  	s17 =	sshrl.u32 @!p1 s23, $0x3;
	s11 =	sor.u32 @!p1 $0x1C02, s11  }
0x1cd: {  	[hbm:s22], [sflag:s11] =	dma.local @!p1 [spmem:s17], $0x1800  }
0x1ce: {  	s3 =	sld [smem:$0x7EE];
	_ =	sdelay $0x2  }
0x1cf: {  	s25 =	sld [smem:$0x7B3];
	p1 =	sgt.s32 s3, s16  }
0x1d0: {  	s22 =	rddreg [dreg:$0xc];
	s11 =	sshll.u32 @!p1 s0, $0x6  }
0x1d1: {  	s17 =	sshrl.u32 @!p1 s22, $0x3;
	s11 =	sor.u32 @!p1 $0x1C02, s11  }
0x1d2: {  	[hbm:s25], [sflag:s11] =	dma.local @!p1 [spmem:s17], $0x1800  }
0x1d3: {  	s24 =	sld [smem:$0x7ED];
	_ =	sdelay $0x2  }
0x1d4: {  	p1 =	slt.s32 s24, s16  }
0x1d5: {  	s11 =	sshll.u32 @!p1 s0, $0x6  }
0x1d6: {  	s17 =	sshrl.u32 @!p1 s23, $0x3;
	s11 =	sor.u32 @!p1 $0x1C02, s11  }
0x1d7: {  	[hbm:s25], [sflag:s11] =	dma.local @!p1 [spmem:s17], $0x1800  }
0x1d8: {  	p1 =	sgt.s32 s3, s15;
	s25 =	sld [smem:$0x7B4]  }
0x1d9: {  	s11 =	sshll.u32 @!p1 s0, $0x6  }
0x1da: {  	s17 =	sshrl.u32 @!p1 s22, $0x3;
	s11 =	sor.u32 @!p1 $0x1C02, s11  }
0x1db: {  	[hbm:s25], [sflag:s11] =	dma.local @!p1 [spmem:s17], $0x1800  }
0x1dc: {  	p1 =	slt.s32 s24, s15  }
0x1dd: {  	s11 =	sshll.u32 @!p1 s0, $0x6  }
0x1de: {  	s17 =	sshrl.u32 @!p1 s23, $0x3;
	s11 =	sor.u32 @!p1 $0x1C02, s11  }
0x1df: {  	[hbm:s25], [sflag:s11] =	dma.local @!p1 [spmem:s17], $0x1800  }
0x1e0: {  	p1 =	sgt.s32 s3, s10;
	s25 =	sld [smem:$0x7B5]  }
0x1e1: {  	s11 =	sshll.u32 @!p1 s0, $0x6  }
0x1e2: {  	s17 =	sshrl.u32 @!p1 s22, $0x3;
	s11 =	sor.u32 @!p1 $0x1C02, s11  }
0x1e3: {  	[hbm:s25], [sflag:s11] =	dma.local @!p1 [spmem:s17], $0x1800  }
0x1e4: {  	p1 =	slt.s32 s24, s10  }
0x1e5: {  	s11 =	sshll.u32 @!p1 s0, $0x6  }
0x1e6: {  	s17 =	sshrl.u32 @!p1 s23, $0x3;
	s11 =	sor.u32 @!p1 $0x1C02, s11  }
0x1e7: {  	[hbm:s25], [sflag:s11] =	dma.local @!p1 [spmem:s17], $0x1800  }
0x1e8: {  	p1 =	sgt.s32 s3, s9  }
0x1e9: {  	s17 =	sshrl.u32 @!p1 s22, $0x3;
	s22 =	sld [smem:$0x7B6]  }
0x1ea: {  	s11 =	sshll.u32 @!p1 s0, $0x6  }
0x1eb: {  	s11 =	sor.u32 @!p1 $0x1C02, s11  }
0x1ec: {  	[hbm:s22], [sflag:s11] =	dma.local @!p1 [spmem:s17], $0x1800  }
0x1ed: {  	p1 =	slt.s32 s24, s9  }
0x1ee: {  	s11 =	sshll.u32 @!p1 s0, $0x6  }
0x1ef: {  	s17 =	sshrl.u32 @!p1 s23, $0x3;
	s11 =	sor.u32 @!p1 $0x1C02, s11  }
0x1f0: {  	[hbm:s22], [sflag:s11] =	dma.local @!p1 [spmem:s17], $0x1800  }
0x1f1: {  	s3 =	sld [smem:$0x7F0];
	_ =	sdelay $0x2  }
0x1f2: {  	s25 =	sld [smem:$0x7B7];
	p1 =	sgt.s32 s3, s16  }
0x1f3: {  	s22 =	rddreg [dreg:$0xd];
	s11 =	sshll.u32 @!p1 s0, $0x6  }
0x1f4: {  	s17 =	sshrl.u32 @!p1 s22, $0x3;
	s11 =	sor.u32 @!p1 $0x1C02, s11  }
0x1f5: {  	[hbm:s25], [sflag:s11] =	dma.local @!p1 [spmem:s17], $0x1800  }
0x1f6: {  	s24 =	sld [smem:$0x7EF];
	_ =	sdelay $0x2  }
0x1f7: {  	p1 =	slt.s32 s24, s16  }
0x1f8: {  	s11 =	sshll.u32 @!p1 s0, $0x6  }
0x1f9: {  	s17 =	sshrl.u32 @!p1 s23, $0x3;
	s11 =	sor.u32 @!p1 $0x1C02, s11  }
0x1fa: {  	[hbm:s25], [sflag:s11] =	dma.local @!p1 [spmem:s17], $0x1800  }
0x1fb: {  	p1 =	sgt.s32 s3, s15;
	s25 =	sld [smem:$0x7B8]  }
0x1fc: {  	s11 =	sshll.u32 @!p1 s0, $0x6  }
0x1fd: {  	s17 =	sshrl.u32 @!p1 s22, $0x3;
	s11 =	sor.u32 @!p1 $0x1C02, s11  }
0x1fe: {  	[hbm:s25], [sflag:s11] =	dma.local @!p1 [spmem:s17], $0x1800  }
0x1ff: {  	p1 =	slt.s32 s24, s15  }
0x200: {  	s11 =	sshll.u32 @!p1 s0, $0x6  }
0x201: {  	s17 =	sshrl.u32 @!p1 s23, $0x3;
	s11 =	sor.u32 @!p1 $0x1C02, s11  }
0x202: {  	[hbm:s25], [sflag:s11] =	dma.local @!p1 [spmem:s17], $0x1800  }
0x203: {  	p1 =	sgt.s32 s3, s10;
	s25 =	sld [smem:$0x7B9]  }
0x204: {  	s11 =	sshll.u32 @!p1 s0, $0x6  }
0x205: {  	s17 =	sshrl.u32 @!p1 s22, $0x3;
	s11 =	sor.u32 @!p1 $0x1C02, s11  }
0x206: {  	[hbm:s25], [sflag:s11] =	dma.local @!p1 [spmem:s17], $0x1800  }
0x207: {  	p1 =	slt.s32 s24, s10  }
0x208: {  	s11 =	sshll.u32 @!p1 s0, $0x6  }
0x209: {  	s17 =	sshrl.u32 @!p1 s23, $0x3;
	s11 =	sor.u32 @!p1 $0x1C02, s11  }
0x20a: {  	[hbm:s25], [sflag:s11] =	dma.local @!p1 [spmem:s17], $0x1800  }
0x20b: {  	p1 =	sgt.s32 s3, s9  }
0x20c: {  	s17 =	sshrl.u32 @!p1 s22, $0x3;
	s22 =	sld [smem:$0x7BA]  }
0x20d: {  	s11 =	sshll.u32 @!p1 s0, $0x6  }
0x20e: {  	s11 =	sor.u32 @!p1 $0x1C02, s11  }
0x20f: {  	[hbm:s22], [sflag:s11] =	dma.local @!p1 [spmem:s17], $0x1800  }
0x210: {  	p1 =	slt.s32 s24, s9  }
0x211: {  	s11 =	sshll.u32 @!p1 s0, $0x6  }
0x212: {  	s17 =	sshrl.u32 @!p1 s23, $0x3;
	s11 =	sor.u32 @!p1 $0x1C02, s11  }
0x213: {  	[hbm:s22], [sflag:s11] =	dma.local @!p1 [spmem:s17], $0x1800  }
0x214: {  	s3 =	sld [smem:$0x7F2];
	_ =	sdelay $0x2  }
0x215: {  	s25 =	sld [smem:$0x7BB];
	p1 =	sgt.s32 s3, s16  }
0x216: {  	s22 =	rddreg [dreg:$0xe];
	s11 =	sshll.u32 @!p1 s0, $0x6  }
0x217: {  	s17 =	sshrl.u32 @!p1 s22, $0x3;
	s11 =	sor.u32 @!p1 $0x1C02, s11  }
0x218: {  	[hbm:s25], [sflag:s11] =	dma.local @!p1 [spmem:s17], $0x1800  }
0x219: {  	s24 =	sld [smem:$0x7F1];
	_ =	sdelay $0x2  }
0x21a: {  	p1 =	slt.s32 s24, s16  }
0x21b: {  	s11 =	sshll.u32 @!p1 s0, $0x6  }
0x21c: {  	s17 =	sshrl.u32 @!p1 s23, $0x3;
	s11 =	sor.u32 @!p1 $0x1C02, s11  }
0x21d: {  	[hbm:s25], [sflag:s11] =	dma.local @!p1 [spmem:s17], $0x1800  }
0x21e: {  	p1 =	sgt.s32 s3, s15;
	s25 =	sld [smem:$0x7BC]  }
0x21f: {  	s11 =	sshll.u32 @!p1 s0, $0x6  }
0x220: {  	s17 =	sshrl.u32 @!p1 s22, $0x3;
	s11 =	sor.u32 @!p1 $0x1C02, s11  }
0x221: {  	[hbm:s25], [sflag:s11] =	dma.local @!p1 [spmem:s17], $0x1800  }
0x222: {  	p1 =	slt.s32 s24, s15  }
0x223: {  	s11 =	sshll.u32 @!p1 s0, $0x6  }
0x224: {  	s17 =	sshrl.u32 @!p1 s23, $0x3;
	s11 =	sor.u32 @!p1 $0x1C02, s11  }
0x225: {  	[hbm:s25], [sflag:s11] =	dma.local @!p1 [spmem:s17], $0x1800  }
0x226: {  	p1 =	sgt.s32 s3, s10;
	s25 =	sld [smem:$0x7BD]  }
0x227: {  	s11 =	sshll.u32 @!p1 s0, $0x6  }
0x228: {  	s17 =	sshrl.u32 @!p1 s22, $0x3;
	s11 =	sor.u32 @!p1 $0x1C02, s11  }
0x229: {  	[hbm:s25], [sflag:s11] =	dma.local @!p1 [spmem:s17], $0x1800  }
0x22a: {  	p1 =	slt.s32 s24, s10  }
0x22b: {  	s11 =	sshll.u32 @!p1 s0, $0x6  }
0x22c: {  	s17 =	sshrl.u32 @!p1 s23, $0x3;
	s11 =	sor.u32 @!p1 $0x1C02, s11  }
0x22d: {  	[hbm:s25], [sflag:s11] =	dma.local @!p1 [spmem:s17], $0x1800  }
0x22e: {  	p1 =	sgt.s32 s3, s9  }
0x22f: {  	s17 =	sshrl.u32 @!p1 s22, $0x3;
	s22 =	sld [smem:$0x7BE]  }
0x230: {  	s11 =	sshll.u32 @!p1 s0, $0x6  }
0x231: {  	s11 =	sor.u32 @!p1 $0x1C02, s11  }
0x232: {  	[hbm:s22], [sflag:s11] =	dma.local @!p1 [spmem:s17], $0x1800  }
0x233: {  	p1 =	slt.s32 s24, s9  }
0x234: {  	s11 =	sshll.u32 @!p1 s0, $0x6  }
0x235: {  	s17 =	sshrl.u32 @!p1 s23, $0x3;
	s11 =	sor.u32 @!p1 $0x1C02, s11  }
0x236: {  	[hbm:s22], [sflag:s11] =	dma.local @!p1 [spmem:s17], $0x1800  }
0x237: {  	s3 =	sld [smem:$0x7F4];
	_ =	sdelay $0x2  }
0x238: {  	s25 =	sld [smem:$0x7BF];
	p1 =	sgt.s32 s3, s16  }
0x239: {  	s22 =	rddreg [dreg:$0xf];
	s11 =	sshll.u32 @!p1 s0, $0x6  }
0x23a: {  	s17 =	sshrl.u32 @!p1 s22, $0x3;
	s11 =	sor.u32 @!p1 $0x1C02, s11  }
0x23b: {  	[hbm:s25], [sflag:s11] =	dma.local @!p1 [spmem:s17], $0x1800  }
0x23c: {  	s24 =	sld [smem:$0x7F3];
	_ =	sdelay $0x2  }
0x23d: {  	p1 =	slt.s32 s24, s16  }
0x23e: {  	s11 =	sshll.u32 @!p1 s0, $0x6  }
0x23f: {  	s17 =	sshrl.u32 @!p1 s23, $0x3;
	s11 =	sor.u32 @!p1 $0x1C02, s11  }
0x240: {  	[hbm:s25], [sflag:s11] =	dma.local @!p1 [spmem:s17], $0x1800  }
0x241: {  	p1 =	sgt.s32 s3, s15;
	s25 =	sld [smem:$0x7C0]  }
0x242: {  	s11 =	sshll.u32 @!p1 s0, $0x6  }
0x243: {  	s17 =	sshrl.u32 @!p1 s22, $0x3;
	s11 =	sor.u32 @!p1 $0x1C02, s11  }
0x244: {  	[hbm:s25], [sflag:s11] =	dma.local @!p1 [spmem:s17], $0x1800  }
0x245: {  	p1 =	slt.s32 s24, s15  }
0x246: {  	s11 =	sshll.u32 @!p1 s0, $0x6  }
0x247: {  	s17 =	sshrl.u32 @!p1 s23, $0x3;
	s11 =	sor.u32 @!p1 $0x1C02, s11  }
0x248: {  	[hbm:s25], [sflag:s11] =	dma.local @!p1 [spmem:s17], $0x1800  }
0x249: {  	p1 =	sgt.s32 s3, s10;
	s25 =	sld [smem:$0x7C1]  }
0x24a: {  	s11 =	sshll.u32 @!p1 s0, $0x6  }
0x24b: {  	s17 =	sshrl.u32 @!p1 s22, $0x3;
	s11 =	sor.u32 @!p1 $0x1C02, s11  }
0x24c: {  	[hbm:s25], [sflag:s11] =	dma.local @!p1 [spmem:s17], $0x1800  }
0x24d: {  	p1 =	slt.s32 s24, s10  }
0x24e: {  	s11 =	sshll.u32 @!p1 s0, $0x6  }
0x24f: {  	s17 =	sshrl.u32 @!p1 s23, $0x3;
	s11 =	sor.u32 @!p1 $0x1C02, s11  }
0x250: {  	[hbm:s25], [sflag:s11] =	dma.local @!p1 [spmem:s17], $0x1800  }
0x251: {  	p1 =	sgt.s32 s3, s9  }
0x252: {  	s17 =	sshrl.u32 @!p1 s22, $0x3;
	s22 =	sld [smem:$0x7C2]  }
0x253: {  	s11 =	sshll.u32 @!p1 s0, $0x6  }
0x254: {  	s11 =	sor.u32 @!p1 $0x1C02, s11  }
0x255: {  	[hbm:s22], [sflag:s11] =	dma.local @!p1 [spmem:s17], $0x1800  }
0x256: {  	p1 =	slt.s32 s24, s9  }
0x257: {  	s11 =	sshll.u32 @!p1 s0, $0x6  }
0x258: {  	s17 =	sshrl.u32 @!p1 s23, $0x3;
	s11 =	sor.u32 @!p1 $0x1C02, s11  }
0x259: {  	[hbm:s22], [sflag:s11] =	dma.local @!p1 [spmem:s17], $0x1800  }
0x25a: {  	s3 =	sld [smem:$0x7F6];
	_ =	sdelay $0x2  }
0x25b: {  	s25 =	sld [smem:$0x7C3];
	p1 =	sgt.s32 s3, s16  }
0x25c: {  	s22 =	rddreg [dreg:$0x10];
	s11 =	sshll.u32 @!p1 s0, $0x6  }
0x25d: {  	s17 =	sshrl.u32 @!p1 s22, $0x3;
	s11 =	sor.u32 @!p1 $0x1C02, s11  }
0x25e: {  	[hbm:s25], [sflag:s11] =	dma.local @!p1 [spmem:s17], $0x1800  }
0x25f: {  	s24 =	sld [smem:$0x7F5];
	_ =	sdelay $0x2  }
0x260: {  	p1 =	slt.s32 s24, s16  }
0x261: {  	s11 =	sshll.u32 @!p1 s0, $0x6  }
0x262: {  	s17 =	sshrl.u32 @!p1 s23, $0x3;
	s11 =	sor.u32 @!p1 $0x1C02, s11  }
0x263: {  	[hbm:s25], [sflag:s11] =	dma.local @!p1 [spmem:s17], $0x1800  }
0x264: {  	p1 =	sgt.s32 s3, s15;
	s25 =	sld [smem:$0x7C4]  }
0x265: {  	s11 =	sshll.u32 @!p1 s0, $0x6  }
0x266: {  	s17 =	sshrl.u32 @!p1 s22, $0x3;
	s11 =	sor.u32 @!p1 $0x1C02, s11  }
0x267: {  	[hbm:s25], [sflag:s11] =	dma.local @!p1 [spmem:s17], $0x1800  }
0x268: {  	p1 =	slt.s32 s24, s15  }
0x269: {  	s11 =	sshll.u32 @!p1 s0, $0x6  }
0x26a: {  	s17 =	sshrl.u32 @!p1 s23, $0x3;
	s11 =	sor.u32 @!p1 $0x1C02, s11  }
0x26b: {  	[hbm:s25], [sflag:s11] =	dma.local @!p1 [spmem:s17], $0x1800  }
0x26c: {  	p1 =	sgt.s32 s3, s10;
	s25 =	sld [smem:$0x7C5]  }
0x26d: {  	s11 =	sshll.u32 @!p1 s0, $0x6  }
0x26e: {  	s17 =	sshrl.u32 @!p1 s22, $0x3;
	s11 =	sor.u32 @!p1 $0x1C02, s11  }
0x26f: {  	[hbm:s25], [sflag:s11] =	dma.local @!p1 [spmem:s17], $0x1800  }
0x270: {  	p1 =	slt.s32 s24, s10  }
0x271: {  	s11 =	sshll.u32 @!p1 s0, $0x6  }
0x272: {  	s17 =	sshrl.u32 @!p1 s23, $0x3;
	s11 =	sor.u32 @!p1 $0x1C02, s11  }
0x273: {  	[hbm:s25], [sflag:s11] =	dma.local @!p1 [spmem:s17], $0x1800  }
0x274: {  	p1 =	sgt.s32 s3, s9  }
0x275: {  	s17 =	sshrl.u32 @!p1 s22, $0x3;
	s22 =	sld [smem:$0x7C6]  }
0x276: {  	s11 =	sshll.u32 @!p1 s0, $0x6  }
0x277: {  	s11 =	sor.u32 @!p1 $0x1C02, s11  }
0x278: {  	[hbm:s22], [sflag:s11] =	dma.local @!p1 [spmem:s17], $0x1800  }
0x279: {  	p1 =	slt.s32 s24, s9  }
0x27a: {  	s11 =	sshll.u32 @!p1 s0, $0x6  }
0x27b: {  	s17 =	sshrl.u32 @!p1 s23, $0x3;
	s11 =	sor.u32 @!p1 $0x1C02, s11  }
0x27c: {  	[hbm:s22], [sflag:s11] =	dma.local @!p1 [spmem:s17], $0x1800  }
0x27d: {  	p1 =	sgt.s32 s20, s16;
	s25 =	sld [smem:$0x7C7]  }
0x27e: {  	s11 =	sshll.u32 @!p1 s0, $0x6;
	s22 =	rddreg [dreg:$0x11]  }
0x27f: {  	s11 =	sor.u32 @!p1 $0x1C02, s11;
	s17 =	sshrl.u32 @!p1 s22, $0x3  }
0x280: {  	[hbm:s25], [sflag:s11] =	dma.local @!p1 [spmem:s17], $0x1800  }
0x281: {  	s24 =	sld [smem:$0x7F7];
	_ =	sdelay $0x2  }
0x282: {  	p1 =	slt.s32 s24, s16  }
0x283: {  	s11 =	sshll.u32 @!p1 s0, $0x6  }
0x284: {  	s17 =	sshrl.u32 @!p1 s23, $0x3;
	s11 =	sor.u32 @!p1 $0x1C02, s11  }
0x285: {  	[hbm:s25], [sflag:s11] =	dma.local @!p1 [spmem:s17], $0x1800  }
0x286: {  	p1 =	sgt.s32 s20, s15;
	s25 =	sld [smem:$0x7C8]  }
0x287: {  	s11 =	sshll.u32 @!p1 s0, $0x6  }
0x288: {  	s17 =	sshrl.u32 @!p1 s22, $0x3;
	s11 =	sor.u32 @!p1 $0x1C02, s11  }
0x289: {  	[hbm:s25], [sflag:s11] =	dma.local @!p1 [spmem:s17], $0x1800  }
0x28a: {  	p1 =	slt.s32 s24, s15  }
0x28b: {  	s11 =	sshll.u32 @!p1 s0, $0x6  }
0x28c: {  	s17 =	sshrl.u32 @!p1 s23, $0x3;
	s11 =	sor.u32 @!p1 $0x1C02, s11  }
0x28d: {  	[hbm:s25], [sflag:s11] =	dma.local @!p1 [spmem:s17], $0x1800  }
0x28e: {  	p1 =	sgt.s32 s20, s10;
	s25 =	sld [smem:$0x7C9]  }
0x28f: {  	s11 =	sshll.u32 @!p1 s0, $0x6  }
0x290: {  	s17 =	sshrl.u32 @!p1 s22, $0x3;
	s11 =	sor.u32 @!p1 $0x1C02, s11  }
0x291: {  	[hbm:s25], [sflag:s11] =	dma.local @!p1 [spmem:s17], $0x1800  }
0x292: {  	p1 =	slt.s32 s24, s10  }
0x293: {  	s11 =	sshll.u32 @!p1 s0, $0x6  }
0x294: {  	s17 =	sshrl.u32 @!p1 s23, $0x3;
	s11 =	sor.u32 @!p1 $0x1C02, s11  }
0x295: {  	[hbm:s25], [sflag:s11] =	dma.local @!p1 [spmem:s17], $0x1800  }
0x296: {  	p1 =	sgt.s32 s20, s9  }
0x297: {  	s17 =	sshrl.u32 @!p1 s22, $0x3;
	s22 =	sld [smem:$0x7CA]  }
0x298: {  	s11 =	sshll.u32 @!p1 s0, $0x6  }
0x299: {  	s11 =	sor.u32 @!p1 $0x1C02, s11  }
0x29a: {  	[hbm:s22], [sflag:s11] =	dma.local @!p1 [spmem:s17], $0x1800  }
0x29b: {  	p1 =	slt.s32 s24, s9  }
0x29c: {  	s11 =	sshll.u32 @!p1 s0, $0x6  }
0x29d: {  	s17 =	sshrl.u32 @!p1 s23, $0x3;
	s11 =	sor.u32 @!p1 $0x1C02, s11  }
0x29e: {  	[hbm:s22], [sflag:s11] =	dma.local @!p1 [spmem:s17], $0x1800  }
0x29f: {  	p1 =	sgt.s32 s29, s16;
	s25 =	sld [smem:$0x7CB]  }
0x2a0: {  	s11 =	sshll.u32 @!p1 s0, $0x6;
	s22 =	rddreg [dreg:$0x12]  }
0x2a1: {  	s11 =	sor.u32 @!p1 $0x1C02, s11;
	s17 =	sshrl.u32 @!p1 s22, $0x3  }
0x2a2: {  	[hbm:s25], [sflag:s11] =	dma.local @!p1 [spmem:s17], $0x1800  }
0x2a3: {  	s24 =	sld [smem:$0x7F8];
	_ =	sdelay $0x2  }
0x2a4: {  	p1 =	slt.s32 s24, s16  }
0x2a5: {  	s11 =	sshll.u32 @!p1 s0, $0x6  }
0x2a6: {  	s17 =	sshrl.u32 @!p1 s23, $0x3;
	s11 =	sor.u32 @!p1 $0x1C02, s11  }
0x2a7: {  	[hbm:s25], [sflag:s11] =	dma.local @!p1 [spmem:s17], $0x1800  }
0x2a8: {  	p1 =	sgt.s32 s29, s15;
	s25 =	sld [smem:$0x7CC]  }
0x2a9: {  	s11 =	sshll.u32 @!p1 s0, $0x6  }
0x2aa: {  	s17 =	sshrl.u32 @!p1 s22, $0x3;
	s11 =	sor.u32 @!p1 $0x1C02, s11  }
0x2ab: {  	[hbm:s25], [sflag:s11] =	dma.local @!p1 [spmem:s17], $0x1800  }
0x2ac: {  	p1 =	slt.s32 s24, s15  }
0x2ad: {  	s11 =	sshll.u32 @!p1 s0, $0x6  }
0x2ae: {  	s17 =	sshrl.u32 @!p1 s23, $0x3;
	s11 =	sor.u32 @!p1 $0x1C02, s11  }
0x2af: {  	[hbm:s25], [sflag:s11] =	dma.local @!p1 [spmem:s17], $0x1800  }
0x2b0: {  	p1 =	sgt.s32 s29, s10;
	s25 =	sld [smem:$0x7CD]  }
0x2b1: {  	s11 =	sshll.u32 @!p1 s0, $0x6  }
0x2b2: {  	s17 =	sshrl.u32 @!p1 s22, $0x3;
	s11 =	sor.u32 @!p1 $0x1C02, s11  }
0x2b3: {  	[hbm:s25], [sflag:s11] =	dma.local @!p1 [spmem:s17], $0x1800  }
0x2b4: {  	p1 =	slt.s32 s24, s10  }
0x2b5: {  	s11 =	sshll.u32 @!p1 s0, $0x6  }
0x2b6: {  	s17 =	sshrl.u32 @!p1 s23, $0x3;
	s11 =	sor.u32 @!p1 $0x1C02, s11  }
0x2b7: {  	[hbm:s25], [sflag:s11] =	dma.local @!p1 [spmem:s17], $0x1800  }
0x2b8: {  	p1 =	sgt.s32 s29, s9  }
0x2b9: {  	s17 =	sshrl.u32 @!p1 s22, $0x3;
	s22 =	sld [smem:$0x7CE]  }
0x2ba: {  	s11 =	sshll.u32 @!p1 s0, $0x6  }
0x2bb: {  	s11 =	sor.u32 @!p1 $0x1C02, s11  }
0x2bc: {  	[hbm:s22], [sflag:s11] =	dma.local @!p1 [spmem:s17], $0x1800  }
0x2bd: {  	p1 =	slt.s32 s24, s9  }
0x2be: {  	s11 =	sshll.u32 @!p1 s0, $0x6  }
0x2bf: {  	s17 =	sshrl.u32 @!p1 s23, $0x3;
	s11 =	sor.u32 @!p1 $0x1C02, s11  }
0x2c0: {  	[hbm:s22], [sflag:s11] =	dma.local @!p1 [spmem:s17], $0x1800  }
0x2c1: {  	p1 =	sgt.s32 s2, s16;
	s25 =	sld [smem:$0x7CF]  }
0x2c2: {  	s11 =	sshll.u32 @!p1 s0, $0x6;
	s22 =	rddreg [dreg:$0x13]  }
0x2c3: {  	s11 =	sor.u32 @!p1 $0x1C02, s11;
	s17 =	sshrl.u32 @!p1 s22, $0x3  }
0x2c4: {  	[hbm:s25], [sflag:s11] =	dma.local @!p1 [spmem:s17], $0x1800  }
0x2c5: {  	s24 =	sld [smem:$0x7F9];
	_ =	sdelay $0x2  }
0x2c6: {  	p1 =	slt.s32 s24, s16  }
0x2c7: {  	s11 =	sshll.u32 @!p1 s0, $0x6  }
0x2c8: {  	s17 =	sshrl.u32 @!p1 s23, $0x3;
	s11 =	sor.u32 @!p1 $0x1C02, s11  }
0x2c9: {  	[hbm:s25], [sflag:s11] =	dma.local @!p1 [spmem:s17], $0x1800  }
0x2ca: {  	p1 =	sgt.s32 s2, s15;
	s25 =	sld [smem:$0x7D0]  }
0x2cb: {  	s11 =	sshll.u32 @!p1 s0, $0x6  }
0x2cc: {  	s17 =	sshrl.u32 @!p1 s22, $0x3;
	s11 =	sor.u32 @!p1 $0x1C02, s11  }
0x2cd: {  	[hbm:s25], [sflag:s11] =	dma.local @!p1 [spmem:s17], $0x1800  }
0x2ce: {  	p1 =	slt.s32 s24, s15  }
0x2cf: {  	s11 =	sshll.u32 @!p1 s0, $0x6  }
0x2d0: {  	s17 =	sshrl.u32 @!p1 s23, $0x3;
	s11 =	sor.u32 @!p1 $0x1C02, s11  }
0x2d1: {  	[hbm:s25], [sflag:s11] =	dma.local @!p1 [spmem:s17], $0x1800  }
0x2d2: {  	p1 =	sgt.s32 s2, s10;
	s25 =	sld [smem:$0x7D1]  }
0x2d3: {  	s11 =	sshll.u32 @!p1 s0, $0x6  }
0x2d4: {  	s17 =	sshrl.u32 @!p1 s22, $0x3;
	s11 =	sor.u32 @!p1 $0x1C02, s11  }
0x2d5: {  	[hbm:s25], [sflag:s11] =	dma.local @!p1 [spmem:s17], $0x1800  }
0x2d6: {  	p1 =	slt.s32 s24, s10  }
0x2d7: {  	s11 =	sshll.u32 @!p1 s0, $0x6  }
0x2d8: {  	s17 =	sshrl.u32 @!p1 s23, $0x3;
	s11 =	sor.u32 @!p1 $0x1C02, s11  }
0x2d9: {  	[hbm:s25], [sflag:s11] =	dma.local @!p1 [spmem:s17], $0x1800  }
0x2da: {  	p1 =	sgt.s32 s2, s9  }
0x2db: {  	s17 =	sshrl.u32 @!p1 s22, $0x3;
	s22 =	sld [smem:$0x7D2]  }
0x2dc: {  	s11 =	sshll.u32 @!p1 s0, $0x6  }
0x2dd: {  	s11 =	sor.u32 @!p1 $0x1C02, s11  }
0x2de: {  	[hbm:s22], [sflag:s11] =	dma.local @!p1 [spmem:s17], $0x1800  }
0x2df: {  	p1 =	slt.s32 s24, s9  }
0x2e0: {  	s11 =	sshll.u32 @!p1 s0, $0x6  }
0x2e1: {  	s17 =	sshrl.u32 @!p1 s23, $0x3;
	s11 =	sor.u32 @!p1 $0x1C02, s11  }
0x2e2: {  	[hbm:s22], [sflag:s11] =	dma.local @!p1 [spmem:s17], $0x1800  }
0x2e3: {  	p1 =	sgt.s32 s21, s16;
	s25 =	sld [smem:$0x7D3]  }
0x2e4: {  	s11 =	sshll.u32 @!p1 s0, $0x6;
	s22 =	rddreg [dreg:$0x14]  }
0x2e5: {  	s11 =	sor.u32 @!p1 $0x1C02, s11;
	s17 =	sshrl.u32 @!p1 s22, $0x3  }
0x2e6: {  	[hbm:s25], [sflag:s11] =	dma.local @!p1 [spmem:s17], $0x1800  }
0x2e7: {  	s24 =	sld [smem:$0x7FA];
	_ =	sdelay $0x2  }
0x2e8: {  	p1 =	slt.s32 s24, s16  }
0x2e9: {  	s11 =	sshll.u32 @!p1 s0, $0x6  }
0x2ea: {  	s17 =	sshrl.u32 @!p1 s23, $0x3;
	s11 =	sor.u32 @!p1 $0x1C02, s11  }
0x2eb: {  	[hbm:s25], [sflag:s11] =	dma.local @!p1 [spmem:s17], $0x1800  }
0x2ec: {  	p1 =	sgt.s32 s21, s15;
	s25 =	sld [smem:$0x7D4]  }
0x2ed: {  	s11 =	sshll.u32 @!p1 s0, $0x6  }
0x2ee: {  	s17 =	sshrl.u32 @!p1 s22, $0x3;
	s11 =	sor.u32 @!p1 $0x1C02, s11  }
0x2ef: {  	[hbm:s25], [sflag:s11] =	dma.local @!p1 [spmem:s17], $0x1800  }
0x2f0: {  	p1 =	slt.s32 s24, s15  }
0x2f1: {  	s11 =	sshll.u32 @!p1 s0, $0x6  }
0x2f2: {  	s17 =	sshrl.u32 @!p1 s23, $0x3;
	s11 =	sor.u32 @!p1 $0x1C02, s11  }
0x2f3: {  	[hbm:s25], [sflag:s11] =	dma.local @!p1 [spmem:s17], $0x1800  }
0x2f4: {  	p1 =	sgt.s32 s21, s10;
	s25 =	sld [smem:$0x7D5]  }
0x2f5: {  	s11 =	sshll.u32 @!p1 s0, $0x6  }
0x2f6: {  	s17 =	sshrl.u32 @!p1 s22, $0x3;
	s11 =	sor.u32 @!p1 $0x1C02, s11  }
0x2f7: {  	[hbm:s25], [sflag:s11] =	dma.local @!p1 [spmem:s17], $0x1800  }
0x2f8: {  	p1 =	slt.s32 s24, s10  }
0x2f9: {  	s11 =	sshll.u32 @!p1 s0, $0x6  }
0x2fa: {  	s17 =	sshrl.u32 @!p1 s23, $0x3;
	s11 =	sor.u32 @!p1 $0x1C02, s11  }
0x2fb: {  	[hbm:s25], [sflag:s11] =	dma.local @!p1 [spmem:s17], $0x1800  }
0x2fc: {  	p1 =	sgt.s32 s21, s9  }
0x2fd: {  	s17 =	sshrl.u32 @!p1 s22, $0x3;
	s22 =	sld [smem:$0x7D6]  }
0x2fe: {  	s11 =	sshll.u32 @!p1 s0, $0x6  }
0x2ff: {  	s11 =	sor.u32 @!p1 $0x1C02, s11  }
0x300: {  	[hbm:s22], [sflag:s11] =	dma.local @!p1 [spmem:s17], $0x1800  }
0x301: {  	p1 =	slt.s32 s24, s9  }
0x302: {  	s11 =	sshll.u32 @!p1 s0, $0x6  }
0x303: {  	s17 =	sshrl.u32 @!p1 s23, $0x3;
	s11 =	sor.u32 @!p1 $0x1C02, s11  }
0x304: {  	[hbm:s22], [sflag:s11] =	dma.local @!p1 [spmem:s17], $0x1800  }
0x305: {  	p1 =	sgt.s32 s6, s16;
	s25 =	sld [smem:$0x7D7]  }
0x306: {  	s11 =	sshll.u32 @!p1 s0, $0x6;
	s22 =	rddreg [dreg:$0x15]  }
0x307: {  	s11 =	sor.u32 @!p1 $0x1C02, s11;
	s17 =	sshrl.u32 @!p1 s22, $0x3  }
0x308: {  	[hbm:s25], [sflag:s11] =	dma.local @!p1 [spmem:s17], $0x1800  }
0x309: {  	s24 =	sld [smem:$0x7FB];
	_ =	sdelay $0x2  }
0x30a: {  	p1 =	slt.s32 s24, s16  }
0x30b: {  	s11 =	sshll.u32 @!p1 s0, $0x6  }
0x30c: {  	s17 =	sshrl.u32 @!p1 s23, $0x3;
	s11 =	sor.u32 @!p1 $0x1C02, s11  }
0x30d: {  	[hbm:s25], [sflag:s11] =	dma.local @!p1 [spmem:s17], $0x1800  }
0x30e: {  	p1 =	sgt.s32 s6, s15;
	s25 =	sld [smem:$0x7D8]  }
0x30f: {  	s11 =	sshll.u32 @!p1 s0, $0x6  }
0x310: {  	s17 =	sshrl.u32 @!p1 s22, $0x3;
	s11 =	sor.u32 @!p1 $0x1C02, s11  }
0x311: {  	[hbm:s25], [sflag:s11] =	dma.local @!p1 [spmem:s17], $0x1800  }
0x312: {  	p1 =	slt.s32 s24, s15  }
0x313: {  	s11 =	sshll.u32 @!p1 s0, $0x6  }
0x314: {  	s17 =	sshrl.u32 @!p1 s23, $0x3;
	s11 =	sor.u32 @!p1 $0x1C02, s11  }
0x315: {  	[hbm:s25], [sflag:s11] =	dma.local @!p1 [spmem:s17], $0x1800  }
0x316: {  	p1 =	sgt.s32 s6, s10;
	s25 =	sld [smem:$0x7D9]  }
0x317: {  	s11 =	sshll.u32 @!p1 s0, $0x6  }
0x318: {  	s17 =	sshrl.u32 @!p1 s22, $0x3;
	s11 =	sor.u32 @!p1 $0x1C02, s11  }
0x319: {  	[hbm:s25], [sflag:s11] =	dma.local @!p1 [spmem:s17], $0x1800  }
0x31a: {  	p1 =	slt.s32 s24, s10  }
0x31b: {  	s11 =	sshll.u32 @!p1 s0, $0x6  }
0x31c: {  	s17 =	sshrl.u32 @!p1 s23, $0x3;
	s11 =	sor.u32 @!p1 $0x1C02, s11  }
0x31d: {  	[hbm:s25], [sflag:s11] =	dma.local @!p1 [spmem:s17], $0x1800  }
0x31e: {  	p1 =	sgt.s32 s6, s9  }
0x31f: {  	s17 =	sshrl.u32 @!p1 s22, $0x3;
	s22 =	sld [smem:$0x7DA]  }
0x320: {  	s11 =	sshll.u32 @!p1 s0, $0x6  }
0x321: {  	s11 =	sor.u32 @!p1 $0x1C02, s11  }
0x322: {  	[hbm:s22], [sflag:s11] =	dma.local @!p1 [spmem:s17], $0x1800  }
0x323: {  	p1 =	slt.s32 s24, s9  }
0x324: {  	s11 =	sshll.u32 @!p1 s0, $0x6  }
0x325: {  	s17 =	sshrl.u32 @!p1 s23, $0x3;
	s11 =	sor.u32 @!p1 $0x1C02, s11  }
0x326: {  	[hbm:s22], [sflag:s11] =	dma.local @!p1 [spmem:s17], $0x1800  }
0x327: {  	p1 =	sgt.s32 s4, s16;
	s25 =	sld [smem:$0x7DB]  }
0x328: {  	s11 =	sshll.u32 @!p1 s0, $0x6;
	s22 =	rddreg [dreg:$0x16]  }
0x329: {  	s11 =	sor.u32 @!p1 $0x1C02, s11;
	s17 =	sshrl.u32 @!p1 s22, $0x3  }
0x32a: {  	[hbm:s25], [sflag:s11] =	dma.local @!p1 [spmem:s17], $0x1800  }
0x32b: {  	s24 =	sld [smem:$0x7FC];
	_ =	sdelay $0x2  }
0x32c: {  	p1 =	slt.s32 s24, s16  }
0x32d: {  	s11 =	sshll.u32 @!p1 s0, $0x6  }
0x32e: {  	s17 =	sshrl.u32 @!p1 s23, $0x3;
	s11 =	sor.u32 @!p1 $0x1C02, s11  }
0x32f: {  	[hbm:s25], [sflag:s11] =	dma.local @!p1 [spmem:s17], $0x1800  }
0x330: {  	p1 =	sgt.s32 s4, s15;
	s25 =	sld [smem:$0x7DC]  }
0x331: {  	s11 =	sshll.u32 @!p1 s0, $0x6  }
0x332: {  	s17 =	sshrl.u32 @!p1 s22, $0x3;
	s11 =	sor.u32 @!p1 $0x1C02, s11  }
0x333: {  	[hbm:s25], [sflag:s11] =	dma.local @!p1 [spmem:s17], $0x1800  }
0x334: {  	p1 =	slt.s32 s24, s15  }
0x335: {  	s11 =	sshll.u32 @!p1 s0, $0x6  }
0x336: {  	s17 =	sshrl.u32 @!p1 s23, $0x3;
	s11 =	sor.u32 @!p1 $0x1C02, s11  }
0x337: {  	[hbm:s25], [sflag:s11] =	dma.local @!p1 [spmem:s17], $0x1800  }
0x338: {  	p1 =	sgt.s32 s4, s10;
	s25 =	sld [smem:$0x7DD]  }
0x339: {  	s11 =	sshll.u32 @!p1 s0, $0x6  }
0x33a: {  	s17 =	sshrl.u32 @!p1 s22, $0x3;
	s11 =	sor.u32 @!p1 $0x1C02, s11  }
0x33b: {  	[hbm:s25], [sflag:s11] =	dma.local @!p1 [spmem:s17], $0x1800  }
0x33c: {  	p1 =	slt.s32 s24, s10  }
0x33d: {  	s11 =	sshll.u32 @!p1 s0, $0x6  }
0x33e: {  	s17 =	sshrl.u32 @!p1 s23, $0x3;
	s11 =	sor.u32 @!p1 $0x1C02, s11  }
0x33f: {  	[hbm:s25], [sflag:s11] =	dma.local @!p1 [spmem:s17], $0x1800  }
0x340: {  	p1 =	sgt.s32 s4, s9  }
0x341: {  	s17 =	sshrl.u32 @!p1 s22, $0x3;
	s22 =	sld [smem:$0x7DE]  }
0x342: {  	s11 =	sshll.u32 @!p1 s0, $0x6  }
0x343: {  	s11 =	sor.u32 @!p1 $0x1C02, s11  }
0x344: {  	[hbm:s22], [sflag:s11] =	dma.local @!p1 [spmem:s17], $0x1800  }
0x345: {  	p1 =	slt.s32 s24, s9  }
0x346: {  	s11 =	sshll.u32 @!p1 s0, $0x6  }
0x347: {  	s17 =	sshrl.u32 @!p1 s23, $0x3;
	s11 =	sor.u32 @!p1 $0x1C02, s11  }
0x348: {  	[hbm:s22], [sflag:s11] =	dma.local @!p1 [spmem:s17], $0x1800  }
0x349: {  	p1 =	sgt.s32 s26, s16;
	s25 =	sld [smem:$0x7DF]  }
0x34a: {  	s11 =	sshll.u32 @!p1 s0, $0x6;
	s22 =	rddreg [dreg:$0x17]  }
0x34b: {  	s11 =	sor.u32 @!p1 $0x1C02, s11;
	s17 =	sshrl.u32 @!p1 s22, $0x3  }
0x34c: {  	[hbm:s25], [sflag:s11] =	dma.local @!p1 [spmem:s17], $0x1800  }
0x34d: {  	s24 =	sld [smem:$0x7FD];
	_ =	sdelay $0x2  }
0x34e: {  	p1 =	slt.s32 s24, s16  }
0x34f: {  	s11 =	sshll.u32 @!p1 s0, $0x6  }
0x350: {  	s17 =	sshrl.u32 @!p1 s23, $0x3;
	s11 =	sor.u32 @!p1 $0x1C02, s11  }
0x351: {  	[hbm:s25], [sflag:s11] =	dma.local @!p1 [spmem:s17], $0x1800  }
0x352: {  	p1 =	sgt.s32 s26, s15;
	s25 =	sld [smem:$0x7E0]  }
0x353: {  	s11 =	sshll.u32 @!p1 s0, $0x6  }
0x354: {  	s17 =	sshrl.u32 @!p1 s22, $0x3;
	s11 =	sor.u32 @!p1 $0x1C02, s11  }
0x355: {  	[hbm:s25], [sflag:s11] =	dma.local @!p1 [spmem:s17], $0x1800  }
0x356: {  	p1 =	slt.s32 s24, s15  }
0x357: {  	s11 =	sshll.u32 @!p1 s0, $0x6  }
0x358: {  	s17 =	sshrl.u32 @!p1 s23, $0x3;
	s11 =	sor.u32 @!p1 $0x1C02, s11  }
0x359: {  	[hbm:s25], [sflag:s11] =	dma.local @!p1 [spmem:s17], $0x1800  }
0x35a: {  	p1 =	sgt.s32 s26, s10;
	s25 =	sld [smem:$0x7E1]  }
0x35b: {  	s11 =	sshll.u32 @!p1 s0, $0x6  }
0x35c: {  	s17 =	sshrl.u32 @!p1 s22, $0x3;
	s11 =	sor.u32 @!p1 $0x1C02, s11  }
0x35d: {  	[hbm:s25], [sflag:s11] =	dma.local @!p1 [spmem:s17], $0x1800  }
0x35e: {  	p1 =	slt.s32 s24, s10  }
0x35f: {  	s11 =	sshll.u32 @!p1 s0, $0x6  }
0x360: {  	s17 =	sshrl.u32 @!p1 s23, $0x3;
	s11 =	sor.u32 @!p1 $0x1C02, s11  }
0x361: {  	[hbm:s25], [sflag:s11] =	dma.local @!p1 [spmem:s17], $0x1800  }
0x362: {  	p1 =	sgt.s32 s26, s9  }
0x363: {  	s17 =	sshrl.u32 @!p1 s22, $0x3;
	s22 =	sld [smem:$0x7E2]  }
0x364: {  	s11 =	sshll.u32 @!p1 s0, $0x6  }
0x365: {  	s11 =	sor.u32 @!p1 $0x1C02, s11  }
0x366: {  	[hbm:s22], [sflag:s11] =	dma.local @!p1 [spmem:s17], $0x1800  }
0x367: {  	p1 =	slt.s32 s24, s9  }
0x368: {  	s11 =	sshll.u32 @!p1 s0, $0x6  }
0x369: {  	s17 =	sshrl.u32 @!p1 s23, $0x3;
	s11 =	sor.u32 @!p1 $0x1C02, s11  }
0x36a: {  	[hbm:s22], [sflag:s11] =	dma.local @!p1 [spmem:s17], $0x1800  }
0x36b: {  	p1 =	sgt.s32 s30, s16;
	s24 =	sld [smem:$0x7E3]  }
0x36c: {  	s11 =	sshll.u32 @!p1 s0, $0x6;
	s22 =	rddreg [dreg:$0x18]  }
0x36d: {  	s11 =	sor.u32 @!p1 $0x1C02, s11;
	s17 =	sshrl.u32 @!p1 s22, $0x3  }
0x36e: {  	[hbm:s24], [sflag:s11] =	dma.local @!p1 [spmem:s17], $0x1800  }
0x36f: {  	p1 =	slt.s32 s12, s16  }
0x370: {  	s11 =	sshll.u32 @!p1 s0, $0x6  }
0x371: {  	s17 =	sshrl.u32 @!p1 s23, $0x3;
	s11 =	sor.u32 @!p1 $0x1C02, s11  }
0x372: {  	[hbm:s24], [sflag:s11] =	dma.local @!p1 [spmem:s17], $0x1800  }
0x373: {  	p1 =	sgt.s32 s30, s15;
	s24 =	sld [smem:$0x7E4]  }
0x374: {  	s11 =	sshll.u32 @!p1 s0, $0x6  }
0x375: {  	s17 =	sshrl.u32 @!p1 s22, $0x3;
	s11 =	sor.u32 @!p1 $0x1C02, s11  }
0x376: {  	[hbm:s24], [sflag:s11] =	dma.local @!p1 [spmem:s17], $0x1800  }
0x377: {  	p1 =	slt.s32 s12, s15  }
0x378: {  	s11 =	sshll.u32 @!p1 s0, $0x6  }
0x379: {  	s17 =	sshrl.u32 @!p1 s23, $0x3;
	s11 =	sor.u32 @!p1 $0x1C02, s11  }
0x37a: {  	[hbm:s24], [sflag:s11] =	dma.local @!p1 [spmem:s17], $0x1800  }
0x37b: {  	p1 =	sgt.s32 s30, s10;
	s24 =	sld [smem:$0x7E5]  }
0x37c: {  	s11 =	sshll.u32 @!p1 s0, $0x6  }
0x37d: {  	s17 =	sshrl.u32 @!p1 s22, $0x3;
	s11 =	sor.u32 @!p1 $0x1C02, s11  }
0x37e: {  	[hbm:s24], [sflag:s11] =	dma.local @!p1 [spmem:s17], $0x1800  }
0x37f: {  	p1 =	slt.s32 s12, s10  }
0x380: {  	s11 =	sshll.u32 @!p1 s0, $0x6  }
0x381: {  	s17 =	sshrl.u32 @!p1 s23, $0x3;
	s11 =	sor.u32 @!p1 $0x1C02, s11  }
0x382: {  	[hbm:s24], [sflag:s11] =	dma.local @!p1 [spmem:s17], $0x1800  }
0x383: {  	p1 =	sgt.s32 s30, s9  }
0x384: {  	s17 =	sshrl.u32 @!p1 s22, $0x3;
	s22 =	sld [smem:$0x7E6]  }
0x385: {  	s11 =	sshll.u32 @!p1 s0, $0x6  }
0x386: {  	s11 =	sor.u32 @!p1 $0x1C02, s11  }
0x387: {  	[hbm:s22], [sflag:s11] =	dma.local @!p1 [spmem:s17], $0x1800  }
0x388: {  	p1 =	slt.s32 s12, s9  }
0x389: {  	s11 =	sshll.u32 @!p1 s0, $0x6  }
0x38a: {  	s17 =	sshrl.u32 @!p1 s23, $0x3;
	s11 =	sor.u32 @!p1 $0x1C02, s11  }
0x38b: {  	[hbm:s22], [sflag:s11] =	dma.local @!p1 [spmem:s17], $0x1800  }
0x38c: {  	s17 =	sshra.s32 s16, $0x1F  }
0x38d: {  	s11 =	sshrl.u32 s17, $0x1A  }
0x38e: {  	s11 =	sadd.s32 s11, s16  }
0x38f: {  	s17 =	sand.u32 $0xFFFFFFC0, s11  }
0x390: {  	p5 =	sge.s32 s17, s18;
	p2 =	slt.s32 s17, s31  }
0x391: {  	s16 =	sand.u32 $0x3F, s16;
	p1 =	por !p5, !p2  }
0x392: {  	p6 =	sne.s32 s16, $0x0;
	p1 =	por !p1, !p1  }
0x393: {  	p1 =	por !p6, !p1  }
0x394: {  	p1 =	por !p1, !p1  }
.Ltmp1:
0x395: {  	_ = 	snop;
	(pc) =	sbr.rel @!p1 .LBB2_5-.Ltmp1, $3  }
0x396: {  	_ =	sdelay $0x1  }
0x397: {  	s3 =	simm.s32 $0x100  }
0x398: {  	s25 =	simm.s32 $0x1900;
	s24 =	simm.s32 $0x1100;
	s22 =	simm.s32 $0x900  }
0x399: {  	v13 =	vld [tilespmem:$0x0];
	_ =	sdelay $0x2  }
0x39a: {  	s11 =	sor.u32 $0x1, s17  }
0x39b: {  	v14 =	vadd.s32 s11, v0  }
0x39c: {  	vm1 =	vgt.s32 v14, v13  }
0x39d: {  	v14 =	vsel vm1, $0x0, v14  }
0x39e: {  	v15 =	vshrl.u32 v14, $0x3  }
0x39f: {  	v15 =	vmul.u32 $0x30, v15  }
0x3a0: {  	v16 =	vand.u32 $0x7, v14  }
0x3a1: {  	v15 =	vor.u32 v16, v15  }
0x3a2: {  	s16 =	sor.u32 $0x11, s17;
	v16 =	vperm.xlane v15, v3  }
0x3a3: {  	v17 =	vadd.s32 s16, v0;
	s16 =	sor.u32 $0x21, s17  }
0x3a4: {  	v18 =	vadd.s32 s16, v0;
	s16 =	sor.u32 $0x31, s17;
	vm1 =	vgt.s32 v17, v13;
	v16 =	vadd.s32 v5, v16  }
0x3a5: {  	v19 =	vadd.s32 s16, v0;
	[tilespmem:$0x80] =	vst v14;
	v14 =	vsel vm1, $0x0, v17;
	vm1 =	vgt.s32 v18, v13  }
0x3a6: {  	[tilespmem:$0x90] =	vst v14;
	v14 =	vsel vm1, $0x0, v18;
	vm1 =	vgt.s32 v19, v13  }
0x3a7: {  	[tilespmem:$0xA0] =	vst v14;
	v13 =	vsel vm1, $0x0, v19  }
0x3a8: {  	[tilespmem:$0xB0] =	vst v13;
	v13 =	vperm.xlane v15, v4  }
0x3a9: {  	[tilespmem:s3], [sflag:$0x1] =	stream.indirect_vreg.gather [hbm4b:s19+s1], $0x80, v16, vm0, $0xb8;
	[tilespmem:$0x18D00] =	vst v63  }
0x3aa: {  	v13 =	vadd.s32 v5, v13  }
0x3ab: {  	[tilespmem:s22], [sflag:$0x1] =	stream.indirect_vreg.gather [hbm4b:s13+s1], $0x80, v16, vm0, $0xb8;
	[tilespmem:$0x18D00] =	vst v63  }
0x3ac: {  	_ = 	snop  }
0x3ad: {  	[tilespmem:s24], [sflag:$0x1] =	stream.indirect_vreg.gather [hbm4b:s14+s1], $0x80, v16, vm0, $0xb8;
	[tilespmem:$0x18D00] =	vst v63  }
0x3ae: {  	_ = 	snop  }
0x3af: {  	[tilespmem:s25], [sflag:$0x1] =	stream.indirect_vreg.gather [hbm4b:s19+s1], $0x80, v13, vm0, $0xb8;
	[tilespmem:$0x18D00] =	vst v63  }
0x3b0: {  	s16 =	simm.s32 $0x2100  }
0x3b1: {  	[tilespmem:s16], [sflag:$0x1] =	stream.indirect_vreg.gather [hbm4b:s13+s1], $0x80, v13, vm0, $0xb8;
	[tilespmem:$0x18D00] =	vst v63  }
0x3b2: {  	s16 =	simm.s32 $0x2900  }
0x3b3: {  	[tilespmem:s16], [sflag:$0x1] =	stream.indirect_vreg.gather [hbm4b:s14+s1], $0x80, v13, vm0, $0xb8;
	[tilespmem:$0x18D00] =	vst v63  }
0x3b4: {  	v13 =	vld [tilespmem:$0x90];
	_ =	sdelay $0x4  }
0x3b5: {  	v14 =	vshrl.u32 v13, $0x3  }
0x3b6: {  	v14 =	vmul.u32 $0x30, v14  }
0x3b7: {  	v13 =	vand.u32 $0x7, v13  }
0x3b8: {  	v13 =	vor.u32 v13, v14  }
0x3b9: {  	v14 =	vperm.xlane v13, v3;
	_ =	sdelay $0x1  }
0x3ba: {  	v14 =	vadd.s32 v5, v14;
	_ =	sdelay $0x3  }
0x3bb: {  	s16 =	simm.s32 $0x3100;
	v13 =	vperm.xlane v13, v4  }
0x3bc: {  	[tilespmem:s16], [sflag:$0x1] =	stream.indirect_vreg.gather [hbm4b:s19+s1], $0x80, v14, vm0, $0xb8;
	[tilespmem:$0x18D00] =	vst v63  }
0x3bd: {  	v13 =	vadd.s32 v5, v13;
	s16 =	simm.s32 $0x3900  }
0x3be: {  	[tilespmem:s16], [sflag:$0x1] =	stream.indirect_vreg.gather [hbm4b:s13+s1], $0x80, v14, vm0, $0xb8;
	[tilespmem:$0x18D00] =	vst v63  }
0x3bf: {  	s16 =	simm.s32 $0x4100  }
0x3c0: {  	[tilespmem:s16], [sflag:$0x1] =	stream.indirect_vreg.gather [hbm4b:s14+s1], $0x80, v14, vm0, $0xb8;
	[tilespmem:$0x18D00] =	vst v63  }
0x3c1: {  	s16 =	simm.s32 $0x4900  }
0x3c2: {  	[tilespmem:s16], [sflag:$0x1] =	stream.indirect_vreg.gather [hbm4b:s19+s1], $0x80, v13, vm0, $0xb8;
	[tilespmem:$0x18D00] =	vst v63  }
0x3c3: {  	s16 =	simm.s32 $0x5100  }
0x3c4: {  	[tilespmem:s16], [sflag:$0x1] =	stream.indirect_vreg.gather [hbm4b:s13+s1], $0x80, v13, vm0, $0xb8;
	[tilespmem:$0x18D00] =	vst v63  }
0x3c5: {  	s16 =	simm.s32 $0x5900  }
0x3c6: {  	[tilespmem:s16], [sflag:$0x1] =	stream.indirect_vreg.gather [hbm4b:s14+s1], $0x80, v13, vm0, $0xb8;
	[tilespmem:$0x18D00] =	vst v63  }
0x3c7: {  	v13 =	vld [tilespmem:$0xA0];
	_ =	sdelay $0x4  }
0x3c8: {  	v14 =	vshrl.u32 v13, $0x3  }
0x3c9: {  	v14 =	vmul.u32 $0x30, v14  }
0x3ca: {  	v13 =	vand.u32 $0x7, v13  }
0x3cb: {  	v13 =	vor.u32 v13, v14  }
0x3cc: {  	v14 =	vperm.xlane v13, v3;
	_ =	sdelay $0x1  }
0x3cd: {  	v14 =	vadd.s32 v5, v14;
	_ =	sdelay $0x3  }
0x3ce: {  	s16 =	simm.s32 $0x6100;
	v13 =	vperm.xlane v13, v4  }
0x3cf: {  	[tilespmem:s16], [sflag:$0x1] =	stream.indirect_vreg.gather [hbm4b:s19+s1], $0x80, v14, vm0, $0xb8;
	[tilespmem:$0x18D00] =	vst v63  }
0x3d0: {  	v13 =	vadd.s32 v5, v13;
	s16 =	simm.s32 $0x6900  }
0x3d1: {  	[tilespmem:s16], [sflag:$0x1] =	stream.indirect_vreg.gather [hbm4b:s13+s1], $0x80, v14, vm0, $0xb8;
	[tilespmem:$0x18D00] =	vst v63  }
0x3d2: {  	s16 =	simm.s32 $0x7100  }
0x3d3: {  	[tilespmem:s16], [sflag:$0x1] =	stream.indirect_vreg.gather [hbm4b:s14+s1], $0x80, v14, vm0, $0xb8;
	[tilespmem:$0x18D00] =	vst v63  }
0x3d4: {  	s16 =	simm.s32 $0x7900  }
0x3d5: {  	[tilespmem:s16], [sflag:$0x1] =	stream.indirect_vreg.gather [hbm4b:s19+s1], $0x80, v13, vm0, $0xb8;
	[tilespmem:$0x18D00] =	vst v63  }
0x3d6: {  	s16 =	simm.s32 $0x8100  }
0x3d7: {  	[tilespmem:s16], [sflag:$0x1] =	stream.indirect_vreg.gather [hbm4b:s13+s1], $0x80, v13, vm0, $0xb8;
	[tilespmem:$0x18D00] =	vst v63  }
0x3d8: {  	s16 =	simm.s32 $0x8900  }
0x3d9: {  	[tilespmem:s16], [sflag:$0x1] =	stream.indirect_vreg.gather [hbm4b:s14+s1], $0x80, v13, vm0, $0xb8;
	[tilespmem:$0x18D00] =	vst v63  }
0x3da: {  	v13 =	vld [tilespmem:$0xB0];
	_ =	sdelay $0x4  }
0x3db: {  	v14 =	vshrl.u32 v13, $0x3  }
0x3dc: {  	v14 =	vmul.u32 $0x30, v14  }
0x3dd: {  	v13 =	vand.u32 $0x7, v13  }
0x3de: {  	v13 =	vor.u32 v13, v14  }
0x3df: {  	v14 =	vperm.xlane v13, v3;
	_ =	sdelay $0x1  }
0x3e0: {  	v14 =	vadd.s32 v5, v14;
	_ =	sdelay $0x3  }
0x3e1: {  	s16 =	simm.s32 $0x9100;
	v13 =	vperm.xlane v13, v4  }
0x3e2: {  	[tilespmem:s16], [sflag:$0x1] =	stream.indirect_vreg.gather [hbm4b:s19+s1], $0x80, v14, vm0, $0xb8;
	[tilespmem:$0x18D00] =	vst v63  }
0x3e3: {  	v13 =	vadd.s32 v5, v13;
	s16 =	simm.s32 $0x9900  }
0x3e4: {  	[tilespmem:s16], [sflag:$0x1] =	stream.indirect_vreg.gather [hbm4b:s13+s1], $0x80, v14, vm0, $0xb8;
	[tilespmem:$0x18D00] =	vst v63  }
0x3e5: {  	s16 =	simm.s32 $0xA100  }
0x3e6: {  	[tilespmem:s16], [sflag:$0x1] =	stream.indirect_vreg.gather [hbm4b:s14+s1], $0x80, v14, vm0, $0xb8;
	[tilespmem:$0x18D00] =	vst v63  }
0x3e7: {  	s16 =	simm.s32 $0xA900  }
0x3e8: {  	[tilespmem:s16], [sflag:$0x1] =	stream.indirect_vreg.gather [hbm4b:s19+s1], $0x80, v13, vm0, $0xb8;
	[tilespmem:$0x18D00] =	vst v63  }
0x3e9: {  	s16 =	simm.s32 $0xB100  }
0x3ea: {  	[tilespmem:s16], [sflag:$0x1] =	stream.indirect_vreg.gather [hbm4b:s13+s1], $0x80, v13, vm0, $0xb8;
	[tilespmem:$0x18D00] =	vst v63  }
0x3eb: {  	s16 =	simm.s32 $0xB900  }
0x3ec: {  	[tilespmem:s16], [sflag:$0x1] =	stream.indirect_vreg.gather [hbm4b:s14+s1], $0x80, v13, vm0, $0xb8;
	[tilespmem:$0x18D00] =	vst v63  }
0x3ed: {  	s16 =	rddreg [dreg:$0x7]  }
0x3ee: {  	s11 =	sadd.s32 s16, s17;
	_ =	swait.ge [sflag:s28], $0xC000  }
0x3ef: {  	s11 =	sshrl.u32 s11, $0x3;
	[sflag:s28] =	ssyncset.done $0x0  }
0x3f0: {  	s11 =	smul.u32 $0x300, s11;
	[sflag:s28] =	ssyncadd.s32 $0xFFFF4000  }
0x3f1: {  	s16 =	rddreg [dreg:$0x2]  }
0x3f2: {  	s11 =	sadd.s32 s16, s11  }
0x3f3: {  	[hbm4b:s11+s1] =	stream.linear.scatter [tilespmem:s3], [sflag:$0x3], $0xC000, $0x38;
	[tilespmem:$0x18D00] =	vst v63  }
0x3f4: {  	_ =	swait.ge [sflag:s7], $0xC000  }
0x3f5: {  	[sflag:s7] =	ssyncset.done $0x0  }
0x3f6: {  	[sflag:s7] =	ssyncadd.s32 $0xFFFF4000  }
.LBB2_5:
0x3f7: {  	s11 =	sshra.s32 s15, $0x1F  }
0x3f8: {  	s11 =	sshrl.u32 s11, $0x1A  }
0x3f9: {  	s11 =	sadd.s32 s11, s15  }
0x3fa: {  	s16 =	sand.u32 $0xFFFFFFC0, s11  }
0x3fb: {  	p2 =	sge.s32 s16, s18;
	p3 =	slt.s32 s16, s31  }
0x3fc: {  	s17 =	sand.u32 $0x3F, s15;
	p2 =	por !p2, !p3  }
0x3fd: {  	p6 =	sne.s32 s17, $0x0;
	p2 =	por !p2, !p2  }
0x3fe: {  	p2 =	por !p6, !p2  }
0x3ff: {  	p2 =	por !p2, !p2  }
.Ltmp2:
0x400: {  	_ = 	snop;
	(pc) =	sbr.rel @!p2 .LBB2_7-.Ltmp2, $2  }
0x401: {  	_ =	sdelay $0x2  }
0x402: {  	s17 =	simm.s32 $0x2100  }
0x403: {  	v13 =	vld [tilespmem:$0x10];
	_ =	sdelay $0x2  }
0x404: {  	s11 =	sor.u32 $0x1, s16  }
0x405: {  	v14 =	vadd.s32 s11, v0  }
0x406: {  	vm1 =	vgt.s32 v14, v13  }
0x407: {  	v14 =	vsel vm1, $0x0, v14  }
0x408: {  	v15 =	vshrl.u32 v14, $0x3  }
0x409: {  	v15 =	vmul.u32 $0x30, v15  }
0x40a: {  	v16 =	vand.u32 $0x7, v14  }
0x40b: {  	v15 =	vor.u32 v16, v15  }
0x40c: {  	s15 =	sor.u32 $0x11, s16;
	v16 =	vperm.xlane v15, v3  }
0x40d: {  	v17 =	vadd.s32 s15, v0;
	s15 =	sor.u32 $0x21, s16  }
0x40e: {  	v18 =	vadd.s32 s15, v0;
	s15 =	sor.u32 $0x31, s16;
	vm1 =	vgt.s32 v17, v13;
	v16 =	vadd.s32 v5, v16  }
0x40f: {  	v19 =	vadd.s32 s15, v0;
	[tilespmem:$0x80] =	vst v14;
	v14 =	vsel vm1, $0x0, v17;
	vm1 =	vgt.s32 v18, v13  }
0x410: {  	[tilespmem:$0x90] =	vst v14;
	v14 =	vsel vm1, $0x0, v18;
	vm1 =	vgt.s32 v19, v13  }
0x411: {  	[tilespmem:$0xA0] =	vst v14;
	v13 =	vsel vm1, $0x0, v19  }
0x412: {  	[tilespmem:$0xB0] =	vst v13;
	v13 =	vperm.xlane v15, v4  }
0x413: {  	[tilespmem:s3], [sflag:$0x1] =	stream.indirect_vreg.gather [hbm4b:s19+s1], $0x80, v16, vm0, $0xb8;
	[tilespmem:$0x18D00] =	vst v63  }
0x414: {  	v13 =	vadd.s32 v5, v13  }
0x415: {  	[tilespmem:s22], [sflag:$0x1] =	stream.indirect_vreg.gather [hbm4b:s13+s1], $0x80, v16, vm0, $0xb8;
	[tilespmem:$0x18D00] =	vst v63  }
0x416: {  	_ = 	snop  }
0x417: {  	[tilespmem:s24], [sflag:$0x1] =	stream.indirect_vreg.gather [hbm4b:s14+s1], $0x80, v16, vm0, $0xb8;
	[tilespmem:$0x18D00] =	vst v63  }
0x418: {  	_ = 	snop  }
0x419: {  	[tilespmem:s25], [sflag:$0x1] =	stream.indirect_vreg.gather [hbm4b:s19+s1], $0x80, v13, vm0, $0xb8;
	[tilespmem:$0x18D00] =	vst v63  }
0x41a: {  	_ = 	snop  }
0x41b: {  	[tilespmem:s17], [sflag:$0x1] =	stream.indirect_vreg.gather [hbm4b:s13+s1], $0x80, v13, vm0, $0xb8;
	[tilespmem:$0x18D00] =	vst v63  }
0x41c: {  	s15 =	simm.s32 $0x2900  }
0x41d: {  	[tilespmem:s15], [sflag:$0x1] =	stream.indirect_vreg.gather [hbm4b:s14+s1], $0x80, v13, vm0, $0xb8;
	[tilespmem:$0x18D00] =	vst v63  }
0x41e: {  	v13 =	vld [tilespmem:$0x90];
	_ =	sdelay $0x4  }
0x41f: {  	v14 =	vshrl.u32 v13, $0x3  }
0x420: {  	v14 =	vmul.u32 $0x30, v14  }
0x421: {  	v13 =	vand.u32 $0x7, v13  }
0x422: {  	v13 =	vor.u32 v13, v14  }
0x423: {  	v14 =	vperm.xlane v13, v3;
	_ =	sdelay $0x1  }
0x424: {  	v14 =	vadd.s32 v5, v14;
	_ =	sdelay $0x3  }
0x425: {  	s15 =	simm.s32 $0x3100;
	v13 =	vperm.xlane v13, v4  }
0x426: {  	[tilespmem:s15], [sflag:$0x1] =	stream.indirect_vreg.gather [hbm4b:s19+s1], $0x80, v14, vm0, $0xb8;
	[tilespmem:$0x18D00] =	vst v63  }
0x427: {  	v13 =	vadd.s32 v5, v13;
	s15 =	simm.s32 $0x3900  }
0x428: {  	[tilespmem:s15], [sflag:$0x1] =	stream.indirect_vreg.gather [hbm4b:s13+s1], $0x80, v14, vm0, $0xb8;
	[tilespmem:$0x18D00] =	vst v63  }
0x429: {  	s15 =	simm.s32 $0x4100  }
0x42a: {  	[tilespmem:s15], [sflag:$0x1] =	stream.indirect_vreg.gather [hbm4b:s14+s1], $0x80, v14, vm0, $0xb8;
	[tilespmem:$0x18D00] =	vst v63  }
0x42b: {  	s15 =	simm.s32 $0x4900  }
0x42c: {  	[tilespmem:s15], [sflag:$0x1] =	stream.indirect_vreg.gather [hbm4b:s19+s1], $0x80, v13, vm0, $0xb8;
	[tilespmem:$0x18D00] =	vst v63  }
0x42d: {  	s15 =	simm.s32 $0x5100  }
0x42e: {  	[tilespmem:s15], [sflag:$0x1] =	stream.indirect_vreg.gather [hbm4b:s13+s1], $0x80, v13, vm0, $0xb8;
	[tilespmem:$0x18D00] =	vst v63  }
0x42f: {  	s15 =	simm.s32 $0x5900  }
0x430: {  	[tilespmem:s15], [sflag:$0x1] =	stream.indirect_vreg.gather [hbm4b:s14+s1], $0x80, v13, vm0, $0xb8;
	[tilespmem:$0x18D00] =	vst v63  }
0x431: {  	v13 =	vld [tilespmem:$0xA0];
	_ =	sdelay $0x4  }
0x432: {  	v14 =	vshrl.u32 v13, $0x3  }
0x433: {  	v14 =	vmul.u32 $0x30, v14  }
0x434: {  	v13 =	vand.u32 $0x7, v13  }
0x435: {  	v13 =	vor.u32 v13, v14  }
0x436: {  	v14 =	vperm.xlane v13, v3;
	_ =	sdelay $0x1  }
0x437: {  	v14 =	vadd.s32 v5, v14;
	_ =	sdelay $0x3  }
0x438: {  	s15 =	simm.s32 $0x6100;
	v13 =	vperm.xlane v13, v4  }
0x439: {  	[tilespmem:s15], [sflag:$0x1] =	stream.indirect_vreg.gather [hbm4b:s19+s1], $0x80, v14, vm0, $0xb8;
	[tilespmem:$0x18D00] =	vst v63  }
0x43a: {  	v13 =	vadd.s32 v5, v13;
	s15 =	simm.s32 $0x6900  }
0x43b: {  	[tilespmem:s15], [sflag:$0x1] =	stream.indirect_vreg.gather [hbm4b:s13+s1], $0x80, v14, vm0, $0xb8;
	[tilespmem:$0x18D00] =	vst v63  }
0x43c: {  	s15 =	simm.s32 $0x7100  }
0x43d: {  	[tilespmem:s15], [sflag:$0x1] =	stream.indirect_vreg.gather [hbm4b:s14+s1], $0x80, v14, vm0, $0xb8;
	[tilespmem:$0x18D00] =	vst v63  }
0x43e: {  	s15 =	simm.s32 $0x7900  }
0x43f: {  	[tilespmem:s15], [sflag:$0x1] =	stream.indirect_vreg.gather [hbm4b:s19+s1], $0x80, v13, vm0, $0xb8;
	[tilespmem:$0x18D00] =	vst v63  }
0x440: {  	s15 =	simm.s32 $0x8100  }
0x441: {  	[tilespmem:s15], [sflag:$0x1] =	stream.indirect_vreg.gather [hbm4b:s13+s1], $0x80, v13, vm0, $0xb8;
	[tilespmem:$0x18D00] =	vst v63  }
0x442: {  	s15 =	simm.s32 $0x8900  }
0x443: {  	[tilespmem:s15], [sflag:$0x1] =	stream.indirect_vreg.gather [hbm4b:s14+s1], $0x80, v13, vm0, $0xb8;
	[tilespmem:$0x18D00] =	vst v63  }
0x444: {  	v13 =	vld [tilespmem:$0xB0];
	_ =	sdelay $0x4  }
0x445: {  	v14 =	vshrl.u32 v13, $0x3  }
0x446: {  	v14 =	vmul.u32 $0x30, v14  }
0x447: {  	v13 =	vand.u32 $0x7, v13  }
0x448: {  	v13 =	vor.u32 v13, v14  }
0x449: {  	v14 =	vperm.xlane v13, v3;
	_ =	sdelay $0x1  }
0x44a: {  	v14 =	vadd.s32 v5, v14;
	_ =	sdelay $0x3  }
0x44b: {  	s15 =	simm.s32 $0x9100;
	v13 =	vperm.xlane v13, v4  }
0x44c: {  	[tilespmem:s15], [sflag:$0x1] =	stream.indirect_vreg.gather [hbm4b:s19+s1], $0x80, v14, vm0, $0xb8;
	[tilespmem:$0x18D00] =	vst v63  }
0x44d: {  	v13 =	vadd.s32 v5, v13;
	s15 =	simm.s32 $0x9900  }
0x44e: {  	[tilespmem:s15], [sflag:$0x1] =	stream.indirect_vreg.gather [hbm4b:s13+s1], $0x80, v14, vm0, $0xb8;
	[tilespmem:$0x18D00] =	vst v63  }
0x44f: {  	s15 =	simm.s32 $0xA100  }
0x450: {  	[tilespmem:s15], [sflag:$0x1] =	stream.indirect_vreg.gather [hbm4b:s14+s1], $0x80, v14, vm0, $0xb8;
	[tilespmem:$0x18D00] =	vst v63  }
0x451: {  	s15 =	simm.s32 $0xA900  }
0x452: {  	[tilespmem:s15], [sflag:$0x1] =	stream.indirect_vreg.gather [hbm4b:s19+s1], $0x80, v13, vm0, $0xb8;
	[tilespmem:$0x18D00] =	vst v63  }
0x453: {  	s15 =	simm.s32 $0xB100  }
0x454: {  	[tilespmem:s15], [sflag:$0x1] =	stream.indirect_vreg.gather [hbm4b:s13+s1], $0x80, v13, vm0, $0xb8;
	[tilespmem:$0x18D00] =	vst v63  }
0x455: {  	s15 =	simm.s32 $0xB900  }
0x456: {  	[tilespmem:s15], [sflag:$0x1] =	stream.indirect_vreg.gather [hbm4b:s14+s1], $0x80, v13, vm0, $0xb8;
	[tilespmem:$0x18D00] =	vst v63  }
0x457: {  	s15 =	rddreg [dreg:$0x9]  }
0x458: {  	s11 =	sadd.s32 s15, s16;
	_ =	swait.ge [sflag:s28], $0xC000  }
0x459: {  	s11 =	sshrl.u32 s11, $0x3;
	[sflag:s28] =	ssyncset.done $0x0  }
0x45a: {  	s11 =	smul.u32 $0x300, s11;
	[sflag:s28] =	ssyncadd.s32 $0xFFFF4000  }
0x45b: {  	s15 =	rddreg [dreg:$0x2]  }
0x45c: {  	s11 =	sadd.s32 s15, s11  }
0x45d: {  	[hbm4b:s11+s1] =	stream.linear.scatter [tilespmem:s3], [sflag:$0x3], $0xC000, $0x38;
	[tilespmem:$0x18D00] =	vst v63  }
0x45e: {  	_ =	swait.ge [sflag:s7], $0xC000  }
0x45f: {  	[sflag:s7] =	ssyncset.done $0x0  }
0x460: {  	[sflag:s7] =	ssyncadd.s32 $0xFFFF4000  }
.LBB2_7:
0x461: {  	s11 =	sshra.s32 s10, $0x1F  }
0x462: {  	s11 =	sshrl.u32 s11, $0x1A  }
0x463: {  	s11 =	sadd.s32 s11, s10  }
0x464: {  	s15 =	sand.u32 $0xFFFFFFC0, s11  }
0x465: {  	p3 =	sge.s32 s15, s18;
	p4 =	slt.s32 s15, s31  }
0x466: {  	s16 =	sand.u32 $0x3F, s10;
	p3 =	por !p3, !p4  }
0x467: {  	p6 =	sne.s32 s16, $0x0;
	p3 =	por !p3, !p3  }
0x468: {  	p3 =	por !p6, !p3  }
0x469: {  	p3 =	por !p3, !p3  }
.Ltmp3:
0x46a: {  	_ = 	snop;
	(pc) =	sbr.rel @!p3 .LBB2_9-.Ltmp3, $1  }
0x46b: {  	_ =	sdelay $0x3  }
0x46c: {  	v13 =	vld [tilespmem:$0x20];
	_ =	sdelay $0x2  }
0x46d: {  	s10 =	sor.u32 $0x1, s15  }
0x46e: {  	v14 =	vadd.s32 s10, v0  }
0x46f: {  	vm1 =	vgt.s32 v14, v13  }
0x470: {  	v14 =	vsel vm1, $0x0, v14  }
0x471: {  	v15 =	vshrl.u32 v14, $0x3  }
0x472: {  	v15 =	vmul.u32 $0x30, v15  }
0x473: {  	v16 =	vand.u32 $0x7, v14  }
0x474: {  	v15 =	vor.u32 v16, v15  }
0x475: {  	s16 =	sor.u32 $0x11, s15;
	v16 =	vperm.xlane v15, v3  }
0x476: {  	s11 =	sor.u32 $0x21, s15;
	v17 =	vadd.s32 s16, v0  }
0x477: {  	v18 =	vadd.s32 s11, v0;
	s16 =	sor.u32 $0x31, s15;
	vm1 =	vgt.s32 v17, v13;
	v16 =	vadd.s32 v5, v16  }
0x478: {  	v19 =	vadd.s32 s16, v0;
	[tilespmem:$0x80] =	vst v14;
	v14 =	vsel vm1, $0x0, v17;
	vm1 =	vgt.s32 v18, v13  }
0x479: {  	[tilespmem:$0x90] =	vst v14;
	v14 =	vsel vm1, $0x0, v18;
	vm1 =	vgt.s32 v19, v13  }
0x47a: {  	[tilespmem:$0xA0] =	vst v14;
	v13 =	vsel vm1, $0x0, v19  }
0x47b: {  	[tilespmem:$0xB0] =	vst v13;
	v13 =	vperm.xlane v15, v4  }
0x47c: {  	[tilespmem:s3], [sflag:$0x1] =	stream.indirect_vreg.gather [hbm4b:s19+s1], $0x80, v16, vm0, $0xb8;
	[tilespmem:$0x18D00] =	vst v63  }
0x47d: {  	v13 =	vadd.s32 v5, v13  }
0x47e: {  	[tilespmem:s22], [sflag:$0x1] =	stream.indirect_vreg.gather [hbm4b:s13+s1], $0x80, v16, vm0, $0xb8;
	[tilespmem:$0x18D00] =	vst v63  }
0x47f: {  	_ = 	snop  }
0x480: {  	[tilespmem:s24], [sflag:$0x1] =	stream.indirect_vreg.gather [hbm4b:s14+s1], $0x80, v16, vm0, $0xb8;
	[tilespmem:$0x18D00] =	vst v63  }
0x481: {  	_ = 	snop  }
0x482: {  	[tilespmem:s25], [sflag:$0x1] =	stream.indirect_vreg.gather [hbm4b:s19+s1], $0x80, v13, vm0, $0xb8;
	[tilespmem:$0x18D00] =	vst v63  }
0x483: {  	_ = 	snop  }
0x484: {  	[tilespmem:s17], [sflag:$0x1] =	stream.indirect_vreg.gather [hbm4b:s13+s1], $0x80, v13, vm0, $0xb8;
	[tilespmem:$0x18D00] =	vst v63  }
0x485: {  	s11 =	simm.s32 $0x2900  }
0x486: {  	[tilespmem:s11], [sflag:$0x1] =	stream.indirect_vreg.gather [hbm4b:s14+s1], $0x80, v13, vm0, $0xb8;
	[tilespmem:$0x18D00] =	vst v63  }
0x487: {  	v13 =	vld [tilespmem:$0x90];
	_ =	sdelay $0x4  }
0x488: {  	v14 =	vshrl.u32 v13, $0x3  }
0x489: {  	v14 =	vmul.u32 $0x30, v14  }
0x48a: {  	v13 =	vand.u32 $0x7, v13  }
0x48b: {  	v13 =	vor.u32 v13, v14  }
0x48c: {  	v14 =	vperm.xlane v13, v3;
	_ =	sdelay $0x1  }
0x48d: {  	v14 =	vadd.s32 v5, v14;
	_ =	sdelay $0x3  }
0x48e: {  	s16 =	simm.s32 $0x3100;
	v13 =	vperm.xlane v13, v4  }
0x48f: {  	[tilespmem:s16], [sflag:$0x1] =	stream.indirect_vreg.gather [hbm4b:s19+s1], $0x80, v14, vm0, $0xb8;
	[tilespmem:$0x18D00] =	vst v63  }
0x490: {  	s11 =	simm.s32 $0x3900;
	v13 =	vadd.s32 v5, v13  }
0x491: {  	[tilespmem:s11], [sflag:$0x1] =	stream.indirect_vreg.gather [hbm4b:s13+s1], $0x80, v14, vm0, $0xb8;
	[tilespmem:$0x18D00] =	vst v63  }
0x492: {  	s16 =	simm.s32 $0x4100  }
0x493: {  	[tilespmem:s16], [sflag:$0x1] =	stream.indirect_vreg.gather [hbm4b:s14+s1], $0x80, v14, vm0, $0xb8;
	[tilespmem:$0x18D00] =	vst v63  }
0x494: {  	s11 =	simm.s32 $0x4900  }
0x495: {  	[tilespmem:s11], [sflag:$0x1] =	stream.indirect_vreg.gather [hbm4b:s19+s1], $0x80, v13, vm0, $0xb8;
	[tilespmem:$0x18D00] =	vst v63  }
0x496: {  	s16 =	simm.s32 $0x5100  }
0x497: {  	[tilespmem:s16], [sflag:$0x1] =	stream.indirect_vreg.gather [hbm4b:s13+s1], $0x80, v13, vm0, $0xb8;
	[tilespmem:$0x18D00] =	vst v63  }
0x498: {  	s11 =	simm.s32 $0x5900  }
0x499: {  	[tilespmem:s11], [sflag:$0x1] =	stream.indirect_vreg.gather [hbm4b:s14+s1], $0x80, v13, vm0, $0xb8;
	[tilespmem:$0x18D00] =	vst v63  }
0x49a: {  	v13 =	vld [tilespmem:$0xA0];
	_ =	sdelay $0x4  }
0x49b: {  	v14 =	vshrl.u32 v13, $0x3  }
0x49c: {  	v14 =	vmul.u32 $0x30, v14  }
0x49d: {  	v13 =	vand.u32 $0x7, v13  }
0x49e: {  	v13 =	vor.u32 v13, v14  }
0x49f: {  	v14 =	vperm.xlane v13, v3;
	_ =	sdelay $0x1  }
0x4a0: {  	v14 =	vadd.s32 v5, v14;
	_ =	sdelay $0x3  }
0x4a1: {  	s16 =	simm.s32 $0x6100;
	v13 =	vperm.xlane v13, v4  }
0x4a2: {  	[tilespmem:s16], [sflag:$0x1] =	stream.indirect_vreg.gather [hbm4b:s19+s1], $0x80, v14, vm0, $0xb8;
	[tilespmem:$0x18D00] =	vst v63  }
0x4a3: {  	s11 =	simm.s32 $0x6900;
	v13 =	vadd.s32 v5, v13  }
0x4a4: {  	[tilespmem:s11], [sflag:$0x1] =	stream.indirect_vreg.gather [hbm4b:s13+s1], $0x80, v14, vm0, $0xb8;
	[tilespmem:$0x18D00] =	vst v63  }
0x4a5: {  	s16 =	simm.s32 $0x7100  }
0x4a6: {  	[tilespmem:s16], [sflag:$0x1] =	stream.indirect_vreg.gather [hbm4b:s14+s1], $0x80, v14, vm0, $0xb8;
	[tilespmem:$0x18D00] =	vst v63  }
0x4a7: {  	s11 =	simm.s32 $0x7900  }
0x4a8: {  	[tilespmem:s11], [sflag:$0x1] =	stream.indirect_vreg.gather [hbm4b:s19+s1], $0x80, v13, vm0, $0xb8;
	[tilespmem:$0x18D00] =	vst v63  }
0x4a9: {  	s16 =	simm.s32 $0x8100  }
0x4aa: {  	[tilespmem:s16], [sflag:$0x1] =	stream.indirect_vreg.gather [hbm4b:s13+s1], $0x80, v13, vm0, $0xb8;
	[tilespmem:$0x18D00] =	vst v63  }
0x4ab: {  	s11 =	simm.s32 $0x8900  }
0x4ac: {  	[tilespmem:s11], [sflag:$0x1] =	stream.indirect_vreg.gather [hbm4b:s14+s1], $0x80, v13, vm0, $0xb8;
	[tilespmem:$0x18D00] =	vst v63  }
0x4ad: {  	v13 =	vld [tilespmem:$0xB0];
	_ =	sdelay $0x4  }
0x4ae: {  	v14 =	vshrl.u32 v13, $0x3  }
0x4af: {  	v14 =	vmul.u32 $0x30, v14  }
0x4b0: {  	v13 =	vand.u32 $0x7, v13  }
0x4b1: {  	v13 =	vor.u32 v13, v14  }
0x4b2: {  	v14 =	vperm.xlane v13, v3;
	_ =	sdelay $0x1  }
0x4b3: {  	v14 =	vadd.s32 v5, v14;
	_ =	sdelay $0x3  }
0x4b4: {  	s16 =	simm.s32 $0x9100;
	v13 =	vperm.xlane v13, v4  }
0x4b5: {  	[tilespmem:s16], [sflag:$0x1] =	stream.indirect_vreg.gather [hbm4b:s19+s1], $0x80, v14, vm0, $0xb8;
	[tilespmem:$0x18D00] =	vst v63  }
0x4b6: {  	s11 =	simm.s32 $0x9900;
	v13 =	vadd.s32 v5, v13  }
0x4b7: {  	[tilespmem:s11], [sflag:$0x1] =	stream.indirect_vreg.gather [hbm4b:s13+s1], $0x80, v14, vm0, $0xb8;
	[tilespmem:$0x18D00] =	vst v63  }
0x4b8: {  	s16 =	simm.s32 $0xA100  }
0x4b9: {  	[tilespmem:s16], [sflag:$0x1] =	stream.indirect_vreg.gather [hbm4b:s14+s1], $0x80, v14, vm0, $0xb8;
	[tilespmem:$0x18D00] =	vst v63  }
0x4ba: {  	s11 =	simm.s32 $0xA900  }
0x4bb: {  	[tilespmem:s11], [sflag:$0x1] =	stream.indirect_vreg.gather [hbm4b:s19+s1], $0x80, v13, vm0, $0xb8;
	[tilespmem:$0x18D00] =	vst v63  }
0x4bc: {  	s16 =	simm.s32 $0xB100  }
0x4bd: {  	[tilespmem:s16], [sflag:$0x1] =	stream.indirect_vreg.gather [hbm4b:s13+s1], $0x80, v13, vm0, $0xb8;
	[tilespmem:$0x18D00] =	vst v63  }
0x4be: {  	s11 =	simm.s32 $0xB900;
	s16 =	rddreg [dreg:$0x1b]  }
0x4bf: {  	[tilespmem:s11], [sflag:$0x1] =	stream.indirect_vreg.gather [hbm4b:s14+s1], $0x80, v13, vm0, $0xb8;
	[tilespmem:$0x18D00] =	vst v63  }
0x4c0: {  	s10 =	sadd.s32 s16, s15;
	_ =	swait.ge [sflag:s28], $0xC000  }
0x4c1: {  	s10 =	sshrl.u32 s10, $0x3;
	[sflag:s28] =	ssyncset.done $0x0  }
0x4c2: {  	s10 =	smul.u32 $0x300, s10;
	[sflag:s28] =	ssyncadd.s32 $0xFFFF4000  }
0x4c3: {  	s11 =	rddreg [dreg:$0x2]  }
0x4c4: {  	s10 =	sadd.s32 s11, s10  }
0x4c5: {  	[hbm4b:s10+s1] =	stream.linear.scatter [tilespmem:s3], [sflag:$0x3], $0xC000, $0x38;
	[tilespmem:$0x18D00] =	vst v63  }
0x4c6: {  	_ =	swait.ge [sflag:s7], $0xC000  }
0x4c7: {  	[sflag:s7] =	ssyncset.done $0x0  }
0x4c8: {  	[sflag:s7] =	ssyncadd.s32 $0xFFFF4000  }
.LBB2_9:
0x4c9: {  	s10 =	sshra.s32 s9, $0x1F  }
0x4ca: {  	s10 =	sshrl.u32 s10, $0x1A  }
0x4cb: {  	s10 =	sadd.s32 s10, s9  }
0x4cc: {  	s10 =	sand.u32 $0xFFFFFFC0, s10  }
0x4cd: {  	p4 =	sge.s32 s10, s18;
	p5 =	slt.s32 s10, s31  }
0x4ce: {  	s16 =	sand.u32 $0x3F, s9;
	p4 =	por !p4, !p5  }
0x4cf: {  	p6 =	sne.s32 s16, $0x0;
	p4 =	por !p4, !p4  }
0x4d0: {  	p4 =	por !p6, !p4  }
0x4d1: {  	p4 =	por !p4, !p4  }
.Ltmp4:
0x4d2: {  	_ = 	snop;
	(pc) =	sbr.rel @!p4 .LBB2_11-.Ltmp4, $1  }
0x4d3: {  	_ =	sdelay $0x3  }
0x4d4: {  	v13 =	vld [tilespmem:$0x30];
	_ =	sdelay $0x2  }
0x4d5: {  	s9 =	sor.u32 $0x1, s10  }
0x4d6: {  	v14 =	vadd.s32 s9, v0  }
0x4d7: {  	vm1 =	vgt.s32 v14, v13  }
0x4d8: {  	v14 =	vsel vm1, $0x0, v14  }
0x4d9: {  	v15 =	vshrl.u32 v14, $0x3  }
0x4da: {  	v15 =	vmul.u32 $0x30, v15  }
0x4db: {  	v16 =	vand.u32 $0x7, v14  }
0x4dc: {  	v15 =	vor.u32 v16, v15  }
0x4dd: {  	s11 =	sor.u32 $0x11, s10;
	v16 =	vperm.xlane v15, v3  }
0x4de: {  	s15 =	sor.u32 $0x21, s10;
	v17 =	vadd.s32 s11, v0  }
0x4df: {  	s16 =	sor.u32 $0x31, s10;
	v18 =	vadd.s32 s15, v0;
	vm1 =	vgt.s32 v17, v13;
	v16 =	vadd.s32 v5, v16  }
0x4e0: {  	v19 =	vadd.s32 s16, v0;
	[tilespmem:$0x80] =	vst v14;
	v14 =	vsel vm1, $0x0, v17;
	vm1 =	vgt.s32 v18, v13  }
0x4e1: {  	[tilespmem:$0x90] =	vst v14;
	v14 =	vsel vm1, $0x0, v18;
	vm1 =	vgt.s32 v19, v13  }
0x4e2: {  	[tilespmem:$0xA0] =	vst v14;
	v13 =	vsel vm1, $0x0, v19  }
0x4e3: {  	[tilespmem:$0xB0] =	vst v13;
	v13 =	vperm.xlane v15, v4  }
0x4e4: {  	[tilespmem:s3], [sflag:$0x1] =	stream.indirect_vreg.gather [hbm4b:s19+s1], $0x80, v16, vm0, $0xb8;
	[tilespmem:$0x18D00] =	vst v63  }
0x4e5: {  	v13 =	vadd.s32 v5, v13  }
0x4e6: {  	[tilespmem:s22], [sflag:$0x1] =	stream.indirect_vreg.gather [hbm4b:s13+s1], $0x80, v16, vm0, $0xb8;
	[tilespmem:$0x18D00] =	vst v63  }
0x4e7: {  	_ = 	snop  }
0x4e8: {  	[tilespmem:s24], [sflag:$0x1] =	stream.indirect_vreg.gather [hbm4b:s14+s1], $0x80, v16, vm0, $0xb8;
	[tilespmem:$0x18D00] =	vst v63  }
0x4e9: {  	_ = 	snop  }
0x4ea: {  	[tilespmem:s25], [sflag:$0x1] =	stream.indirect_vreg.gather [hbm4b:s19+s1], $0x80, v13, vm0, $0xb8;
	[tilespmem:$0x18D00] =	vst v63  }
0x4eb: {  	_ = 	snop  }
0x4ec: {  	[tilespmem:s17], [sflag:$0x1] =	stream.indirect_vreg.gather [hbm4b:s13+s1], $0x80, v13, vm0, $0xb8;
	[tilespmem:$0x18D00] =	vst v63  }
0x4ed: {  	s11 =	simm.s32 $0x2900  }
0x4ee: {  	[tilespmem:s11], [sflag:$0x1] =	stream.indirect_vreg.gather [hbm4b:s14+s1], $0x80, v13, vm0, $0xb8;
	[tilespmem:$0x18D00] =	vst v63  }
0x4ef: {  	v13 =	vld [tilespmem:$0x90];
	_ =	sdelay $0x4  }
0x4f0: {  	v14 =	vshrl.u32 v13, $0x3  }
0x4f1: {  	v14 =	vmul.u32 $0x30, v14  }
0x4f2: {  	v13 =	vand.u32 $0x7, v13  }
0x4f3: {  	v13 =	vor.u32 v13, v14  }
0x4f4: {  	v14 =	vperm.xlane v13, v3;
	_ =	sdelay $0x1  }
0x4f5: {  	v14 =	vadd.s32 v5, v14;
	_ =	sdelay $0x3  }
0x4f6: {  	s15 =	simm.s32 $0x3100;
	v13 =	vperm.xlane v13, v4  }
0x4f7: {  	[tilespmem:s15], [sflag:$0x1] =	stream.indirect_vreg.gather [hbm4b:s19+s1], $0x80, v14, vm0, $0xb8;
	[tilespmem:$0x18D00] =	vst v63  }
0x4f8: {  	s16 =	simm.s32 $0x3900;
	v13 =	vadd.s32 v5, v13  }
0x4f9: {  	[tilespmem:s16], [sflag:$0x1] =	stream.indirect_vreg.gather [hbm4b:s13+s1], $0x80, v14, vm0, $0xb8;
	[tilespmem:$0x18D00] =	vst v63  }
0x4fa: {  	s11 =	simm.s32 $0x4100  }
0x4fb: {  	[tilespmem:s11], [sflag:$0x1] =	stream.indirect_vreg.gather [hbm4b:s14+s1], $0x80, v14, vm0, $0xb8;
	[tilespmem:$0x18D00] =	vst v63  }
0x4fc: {  	s15 =	simm.s32 $0x4900  }
0x4fd: {  	[tilespmem:s15], [sflag:$0x1] =	stream.indirect_vreg.gather [hbm4b:s19+s1], $0x80, v13, vm0, $0xb8;
	[tilespmem:$0x18D00] =	vst v63  }
0x4fe: {  	s16 =	simm.s32 $0x5100  }
0x4ff: {  	[tilespmem:s16], [sflag:$0x1] =	stream.indirect_vreg.gather [hbm4b:s13+s1], $0x80, v13, vm0, $0xb8;
	[tilespmem:$0x18D00] =	vst v63  }
0x500: {  	s11 =	simm.s32 $0x5900  }
0x501: {  	[tilespmem:s11], [sflag:$0x1] =	stream.indirect_vreg.gather [hbm4b:s14+s1], $0x80, v13, vm0, $0xb8;
	[tilespmem:$0x18D00] =	vst v63  }
0x502: {  	v13 =	vld [tilespmem:$0xA0];
	_ =	sdelay $0x4  }
0x503: {  	v14 =	vshrl.u32 v13, $0x3  }
0x504: {  	v14 =	vmul.u32 $0x30, v14  }
0x505: {  	v13 =	vand.u32 $0x7, v13  }
0x506: {  	v13 =	vor.u32 v13, v14  }
0x507: {  	v14 =	vperm.xlane v13, v3;
	_ =	sdelay $0x1  }
0x508: {  	v14 =	vadd.s32 v5, v14;
	_ =	sdelay $0x3  }
0x509: {  	s15 =	simm.s32 $0x6100;
	v13 =	vperm.xlane v13, v4  }
0x50a: {  	[tilespmem:s15], [sflag:$0x1] =	stream.indirect_vreg.gather [hbm4b:s19+s1], $0x80, v14, vm0, $0xb8;
	[tilespmem:$0x18D00] =	vst v63  }
0x50b: {  	s16 =	simm.s32 $0x6900;
	v13 =	vadd.s32 v5, v13  }
0x50c: {  	[tilespmem:s16], [sflag:$0x1] =	stream.indirect_vreg.gather [hbm4b:s13+s1], $0x80, v14, vm0, $0xb8;
	[tilespmem:$0x18D00] =	vst v63  }
0x50d: {  	s11 =	simm.s32 $0x7100  }
0x50e: {  	[tilespmem:s11], [sflag:$0x1] =	stream.indirect_vreg.gather [hbm4b:s14+s1], $0x80, v14, vm0, $0xb8;
	[tilespmem:$0x18D00] =	vst v63  }
0x50f: {  	s15 =	simm.s32 $0x7900  }
0x510: {  	[tilespmem:s15], [sflag:$0x1] =	stream.indirect_vreg.gather [hbm4b:s19+s1], $0x80, v13, vm0, $0xb8;
	[tilespmem:$0x18D00] =	vst v63  }
0x511: {  	s16 =	simm.s32 $0x8100  }
0x512: {  	[tilespmem:s16], [sflag:$0x1] =	stream.indirect_vreg.gather [hbm4b:s13+s1], $0x80, v13, vm0, $0xb8;
	[tilespmem:$0x18D00] =	vst v63  }
0x513: {  	s11 =	simm.s32 $0x8900  }
0x514: {  	[tilespmem:s11], [sflag:$0x1] =	stream.indirect_vreg.gather [hbm4b:s14+s1], $0x80, v13, vm0, $0xb8;
	[tilespmem:$0x18D00] =	vst v63  }
0x515: {  	v13 =	vld [tilespmem:$0xB0];
	_ =	sdelay $0x4  }
0x516: {  	v14 =	vshrl.u32 v13, $0x3  }
0x517: {  	v14 =	vmul.u32 $0x30, v14  }
0x518: {  	v13 =	vand.u32 $0x7, v13  }
0x519: {  	v13 =	vor.u32 v13, v14  }
0x51a: {  	v14 =	vperm.xlane v13, v3;
	_ =	sdelay $0x1  }
0x51b: {  	v14 =	vadd.s32 v5, v14;
	_ =	sdelay $0x3  }
0x51c: {  	s15 =	simm.s32 $0x9100;
	v13 =	vperm.xlane v13, v4  }
0x51d: {  	[tilespmem:s15], [sflag:$0x1] =	stream.indirect_vreg.gather [hbm4b:s19+s1], $0x80, v14, vm0, $0xb8;
	[tilespmem:$0x18D00] =	vst v63  }
0x51e: {  	s16 =	simm.s32 $0x9900;
	v13 =	vadd.s32 v5, v13  }
0x51f: {  	[tilespmem:s16], [sflag:$0x1] =	stream.indirect_vreg.gather [hbm4b:s13+s1], $0x80, v14, vm0, $0xb8;
	[tilespmem:$0x18D00] =	vst v63  }
0x520: {  	s11 =	simm.s32 $0xA100  }
0x521: {  	[tilespmem:s11], [sflag:$0x1] =	stream.indirect_vreg.gather [hbm4b:s14+s1], $0x80, v14, vm0, $0xb8;
	[tilespmem:$0x18D00] =	vst v63  }
0x522: {  	s15 =	simm.s32 $0xA900  }
0x523: {  	[tilespmem:s15], [sflag:$0x1] =	stream.indirect_vreg.gather [hbm4b:s19+s1], $0x80, v13, vm0, $0xb8;
	[tilespmem:$0x18D00] =	vst v63  }
0x524: {  	s16 =	simm.s32 $0xB100  }
0x525: {  	[tilespmem:s16], [sflag:$0x1] =	stream.indirect_vreg.gather [hbm4b:s13+s1], $0x80, v13, vm0, $0xb8;
	[tilespmem:$0x18D00] =	vst v63  }
0x526: {  	s11 =	simm.s32 $0xB900;
	s15 =	rddreg [dreg:$0x1d]  }
0x527: {  	[tilespmem:s11], [sflag:$0x1] =	stream.indirect_vreg.gather [hbm4b:s14+s1], $0x80, v13, vm0, $0xb8;
	[tilespmem:$0x18D00] =	vst v63  }
0x528: {  	s9 =	sadd.s32 s15, s10;
	_ =	swait.ge [sflag:s28], $0xC000  }
0x529: {  	s9 =	sshrl.u32 s9, $0x3;
	[sflag:s28] =	ssyncset.done $0x0  }
0x52a: {  	s9 =	smul.u32 $0x300, s9;
	[sflag:s28] =	ssyncadd.s32 $0xFFFF4000  }
0x52b: {  	s16 =	rddreg [dreg:$0x2]  }
0x52c: {  	s9 =	sadd.s32 s16, s9  }
0x52d: {  	[hbm4b:s9+s1] =	stream.linear.scatter [tilespmem:s3], [sflag:$0x3], $0xC000, $0x38;
	[tilespmem:$0x18D00] =	vst v63  }
0x52e: {  	_ =	swait.ge [sflag:s7], $0xC000  }
0x52f: {  	[sflag:s7] =	ssyncset.done $0x0  }
0x530: {  	[sflag:s7] =	ssyncadd.s32 $0xFFFF4000  }
.LBB2_11:
0x531: {  	s9 =	simm.s32 $0xFFFFFFFF;
	s10 =	simm.s32 $0x3F  }
0x532: {  	s11 =	simm.s32 $0xFFFFFFFF;
	s9 =	simm.s32 @!p2 $0x0;
	s10 =	simm.s32 @!p1 $0x40  }
0x533: {  	s15 =	simm.s32 $0xFFFFFFFF;
	s11 =	simm.s32 @!p3 $0x0;
	s9 =	sadd.s32 s9, s10  }
0x534: {  	s15 =	simm.s32 @!p4 $0x0;
	s9 =	sadd.s32 s11, s9  }
0x535: {  	s9 =	sadd.s32 s15, s9  }
0x536: {  	p1 =	sne.s32 s9, $0x1  }
.Ltmp5:
0x537: {  	_ = 	snop;
	(pc) =	sbr.rel @!p1 .LBB2_13-.Ltmp5, $3  }
0x538: {  	_ =	sdelay $0x1  }
0x539: {  	_ =	swait.ge [sflag:s8], $0x1800  }
0x53a: {  	[sflag:s8] =	ssyncset.done $0x0;
	s9 =	sadd.s32 $0xFFFFFFFF, s9  }
.LBB2_12:
0x53b: {  	p1 =	sne.s32 s9, $0x1;
	s9 =	sadd.s32 $0xFFFFFFFF, s9;
	[sflag:s8] =	ssyncadd.s32 $0xFFFFE800  }
.Ltmp6:
0x53c: {  	(pc) =	sbr.rel @p1 .LBB2_12-.Ltmp6, $3  }
0x53d: {  	_ =	sdelay $0x1  }
0x53e: {  	_ =	swait.ge [sflag:s8], $0x1800  }
0x53f: {  	[sflag:s8] =	ssyncset.done $0x0  }
.LBB2_13:
0x540: {  	s9 =	sld [smem:$0x7E8];
	_ =	sdelay $0x1  }
0x541: {  	s5 =	sadd.s32 $0x1, s5  }
0x542: {  	p1 =	sne.s32 s5, s9  }
.Ltmp7:
0x543: {  	_ = 	snop;
	(pc) =	sbr.rel @p1 .LBB2_1-.Ltmp7, $2  }
0x544: {  	_ =	sdelay $0x2  }
0x545: {  	[sflag:s8] =	ssyncadd.s32 $0xFFFFE800  }
0x546: {  	_ =	sfence.sel $0x180000  }
0x547: {  	[bflag:$0x0] =	sbarrier.arrive $0xFFFF  }
0x548: {  	_ =	strace $0x90000047  }
0x549: {  	[bflag:$0x2] =	sbarrier.arrive $0xFFFF  }
0x54a: {  	p0 =	sne.s32 s0, $0x0;
	s0 =	rddreg [dreg:$0x5]  }
0x54b: {  	s0 =	sadd.s32 @!p0 $0x100000, s0  }
0x54c: {  	[sflag:s0] =	ssyncadd.tile.s32 @!p0 $0x1;
	_ =	shalt  }
.Lfunc_end2:
_tile_overlayer_lowered:
.L_overlay_start_2:
0x54d: {  	(tag) =	ssettag $0x2  }
0x54e: {  	s0 =	rddreg [dreg:$0x0];
	s2 =	stileid.u32  }
0x54f: {  	s1 =	rddreg [dreg:$0x1];
	p0 =	sne.s32 s2, $0x0  }
0x550: {  	s3 =	rddreg [dreg:$0x2];
	[bflag:$0x3] =	sbarrier.arrive $0xFFFF;
	s2 =	simm.s32 @!p0 $0x1C03  }
0x551: {  	[timem:s3], [sflag:s2] =	dma.local @!p0 [hbm:s0], s1  }
0x552: {  	s0 =	simm.s32 @!p0 $0x3  }
0x553: {  	_ =	swait.ge @!p0 [sflag:s0], s1  }
0x554: {  	s1 =	ssub.s32 @!p0 $0x0, s1;
	[sflag:s0] =	ssyncset.done @!p0 $0x0  }
0x555: {  	[sflag:s0] =	ssyncadd.s32 @!p0 s1  }
0x556: {  	[bflag:$0x3] =	sbarrier.arrive $0xFFFF  }
0x557: {  	_ =	shalt  }

</sc_bundles>
